<compile_context>
chip_gen: v7x
topology: tpu7x:2x2x1
jax: 0.10.2.dev20260603
libtpu: 0.0.44.dev20260713+nightly
codegen_flags: <defaults>
</compile_context>

<pallas_src>
import functools
import math

import jax
import jax.numpy as jnp
from jax import lax
from jax.experimental import pallas as pl
from jax.experimental.pallas import tpu as pltpu
from jax.experimental.pallas import tpu_sc as plsc

_B = 128
_N = 32768
_K = math.ceil(0.05 * _N)
_L = 16
_NVEC = _N // _L
_U = 8
_NB12 = 4096
_NB3 = 256
_NBUF = 3


def _f32key(v):
    u = lax.bitcast_convert_type(v, jnp.int32)
    return u ^ ((u >> 31) & jnp.int32(0x7FFFFFFF))


def _zero(h_ref, nbuckets):
    z = jnp.zeros((_L,), jnp.int32)

    @plsc.parallel_loop(0, nbuckets // _L, unroll=4)
    def _(i):
        h_ref[pl.ds(i * _L, _L)] = z


def _scan_chunk(v, krem):
    lane = lax.iota(jnp.int32, _L)
    cs = plsc.cumsum(v)
    total = jnp.max(cs)
    above = total - cs
    cond = (above < krem) & (above + v >= krem)
    fb = jnp.max(jnp.where(cond, lane, -1))
    ft = jnp.max(jnp.where(cond, krem - above, -1))
    fc = jnp.max(jnp.where(cond, v, -1))
    return fb, ft, fc


def _select(h_ref, nbuckets, krem):
    nchunk = nbuckets // _L

    def tot(c):
        return jnp.sum(h_ref[pl.ds(c * _L, _L)])

    def cond_fn(carry):
        above, c, t = carry
        return (above + t < krem) & (c > 0)

    def body_fn(carry):
        above, c, t = carry
        c = c - 1
        return (above + t, c, tot(c))

    init = (jnp.int32(0), jnp.int32(nchunk - 1), tot(jnp.int32(nchunk - 1)))
    above, fchunk, _t = lax.while_loop(cond_fn, body_fn, init)
    fb, ft, fc = _scan_chunk(h_ref[pl.ds(fchunk * _L, _L)], krem - above)
    return fchunk * _L + fb, ft, fc


def kernel(x):
    info = plsc.get_sparse_core_info()
    nworkers = info.num_cores * info.num_subcores
    rows_per_w = _B // nworkers
    mesh = plsc.VectorSubcoreMesh(core_axis_name="c", subcore_axis_name="s")

    @functools.partial(
        pl.kernel,
        out_type=jax.ShapeDtypeStruct((_B, _N), jnp.float32),
        mesh=mesh,
        compiler_params=pltpu.CompilerParams(needs_layout_passes=False),
        scratch_types=[
            [pltpu.VMEM((_N,), jnp.float32) for _ in range(_NBUF)],
            pltpu.VMEM((_NB12,), jnp.int32),
            pltpu.VMEM((_NB12,), jnp.int32),
            pltpu.VMEM((_NB3,), jnp.int32),
            [pltpu.SemaphoreType.DMA for _ in range(_NBUF)],
            [pltpu.SemaphoreType.DMA for _ in range(_NBUF)],
        ],
    )
    def _kwta(x_hbm, out_hbm, bufs, h1_ref, h2_ref, h3_ref, isems, osems):
        wid = lax.axis_index("s") * info.num_cores + lax.axis_index("c")
        row0 = wid * rows_per_w
        ones = jnp.ones((_L,), jnp.int32)

        def process_row(row_ref):
            _zero(h1_ref, _NB12)
            _zero(h2_ref, _NB12)

            @plsc.parallel_loop(0, _NVEC, unroll=_U)
            def _(i):
                key = _f32key(row_ref[pl.ds(i * _L, _L)])
                plsc.addupdate_scatter(h1_ref, [(key >> 20) + 2048], ones)

            b1, k1, _c1 = _select(h1_ref, _NB12, jnp.int32(_K))
            t1 = b1 - 2048

            t1base = t1 << 20

            @plsc.parallel_loop(0, _NVEC, unroll=_U)
            def _(i):
                key = _f32key(row_ref[pl.ds(i * _L, _L)])
                du = lax.bitcast_convert_type(key - t1base, jnp.uint32)
                m = du < jnp.uint32(1 << 20)
                b2 = lax.bitcast_convert_type(du >> 8, jnp.int32) & 0xFFF
                plsc.addupdate_scatter(h2_ref, [b2], ones, mask=m)

            b2, k2, c2 = _select(h2_ref, _NB12, k1)
            p2pfx = (t1 << 12) | b2

            need_p3 = k2 < c2

            @pl.when(need_p3)
            def _():
                _zero(h3_ref, _NB3)

                @plsc.parallel_loop(0, _NVEC, unroll=_U)
                def _(i):
                    key = _f32key(row_ref[pl.ds(i * _L, _L)])
                    m = (key >> 8) == p2pfx
                    plsc.addupdate_scatter(h3_ref, [key & 0xFF], ones, mask=m)

            b3, k3, c3 = _select(h3_ref, _NB3, k2)
            thr = jnp.where(need_p3, (p2pfx << 8) | b3, p2pfx << 8)
            ties = need_p3 & (k3 < c3)

            thrf = lax.bitcast_convert_type(
                jnp.where(thr >= 0, thr, thr ^ jnp.int32(0x7FFFFFFF)),
                jnp.float32)
            zerothr = jnp.logical_not(ties) & (thr == 0)
            fastf = jnp.logical_not(ties) & (thr != 0)

            @pl.when(fastf)
            def _():
                @plsc.parallel_loop(0, _NVEC, unroll=_U)
                def _(i):
                    sl = pl.ds(i * _L, _L)
                    row_ref[sl] = jnp.where(row_ref[sl] >= thrf, 1.0, 0.0)

            @pl.when(zerothr)
            def _():
                @plsc.parallel_loop(0, _NVEC, unroll=_U)
                def _(i):
                    sl = pl.ds(i * _L, _L)
                    key = _f32key(row_ref[sl])
                    row_ref[sl] = jnp.where(key >= thr, 1.0, 0.0)

            @pl.when(ties)
            def _():
                def slow(i, c):
                    sl = pl.ds(i * _L, _L)
                    key = _f32key(row_ref[sl])
                    eq = key == thr
                    eqi = eq.astype(jnp.int32)
                    pc = plsc.cumsum(eqi)
                    keep = eq & ((c + pc) <= k3)
                    row_ref[sl] = jnp.where((key > thr) | keep, 1.0, 0.0)
                    return c + jnp.sum(eqi)

                lax.fori_loop(0, _NVEC, slow, jnp.int32(0))

        copies_in = {}
        copies_out = {}
        for q in range(min(_NBUF - 1, rows_per_w)):
            copies_in[q] = pltpu.async_copy(
                x_hbm.at[row0 + q], bufs[q % _NBUF], isems[q % _NBUF])
        for r in range(rows_per_w):
            q = r + 1
            if q < rows_per_w and q >= _NBUF - 1:
                if q - _NBUF >= 0:
                    copies_out[q - _NBUF].wait()
                copies_in[q] = pltpu.async_copy(
                    x_hbm.at[row0 + q], bufs[q % _NBUF], isems[q % _NBUF])
            copies_in[r].wait()
            process_row(bufs[r % _NBUF])
            copies_out[r] = pltpu.async_copy(
                bufs[r % _NBUF], out_hbm.at[row0 + r], osems[r % _NBUF])
        for r in range(max(0, rows_per_w - _NBUF), rows_per_w):
            copies_out[r].wait()

    return _kwta(x)

# --- scband reference (transcript-rebuilt; emitter-appended) ---
"""Pipeline reference for scband-kwinners-take-all-52905407152509 (READ-ONLY COPY).

The authoritative reference and input builder live on the scoring server;
editing this copy changes nothing except your own understanding.
"""

import jax, jax.numpy as jnp
import numpy as np
import math

SPARSITY = 0.05

def setup_inputs(seed: int = 0) -> dict:
    key = jax.random.key(seed)
    x = jax.random.normal(key, (128, 32768), dtype=jnp.float32)
    return {"x": x}

def reference(x):
    # Faithful translation of _KWinnersTakeAllFunction.forward:
    # sort descending, take top ceil(sparsity*N) indices per row,
    # output a binary tensor (1 at active positions, 0 elsewhere).
    batch_size, embedding_size = x.shape
    k_active = math.ceil(SPARSITY * embedding_size)
    argsort = jnp.argsort(-x, axis=1)  # descending sort indices
    active_indices = argsort[:, :k_active]
    rows = jnp.arange(batch_size)[:, None]
    mask_active = jnp.zeros(x.shape, dtype=bool)
    mask_active = mask_active.at[rows, active_indices].set(True)
    out = mask_active.astype(x.dtype)
    return out

if __name__ == "__main__":
    import jax
    _d = setup_inputs()
    print(jax.jit(kernel)(*tuple(_d.values())))

</pallas_src>

<mosaic_0001>
#map = affine_map<(d0, d1) -> (0, 0)>
module attributes {stable_mosaic.version = 14 : i64} {
  func.func @_kwta(%arg0: i32, %arg1: i32, %arg2: memref<128x32768xf32, #tpu.memory_space<hbm>>, %arg3: memref<128x32768xf32, #tpu.memory_space<hbm>>, %arg4: memref<32768xf32, #tpu.memory_space<vmem>>, %arg5: memref<32768xf32, #tpu.memory_space<vmem>>, %arg6: memref<32768xf32, #tpu.memory_space<vmem>>, %arg7: memref<4096xi32, #tpu.memory_space<vmem>>, %arg8: memref<4096xi32, #tpu.memory_space<vmem>>, %arg9: memref<256xi32, #tpu.memory_space<vmem>>, %arg10: memref<!tpu.dma_semaphore, #tpu.memory_space<semaphore_mem>>, %arg11: memref<!tpu.dma_semaphore, #tpu.memory_space<semaphore_mem>>, %arg12: memref<!tpu.dma_semaphore, #tpu.memory_space<semaphore_mem>>, %arg13: memref<!tpu.dma_semaphore, #tpu.memory_space<semaphore_mem>>, %arg14: memref<!tpu.dma_semaphore, #tpu.memory_space<semaphore_mem>>, %arg15: memref<!tpu.dma_semaphore, #tpu.memory_space<semaphore_mem>>) attributes {dimension_semantics = [#tpu.dimension_semantics<core_parallel>, #tpu.dimension_semantics<subcore_parallel>], iteration_bounds = array<i64: 2, 16>, scalar_prefetch = 0 : i64, scratch_operands = 12 : i64, tpu.core_type = #tpu.core_type<sc_vector_subcore>, window_params = [{transform_indices = #map}, {transform_indices = #map}]} {
    %mul3A = arith.constant 2 : i32
    %mul3A_0 = arith.muli %arg1, %mul3A : i32
    %add3A = arith.addi %mul3A_0, %arg0 : i32
    %mul3A_1 = arith.constant 4 : i32
    %mul3A_2 = arith.muli %add3A, %mul3A_1 : i32
    %broadcast_in_dim3A = arith.constant 1 : i32
    %broadcast_in_dim3A_3 = vector.broadcast %broadcast_in_dim3A : i32 to vector<16xi32>
    %add3A_4 = arith.constant 0 : i32
    %add3A_5 = arith.addi %mul3A_2, %add3A_4 : i32
    %dma_start3A = arith.constant 0 : i32
    %dma_start3A_6 = tpu.memref_slice %arg2[%add3A_5, %dma_start3A] : memref<128x32768xf32, #tpu.memory_space<hbm>> -> memref<1x32768xf32, #tpu.memory_space<hbm>>
    %dma_start3A_7 = tpu.memref_squeeze %dma_start3A_6 : memref<1x32768xf32, #tpu.memory_space<hbm>> -> memref<32768xf32, #tpu.memory_space<hbm>>
    %dma_start3A_8 = arith.constant 0 : i32
    %dma_start3A_9 = tpu.memref_slice %arg2[%add3A_5, %dma_start3A_8] : memref<128x32768xf32, #tpu.memory_space<hbm>> -> memref<1x32768xf32, #tpu.memory_space<hbm>>
    %dma_start3A_10 = tpu.memref_squeeze %dma_start3A_9 : memref<1x32768xf32, #tpu.memory_space<hbm>> -> memref<32768xf32, #tpu.memory_space<hbm>>
    tpu.enqueue_dma source(%dma_start3A_10 : memref<32768xf32, #tpu.memory_space<hbm>>) target(%arg4 : memref<32768xf32, #tpu.memory_space<vmem>>) target_semaphore(%arg10 : memref<!tpu.dma_semaphore, #tpu.memory_space<semaphore_mem>>)
    %add3A_11 = arith.constant 1 : i32
    %add3A_12 = arith.addi %mul3A_2, %add3A_11 : i32
    %dma_start3A_13 = arith.constant 0 : i32
    %dma_start3A_14 = tpu.memref_slice %arg2[%add3A_12, %dma_start3A_13] : memref<128x32768xf32, #tpu.memory_space<hbm>> -> memref<1x32768xf32, #tpu.memory_space<hbm>>
    %dma_start3A_15 = tpu.memref_squeeze %dma_start3A_14 : memref<1x32768xf32, #tpu.memory_space<hbm>> -> memref<32768xf32, #tpu.memory_space<hbm>>
    %dma_start3A_16 = arith.constant 0 : i32
    %dma_start3A_17 = tpu.memref_slice %arg2[%add3A_12, %dma_start3A_16] : memref<128x32768xf32, #tpu.memory_space<hbm>> -> memref<1x32768xf32, #tpu.memory_space<hbm>>
    %dma_start3A_18 = tpu.memref_squeeze %dma_start3A_17 : memref<1x32768xf32, #tpu.memory_space<hbm>> -> memref<32768xf32, #tpu.memory_space<hbm>>
    tpu.enqueue_dma source(%dma_start3A_18 : memref<32768xf32, #tpu.memory_space<hbm>>) target(%arg5 : memref<32768xf32, #tpu.memory_space<vmem>>) target_semaphore(%arg11 : memref<!tpu.dma_semaphore, #tpu.memory_space<semaphore_mem>>)
    %dma_wait3A = arith.constant 0 : i32
    %dma_wait3A_19 = tpu.memref_slice %arg2[%add3A_5, %dma_wait3A] : memref<128x32768xf32, #tpu.memory_space<hbm>> -> memref<1x32768xf32, #tpu.memory_space<hbm>>
    %dma_wait3A_20 = tpu.memref_squeeze %dma_wait3A_19 : memref<1x32768xf32, #tpu.memory_space<hbm>> -> memref<32768xf32, #tpu.memory_space<hbm>>
    %dma_wait3A_21 = arith.constant 0 : i32
    %dma_wait3A_22 = tpu.memref_slice %arg2[%add3A_5, %dma_wait3A_21] : memref<128x32768xf32, #tpu.memory_space<hbm>> -> memref<1x32768xf32, #tpu.memory_space<hbm>>
    %dma_wait3A_23 = tpu.memref_squeeze %dma_wait3A_22 : memref<1x32768xf32, #tpu.memory_space<hbm>> -> memref<32768xf32, #tpu.memory_space<hbm>>
    tpu.wait_dma2 semaphore(%arg10 : memref<!tpu.dma_semaphore, #tpu.memory_space<semaphore_mem>>) src(%dma_wait3A_23 : memref<32768xf32, #tpu.memory_space<hbm>>) dst(%arg4 : memref<32768xf32, #tpu.memory_space<vmem>>)
    %broadcast_in_dim3A_24 = arith.constant 0 : i32
    %broadcast_in_dim3A_25 = vector.broadcast %broadcast_in_dim3A_24 : i32 to vector<16xi32>
    %parallel_loop3A = arith.constant 0 : i32
    %parallel_loop3A_26 = arith.constant 256 : i32
    %parallel_loop3A_27 = arith.constant 1 : i32
    scf.for %parallel_loop3A_1240 = %parallel_loop3A to %parallel_loop3A_26 step %parallel_loop3A_27  : i32 {
      %parallel_loop3A_1241 = arith.constant 16 : i32
      %parallel_loop3A_1242 = arith.muli %parallel_loop3A_1240, %parallel_loop3A_1241 : i32
      %parallel_loop3A_1243 = arith.index_cast %parallel_loop3A_1242 : i32 to index
      %parallel_loop3A_1244 = tpu.vector_load %arg7[%parallel_loop3A_1243] {strides = array<i32>} : memref<4096xi32, #tpu.memory_space<vmem>>, vector<16xi32>,
      tpu.vector_store %arg7[%parallel_loop3A_1243], %broadcast_in_dim3A_25 {strides = array<i32>} : memref<4096xi32, #tpu.memory_space<vmem>>, vector<16xi32>,
    } {sc.loop_unroll_factor = 4 : i64, sc.parallel_access}
    %broadcast_in_dim3A_28 = arith.constant 0 : i32
    %broadcast_in_dim3A_29 = vector.broadcast %broadcast_in_dim3A_28 : i32 to vector<16xi32>
    %parallel_loop3A_30 = arith.constant 0 : i32
    %parallel_loop3A_31 = arith.constant 256 : i32
    %parallel_loop3A_32 = arith.constant 1 : i32
    scf.for %parallel_loop3A_1240 = %parallel_loop3A_30 to %parallel_loop3A_31 step %parallel_loop3A_32  : i32 {
      %parallel_loop3A_1241 = arith.constant 16 : i32
      %parallel_loop3A_1242 = arith.muli %parallel_loop3A_1240, %parallel_loop3A_1241 : i32
      %parallel_loop3A_1243 = arith.index_cast %parallel_loop3A_1242 : i32 to index
      %parallel_loop3A_1244 = tpu.vector_load %arg8[%parallel_loop3A_1243] {strides = array<i32>} : memref<4096xi32, #tpu.memory_space<vmem>>, vector<16xi32>,
      tpu.vector_store %arg8[%parallel_loop3A_1243], %broadcast_in_dim3A_29 {strides = array<i32>} : memref<4096xi32, #tpu.memory_space<vmem>>, vector<16xi32>,
    } {sc.loop_unroll_factor = 4 : i64, sc.parallel_access}
    %parallel_loop3A_33 = arith.constant 0 : i32
    %parallel_loop3A_34 = arith.constant 2048 : i32
    %parallel_loop3A_35 = arith.constant 1 : i32
    scf.for %parallel_loop3A_1240 = %parallel_loop3A_33 to %parallel_loop3A_34 step %parallel_loop3A_35  : i32 {
      %parallel_loop3A_1241 = arith.constant 16 : i32
      %parallel_loop3A_1242 = arith.muli %parallel_loop3A_1240, %parallel_loop3A_1241 : i32
      %parallel_loop3A_1243 = arith.index_cast %parallel_loop3A_1242 : i32 to index
      %parallel_loop3A_1244 = tpu.vector_load %arg4[%parallel_loop3A_1243] {strides = array<i32>} : memref<32768xf32, #tpu.memory_space<vmem>>, vector<16xf32>,
      %parallel_loop3A_1245 = tpu.bitcast %parallel_loop3A_1244 : vector<16xf32> -> vector<16xi32>
      %parallel_loop3A_1246 = arith.constant 31 : i32
      %parallel_loop3A_1247 = vector.broadcast %parallel_loop3A_1246 : i32 to vector<16xi32>
      %parallel_loop3A_1248 = arith.shrsi %parallel_loop3A_1245, %parallel_loop3A_1247 : vector<16xi32>
      %parallel_loop3A_1249 = arith.constant 2147483647 : i32
      %parallel_loop3A_1250 = vector.broadcast %parallel_loop3A_1249 : i32 to vector<16xi32>
      %parallel_loop3A_1251 = arith.andi %parallel_loop3A_1248, %parallel_loop3A_1250 : vector<16xi32>
      %parallel_loop3A_1252 = arith.xori %parallel_loop3A_1245, %parallel_loop3A_1251 : vector<16xi32>
      %parallel_loop3A_1253 = arith.constant 20 : i32
      %parallel_loop3A_1254 = vector.broadcast %parallel_loop3A_1253 : i32 to vector<16xi32>
      %parallel_loop3A_1255 = arith.shrsi %parallel_loop3A_1252, %parallel_loop3A_1254 : vector<16xi32>
      %parallel_loop3A_1256 = arith.constant 2048 : i32
      %parallel_loop3A_1257 = vector.broadcast %parallel_loop3A_1256 : i32 to vector<16xi32>
      %parallel_loop3A_1258 = arith.addi %parallel_loop3A_1255, %parallel_loop3A_1257 : vector<16xi32>
      tpu.vector_store_idx %arg7[%parallel_loop3A_1258], %broadcast_in_dim3A_3 {add = true} : memref<4096xi32, #tpu.memory_space<vmem>>[vector<16xi32>], vector<16xi32>,
    } {sc.loop_unroll_factor = 8 : i64, sc.parallel_access}
    %mul3A_36 = arith.constant 255 : i32
    %mul3A_37 = arith.constant 16 : i32
    %mul3A_38 = arith.muli %mul3A_36, %mul3A_37 : i32
    %get3A = arith.index_cast %mul3A_38 : i32 to index
    %get3A_39 = tpu.vector_load %arg7[%get3A] {strides = array<i32>} : memref<4096xi32, #tpu.memory_space<vmem>>, vector<16xi32>,
    %reduce_sum3A = arith.constant true
    %reduce_sum3A_40 = vector.broadcast %reduce_sum3A : i1 to vector<16xi1>
    %reduce_sum3A_41 = tpu.scan <sum>, %get3A_39 masked %reduce_sum3A_40 : vector<16xi32>, vector<16xi1> -> vector<16xi32>
    %reduce_sum3A_42 = vector.extract %reduce_sum3A_41[15] : i32 from vector<16xi32>
    %while3A = arith.constant 1639 : i32
    %while3A_43 = arith.constant 0 : i32
    %while3A_44 = arith.constant 255 : i32
    %while3A_45:3 = scf.while (%while3A_1240 = %while3A_43, %while3A_1241 = %while3A_44, %while3A_1242 = %reduce_sum3A_42) : (i32, i32, i32) -> (i32, i32, i32) {
      %add3A_1243 = arith.addi %while3A_1240, %while3A_1242 : i32
      %lt3A_1244 = arith.cmpi slt, %add3A_1243, %while3A : i32
      %gt3A = arith.constant 0 : i32
      %gt3A_1245 = arith.cmpi sgt, %while3A_1241, %gt3A : i32
      %and3A_1246 = arith.andi %lt3A_1244, %gt3A_1245 : i1
      scf.condition(%and3A_1246) %while3A_1240, %while3A_1241, %while3A_1242 : i32, i32, i32
    } do {
    ^bb0(%while3A_1240: i32, %while3A_1241: i32, %while3A_1242: i32):
      %sub3A_1243 = arith.constant 1 : i32
      %sub3A_1244 = arith.subi %while3A_1241, %sub3A_1243 : i32
      %add3A_1245 = arith.addi %while3A_1240, %while3A_1242 : i32
      %mul3A_1246 = arith.constant 16 : i32
      %mul3A_1247 = arith.muli %sub3A_1244, %mul3A_1246 : i32
      %get3A_1248 = arith.index_cast %mul3A_1247 : i32 to index
      %get3A_1249 = tpu.vector_load %arg7[%get3A_1248] {strides = array<i32>} : memref<4096xi32, #tpu.memory_space<vmem>>, vector<16xi32>,
      %reduce_sum3A_1250 = arith.constant true
      %reduce_sum3A_1251 = vector.broadcast %reduce_sum3A_1250 : i1 to vector<16xi1>
      %reduce_sum3A_1252 = tpu.scan <sum>, %get3A_1249 masked %reduce_sum3A_1251 : vector<16xi32>, vector<16xi1> -> vector<16xi32>
      %reduce_sum3A_1253 = vector.extract %reduce_sum3A_1252[15] : i32 from vector<16xi32>
      scf.yield %add3A_1245, %sub3A_1244, %reduce_sum3A_1253 : i32, i32, i32
    }
    %mul3A_46 = arith.constant 16 : i32
    %mul3A_47 = arith.muli %while3A_45#1, %mul3A_46 : i32
    %get3A_48 = arith.index_cast %mul3A_47 : i32 to index
    %get3A_49 = tpu.vector_load %arg7[%get3A_48] {strides = array<i32>} : memref<4096xi32, #tpu.memory_space<vmem>>, vector<16xi32>,
    %sub3A = arith.constant 1639 : i32
    %sub3A_50 = arith.subi %sub3A, %while3A_45#0 : i32
    %iota3A = tpu.iota {dimensions = array<i32: 0>} : vector<16xi32>
    %broadcast_in_dim3A_51 = arith.constant true
    %broadcast_in_dim3A_52 = vector.broadcast %broadcast_in_dim3A_51 : i1 to vector<16xi1>
    %masked_cumsum3A = tpu.scan <sum>, %get3A_49 masked %broadcast_in_dim3A_52 : vector<16xi32>, vector<16xi1> -> vector<16xi32>
    %reduce_max3A = arith.constant true
    %reduce_max3A_53 = vector.broadcast %reduce_max3A : i1 to vector<16xi1>
    %reduce_max3A_54 = arith.constant -2147483648 : i32
    %reduce_max3A_55 = vector.broadcast %reduce_max3A_54 : i32 to vector<16xi32>
    %reduce_max3A_56 = arith.xori %masked_cumsum3A, %reduce_max3A_55 : vector<16xi32>
    %reduce_max3A_57 = tpu.scan <max>, %reduce_max3A_56 masked %reduce_max3A_53 : vector<16xi32>, vector<16xi1> -> vector<16xi32>
    %reduce_max3A_58 = arith.xori %reduce_max3A_57, %reduce_max3A_55 : vector<16xi32>
    %reduce_max3A_59 = vector.extract %reduce_max3A_58[15] : i32 from vector<16xi32>
    %sub3A_60 = vector.broadcast %reduce_max3A_59 : i32 to vector<16xi32>
    %sub3A_61 = arith.subi %sub3A_60, %masked_cumsum3A : vector<16xi32>
    %lt3A = vector.broadcast %sub3A_50 : i32 to vector<16xi32>
    %lt3A_62 = arith.cmpi slt, %sub3A_61, %lt3A : vector<16xi32>
    %add3A_63 = arith.addi %sub3A_61, %get3A_49 : vector<16xi32>
    %ge3A = vector.broadcast %sub3A_50 : i32 to vector<16xi32>
    %ge3A_64 = arith.cmpi sge, %add3A_63, %ge3A : vector<16xi32>
    %and3A = arith.andi %lt3A_62, %ge3A_64 : vector<16xi1>
    %jit3A = arith.constant -1 : i32
    %broadcast_in_dim3A_65 = vector.broadcast %jit3A : i32 to vector<16xi32>
    %select_n3A = arith.select %and3A, %iota3A, %broadcast_in_dim3A_65 : vector<16xi1>, vector<16xi32>
    %reduce_max3A_66 = arith.constant true
    %reduce_max3A_67 = vector.broadcast %reduce_max3A_66 : i1 to vector<16xi1>
    %reduce_max3A_68 = arith.constant -2147483648 : i32
    %reduce_max3A_69 = vector.broadcast %reduce_max3A_68 : i32 to vector<16xi32>
    %reduce_max3A_70 = arith.xori %select_n3A, %reduce_max3A_69 : vector<16xi32>
    %reduce_max3A_71 = tpu.scan <max>, %reduce_max3A_70 masked %reduce_max3A_67 : vector<16xi32>, vector<16xi1> -> vector<16xi32>
    %reduce_max3A_72 = arith.xori %reduce_max3A_71, %reduce_max3A_69 : vector<16xi32>
    %reduce_max3A_73 = vector.extract %reduce_max3A_72[15] : i32 from vector<16xi32>
    %sub3A_74 = vector.broadcast %sub3A_50 : i32 to vector<16xi32>
    %sub3A_75 = arith.subi %sub3A_74, %sub3A_61 : vector<16xi32>
    %jit3A_76 = arith.constant -1 : i32
    %broadcast_in_dim3A_77 = vector.broadcast %jit3A_76 : i32 to vector<16xi32>
    %select_n3A_78 = arith.select %and3A, %sub3A_75, %broadcast_in_dim3A_77 : vector<16xi1>, vector<16xi32>
    %reduce_max3A_79 = arith.constant true
    %reduce_max3A_80 = vector.broadcast %reduce_max3A_79 : i1 to vector<16xi1>
    %reduce_max3A_81 = arith.constant -2147483648 : i32
    %reduce_max3A_82 = vector.broadcast %reduce_max3A_81 : i32 to vector<16xi32>
    %reduce_max3A_83 = arith.xori %select_n3A_78, %reduce_max3A_82 : vector<16xi32>
    %reduce_max3A_84 = tpu.scan <max>, %reduce_max3A_83 masked %reduce_max3A_80 : vector<16xi32>, vector<16xi1> -> vector<16xi32>
    %reduce_max3A_85 = arith.xori %reduce_max3A_84, %reduce_max3A_82 : vector<16xi32>
    %reduce_max3A_86 = vector.extract %reduce_max3A_85[15] : i32 from vector<16xi32>
    %jit3A_87 = arith.constant -1 : i32
    %broadcast_in_dim3A_88 = vector.broadcast %jit3A_87 : i32 to vector<16xi32>
    %select_n3A_89 = arith.select %and3A, %get3A_49, %broadcast_in_dim3A_88 : vector<16xi1>, vector<16xi32>
    %reduce_max3A_90 = arith.constant true
    %reduce_max3A_91 = vector.broadcast %reduce_max3A_90 : i1 to vector<16xi1>
    %reduce_max3A_92 = arith.constant -2147483648 : i32
    %reduce_max3A_93 = vector.broadcast %reduce_max3A_92 : i32 to vector<16xi32>
    %reduce_max3A_94 = arith.xori %select_n3A_89, %reduce_max3A_93 : vector<16xi32>
    %reduce_max3A_95 = tpu.scan <max>, %reduce_max3A_94 masked %reduce_max3A_91 : vector<16xi32>, vector<16xi1> -> vector<16xi32>
    %reduce_max3A_96 = arith.xori %reduce_max3A_95, %reduce_max3A_93 : vector<16xi32>
    %reduce_max3A_97 = vector.extract %reduce_max3A_96[15] : i32 from vector<16xi32>
    %mul3A_98 = arith.constant 16 : i32
    %mul3A_99 = arith.muli %while3A_45#1, %mul3A_98 : i32
    %add3A_100 = arith.addi %mul3A_99, %reduce_max3A_73 : i32
    %sub3A_101 = arith.constant 2048 : i32
    %sub3A_102 = arith.subi %add3A_100, %sub3A_101 : i32
    %shift_left3A = arith.constant 20 : i32
    %shift_left3A_103 = arith.shli %sub3A_102, %shift_left3A : i32
    %parallel_loop3A_104 = arith.constant 0 : i32
    %parallel_loop3A_105 = arith.constant 2048 : i32
    %parallel_loop3A_106 = arith.constant 1 : i32
    scf.for %parallel_loop3A_1240 = %parallel_loop3A_104 to %parallel_loop3A_105 step %parallel_loop3A_106  : i32 {
      %parallel_loop3A_1241 = arith.constant 16 : i32
      %parallel_loop3A_1242 = arith.muli %parallel_loop3A_1240, %parallel_loop3A_1241 : i32
      %parallel_loop3A_1243 = arith.index_cast %parallel_loop3A_1242 : i32 to index
      %parallel_loop3A_1244 = tpu.vector_load %arg4[%parallel_loop3A_1243] {strides = array<i32>} : memref<32768xf32, #tpu.memory_space<vmem>>, vector<16xf32>,
      %parallel_loop3A_1245 = tpu.bitcast %parallel_loop3A_1244 : vector<16xf32> -> vector<16xi32>
      %parallel_loop3A_1246 = arith.constant 31 : i32
      %parallel_loop3A_1247 = vector.broadcast %parallel_loop3A_1246 : i32 to vector<16xi32>
      %parallel_loop3A_1248 = arith.shrsi %parallel_loop3A_1245, %parallel_loop3A_1247 : vector<16xi32>
      %parallel_loop3A_1249 = arith.constant 2147483647 : i32
      %parallel_loop3A_1250 = vector.broadcast %parallel_loop3A_1249 : i32 to vector<16xi32>
      %parallel_loop3A_1251 = arith.andi %parallel_loop3A_1248, %parallel_loop3A_1250 : vector<16xi32>
      %parallel_loop3A_1252 = arith.xori %parallel_loop3A_1245, %parallel_loop3A_1251 : vector<16xi32>
      %parallel_loop3A_1253 = vector.broadcast %shift_left3A_103 : i32 to vector<16xi32>
      %parallel_loop3A_1254 = arith.subi %parallel_loop3A_1252, %parallel_loop3A_1253 : vector<16xi32>
      %parallel_loop3A_1255 = tpu.bitcast %parallel_loop3A_1254 : vector<16xi32> -> vector<16xi32>
      %parallel_loop3A_1256 = arith.constant 1048576 : i32
      %parallel_loop3A_1257 = vector.broadcast %parallel_loop3A_1256 : i32 to vector<16xi32>
      %parallel_loop3A_1258 = arith.cmpi ult, %parallel_loop3A_1255, %parallel_loop3A_1257 : vector<16xi32>
      %parallel_loop3A_1259 = arith.constant 8 : i32
      %parallel_loop3A_1260 = vector.broadcast %parallel_loop3A_1259 : i32 to vector<16xi32>
      %parallel_loop3A_1261 = arith.shrui %parallel_loop3A_1255, %parallel_loop3A_1260 : vector<16xi32>
      %parallel_loop3A_1262 = tpu.bitcast %parallel_loop3A_1261 : vector<16xi32> -> vector<16xi32>
      %parallel_loop3A_1263 = arith.constant 4095 : i32
      %parallel_loop3A_1264 = vector.broadcast %parallel_loop3A_1263 : i32 to vector<16xi32>
      %parallel_loop3A_1265 = arith.andi %parallel_loop3A_1262, %parallel_loop3A_1264 : vector<16xi32>
      tpu.vector_store_idx %arg8[%parallel_loop3A_1265], %broadcast_in_dim3A_3 masked %parallel_loop3A_1258 {add = true} : memref<4096xi32, #tpu.memory_space<vmem>>[vector<16xi32>], vector<16xi32>, vector<16xi1>
    } {sc.loop_unroll_factor = 8 : i64, sc.parallel_access}
    %mul3A_107 = arith.constant 255 : i32
    %mul3A_108 = arith.constant 16 : i32
    %mul3A_109 = arith.muli %mul3A_107, %mul3A_108 : i32
    %get3A_110 = arith.index_cast %mul3A_109 : i32 to index
    %get3A_111 = tpu.vector_load %arg8[%get3A_110] {strides = array<i32>} : memref<4096xi32, #tpu.memory_space<vmem>>, vector<16xi32>,
    %reduce_sum3A_112 = arith.constant true
    %reduce_sum3A_113 = vector.broadcast %reduce_sum3A_112 : i1 to vector<16xi1>
    %reduce_sum3A_114 = tpu.scan <sum>, %get3A_111 masked %reduce_sum3A_113 : vector<16xi32>, vector<16xi1> -> vector<16xi32>
    %reduce_sum3A_115 = vector.extract %reduce_sum3A_114[15] : i32 from vector<16xi32>
    %while3A_116 = arith.constant 0 : i32
    %while3A_117 = arith.constant 255 : i32
    %while3A_118:3 = scf.while (%while3A_1240 = %while3A_116, %while3A_1241 = %while3A_117, %while3A_1242 = %reduce_sum3A_115) : (i32, i32, i32) -> (i32, i32, i32) {
      %add3A_1243 = arith.addi %while3A_1240, %while3A_1242 : i32
      %lt3A_1244 = arith.cmpi slt, %add3A_1243, %reduce_max3A_86 : i32
      %gt3A = arith.constant 0 : i32
      %gt3A_1245 = arith.cmpi sgt, %while3A_1241, %gt3A : i32
      %and3A_1246 = arith.andi %lt3A_1244, %gt3A_1245 : i1
      scf.condition(%and3A_1246) %while3A_1240, %while3A_1241, %while3A_1242 : i32, i32, i32
    } do {
    ^bb0(%while3A_1240: i32, %while3A_1241: i32, %while3A_1242: i32):
      %sub3A_1243 = arith.constant 1 : i32
      %sub3A_1244 = arith.subi %while3A_1241, %sub3A_1243 : i32
      %add3A_1245 = arith.addi %while3A_1240, %while3A_1242 : i32
      %mul3A_1246 = arith.constant 16 : i32
      %mul3A_1247 = arith.muli %sub3A_1244, %mul3A_1246 : i32
      %get3A_1248 = arith.index_cast %mul3A_1247 : i32 to index
      %get3A_1249 = tpu.vector_load %arg8[%get3A_1248] {strides = array<i32>} : memref<4096xi32, #tpu.memory_space<vmem>>, vector<16xi32>,
      %reduce_sum3A_1250 = arith.constant true
      %reduce_sum3A_1251 = vector.broadcast %reduce_sum3A_1250 : i1 to vector<16xi1>
      %reduce_sum3A_1252 = tpu.scan <sum>, %get3A_1249 masked %reduce_sum3A_1251 : vector<16xi32>, vector<16xi1> -> vector<16xi32>
      %reduce_sum3A_1253 = vector.extract %reduce_sum3A_1252[15] : i32 from vector<16xi32>
      scf.yield %add3A_1245, %sub3A_1244, %reduce_sum3A_1253 : i32, i32, i32
    }
    %mul3A_119 = arith.constant 16 : i32
    %mul3A_120 = arith.muli %while3A_118#1, %mul3A_119 : i32
    %get3A_121 = arith.index_cast %mul3A_120 : i32 to index
    %get3A_122 = tpu.vector_load %arg8[%get3A_121] {strides = array<i32>} : memref<4096xi32, #tpu.memory_space<vmem>>, vector<16xi32>,
    %sub3A_123 = arith.subi %reduce_max3A_86, %while3A_118#0 : i32
    %iota3A_124 = tpu.iota {dimensions = array<i32: 0>} : vector<16xi32>
    %broadcast_in_dim3A_125 = arith.constant true
    %broadcast_in_dim3A_126 = vector.broadcast %broadcast_in_dim3A_125 : i1 to vector<16xi1>
    %masked_cumsum3A_127 = tpu.scan <sum>, %get3A_122 masked %broadcast_in_dim3A_126 : vector<16xi32>, vector<16xi1> -> vector<16xi32>
    %reduce_max3A_128 = arith.constant true
    %reduce_max3A_129 = vector.broadcast %reduce_max3A_128 : i1 to vector<16xi1>
    %reduce_max3A_130 = arith.constant -2147483648 : i32
    %reduce_max3A_131 = vector.broadcast %reduce_max3A_130 : i32 to vector<16xi32>
    %reduce_max3A_132 = arith.xori %masked_cumsum3A_127, %reduce_max3A_131 : vector<16xi32>
    %reduce_max3A_133 = tpu.scan <max>, %reduce_max3A_132 masked %reduce_max3A_129 : vector<16xi32>, vector<16xi1> -> vector<16xi32>
    %reduce_max3A_134 = arith.xori %reduce_max3A_133, %reduce_max3A_131 : vector<16xi32>
    %reduce_max3A_135 = vector.extract %reduce_max3A_134[15] : i32 from vector<16xi32>
    %sub3A_136 = vector.broadcast %reduce_max3A_135 : i32 to vector<16xi32>
    %sub3A_137 = arith.subi %sub3A_136, %masked_cumsum3A_127 : vector<16xi32>
    %lt3A_138 = vector.broadcast %sub3A_123 : i32 to vector<16xi32>
    %lt3A_139 = arith.cmpi slt, %sub3A_137, %lt3A_138 : vector<16xi32>
    %add3A_140 = arith.addi %sub3A_137, %get3A_122 : vector<16xi32>
    %ge3A_141 = vector.broadcast %sub3A_123 : i32 to vector<16xi32>
    %ge3A_142 = arith.cmpi sge, %add3A_140, %ge3A_141 : vector<16xi32>
    %and3A_143 = arith.andi %lt3A_139, %ge3A_142 : vector<16xi1>
    %jit3A_144 = arith.constant -1 : i32
    %broadcast_in_dim3A_145 = vector.broadcast %jit3A_144 : i32 to vector<16xi32>
    %select_n3A_146 = arith.select %and3A_143, %iota3A_124, %broadcast_in_dim3A_145 : vector<16xi1>, vector<16xi32>
    %reduce_max3A_147 = arith.constant true
    %reduce_max3A_148 = vector.broadcast %reduce_max3A_147 : i1 to vector<16xi1>
    %reduce_max3A_149 = arith.constant -2147483648 : i32
    %reduce_max3A_150 = vector.broadcast %reduce_max3A_149 : i32 to vector<16xi32>
    %reduce_max3A_151 = arith.xori %select_n3A_146, %reduce_max3A_150 : vector<16xi32>
    %reduce_max3A_152 = tpu.scan <max>, %reduce_max3A_151 masked %reduce_max3A_148 : vector<16xi32>, vector<16xi1> -> vector<16xi32>
    %reduce_max3A_153 = arith.xori %reduce_max3A_152, %reduce_max3A_150 : vector<16xi32>
    %reduce_max3A_154 = vector.extract %reduce_max3A_153[15] : i32 from vector<16xi32>
    %sub3A_155 = vector.broadcast %sub3A_123 : i32 to vector<16xi32>
    %sub3A_156 = arith.subi %sub3A_155, %sub3A_137 : vector<16xi32>
    %jit3A_157 = arith.constant -1 : i32
    %broadcast_in_dim3A_158 = vector.broadcast %jit3A_157 : i32 to vector<16xi32>
    %select_n3A_159 = arith.select %and3A_143, %sub3A_156, %broadcast_in_dim3A_158 : vector<16xi1>, vector<16xi32>
    %reduce_max3A_160 = arith.constant true
    %reduce_max3A_161 = vector.broadcast %reduce_max3A_160 : i1 to vector<16xi1>
    %reduce_max3A_162 = arith.constant -2147483648 : i32
    %reduce_max3A_163 = vector.broadcast %reduce_max3A_162 : i32 to vector<16xi32>
    %reduce_max3A_164 = arith.xori %select_n3A_159, %reduce_max3A_163 : vector<16xi32>
    %reduce_max3A_165 = tpu.scan <max>, %reduce_max3A_164 masked %reduce_max3A_161 : vector<16xi32>, vector<16xi1> -> vector<16xi32>
    %reduce_max3A_166 = arith.xori %reduce_max3A_165, %reduce_max3A_163 : vector<16xi32>
    %reduce_max3A_167 = vector.extract %reduce_max3A_166[15] : i32 from vector<16xi32>
    %jit3A_168 = arith.constant -1 : i32
    %broadcast_in_dim3A_169 = vector.broadcast %jit3A_168 : i32 to vector<16xi32>
    %select_n3A_170 = arith.select %and3A_143, %get3A_122, %broadcast_in_dim3A_169 : vector<16xi1>, vector<16xi32>
    %reduce_max3A_171 = arith.constant true
    %reduce_max3A_172 = vector.broadcast %reduce_max3A_171 : i1 to vector<16xi1>
    %reduce_max3A_173 = arith.constant -2147483648 : i32
    %reduce_max3A_174 = vector.broadcast %reduce_max3A_173 : i32 to vector<16xi32>
    %reduce_max3A_175 = arith.xori %select_n3A_170, %reduce_max3A_174 : vector<16xi32>
    %reduce_max3A_176 = tpu.scan <max>, %reduce_max3A_175 masked %reduce_max3A_172 : vector<16xi32>, vector<16xi1> -> vector<16xi32>
    %reduce_max3A_177 = arith.xori %reduce_max3A_176, %reduce_max3A_174 : vector<16xi32>
    %reduce_max3A_178 = vector.extract %reduce_max3A_177[15] : i32 from vector<16xi32>
    %mul3A_179 = arith.constant 16 : i32
    %mul3A_180 = arith.muli %while3A_118#1, %mul3A_179 : i32
    %add3A_181 = arith.addi %mul3A_180, %reduce_max3A_154 : i32
    %shift_left3A_182 = arith.constant 12 : i32
    %shift_left3A_183 = arith.shli %sub3A_102, %shift_left3A_182 : i32
    %or3A = arith.ori %shift_left3A_183, %add3A_181 : i32
    %lt3A_184 = arith.cmpi slt, %reduce_max3A_167, %reduce_max3A_178 : i32
    %convert_element_type3A = arith.extui %lt3A_184 : i1 to i32
    %cond3A = arith.constant 0 : i32
    %cond3A_185 = arith.cmpi ne, %convert_element_type3A, %cond3A : i32
    scf.if %cond3A_185 {
      %broadcast_in_dim3A_1240 = arith.constant 0 : i32
      %broadcast_in_dim3A_1241 = vector.broadcast %broadcast_in_dim3A_1240 : i32 to vector<16xi32>
      %parallel_loop3A_1242 = arith.constant 0 : i32
      %parallel_loop3A_1243 = arith.constant 16 : i32
      %parallel_loop3A_1244 = arith.constant 1 : i32
      scf.for %parallel_loop3A_1248 = %parallel_loop3A_1242 to %parallel_loop3A_1243 step %parallel_loop3A_1244  : i32 {
        %parallel_loop3A_1249 = arith.constant 16 : i32
        %parallel_loop3A_1250 = arith.muli %parallel_loop3A_1248, %parallel_loop3A_1249 : i32
        %parallel_loop3A_1251 = arith.index_cast %parallel_loop3A_1250 : i32 to index
        %parallel_loop3A_1252 = tpu.vector_load %arg9[%parallel_loop3A_1251] {strides = array<i32>} : memref<256xi32, #tpu.memory_space<vmem>>, vector<16xi32>,
        tpu.vector_store %arg9[%parallel_loop3A_1251], %broadcast_in_dim3A_1241 {strides = array<i32>} : memref<256xi32, #tpu.memory_space<vmem>>, vector<16xi32>,
      } {sc.loop_unroll_factor = 4 : i64, sc.parallel_access}
      %parallel_loop3A_1245 = arith.constant 0 : i32
      %parallel_loop3A_1246 = arith.constant 2048 : i32
      %parallel_loop3A_1247 = arith.constant 1 : i32
      scf.for %parallel_loop3A_1248 = %parallel_loop3A_1245 to %parallel_loop3A_1246 step %parallel_loop3A_1247  : i32 {
        %parallel_loop3A_1249 = arith.constant 16 : i32
        %parallel_loop3A_1250 = arith.muli %parallel_loop3A_1248, %parallel_loop3A_1249 : i32
        %parallel_loop3A_1251 = arith.index_cast %parallel_loop3A_1250 : i32 to index
        %parallel_loop3A_1252 = tpu.vector_load %arg4[%parallel_loop3A_1251] {strides = array<i32>} : memref<32768xf32, #tpu.memory_space<vmem>>, vector<16xf32>,
        %parallel_loop3A_1253 = tpu.bitcast %parallel_loop3A_1252 : vector<16xf32> -> vector<16xi32>
        %parallel_loop3A_1254 = arith.constant 31 : i32
        %parallel_loop3A_1255 = vector.broadcast %parallel_loop3A_1254 : i32 to vector<16xi32>
        %parallel_loop3A_1256 = arith.shrsi %parallel_loop3A_1253, %parallel_loop3A_1255 : vector<16xi32>
        %parallel_loop3A_1257 = arith.constant 2147483647 : i32
        %parallel_loop3A_1258 = vector.broadcast %parallel_loop3A_1257 : i32 to vector<16xi32>
        %parallel_loop3A_1259 = arith.andi %parallel_loop3A_1256, %parallel_loop3A_1258 : vector<16xi32>
        %parallel_loop3A_1260 = arith.xori %parallel_loop3A_1253, %parallel_loop3A_1259 : vector<16xi32>
        %parallel_loop3A_1261 = arith.constant 8 : i32
        %parallel_loop3A_1262 = vector.broadcast %parallel_loop3A_1261 : i32 to vector<16xi32>
        %parallel_loop3A_1263 = arith.shrsi %parallel_loop3A_1260, %parallel_loop3A_1262 : vector<16xi32>
        %parallel_loop3A_1264 = vector.broadcast %or3A : i32 to vector<16xi32>
        %parallel_loop3A_1265 = arith.cmpi eq, %parallel_loop3A_1263, %parallel_loop3A_1264 : vector<16xi32>
        %parallel_loop3A_1266 = arith.constant 255 : i32
        %parallel_loop3A_1267 = vector.broadcast %parallel_loop3A_1266 : i32 to vector<16xi32>
        %parallel_loop3A_1268 = arith.andi %parallel_loop3A_1260, %parallel_loop3A_1267 : vector<16xi32>
        tpu.vector_store_idx %arg9[%parallel_loop3A_1268], %broadcast_in_dim3A_3 masked %parallel_loop3A_1265 {add = true} : memref<256xi32, #tpu.memory_space<vmem>>[vector<16xi32>], vector<16xi32>, vector<16xi1>
      } {sc.loop_unroll_factor = 8 : i64, sc.parallel_access}
    } else {
    }
    %mul3A_186 = arith.constant 15 : i32
    %mul3A_187 = arith.constant 16 : i32
    %mul3A_188 = arith.muli %mul3A_186, %mul3A_187 : i32
    %get3A_189 = arith.index_cast %mul3A_188 : i32 to index
    %get3A_190 = tpu.vector_load %arg9[%get3A_189] {strides = array<i32>} : memref<256xi32, #tpu.memory_space<vmem>>, vector<16xi32>,
    %reduce_sum3A_191 = arith.constant true
    %reduce_sum3A_192 = vector.broadcast %reduce_sum3A_191 : i1 to vector<16xi1>
    %reduce_sum3A_193 = tpu.scan <sum>, %get3A_190 masked %reduce_sum3A_192 : vector<16xi32>, vector<16xi1> -> vector<16xi32>
    %reduce_sum3A_194 = vector.extract %reduce_sum3A_193[15] : i32 from vector<16xi32>
    %while3A_195 = arith.constant 0 : i32
    %while3A_196 = arith.constant 15 : i32
    %while3A_197:3 = scf.while (%while3A_1240 = %while3A_195, %while3A_1241 = %while3A_196, %while3A_1242 = %reduce_sum3A_194) : (i32, i32, i32) -> (i32, i32, i32) {
      %add3A_1243 = arith.addi %while3A_1240, %while3A_1242 : i32
      %lt3A_1244 = arith.cmpi slt, %add3A_1243, %reduce_max3A_167 : i32
      %gt3A = arith.constant 0 : i32
      %gt3A_1245 = arith.cmpi sgt, %while3A_1241, %gt3A : i32
      %and3A_1246 = arith.andi %lt3A_1244, %gt3A_1245 : i1
      scf.condition(%and3A_1246) %while3A_1240, %while3A_1241, %while3A_1242 : i32, i32, i32
    } do {
    ^bb0(%while3A_1240: i32, %while3A_1241: i32, %while3A_1242: i32):
      %sub3A_1243 = arith.constant 1 : i32
      %sub3A_1244 = arith.subi %while3A_1241, %sub3A_1243 : i32
      %add3A_1245 = arith.addi %while3A_1240, %while3A_1242 : i32
      %mul3A_1246 = arith.constant 16 : i32
      %mul3A_1247 = arith.muli %sub3A_1244, %mul3A_1246 : i32
      %get3A_1248 = arith.index_cast %mul3A_1247 : i32 to index
      %get3A_1249 = tpu.vector_load %arg9[%get3A_1248] {strides = array<i32>} : memref<256xi32, #tpu.memory_space<vmem>>, vector<16xi32>,
      %reduce_sum3A_1250 = arith.constant true
      %reduce_sum3A_1251 = vector.broadcast %reduce_sum3A_1250 : i1 to vector<16xi1>
      %reduce_sum3A_1252 = tpu.scan <sum>, %get3A_1249 masked %reduce_sum3A_1251 : vector<16xi32>, vector<16xi1> -> vector<16xi32>
      %reduce_sum3A_1253 = vector.extract %reduce_sum3A_1252[15] : i32 from vector<16xi32>
      scf.yield %add3A_1245, %sub3A_1244, %reduce_sum3A_1253 : i32, i32, i32
    }
    %mul3A_198 = arith.constant 16 : i32
    %mul3A_199 = arith.muli %while3A_197#1, %mul3A_198 : i32
    %get3A_200 = arith.index_cast %mul3A_199 : i32 to index
    %get3A_201 = tpu.vector_load %arg9[%get3A_200] {strides = array<i32>} : memref<256xi32, #tpu.memory_space<vmem>>, vector<16xi32>,
    %sub3A_202 = arith.subi %reduce_max3A_167, %while3A_197#0 : i32
    %iota3A_203 = tpu.iota {dimensions = array<i32: 0>} : vector<16xi32>
    %broadcast_in_dim3A_204 = arith.constant true
    %broadcast_in_dim3A_205 = vector.broadcast %broadcast_in_dim3A_204 : i1 to vector<16xi1>
    %masked_cumsum3A_206 = tpu.scan <sum>, %get3A_201 masked %broadcast_in_dim3A_205 : vector<16xi32>, vector<16xi1> -> vector<16xi32>
    %reduce_max3A_207 = arith.constant true
    %reduce_max3A_208 = vector.broadcast %reduce_max3A_207 : i1 to vector<16xi1>
    %reduce_max3A_209 = arith.constant -2147483648 : i32
    %reduce_max3A_210 = vector.broadcast %reduce_max3A_209 : i32 to vector<16xi32>
    %reduce_max3A_211 = arith.xori %masked_cumsum3A_206, %reduce_max3A_210 : vector<16xi32>
    %reduce_max3A_212 = tpu.scan <max>, %reduce_max3A_211 masked %reduce_max3A_208 : vector<16xi32>, vector<16xi1> -> vector<16xi32>
    %reduce_max3A_213 = arith.xori %reduce_max3A_212, %reduce_max3A_210 : vector<16xi32>
    %reduce_max3A_214 = vector.extract %reduce_max3A_213[15] : i32 from vector<16xi32>
    %sub3A_215 = vector.broadcast %reduce_max3A_214 : i32 to vector<16xi32>
    %sub3A_216 = arith.subi %sub3A_215, %masked_cumsum3A_206 : vector<16xi32>
    %lt3A_217 = vector.broadcast %sub3A_202 : i32 to vector<16xi32>
    %lt3A_218 = arith.cmpi slt, %sub3A_216, %lt3A_217 : vector<16xi32>
    %add3A_219 = arith.addi %sub3A_216, %get3A_201 : vector<16xi32>
    %ge3A_220 = vector.broadcast %sub3A_202 : i32 to vector<16xi32>
    %ge3A_221 = arith.cmpi sge, %add3A_219, %ge3A_220 : vector<16xi32>
    %and3A_222 = arith.andi %lt3A_218, %ge3A_221 : vector<16xi1>
    %jit3A_223 = arith.constant -1 : i32
    %broadcast_in_dim3A_224 = vector.broadcast %jit3A_223 : i32 to vector<16xi32>
    %select_n3A_225 = arith.select %and3A_222, %iota3A_203, %broadcast_in_dim3A_224 : vector<16xi1>, vector<16xi32>
    %reduce_max3A_226 = arith.constant true
    %reduce_max3A_227 = vector.broadcast %reduce_max3A_226 : i1 to vector<16xi1>
    %reduce_max3A_228 = arith.constant -2147483648 : i32
    %reduce_max3A_229 = vector.broadcast %reduce_max3A_228 : i32 to vector<16xi32>
    %reduce_max3A_230 = arith.xori %select_n3A_225, %reduce_max3A_229 : vector<16xi32>
    %reduce_max3A_231 = tpu.scan <max>, %reduce_max3A_230 masked %reduce_max3A_227 : vector<16xi32>, vector<16xi1> -> vector<16xi32>
    %reduce_max3A_232 = arith.xori %reduce_max3A_231, %reduce_max3A_229 : vector<16xi32>
    %reduce_max3A_233 = vector.extract %reduce_max3A_232[15] : i32 from vector<16xi32>
    %sub3A_234 = vector.broadcast %sub3A_202 : i32 to vector<16xi32>
    %sub3A_235 = arith.subi %sub3A_234, %sub3A_216 : vector<16xi32>
    %jit3A_236 = arith.constant -1 : i32
    %broadcast_in_dim3A_237 = vector.broadcast %jit3A_236 : i32 to vector<16xi32>
    %select_n3A_238 = arith.select %and3A_222, %sub3A_235, %broadcast_in_dim3A_237 : vector<16xi1>, vector<16xi32>
    %reduce_max3A_239 = arith.constant true
    %reduce_max3A_240 = vector.broadcast %reduce_max3A_239 : i1 to vector<16xi1>
    %reduce_max3A_241 = arith.constant -2147483648 : i32
    %reduce_max3A_242 = vector.broadcast %reduce_max3A_241 : i32 to vector<16xi32>
    %reduce_max3A_243 = arith.xori %select_n3A_238, %reduce_max3A_242 : vector<16xi32>
    %reduce_max3A_244 = tpu.scan <max>, %reduce_max3A_243 masked %reduce_max3A_240 : vector<16xi32>, vector<16xi1> -> vector<16xi32>
    %reduce_max3A_245 = arith.xori %reduce_max3A_244, %reduce_max3A_242 : vector<16xi32>
    %reduce_max3A_246 = vector.extract %reduce_max3A_245[15] : i32 from vector<16xi32>
    %jit3A_247 = arith.constant -1 : i32
    %broadcast_in_dim3A_248 = vector.broadcast %jit3A_247 : i32 to vector<16xi32>
    %select_n3A_249 = arith.select %and3A_222, %get3A_201, %broadcast_in_dim3A_248 : vector<16xi1>, vector<16xi32>
    %reduce_max3A_250 = arith.constant true
    %reduce_max3A_251 = vector.broadcast %reduce_max3A_250 : i1 to vector<16xi1>
    %reduce_max3A_252 = arith.constant -2147483648 : i32
    %reduce_max3A_253 = vector.broadcast %reduce_max3A_252 : i32 to vector<16xi32>
    %reduce_max3A_254 = arith.xori %select_n3A_249, %reduce_max3A_253 : vector<16xi32>
    %reduce_max3A_255 = tpu.scan <max>, %reduce_max3A_254 masked %reduce_max3A_251 : vector<16xi32>, vector<16xi1> -> vector<16xi32>
    %reduce_max3A_256 = arith.xori %reduce_max3A_255, %reduce_max3A_253 : vector<16xi32>
    %reduce_max3A_257 = vector.extract %reduce_max3A_256[15] : i32 from vector<16xi32>
    %mul3A_258 = arith.constant 16 : i32
    %mul3A_259 = arith.muli %while3A_197#1, %mul3A_258 : i32
    %add3A_260 = arith.addi %mul3A_259, %reduce_max3A_233 : i32
    %shift_left3A_261 = arith.constant 8 : i32
    %shift_left3A_262 = arith.shli %or3A, %shift_left3A_261 : i32
    %or3A_263 = arith.ori %shift_left3A_262, %add3A_260 : i32
    %shift_left3A_264 = arith.constant 8 : i32
    %shift_left3A_265 = arith.shli %or3A, %shift_left3A_264 : i32
    %select_n3A_266 = arith.select %lt3A_184, %or3A_263, %shift_left3A_265 : i32
    %lt3A_267 = arith.cmpi slt, %reduce_max3A_246, %reduce_max3A_257 : i32
    %and3A_268 = arith.andi %lt3A_184, %lt3A_267 : i1
    %ge3A_269 = arith.constant 0 : i32
    %ge3A_270 = arith.cmpi sge, %select_n3A_266, %ge3A_269 : i32
    %xor3A = arith.constant 2147483647 : i32
    %xor3A_271 = arith.xori %select_n3A_266, %xor3A : i32
    %select_n3A_272 = arith.select %ge3A_270, %select_n3A_266, %xor3A_271 : i32
    %bitcast_convert_type3A = arith.bitcast %select_n3A_272 : i32 to f32
    %not3A = arith.constant true
    %not3A_273 = arith.xori %and3A_268, %not3A : i1
    %eq3A = arith.constant 0 : i32
    %eq3A_274 = arith.cmpi eq, %select_n3A_266, %eq3A : i32
    %and3A_275 = arith.andi %not3A_273, %eq3A_274 : i1
    %not3A_276 = arith.constant true
    %not3A_277 = arith.xori %and3A_268, %not3A_276 : i1
    %ne3A = arith.constant 0 : i32
    %ne3A_278 = arith.cmpi ne, %select_n3A_266, %ne3A : i32
    %and3A_279 = arith.andi %not3A_277, %ne3A_278 : i1
    %convert_element_type3A_280 = arith.extui %and3A_279 : i1 to i32
    %cond3A_281 = arith.constant 0 : i32
    %cond3A_282 = arith.cmpi ne, %convert_element_type3A_280, %cond3A_281 : i32
    scf.if %cond3A_282 {
      %parallel_loop3A_1240 = arith.constant 0 : i32
      %parallel_loop3A_1241 = arith.constant 2048 : i32
      %parallel_loop3A_1242 = arith.constant 1 : i32
      scf.for %parallel_loop3A_1243 = %parallel_loop3A_1240 to %parallel_loop3A_1241 step %parallel_loop3A_1242  : i32 {
        %parallel_loop3A_1244 = arith.constant 16 : i32
        %parallel_loop3A_1245 = arith.muli %parallel_loop3A_1243, %parallel_loop3A_1244 : i32
        %parallel_loop3A_1246 = arith.index_cast %parallel_loop3A_1245 : i32 to index
        %parallel_loop3A_1247 = tpu.vector_load %arg4[%parallel_loop3A_1246] {strides = array<i32>} : memref<32768xf32, #tpu.memory_space<vmem>>, vector<16xf32>,
        %parallel_loop3A_1248 = vector.broadcast %bitcast_convert_type3A : f32 to vector<16xf32>
        %parallel_loop3A_1249 = arith.cmpf oge, %parallel_loop3A_1247, %parallel_loop3A_1248 : vector<16xf32>
        %parallel_loop3A_1250 = arith.constant 1.000000e+00 : f32
        %parallel_loop3A_1251 = arith.constant 0.000000e+00 : f32
        %parallel_loop3A_1252 = vector.broadcast %parallel_loop3A_1250 : f32 to vector<16xf32>
        %parallel_loop3A_1253 = vector.broadcast %parallel_loop3A_1251 : f32 to vector<16xf32>
        %parallel_loop3A_1254 = arith.select %parallel_loop3A_1249, %parallel_loop3A_1252, %parallel_loop3A_1253 : vector<16xi1>, vector<16xf32>
        %parallel_loop3A_1255 = arith.index_cast %parallel_loop3A_1245 : i32 to index
        %parallel_loop3A_1256 = tpu.vector_load %arg4[%parallel_loop3A_1255] {strides = array<i32>} : memref<32768xf32, #tpu.memory_space<vmem>>, vector<16xf32>,
        tpu.vector_store %arg4[%parallel_loop3A_1255], %parallel_loop3A_1254 {strides = array<i32>} : memref<32768xf32, #tpu.memory_space<vmem>>, vector<16xf32>,
      } {sc.loop_unroll_factor = 8 : i64, sc.parallel_access}
    } else {
    }
    %convert_element_type3A_283 = arith.extui %and3A_275 : i1 to i32
    %cond3A_284 = arith.constant 0 : i32
    %cond3A_285 = arith.cmpi ne, %convert_element_type3A_283, %cond3A_284 : i32
    scf.if %cond3A_285 {
      %parallel_loop3A_1240 = arith.constant 0 : i32
      %parallel_loop3A_1241 = arith.constant 2048 : i32
      %parallel_loop3A_1242 = arith.constant 1 : i32
      scf.for %parallel_loop3A_1243 = %parallel_loop3A_1240 to %parallel_loop3A_1241 step %parallel_loop3A_1242  : i32 {
        %parallel_loop3A_1244 = arith.constant 16 : i32
        %parallel_loop3A_1245 = arith.muli %parallel_loop3A_1243, %parallel_loop3A_1244 : i32
        %parallel_loop3A_1246 = arith.index_cast %parallel_loop3A_1245 : i32 to index
        %parallel_loop3A_1247 = tpu.vector_load %arg4[%parallel_loop3A_1246] {strides = array<i32>} : memref<32768xf32, #tpu.memory_space<vmem>>, vector<16xf32>,
        %parallel_loop3A_1248 = tpu.bitcast %parallel_loop3A_1247 : vector<16xf32> -> vector<16xi32>
        %parallel_loop3A_1249 = arith.constant 31 : i32
        %parallel_loop3A_1250 = vector.broadcast %parallel_loop3A_1249 : i32 to vector<16xi32>
        %parallel_loop3A_1251 = arith.shrsi %parallel_loop3A_1248, %parallel_loop3A_1250 : vector<16xi32>
        %parallel_loop3A_1252 = arith.constant 2147483647 : i32
        %parallel_loop3A_1253 = vector.broadcast %parallel_loop3A_1252 : i32 to vector<16xi32>
        %parallel_loop3A_1254 = arith.andi %parallel_loop3A_1251, %parallel_loop3A_1253 : vector<16xi32>
        %parallel_loop3A_1255 = arith.xori %parallel_loop3A_1248, %parallel_loop3A_1254 : vector<16xi32>
        %parallel_loop3A_1256 = vector.broadcast %select_n3A_266 : i32 to vector<16xi32>
        %parallel_loop3A_1257 = arith.cmpi sge, %parallel_loop3A_1255, %parallel_loop3A_1256 : vector<16xi32>
        %parallel_loop3A_1258 = arith.constant 1.000000e+00 : f32
        %parallel_loop3A_1259 = arith.constant 0.000000e+00 : f32
        %parallel_loop3A_1260 = vector.broadcast %parallel_loop3A_1258 : f32 to vector<16xf32>
        %parallel_loop3A_1261 = vector.broadcast %parallel_loop3A_1259 : f32 to vector<16xf32>
        %parallel_loop3A_1262 = arith.select %parallel_loop3A_1257, %parallel_loop3A_1260, %parallel_loop3A_1261 : vector<16xi1>, vector<16xf32>
        %parallel_loop3A_1263 = arith.index_cast %parallel_loop3A_1245 : i32 to index
        %parallel_loop3A_1264 = tpu.vector_load %arg4[%parallel_loop3A_1263] {strides = array<i32>} : memref<32768xf32, #tpu.memory_space<vmem>>, vector<16xf32>,
        tpu.vector_store %arg4[%parallel_loop3A_1263], %parallel_loop3A_1262 {strides = array<i32>} : memref<32768xf32, #tpu.memory_space<vmem>>, vector<16xf32>,
      } {sc.loop_unroll_factor = 8 : i64, sc.parallel_access}
    } else {
    }
    %convert_element_type3A_286 = arith.extui %and3A_268 : i1 to i32
    %cond3A_287 = arith.constant 0 : i32
    %cond3A_288 = arith.cmpi ne, %convert_element_type3A_286, %cond3A_287 : i32
    scf.if %cond3A_288 {
      %scan3A = arith.constant 0 : i32
      %scan3A_1240 = arith.constant 0 : i32
      %scan3A_1241 = arith.constant 2048 : i32
      %scan3A_1242 = arith.addi %scan3A_1240, %scan3A_1241 : i32
      %scan3A_1243 = arith.constant 1 : i32
      %scan3A_1244 = scf.for %scan3A_1246 = %scan3A_1240 to %scan3A_1242 step %scan3A_1243 iter_args(%scan3A_1247 = %scan3A) -> (i32)  : i32 {
        %mul3A_1248 = arith.constant 16 : i32
        %mul3A_1249 = arith.muli %scan3A_1246, %mul3A_1248 : i32
        %get3A_1250 = arith.index_cast %mul3A_1249 : i32 to index
        %get3A_1251 = tpu.vector_load %arg4[%get3A_1250] {strides = array<i32>} : memref<32768xf32, #tpu.memory_space<vmem>>, vector<16xf32>,
        %bitcast_convert_type3A_1252 = tpu.bitcast %get3A_1251 : vector<16xf32> -> vector<16xi32>
        %shift_right_arithmetic3A = arith.constant 31 : i32
        %shift_right_arithmetic3A_1253 = vector.broadcast %shift_right_arithmetic3A : i32 to vector<16xi32>
        %shift_right_arithmetic3A_1254 = arith.shrsi %bitcast_convert_type3A_1252, %shift_right_arithmetic3A_1253 : vector<16xi32>
        %and3A_1255 = arith.constant 2147483647 : i32
        %and3A_1256 = vector.broadcast %and3A_1255 : i32 to vector<16xi32>
        %and3A_1257 = arith.andi %shift_right_arithmetic3A_1254, %and3A_1256 : vector<16xi32>
        %xor3A_1258 = arith.xori %bitcast_convert_type3A_1252, %and3A_1257 : vector<16xi32>
        %eq3A_1259 = vector.broadcast %select_n3A_266 : i32 to vector<16xi32>
        %eq3A_1260 = arith.cmpi eq, %xor3A_1258, %eq3A_1259 : vector<16xi32>
        %convert_element_type3A_1261 = arith.extui %eq3A_1260 : vector<16xi1> to vector<16xi32>
        %broadcast_in_dim3A_1262 = arith.constant true
        %broadcast_in_dim3A_1263 = vector.broadcast %broadcast_in_dim3A_1262 : i1 to vector<16xi1>
        %masked_cumsum3A_1264 = tpu.scan <sum>, %convert_element_type3A_1261 masked %broadcast_in_dim3A_1263 : vector<16xi32>, vector<16xi1> -> vector<16xi32>
        %add3A_1265 = vector.broadcast %scan3A_1247 : i32 to vector<16xi32>
        %add3A_1266 = arith.addi %add3A_1265, %masked_cumsum3A_1264 : vector<16xi32>
        %le3A = vector.broadcast %reduce_max3A_246 : i32 to vector<16xi32>
        %le3A_1267 = arith.cmpi sle, %add3A_1266, %le3A : vector<16xi32>
        %and3A_1268 = arith.andi %eq3A_1260, %le3A_1267 : vector<16xi1>
        %gt3A = vector.broadcast %select_n3A_266 : i32 to vector<16xi32>
        %gt3A_1269 = arith.cmpi sgt, %xor3A_1258, %gt3A : vector<16xi32>
        %or3A_1270 = arith.ori %gt3A_1269, %and3A_1268 : vector<16xi1>
        %jit3A_1271 = arith.constant 1.000000e+00 : f32
        %jit3A_1272 = arith.constant 0.000000e+00 : f32
        %broadcast_in_dim3A_1273 = vector.broadcast %jit3A_1271 : f32 to vector<16xf32>
        %broadcast_in_dim3A_1274 = vector.broadcast %jit3A_1272 : f32 to vector<16xf32>
        %select_n3A_1275 = arith.select %or3A_1270, %broadcast_in_dim3A_1273, %broadcast_in_dim3A_1274 : vector<16xi1>, vector<16xf32>
        %swap3A = arith.index_cast %mul3A_1249 : i32 to index
        %swap3A_1276 = tpu.vector_load %arg4[%swap3A] {strides = array<i32>} : memref<32768xf32, #tpu.memory_space<vmem>>, vector<16xf32>,
        tpu.vector_store %arg4[%swap3A], %select_n3A_1275 {strides = array<i32>} : memref<32768xf32, #tpu.memory_space<vmem>>, vector<16xf32>,
        %reduce_sum3A_1277 = arith.constant true
        %reduce_sum3A_1278 = vector.broadcast %reduce_sum3A_1277 : i1 to vector<16xi1>
        %reduce_sum3A_1279 = tpu.scan <sum>, %convert_element_type3A_1261 masked %reduce_sum3A_1278 : vector<16xi32>, vector<16xi1> -> vector<16xi32>
        %reduce_sum3A_1280 = vector.extract %reduce_sum3A_1279[15] : i32 from vector<16xi32>
        %add3A_1281 = arith.addi %scan3A_1247, %reduce_sum3A_1280 : i32
        scf.yield %add3A_1281 : i32
      }
      %scan3A_1245 = arith.constant 2048 : i32
    } else {
    }
    %add3A_289 = arith.constant 0 : i32
    %add3A_290 = arith.addi %mul3A_2, %add3A_289 : i32
    %dma_start3A_291 = arith.constant 0 : i32
    %dma_start3A_292 = tpu.memref_slice %arg3[%add3A_290, %dma_start3A_291] : memref<128x32768xf32, #tpu.memory_space<hbm>> -> memref<1x32768xf32, #tpu.memory_space<hbm>>
    %dma_start3A_293 = tpu.memref_squeeze %dma_start3A_292 : memref<1x32768xf32, #tpu.memory_space<hbm>> -> memref<32768xf32, #tpu.memory_space<hbm>>
    %dma_start3A_294 = arith.constant 0 : i32
    %dma_start3A_295 = tpu.memref_slice %arg3[%add3A_290, %dma_start3A_294] : memref<128x32768xf32, #tpu.memory_space<hbm>> -> memref<1x32768xf32, #tpu.memory_space<hbm>>
    %dma_start3A_296 = tpu.memref_squeeze %dma_start3A_295 : memref<1x32768xf32, #tpu.memory_space<hbm>> -> memref<32768xf32, #tpu.memory_space<hbm>>
    tpu.enqueue_dma source(%arg4 : memref<32768xf32, #tpu.memory_space<vmem>>) target(%dma_start3A_296 : memref<32768xf32, #tpu.memory_space<hbm>>) target_semaphore(%arg13 : memref<!tpu.dma_semaphore, #tpu.memory_space<semaphore_mem>>)
    %add3A_297 = arith.constant 2 : i32
    %add3A_298 = arith.addi %mul3A_2, %add3A_297 : i32
    %dma_start3A_299 = arith.constant 0 : i32
    %dma_start3A_300 = tpu.memref_slice %arg2[%add3A_298, %dma_start3A_299] : memref<128x32768xf32, #tpu.memory_space<hbm>> -> memref<1x32768xf32, #tpu.memory_space<hbm>>
    %dma_start3A_301 = tpu.memref_squeeze %dma_start3A_300 : memref<1x32768xf32, #tpu.memory_space<hbm>> -> memref<32768xf32, #tpu.memory_space<hbm>>
    %dma_start3A_302 = arith.constant 0 : i32
    %dma_start3A_303 = tpu.memref_slice %arg2[%add3A_298, %dma_start3A_302] : memref<128x32768xf32, #tpu.memory_space<hbm>> -> memref<1x32768xf32, #tpu.memory_space<hbm>>
    %dma_start3A_304 = tpu.memref_squeeze %dma_start3A_303 : memref<1x32768xf32, #tpu.memory_space<hbm>> -> memref<32768xf32, #tpu.memory_space<hbm>>
    tpu.enqueue_dma source(%dma_start3A_304 : memref<32768xf32, #tpu.memory_space<hbm>>) target(%arg6 : memref<32768xf32, #tpu.memory_space<vmem>>) target_semaphore(%arg12 : memref<!tpu.dma_semaphore, #tpu.memory_space<semaphore_mem>>)
    %dma_wait3A_305 = arith.constant 0 : i32
    %dma_wait3A_306 = tpu.memref_slice %arg2[%add3A_12, %dma_wait3A_305] : memref<128x32768xf32, #tpu.memory_space<hbm>> -> memref<1x32768xf32, #tpu.memory_space<hbm>>
    %dma_wait3A_307 = tpu.memref_squeeze %dma_wait3A_306 : memref<1x32768xf32, #tpu.memory_space<hbm>> -> memref<32768xf32, #tpu.memory_space<hbm>>
    %dma_wait3A_308 = arith.constant 0 : i32
    %dma_wait3A_309 = tpu.memref_slice %arg2[%add3A_12, %dma_wait3A_308] : memref<128x32768xf32, #tpu.memory_space<hbm>> -> memref<1x32768xf32, #tpu.memory_space<hbm>>
    %dma_wait3A_310 = tpu.memref_squeeze %dma_wait3A_309 : memref<1x32768xf32, #tpu.memory_space<hbm>> -> memref<32768xf32, #tpu.memory_space<hbm>>
    tpu.wait_dma2 semaphore(%arg11 : memref<!tpu.dma_semaphore, #tpu.memory_space<semaphore_mem>>) src(%dma_wait3A_310 : memref<32768xf32, #tpu.memory_space<hbm>>) dst(%arg5 : memref<32768xf32, #tpu.memory_space<vmem>>)
    %broadcast_in_dim3A_311 = arith.constant 0 : i32
    %broadcast_in_dim3A_312 = vector.broadcast %broadcast_in_dim3A_311 : i32 to vector<16xi32>
    %parallel_loop3A_313 = arith.constant 0 : i32
    %parallel_loop3A_314 = arith.constant 256 : i32
    %parallel_loop3A_315 = arith.constant 1 : i32
    scf.for %parallel_loop3A_1240 = %parallel_loop3A_313 to %parallel_loop3A_314 step %parallel_loop3A_315  : i32 {
      %parallel_loop3A_1241 = arith.constant 16 : i32
      %parallel_loop3A_1242 = arith.muli %parallel_loop3A_1240, %parallel_loop3A_1241 : i32
      %parallel_loop3A_1243 = arith.index_cast %parallel_loop3A_1242 : i32 to index
      %parallel_loop3A_1244 = tpu.vector_load %arg7[%parallel_loop3A_1243] {strides = array<i32>} : memref<4096xi32, #tpu.memory_space<vmem>>, vector<16xi32>,
      tpu.vector_store %arg7[%parallel_loop3A_1243], %broadcast_in_dim3A_312 {strides = array<i32>} : memref<4096xi32, #tpu.memory_space<vmem>>, vector<16xi32>,
    } {sc.loop_unroll_factor = 4 : i64, sc.parallel_access}
    %broadcast_in_dim3A_316 = arith.constant 0 : i32
    %broadcast_in_dim3A_317 = vector.broadcast %broadcast_in_dim3A_316 : i32 to vector<16xi32>
    %parallel_loop3A_318 = arith.constant 0 : i32
    %parallel_loop3A_319 = arith.constant 256 : i32
    %parallel_loop3A_320 = arith.constant 1 : i32
    scf.for %parallel_loop3A_1240 = %parallel_loop3A_318 to %parallel_loop3A_319 step %parallel_loop3A_320  : i32 {
      %parallel_loop3A_1241 = arith.constant 16 : i32
      %parallel_loop3A_1242 = arith.muli %parallel_loop3A_1240, %parallel_loop3A_1241 : i32
      %parallel_loop3A_1243 = arith.index_cast %parallel_loop3A_1242 : i32 to index
      %parallel_loop3A_1244 = tpu.vector_load %arg8[%parallel_loop3A_1243] {strides = array<i32>} : memref<4096xi32, #tpu.memory_space<vmem>>, vector<16xi32>,
      tpu.vector_store %arg8[%parallel_loop3A_1243], %broadcast_in_dim3A_317 {strides = array<i32>} : memref<4096xi32, #tpu.memory_space<vmem>>, vector<16xi32>,
    } {sc.loop_unroll_factor = 4 : i64, sc.parallel_access}
    %parallel_loop3A_321 = arith.constant 0 : i32
    %parallel_loop3A_322 = arith.constant 2048 : i32
    %parallel_loop3A_323 = arith.constant 1 : i32
    scf.for %parallel_loop3A_1240 = %parallel_loop3A_321 to %parallel_loop3A_322 step %parallel_loop3A_323  : i32 {
      %parallel_loop3A_1241 = arith.constant 16 : i32
      %parallel_loop3A_1242 = arith.muli %parallel_loop3A_1240, %parallel_loop3A_1241 : i32
      %parallel_loop3A_1243 = arith.index_cast %parallel_loop3A_1242 : i32 to index
      %parallel_loop3A_1244 = tpu.vector_load %arg5[%parallel_loop3A_1243] {strides = array<i32>} : memref<32768xf32, #tpu.memory_space<vmem>>, vector<16xf32>,
      %parallel_loop3A_1245 = tpu.bitcast %parallel_loop3A_1244 : vector<16xf32> -> vector<16xi32>
      %parallel_loop3A_1246 = arith.constant 31 : i32
      %parallel_loop3A_1247 = vector.broadcast %parallel_loop3A_1246 : i32 to vector<16xi32>
      %parallel_loop3A_1248 = arith.shrsi %parallel_loop3A_1245, %parallel_loop3A_1247 : vector<16xi32>
      %parallel_loop3A_1249 = arith.constant 2147483647 : i32
      %parallel_loop3A_1250 = vector.broadcast %parallel_loop3A_1249 : i32 to vector<16xi32>
      %parallel_loop3A_1251 = arith.andi %parallel_loop3A_1248, %parallel_loop3A_1250 : vector<16xi32>
      %parallel_loop3A_1252 = arith.xori %parallel_loop3A_1245, %parallel_loop3A_1251 : vector<16xi32>
      %parallel_loop3A_1253 = arith.constant 20 : i32
      %parallel_loop3A_1254 = vector.broadcast %parallel_loop3A_1253 : i32 to vector<16xi32>
      %parallel_loop3A_1255 = arith.shrsi %parallel_loop3A_1252, %parallel_loop3A_1254 : vector<16xi32>
      %parallel_loop3A_1256 = arith.constant 2048 : i32
      %parallel_loop3A_1257 = vector.broadcast %parallel_loop3A_1256 : i32 to vector<16xi32>
      %parallel_loop3A_1258 = arith.addi %parallel_loop3A_1255, %parallel_loop3A_1257 : vector<16xi32>
      tpu.vector_store_idx %arg7[%parallel_loop3A_1258], %broadcast_in_dim3A_3 {add = true} : memref<4096xi32, #tpu.memory_space<vmem>>[vector<16xi32>], vector<16xi32>,
    } {sc.loop_unroll_factor = 8 : i64, sc.parallel_access}
    %mul3A_324 = arith.constant 255 : i32
    %mul3A_325 = arith.constant 16 : i32
    %mul3A_326 = arith.muli %mul3A_324, %mul3A_325 : i32
    %get3A_327 = arith.index_cast %mul3A_326 : i32 to index
    %get3A_328 = tpu.vector_load %arg7[%get3A_327] {strides = array<i32>} : memref<4096xi32, #tpu.memory_space<vmem>>, vector<16xi32>,
    %reduce_sum3A_329 = arith.constant true
    %reduce_sum3A_330 = vector.broadcast %reduce_sum3A_329 : i1 to vector<16xi1>
    %reduce_sum3A_331 = tpu.scan <sum>, %get3A_328 masked %reduce_sum3A_330 : vector<16xi32>, vector<16xi1> -> vector<16xi32>
    %reduce_sum3A_332 = vector.extract %reduce_sum3A_331[15] : i32 from vector<16xi32>
    %while3A_333 = arith.constant 1639 : i32
    %while3A_334 = arith.constant 0 : i32
    %while3A_335 = arith.constant 255 : i32
    %while3A_336:3 = scf.while (%while3A_1240 = %while3A_334, %while3A_1241 = %while3A_335, %while3A_1242 = %reduce_sum3A_332) : (i32, i32, i32) -> (i32, i32, i32) {
      %add3A_1243 = arith.addi %while3A_1240, %while3A_1242 : i32
      %lt3A_1244 = arith.cmpi slt, %add3A_1243, %while3A_333 : i32
      %gt3A = arith.constant 0 : i32
      %gt3A_1245 = arith.cmpi sgt, %while3A_1241, %gt3A : i32
      %and3A_1246 = arith.andi %lt3A_1244, %gt3A_1245 : i1
      scf.condition(%and3A_1246) %while3A_1240, %while3A_1241, %while3A_1242 : i32, i32, i32
    } do {
    ^bb0(%while3A_1240: i32, %while3A_1241: i32, %while3A_1242: i32):
      %sub3A_1243 = arith.constant 1 : i32
      %sub3A_1244 = arith.subi %while3A_1241, %sub3A_1243 : i32
      %add3A_1245 = arith.addi %while3A_1240, %while3A_1242 : i32
      %mul3A_1246 = arith.constant 16 : i32
      %mul3A_1247 = arith.muli %sub3A_1244, %mul3A_1246 : i32
      %get3A_1248 = arith.index_cast %mul3A_1247 : i32 to index
      %get3A_1249 = tpu.vector_load %arg7[%get3A_1248] {strides = array<i32>} : memref<4096xi32, #tpu.memory_space<vmem>>, vector<16xi32>,
      %reduce_sum3A_1250 = arith.constant true
      %reduce_sum3A_1251 = vector.broadcast %reduce_sum3A_1250 : i1 to vector<16xi1>
      %reduce_sum3A_1252 = tpu.scan <sum>, %get3A_1249 masked %reduce_sum3A_1251 : vector<16xi32>, vector<16xi1> -> vector<16xi32>
      %reduce_sum3A_1253 = vector.extract %reduce_sum3A_1252[15] : i32 from vector<16xi32>
      scf.yield %add3A_1245, %sub3A_1244, %reduce_sum3A_1253 : i32, i32, i32
    }
    %mul3A_337 = arith.constant 16 : i32
    %mul3A_338 = arith.muli %while3A_336#1, %mul3A_337 : i32
    %get3A_339 = arith.index_cast %mul3A_338 : i32 to index
    %get3A_340 = tpu.vector_load %arg7[%get3A_339] {strides = array<i32>} : memref<4096xi32, #tpu.memory_space<vmem>>, vector<16xi32>,
    %sub3A_341 = arith.constant 1639 : i32
    %sub3A_342 = arith.subi %sub3A_341, %while3A_336#0 : i32
    %iota3A_343 = tpu.iota {dimensions = array<i32: 0>} : vector<16xi32>
    %broadcast_in_dim3A_344 = arith.constant true
    %broadcast_in_dim3A_345 = vector.broadcast %broadcast_in_dim3A_344 : i1 to vector<16xi1>
    %masked_cumsum3A_346 = tpu.scan <sum>, %get3A_340 masked %broadcast_in_dim3A_345 : vector<16xi32>, vector<16xi1> -> vector<16xi32>
    %reduce_max3A_347 = arith.constant true
    %reduce_max3A_348 = vector.broadcast %reduce_max3A_347 : i1 to vector<16xi1>
    %reduce_max3A_349 = arith.constant -2147483648 : i32
    %reduce_max3A_350 = vector.broadcast %reduce_max3A_349 : i32 to vector<16xi32>
    %reduce_max3A_351 = arith.xori %masked_cumsum3A_346, %reduce_max3A_350 : vector<16xi32>
    %reduce_max3A_352 = tpu.scan <max>, %reduce_max3A_351 masked %reduce_max3A_348 : vector<16xi32>, vector<16xi1> -> vector<16xi32>
    %reduce_max3A_353 = arith.xori %reduce_max3A_352, %reduce_max3A_350 : vector<16xi32>
    %reduce_max3A_354 = vector.extract %reduce_max3A_353[15] : i32 from vector<16xi32>
    %sub3A_355 = vector.broadcast %reduce_max3A_354 : i32 to vector<16xi32>
    %sub3A_356 = arith.subi %sub3A_355, %masked_cumsum3A_346 : vector<16xi32>
    %lt3A_357 = vector.broadcast %sub3A_342 : i32 to vector<16xi32>
    %lt3A_358 = arith.cmpi slt, %sub3A_356, %lt3A_357 : vector<16xi32>
    %add3A_359 = arith.addi %sub3A_356, %get3A_340 : vector<16xi32>
    %ge3A_360 = vector.broadcast %sub3A_342 : i32 to vector<16xi32>
    %ge3A_361 = arith.cmpi sge, %add3A_359, %ge3A_360 : vector<16xi32>
    %and3A_362 = arith.andi %lt3A_358, %ge3A_361 : vector<16xi1>
    %jit3A_363 = arith.constant -1 : i32
    %broadcast_in_dim3A_364 = vector.broadcast %jit3A_363 : i32 to vector<16xi32>
    %select_n3A_365 = arith.select %and3A_362, %iota3A_343, %broadcast_in_dim3A_364 : vector<16xi1>, vector<16xi32>
    %reduce_max3A_366 = arith.constant true
    %reduce_max3A_367 = vector.broadcast %reduce_max3A_366 : i1 to vector<16xi1>
    %reduce_max3A_368 = arith.constant -2147483648 : i32
    %reduce_max3A_369 = vector.broadcast %reduce_max3A_368 : i32 to vector<16xi32>
    %reduce_max3A_370 = arith.xori %select_n3A_365, %reduce_max3A_369 : vector<16xi32>
    %reduce_max3A_371 = tpu.scan <max>, %reduce_max3A_370 masked %reduce_max3A_367 : vector<16xi32>, vector<16xi1> -> vector<16xi32>
    %reduce_max3A_372 = arith.xori %reduce_max3A_371, %reduce_max3A_369 : vector<16xi32>
    %reduce_max3A_373 = vector.extract %reduce_max3A_372[15] : i32 from vector<16xi32>
    %sub3A_374 = vector.broadcast %sub3A_342 : i32 to vector<16xi32>
    %sub3A_375 = arith.subi %sub3A_374, %sub3A_356 : vector<16xi32>
    %jit3A_376 = arith.constant -1 : i32
    %broadcast_in_dim3A_377 = vector.broadcast %jit3A_376 : i32 to vector<16xi32>
    %select_n3A_378 = arith.select %and3A_362, %sub3A_375, %broadcast_in_dim3A_377 : vector<16xi1>, vector<16xi32>
    %reduce_max3A_379 = arith.constant true
    %reduce_max3A_380 = vector.broadcast %reduce_max3A_379 : i1 to vector<16xi1>
    %reduce_max3A_381 = arith.constant -2147483648 : i32
    %reduce_max3A_382 = vector.broadcast %reduce_max3A_381 : i32 to vector<16xi32>
    %reduce_max3A_383 = arith.xori %select_n3A_378, %reduce_max3A_382 : vector<16xi32>
    %reduce_max3A_384 = tpu.scan <max>, %reduce_max3A_383 masked %reduce_max3A_380 : vector<16xi32>, vector<16xi1> -> vector<16xi32>
    %reduce_max3A_385 = arith.xori %reduce_max3A_384, %reduce_max3A_382 : vector<16xi32>
    %reduce_max3A_386 = vector.extract %reduce_max3A_385[15] : i32 from vector<16xi32>
    %jit3A_387 = arith.constant -1 : i32
    %broadcast_in_dim3A_388 = vector.broadcast %jit3A_387 : i32 to vector<16xi32>
    %select_n3A_389 = arith.select %and3A_362, %get3A_340, %broadcast_in_dim3A_388 : vector<16xi1>, vector<16xi32>
    %reduce_max3A_390 = arith.constant true
    %reduce_max3A_391 = vector.broadcast %reduce_max3A_390 : i1 to vector<16xi1>
    %reduce_max3A_392 = arith.constant -2147483648 : i32
    %reduce_max3A_393 = vector.broadcast %reduce_max3A_392 : i32 to vector<16xi32>
    %reduce_max3A_394 = arith.xori %select_n3A_389, %reduce_max3A_393 : vector<16xi32>
    %reduce_max3A_395 = tpu.scan <max>, %reduce_max3A_394 masked %reduce_max3A_391 : vector<16xi32>, vector<16xi1> -> vector<16xi32>
    %reduce_max3A_396 = arith.xori %reduce_max3A_395, %reduce_max3A_393 : vector<16xi32>
    %reduce_max3A_397 = vector.extract %reduce_max3A_396[15] : i32 from vector<16xi32>
    %mul3A_398 = arith.constant 16 : i32
    %mul3A_399 = arith.muli %while3A_336#1, %mul3A_398 : i32
    %add3A_400 = arith.addi %mul3A_399, %reduce_max3A_373 : i32
    %sub3A_401 = arith.constant 2048 : i32
    %sub3A_402 = arith.subi %add3A_400, %sub3A_401 : i32
    %shift_left3A_403 = arith.constant 20 : i32
    %shift_left3A_404 = arith.shli %sub3A_402, %shift_left3A_403 : i32
    %parallel_loop3A_405 = arith.constant 0 : i32
    %parallel_loop3A_406 = arith.constant 2048 : i32
    %parallel_loop3A_407 = arith.constant 1 : i32
    scf.for %parallel_loop3A_1240 = %parallel_loop3A_405 to %parallel_loop3A_406 step %parallel_loop3A_407  : i32 {
      %parallel_loop3A_1241 = arith.constant 16 : i32
      %parallel_loop3A_1242 = arith.muli %parallel_loop3A_1240, %parallel_loop3A_1241 : i32
      %parallel_loop3A_1243 = arith.index_cast %parallel_loop3A_1242 : i32 to index
      %parallel_loop3A_1244 = tpu.vector_load %arg5[%parallel_loop3A_1243] {strides = array<i32>} : memref<32768xf32, #tpu.memory_space<vmem>>, vector<16xf32>,
      %parallel_loop3A_1245 = tpu.bitcast %parallel_loop3A_1244 : vector<16xf32> -> vector<16xi32>
      %parallel_loop3A_1246 = arith.constant 31 : i32
      %parallel_loop3A_1247 = vector.broadcast %parallel_loop3A_1246 : i32 to vector<16xi32>
      %parallel_loop3A_1248 = arith.shrsi %parallel_loop3A_1245, %parallel_loop3A_1247 : vector<16xi32>
      %parallel_loop3A_1249 = arith.constant 2147483647 : i32
      %parallel_loop3A_1250 = vector.broadcast %parallel_loop3A_1249 : i32 to vector<16xi32>
      %parallel_loop3A_1251 = arith.andi %parallel_loop3A_1248, %parallel_loop3A_1250 : vector<16xi32>
      %parallel_loop3A_1252 = arith.xori %parallel_loop3A_1245, %parallel_loop3A_1251 : vector<16xi32>
      %parallel_loop3A_1253 = vector.broadcast %shift_left3A_404 : i32 to vector<16xi32>
      %parallel_loop3A_1254 = arith.subi %parallel_loop3A_1252, %parallel_loop3A_1253 : vector<16xi32>
      %parallel_loop3A_1255 = tpu.bitcast %parallel_loop3A_1254 : vector<16xi32> -> vector<16xi32>
      %parallel_loop3A_1256 = arith.constant 1048576 : i32
      %parallel_loop3A_1257 = vector.broadcast %parallel_loop3A_1256 : i32 to vector<16xi32>
      %parallel_loop3A_1258 = arith.cmpi ult, %parallel_loop3A_1255, %parallel_loop3A_1257 : vector<16xi32>
      %parallel_loop3A_1259 = arith.constant 8 : i32
      %parallel_loop3A_1260 = vector.broadcast %parallel_loop3A_1259 : i32 to vector<16xi32>
      %parallel_loop3A_1261 = arith.shrui %parallel_loop3A_1255, %parallel_loop3A_1260 : vector<16xi32>
      %parallel_loop3A_1262 = tpu.bitcast %parallel_loop3A_1261 : vector<16xi32> -> vector<16xi32>
      %parallel_loop3A_1263 = arith.constant 4095 : i32
      %parallel_loop3A_1264 = vector.broadcast %parallel_loop3A_1263 : i32 to vector<16xi32>
      %parallel_loop3A_1265 = arith.andi %parallel_loop3A_1262, %parallel_loop3A_1264 : vector<16xi32>
      tpu.vector_store_idx %arg8[%parallel_loop3A_1265], %broadcast_in_dim3A_3 masked %parallel_loop3A_1258 {add = true} : memref<4096xi32, #tpu.memory_space<vmem>>[vector<16xi32>], vector<16xi32>, vector<16xi1>
    } {sc.loop_unroll_factor = 8 : i64, sc.parallel_access}
    %mul3A_408 = arith.constant 255 : i32
    %mul3A_409 = arith.constant 16 : i32
    %mul3A_410 = arith.muli %mul3A_408, %mul3A_409 : i32
    %get3A_411 = arith.index_cast %mul3A_410 : i32 to index
    %get3A_412 = tpu.vector_load %arg8[%get3A_411] {strides = array<i32>} : memref<4096xi32, #tpu.memory_space<vmem>>, vector<16xi32>,
    %reduce_sum3A_413 = arith.constant true
    %reduce_sum3A_414 = vector.broadcast %reduce_sum3A_413 : i1 to vector<16xi1>
    %reduce_sum3A_415 = tpu.scan <sum>, %get3A_412 masked %reduce_sum3A_414 : vector<16xi32>, vector<16xi1> -> vector<16xi32>
    %reduce_sum3A_416 = vector.extract %reduce_sum3A_415[15] : i32 from vector<16xi32>
    %while3A_417 = arith.constant 0 : i32
    %while3A_418 = arith.constant 255 : i32
    %while3A_419:3 = scf.while (%while3A_1240 = %while3A_417, %while3A_1241 = %while3A_418, %while3A_1242 = %reduce_sum3A_416) : (i32, i32, i32) -> (i32, i32, i32) {
      %add3A_1243 = arith.addi %while3A_1240, %while3A_1242 : i32
      %lt3A_1244 = arith.cmpi slt, %add3A_1243, %reduce_max3A_386 : i32
      %gt3A = arith.constant 0 : i32
      %gt3A_1245 = arith.cmpi sgt, %while3A_1241, %gt3A : i32
      %and3A_1246 = arith.andi %lt3A_1244, %gt3A_1245 : i1
      scf.condition(%and3A_1246) %while3A_1240, %while3A_1241, %while3A_1242 : i32, i32, i32
    } do {
    ^bb0(%while3A_1240: i32, %while3A_1241: i32, %while3A_1242: i32):
      %sub3A_1243 = arith.constant 1 : i32
      %sub3A_1244 = arith.subi %while3A_1241, %sub3A_1243 : i32
      %add3A_1245 = arith.addi %while3A_1240, %while3A_1242 : i32
      %mul3A_1246 = arith.constant 16 : i32
      %mul3A_1247 = arith.muli %sub3A_1244, %mul3A_1246 : i32
      %get3A_1248 = arith.index_cast %mul3A_1247 : i32 to index
      %get3A_1249 = tpu.vector_load %arg8[%get3A_1248] {strides = array<i32>} : memref<4096xi32, #tpu.memory_space<vmem>>, vector<16xi32>,
      %reduce_sum3A_1250 = arith.constant true
      %reduce_sum3A_1251 = vector.broadcast %reduce_sum3A_1250 : i1 to vector<16xi1>
      %reduce_sum3A_1252 = tpu.scan <sum>, %get3A_1249 masked %reduce_sum3A_1251 : vector<16xi32>, vector<16xi1> -> vector<16xi32>
      %reduce_sum3A_1253 = vector.extract %reduce_sum3A_1252[15] : i32 from vector<16xi32>
      scf.yield %add3A_1245, %sub3A_1244, %reduce_sum3A_1253 : i32, i32, i32
    }
    %mul3A_420 = arith.constant 16 : i32
    %mul3A_421 = arith.muli %while3A_419#1, %mul3A_420 : i32
    %get3A_422 = arith.index_cast %mul3A_421 : i32 to index
    %get3A_423 = tpu.vector_load %arg8[%get3A_422] {strides = array<i32>} : memref<4096xi32, #tpu.memory_space<vmem>>, vector<16xi32>,
    %sub3A_424 = arith.subi %reduce_max3A_386, %while3A_419#0 : i32
    %iota3A_425 = tpu.iota {dimensions = array<i32: 0>} : vector<16xi32>
    %broadcast_in_dim3A_426 = arith.constant true
    %broadcast_in_dim3A_427 = vector.broadcast %broadcast_in_dim3A_426 : i1 to vector<16xi1>
    %masked_cumsum3A_428 = tpu.scan <sum>, %get3A_423 masked %broadcast_in_dim3A_427 : vector<16xi32>, vector<16xi1> -> vector<16xi32>
    %reduce_max3A_429 = arith.constant true
    %reduce_max3A_430 = vector.broadcast %reduce_max3A_429 : i1 to vector<16xi1>
    %reduce_max3A_431 = arith.constant -2147483648 : i32
    %reduce_max3A_432 = vector.broadcast %reduce_max3A_431 : i32 to vector<16xi32>
    %reduce_max3A_433 = arith.xori %masked_cumsum3A_428, %reduce_max3A_432 : vector<16xi32>
    %reduce_max3A_434 = tpu.scan <max>, %reduce_max3A_433 masked %reduce_max3A_430 : vector<16xi32>, vector<16xi1> -> vector<16xi32>
    %reduce_max3A_435 = arith.xori %reduce_max3A_434, %reduce_max3A_432 : vector<16xi32>
    %reduce_max3A_436 = vector.extract %reduce_max3A_435[15] : i32 from vector<16xi32>
    %sub3A_437 = vector.broadcast %reduce_max3A_436 : i32 to vector<16xi32>
    %sub3A_438 = arith.subi %sub3A_437, %masked_cumsum3A_428 : vector<16xi32>
    %lt3A_439 = vector.broadcast %sub3A_424 : i32 to vector<16xi32>
    %lt3A_440 = arith.cmpi slt, %sub3A_438, %lt3A_439 : vector<16xi32>
    %add3A_441 = arith.addi %sub3A_438, %get3A_423 : vector<16xi32>
    %ge3A_442 = vector.broadcast %sub3A_424 : i32 to vector<16xi32>
    %ge3A_443 = arith.cmpi sge, %add3A_441, %ge3A_442 : vector<16xi32>
    %and3A_444 = arith.andi %lt3A_440, %ge3A_443 : vector<16xi1>
    %jit3A_445 = arith.constant -1 : i32
    %broadcast_in_dim3A_446 = vector.broadcast %jit3A_445 : i32 to vector<16xi32>
    %select_n3A_447 = arith.select %and3A_444, %iota3A_425, %broadcast_in_dim3A_446 : vector<16xi1>, vector<16xi32>
    %reduce_max3A_448 = arith.constant true
    %reduce_max3A_449 = vector.broadcast %reduce_max3A_448 : i1 to vector<16xi1>
    %reduce_max3A_450 = arith.constant -2147483648 : i32
    %reduce_max3A_451 = vector.broadcast %reduce_max3A_450 : i32 to vector<16xi32>
    %reduce_max3A_452 = arith.xori %select_n3A_447, %reduce_max3A_451 : vector<16xi32>
    %reduce_max3A_453 = tpu.scan <max>, %reduce_max3A_452 masked %reduce_max3A_449 : vector<16xi32>, vector<16xi1> -> vector<16xi32>
    %reduce_max3A_454 = arith.xori %reduce_max3A_453, %reduce_max3A_451 : vector<16xi32>
    %reduce_max3A_455 = vector.extract %reduce_max3A_454[15] : i32 from vector<16xi32>
    %sub3A_456 = vector.broadcast %sub3A_424 : i32 to vector<16xi32>
    %sub3A_457 = arith.subi %sub3A_456, %sub3A_438 : vector<16xi32>
    %jit3A_458 = arith.constant -1 : i32
    %broadcast_in_dim3A_459 = vector.broadcast %jit3A_458 : i32 to vector<16xi32>
    %select_n3A_460 = arith.select %and3A_444, %sub3A_457, %broadcast_in_dim3A_459 : vector<16xi1>, vector<16xi32>
    %reduce_max3A_461 = arith.constant true
    %reduce_max3A_462 = vector.broadcast %reduce_max3A_461 : i1 to vector<16xi1>
    %reduce_max3A_463 = arith.constant -2147483648 : i32
    %reduce_max3A_464 = vector.broadcast %reduce_max3A_463 : i32 to vector<16xi32>
    %reduce_max3A_465 = arith.xori %select_n3A_460, %reduce_max3A_464 : vector<16xi32>
    %reduce_max3A_466 = tpu.scan <max>, %reduce_max3A_465 masked %reduce_max3A_462 : vector<16xi32>, vector<16xi1> -> vector<16xi32>
    %reduce_max3A_467 = arith.xori %reduce_max3A_466, %reduce_max3A_464 : vector<16xi32>
    %reduce_max3A_468 = vector.extract %reduce_max3A_467[15] : i32 from vector<16xi32>
    %jit3A_469 = arith.constant -1 : i32
    %broadcast_in_dim3A_470 = vector.broadcast %jit3A_469 : i32 to vector<16xi32>
    %select_n3A_471 = arith.select %and3A_444, %get3A_423, %broadcast_in_dim3A_470 : vector<16xi1>, vector<16xi32>
    %reduce_max3A_472 = arith.constant true
    %reduce_max3A_473 = vector.broadcast %reduce_max3A_472 : i1 to vector<16xi1>
    %reduce_max3A_474 = arith.constant -2147483648 : i32
    %reduce_max3A_475 = vector.broadcast %reduce_max3A_474 : i32 to vector<16xi32>
    %reduce_max3A_476 = arith.xori %select_n3A_471, %reduce_max3A_475 : vector<16xi32>
    %reduce_max3A_477 = tpu.scan <max>, %reduce_max3A_476 masked %reduce_max3A_473 : vector<16xi32>, vector<16xi1> -> vector<16xi32>
    %reduce_max3A_478 = arith.xori %reduce_max3A_477, %reduce_max3A_475 : vector<16xi32>
    %reduce_max3A_479 = vector.extract %reduce_max3A_478[15] : i32 from vector<16xi32>
    %mul3A_480 = arith.constant 16 : i32
    %mul3A_481 = arith.muli %while3A_419#1, %mul3A_480 : i32
    %add3A_482 = arith.addi %mul3A_481, %reduce_max3A_455 : i32
    %shift_left3A_483 = arith.constant 12 : i32
    %shift_left3A_484 = arith.shli %sub3A_402, %shift_left3A_483 : i32
    %or3A_485 = arith.ori %shift_left3A_484, %add3A_482 : i32
    %lt3A_486 = arith.cmpi slt, %reduce_max3A_468, %reduce_max3A_479 : i32
    %convert_element_type3A_487 = arith.extui %lt3A_486 : i1 to i32
    %cond3A_488 = arith.constant 0 : i32
    %cond3A_489 = arith.cmpi ne, %convert_element_type3A_487, %cond3A_488 : i32
    scf.if %cond3A_489 {
      %broadcast_in_dim3A_1240 = arith.constant 0 : i32
      %broadcast_in_dim3A_1241 = vector.broadcast %broadcast_in_dim3A_1240 : i32 to vector<16xi32>
      %parallel_loop3A_1242 = arith.constant 0 : i32
      %parallel_loop3A_1243 = arith.constant 16 : i32
      %parallel_loop3A_1244 = arith.constant 1 : i32
      scf.for %parallel_loop3A_1248 = %parallel_loop3A_1242 to %parallel_loop3A_1243 step %parallel_loop3A_1244  : i32 {
        %parallel_loop3A_1249 = arith.constant 16 : i32
        %parallel_loop3A_1250 = arith.muli %parallel_loop3A_1248, %parallel_loop3A_1249 : i32
        %parallel_loop3A_1251 = arith.index_cast %parallel_loop3A_1250 : i32 to index
        %parallel_loop3A_1252 = tpu.vector_load %arg9[%parallel_loop3A_1251] {strides = array<i32>} : memref<256xi32, #tpu.memory_space<vmem>>, vector<16xi32>,
        tpu.vector_store %arg9[%parallel_loop3A_1251], %broadcast_in_dim3A_1241 {strides = array<i32>} : memref<256xi32, #tpu.memory_space<vmem>>, vector<16xi32>,
      } {sc.loop_unroll_factor = 4 : i64, sc.parallel_access}
      %parallel_loop3A_1245 = arith.constant 0 : i32
      %parallel_loop3A_1246 = arith.constant 2048 : i32
      %parallel_loop3A_1247 = arith.constant 1 : i32
      scf.for %parallel_loop3A_1248 = %parallel_loop3A_1245 to %parallel_loop3A_1246 step %parallel_loop3A_1247  : i32 {
        %parallel_loop3A_1249 = arith.constant 16 : i32
        %parallel_loop3A_1250 = arith.muli %parallel_loop3A_1248, %parallel_loop3A_1249 : i32
        %parallel_loop3A_1251 = arith.index_cast %parallel_loop3A_1250 : i32 to index
        %parallel_loop3A_1252 = tpu.vector_load %arg5[%parallel_loop3A_1251] {strides = array<i32>} : memref<32768xf32, #tpu.memory_space<vmem>>, vector<16xf32>,
        %parallel_loop3A_1253 = tpu.bitcast %parallel_loop3A_1252 : vector<16xf32> -> vector<16xi32>
        %parallel_loop3A_1254 = arith.constant 31 : i32
        %parallel_loop3A_1255 = vector.broadcast %parallel_loop3A_1254 : i32 to vector<16xi32>
        %parallel_loop3A_1256 = arith.shrsi %parallel_loop3A_1253, %parallel_loop3A_1255 : vector<16xi32>
        %parallel_loop3A_1257 = arith.constant 2147483647 : i32
        %parallel_loop3A_1258 = vector.broadcast %parallel_loop3A_1257 : i32 to vector<16xi32>
        %parallel_loop3A_1259 = arith.andi %parallel_loop3A_1256, %parallel_loop3A_1258 : vector<16xi32>
        %parallel_loop3A_1260 = arith.xori %parallel_loop3A_1253, %parallel_loop3A_1259 : vector<16xi32>
        %parallel_loop3A_1261 = arith.constant 8 : i32
        %parallel_loop3A_1262 = vector.broadcast %parallel_loop3A_1261 : i32 to vector<16xi32>
        %parallel_loop3A_1263 = arith.shrsi %parallel_loop3A_1260, %parallel_loop3A_1262 : vector<16xi32>
        %parallel_loop3A_1264 = vector.broadcast %or3A_485 : i32 to vector<16xi32>
        %parallel_loop3A_1265 = arith.cmpi eq, %parallel_loop3A_1263, %parallel_loop3A_1264 : vector<16xi32>
        %parallel_loop3A_1266 = arith.constant 255 : i32
        %parallel_loop3A_1267 = vector.broadcast %parallel_loop3A_1266 : i32 to vector<16xi32>
        %parallel_loop3A_1268 = arith.andi %parallel_loop3A_1260, %parallel_loop3A_1267 : vector<16xi32>
        tpu.vector_store_idx %arg9[%parallel_loop3A_1268], %broadcast_in_dim3A_3 masked %parallel_loop3A_1265 {add = true} : memref<256xi32, #tpu.memory_space<vmem>>[vector<16xi32>], vector<16xi32>, vector<16xi1>
      } {sc.loop_unroll_factor = 8 : i64, sc.parallel_access}
    } else {
    }
    %mul3A_490 = arith.constant 15 : i32
    %mul3A_491 = arith.constant 16 : i32
    %mul3A_492 = arith.muli %mul3A_490, %mul3A_491 : i32
    %get3A_493 = arith.index_cast %mul3A_492 : i32 to index
    %get3A_494 = tpu.vector_load %arg9[%get3A_493] {strides = array<i32>} : memref<256xi32, #tpu.memory_space<vmem>>, vector<16xi32>,
    %reduce_sum3A_495 = arith.constant true
    %reduce_sum3A_496 = vector.broadcast %reduce_sum3A_495 : i1 to vector<16xi1>
    %reduce_sum3A_497 = tpu.scan <sum>, %get3A_494 masked %reduce_sum3A_496 : vector<16xi32>, vector<16xi1> -> vector<16xi32>
    %reduce_sum3A_498 = vector.extract %reduce_sum3A_497[15] : i32 from vector<16xi32>
    %while3A_499 = arith.constant 0 : i32
    %while3A_500 = arith.constant 15 : i32
    %while3A_501:3 = scf.while (%while3A_1240 = %while3A_499, %while3A_1241 = %while3A_500, %while3A_1242 = %reduce_sum3A_498) : (i32, i32, i32) -> (i32, i32, i32) {
      %add3A_1243 = arith.addi %while3A_1240, %while3A_1242 : i32
      %lt3A_1244 = arith.cmpi slt, %add3A_1243, %reduce_max3A_468 : i32
      %gt3A = arith.constant 0 : i32
      %gt3A_1245 = arith.cmpi sgt, %while3A_1241, %gt3A : i32
      %and3A_1246 = arith.andi %lt3A_1244, %gt3A_1245 : i1
      scf.condition(%and3A_1246) %while3A_1240, %while3A_1241, %while3A_1242 : i32, i32, i32
    } do {
    ^bb0(%while3A_1240: i32, %while3A_1241: i32, %while3A_1242: i32):
      %sub3A_1243 = arith.constant 1 : i32
      %sub3A_1244 = arith.subi %while3A_1241, %sub3A_1243 : i32
      %add3A_1245 = arith.addi %while3A_1240, %while3A_1242 : i32
      %mul3A_1246 = arith.constant 16 : i32
      %mul3A_1247 = arith.muli %sub3A_1244, %mul3A_1246 : i32
      %get3A_1248 = arith.index_cast %mul3A_1247 : i32 to index
      %get3A_1249 = tpu.vector_load %arg9[%get3A_1248] {strides = array<i32>} : memref<256xi32, #tpu.memory_space<vmem>>, vector<16xi32>,
      %reduce_sum3A_1250 = arith.constant true
      %reduce_sum3A_1251 = vector.broadcast %reduce_sum3A_1250 : i1 to vector<16xi1>
      %reduce_sum3A_1252 = tpu.scan <sum>, %get3A_1249 masked %reduce_sum3A_1251 : vector<16xi32>, vector<16xi1> -> vector<16xi32>
      %reduce_sum3A_1253 = vector.extract %reduce_sum3A_1252[15] : i32 from vector<16xi32>
      scf.yield %add3A_1245, %sub3A_1244, %reduce_sum3A_1253 : i32, i32, i32
    }
    %mul3A_502 = arith.constant 16 : i32
    %mul3A_503 = arith.muli %while3A_501#1, %mul3A_502 : i32
    %get3A_504 = arith.index_cast %mul3A_503 : i32 to index
    %get3A_505 = tpu.vector_load %arg9[%get3A_504] {strides = array<i32>} : memref<256xi32, #tpu.memory_space<vmem>>, vector<16xi32>,
    %sub3A_506 = arith.subi %reduce_max3A_468, %while3A_501#0 : i32
    %iota3A_507 = tpu.iota {dimensions = array<i32: 0>} : vector<16xi32>
    %broadcast_in_dim3A_508 = arith.constant true
    %broadcast_in_dim3A_509 = vector.broadcast %broadcast_in_dim3A_508 : i1 to vector<16xi1>
    %masked_cumsum3A_510 = tpu.scan <sum>, %get3A_505 masked %broadcast_in_dim3A_509 : vector<16xi32>, vector<16xi1> -> vector<16xi32>
    %reduce_max3A_511 = arith.constant true
    %reduce_max3A_512 = vector.broadcast %reduce_max3A_511 : i1 to vector<16xi1>
    %reduce_max3A_513 = arith.constant -2147483648 : i32
    %reduce_max3A_514 = vector.broadcast %reduce_max3A_513 : i32 to vector<16xi32>
    %reduce_max3A_515 = arith.xori %masked_cumsum3A_510, %reduce_max3A_514 : vector<16xi32>
    %reduce_max3A_516 = tpu.scan <max>, %reduce_max3A_515 masked %reduce_max3A_512 : vector<16xi32>, vector<16xi1> -> vector<16xi32>
    %reduce_max3A_517 = arith.xori %reduce_max3A_516, %reduce_max3A_514 : vector<16xi32>
    %reduce_max3A_518 = vector.extract %reduce_max3A_517[15] : i32 from vector<16xi32>
    %sub3A_519 = vector.broadcast %reduce_max3A_518 : i32 to vector<16xi32>
    %sub3A_520 = arith.subi %sub3A_519, %masked_cumsum3A_510 : vector<16xi32>
    %lt3A_521 = vector.broadcast %sub3A_506 : i32 to vector<16xi32>
    %lt3A_522 = arith.cmpi slt, %sub3A_520, %lt3A_521 : vector<16xi32>
    %add3A_523 = arith.addi %sub3A_520, %get3A_505 : vector<16xi32>
    %ge3A_524 = vector.broadcast %sub3A_506 : i32 to vector<16xi32>
    %ge3A_525 = arith.cmpi sge, %add3A_523, %ge3A_524 : vector<16xi32>
    %and3A_526 = arith.andi %lt3A_522, %ge3A_525 : vector<16xi1>
    %jit3A_527 = arith.constant -1 : i32
    %broadcast_in_dim3A_528 = vector.broadcast %jit3A_527 : i32 to vector<16xi32>
    %select_n3A_529 = arith.select %and3A_526, %iota3A_507, %broadcast_in_dim3A_528 : vector<16xi1>, vector<16xi32>
    %reduce_max3A_530 = arith.constant true
    %reduce_max3A_531 = vector.broadcast %reduce_max3A_530 : i1 to vector<16xi1>
    %reduce_max3A_532 = arith.constant -2147483648 : i32
    %reduce_max3A_533 = vector.broadcast %reduce_max3A_532 : i32 to vector<16xi32>
    %reduce_max3A_534 = arith.xori %select_n3A_529, %reduce_max3A_533 : vector<16xi32>
    %reduce_max3A_535 = tpu.scan <max>, %reduce_max3A_534 masked %reduce_max3A_531 : vector<16xi32>, vector<16xi1> -> vector<16xi32>
    %reduce_max3A_536 = arith.xori %reduce_max3A_535, %reduce_max3A_533 : vector<16xi32>
    %reduce_max3A_537 = vector.extract %reduce_max3A_536[15] : i32 from vector<16xi32>
    %sub3A_538 = vector.broadcast %sub3A_506 : i32 to vector<16xi32>
    %sub3A_539 = arith.subi %sub3A_538, %sub3A_520 : vector<16xi32>
    %jit3A_540 = arith.constant -1 : i32
    %broadcast_in_dim3A_541 = vector.broadcast %jit3A_540 : i32 to vector<16xi32>
    %select_n3A_542 = arith.select %and3A_526, %sub3A_539, %broadcast_in_dim3A_541 : vector<16xi1>, vector<16xi32>
    %reduce_max3A_543 = arith.constant true
    %reduce_max3A_544 = vector.broadcast %reduce_max3A_543 : i1 to vector<16xi1>
    %reduce_max3A_545 = arith.constant -2147483648 : i32
    %reduce_max3A_546 = vector.broadcast %reduce_max3A_545 : i32 to vector<16xi32>
    %reduce_max3A_547 = arith.xori %select_n3A_542, %reduce_max3A_546 : vector<16xi32>
    %reduce_max3A_548 = tpu.scan <max>, %reduce_max3A_547 masked %reduce_max3A_544 : vector<16xi32>, vector<16xi1> -> vector<16xi32>
    %reduce_max3A_549 = arith.xori %reduce_max3A_548, %reduce_max3A_546 : vector<16xi32>
    %reduce_max3A_550 = vector.extract %reduce_max3A_549[15] : i32 from vector<16xi32>
    %jit3A_551 = arith.constant -1 : i32
    %broadcast_in_dim3A_552 = vector.broadcast %jit3A_551 : i32 to vector<16xi32>
    %select_n3A_553 = arith.select %and3A_526, %get3A_505, %broadcast_in_dim3A_552 : vector<16xi1>, vector<16xi32>
    %reduce_max3A_554 = arith.constant true
    %reduce_max3A_555 = vector.broadcast %reduce_max3A_554 : i1 to vector<16xi1>
    %reduce_max3A_556 = arith.constant -2147483648 : i32
    %reduce_max3A_557 = vector.broadcast %reduce_max3A_556 : i32 to vector<16xi32>
    %reduce_max3A_558 = arith.xori %select_n3A_553, %reduce_max3A_557 : vector<16xi32>
    %reduce_max3A_559 = tpu.scan <max>, %reduce_max3A_558 masked %reduce_max3A_555 : vector<16xi32>, vector<16xi1> -> vector<16xi32>
    %reduce_max3A_560 = arith.xori %reduce_max3A_559, %reduce_max3A_557 : vector<16xi32>
    %reduce_max3A_561 = vector.extract %reduce_max3A_560[15] : i32 from vector<16xi32>
    %mul3A_562 = arith.constant 16 : i32
    %mul3A_563 = arith.muli %while3A_501#1, %mul3A_562 : i32
    %add3A_564 = arith.addi %mul3A_563, %reduce_max3A_537 : i32
    %shift_left3A_565 = arith.constant 8 : i32
    %shift_left3A_566 = arith.shli %or3A_485, %shift_left3A_565 : i32
    %or3A_567 = arith.ori %shift_left3A_566, %add3A_564 : i32
    %shift_left3A_568 = arith.constant 8 : i32
    %shift_left3A_569 = arith.shli %or3A_485, %shift_left3A_568 : i32
    %select_n3A_570 = arith.select %lt3A_486, %or3A_567, %shift_left3A_569 : i32
    %lt3A_571 = arith.cmpi slt, %reduce_max3A_550, %reduce_max3A_561 : i32
    %and3A_572 = arith.andi %lt3A_486, %lt3A_571 : i1
    %ge3A_573 = arith.constant 0 : i32
    %ge3A_574 = arith.cmpi sge, %select_n3A_570, %ge3A_573 : i32
    %xor3A_575 = arith.constant 2147483647 : i32
    %xor3A_576 = arith.xori %select_n3A_570, %xor3A_575 : i32
    %select_n3A_577 = arith.select %ge3A_574, %select_n3A_570, %xor3A_576 : i32
    %bitcast_convert_type3A_578 = arith.bitcast %select_n3A_577 : i32 to f32
    %not3A_579 = arith.constant true
    %not3A_580 = arith.xori %and3A_572, %not3A_579 : i1
    %eq3A_581 = arith.constant 0 : i32
    %eq3A_582 = arith.cmpi eq, %select_n3A_570, %eq3A_581 : i32
    %and3A_583 = arith.andi %not3A_580, %eq3A_582 : i1
    %not3A_584 = arith.constant true
    %not3A_585 = arith.xori %and3A_572, %not3A_584 : i1
    %ne3A_586 = arith.constant 0 : i32
    %ne3A_587 = arith.cmpi ne, %select_n3A_570, %ne3A_586 : i32
    %and3A_588 = arith.andi %not3A_585, %ne3A_587 : i1
    %convert_element_type3A_589 = arith.extui %and3A_588 : i1 to i32
    %cond3A_590 = arith.constant 0 : i32
    %cond3A_591 = arith.cmpi ne, %convert_element_type3A_589, %cond3A_590 : i32
    scf.if %cond3A_591 {
      %parallel_loop3A_1240 = arith.constant 0 : i32
      %parallel_loop3A_1241 = arith.constant 2048 : i32
      %parallel_loop3A_1242 = arith.constant 1 : i32
      scf.for %parallel_loop3A_1243 = %parallel_loop3A_1240 to %parallel_loop3A_1241 step %parallel_loop3A_1242  : i32 {
        %parallel_loop3A_1244 = arith.constant 16 : i32
        %parallel_loop3A_1245 = arith.muli %parallel_loop3A_1243, %parallel_loop3A_1244 : i32
        %parallel_loop3A_1246 = arith.index_cast %parallel_loop3A_1245 : i32 to index
        %parallel_loop3A_1247 = tpu.vector_load %arg5[%parallel_loop3A_1246] {strides = array<i32>} : memref<32768xf32, #tpu.memory_space<vmem>>, vector<16xf32>,
        %parallel_loop3A_1248 = vector.broadcast %bitcast_convert_type3A_578 : f32 to vector<16xf32>
        %parallel_loop3A_1249 = arith.cmpf oge, %parallel_loop3A_1247, %parallel_loop3A_1248 : vector<16xf32>
        %parallel_loop3A_1250 = arith.constant 1.000000e+00 : f32
        %parallel_loop3A_1251 = arith.constant 0.000000e+00 : f32
        %parallel_loop3A_1252 = vector.broadcast %parallel_loop3A_1250 : f32 to vector<16xf32>
        %parallel_loop3A_1253 = vector.broadcast %parallel_loop3A_1251 : f32 to vector<16xf32>
        %parallel_loop3A_1254 = arith.select %parallel_loop3A_1249, %parallel_loop3A_1252, %parallel_loop3A_1253 : vector<16xi1>, vector<16xf32>
        %parallel_loop3A_1255 = arith.index_cast %parallel_loop3A_1245 : i32 to index
        %parallel_loop3A_1256 = tpu.vector_load %arg5[%parallel_loop3A_1255] {strides = array<i32>} : memref<32768xf32, #tpu.memory_space<vmem>>, vector<16xf32>,
        tpu.vector_store %arg5[%parallel_loop3A_1255], %parallel_loop3A_1254 {strides = array<i32>} : memref<32768xf32, #tpu.memory_space<vmem>>, vector<16xf32>,
      } {sc.loop_unroll_factor = 8 : i64, sc.parallel_access}
    } else {
    }
    %convert_element_type3A_592 = arith.extui %and3A_583 : i1 to i32
    %cond3A_593 = arith.constant 0 : i32
    %cond3A_594 = arith.cmpi ne, %convert_element_type3A_592, %cond3A_593 : i32
    scf.if %cond3A_594 {
      %parallel_loop3A_1240 = arith.constant 0 : i32
      %parallel_loop3A_1241 = arith.constant 2048 : i32
      %parallel_loop3A_1242 = arith.constant 1 : i32
      scf.for %parallel_loop3A_1243 = %parallel_loop3A_1240 to %parallel_loop3A_1241 step %parallel_loop3A_1242  : i32 {
        %parallel_loop3A_1244 = arith.constant 16 : i32
        %parallel_loop3A_1245 = arith.muli %parallel_loop3A_1243, %parallel_loop3A_1244 : i32
        %parallel_loop3A_1246 = arith.index_cast %parallel_loop3A_1245 : i32 to index
        %parallel_loop3A_1247 = tpu.vector_load %arg5[%parallel_loop3A_1246] {strides = array<i32>} : memref<32768xf32, #tpu.memory_space<vmem>>, vector<16xf32>,
        %parallel_loop3A_1248 = tpu.bitcast %parallel_loop3A_1247 : vector<16xf32> -> vector<16xi32>
        %parallel_loop3A_1249 = arith.constant 31 : i32
        %parallel_loop3A_1250 = vector.broadcast %parallel_loop3A_1249 : i32 to vector<16xi32>
        %parallel_loop3A_1251 = arith.shrsi %parallel_loop3A_1248, %parallel_loop3A_1250 : vector<16xi32>
        %parallel_loop3A_1252 = arith.constant 2147483647 : i32
        %parallel_loop3A_1253 = vector.broadcast %parallel_loop3A_1252 : i32 to vector<16xi32>
        %parallel_loop3A_1254 = arith.andi %parallel_loop3A_1251, %parallel_loop3A_1253 : vector<16xi32>
        %parallel_loop3A_1255 = arith.xori %parallel_loop3A_1248, %parallel_loop3A_1254 : vector<16xi32>
        %parallel_loop3A_1256 = vector.broadcast %select_n3A_570 : i32 to vector<16xi32>
        %parallel_loop3A_1257 = arith.cmpi sge, %parallel_loop3A_1255, %parallel_loop3A_1256 : vector<16xi32>
        %parallel_loop3A_1258 = arith.constant 1.000000e+00 : f32
        %parallel_loop3A_1259 = arith.constant 0.000000e+00 : f32
        %parallel_loop3A_1260 = vector.broadcast %parallel_loop3A_1258 : f32 to vector<16xf32>
        %parallel_loop3A_1261 = vector.broadcast %parallel_loop3A_1259 : f32 to vector<16xf32>
        %parallel_loop3A_1262 = arith.select %parallel_loop3A_1257, %parallel_loop3A_1260, %parallel_loop3A_1261 : vector<16xi1>, vector<16xf32>
        %parallel_loop3A_1263 = arith.index_cast %parallel_loop3A_1245 : i32 to index
        %parallel_loop3A_1264 = tpu.vector_load %arg5[%parallel_loop3A_1263] {strides = array<i32>} : memref<32768xf32, #tpu.memory_space<vmem>>, vector<16xf32>,
        tpu.vector_store %arg5[%parallel_loop3A_1263], %parallel_loop3A_1262 {strides = array<i32>} : memref<32768xf32, #tpu.memory_space<vmem>>, vector<16xf32>,
      } {sc.loop_unroll_factor = 8 : i64, sc.parallel_access}
    } else {
    }
    %convert_element_type3A_595 = arith.extui %and3A_572 : i1 to i32
    %cond3A_596 = arith.constant 0 : i32
    %cond3A_597 = arith.cmpi ne, %convert_element_type3A_595, %cond3A_596 : i32
    scf.if %cond3A_597 {
      %scan3A = arith.constant 0 : i32
      %scan3A_1240 = arith.constant 0 : i32
      %scan3A_1241 = arith.constant 2048 : i32
      %scan3A_1242 = arith.addi %scan3A_1240, %scan3A_1241 : i32
      %scan3A_1243 = arith.constant 1 : i32
      %scan3A_1244 = scf.for %scan3A_1246 = %scan3A_1240 to %scan3A_1242 step %scan3A_1243 iter_args(%scan3A_1247 = %scan3A) -> (i32)  : i32 {
        %mul3A_1248 = arith.constant 16 : i32
        %mul3A_1249 = arith.muli %scan3A_1246, %mul3A_1248 : i32
        %get3A_1250 = arith.index_cast %mul3A_1249 : i32 to index
        %get3A_1251 = tpu.vector_load %arg5[%get3A_1250] {strides = array<i32>} : memref<32768xf32, #tpu.memory_space<vmem>>, vector<16xf32>,
        %bitcast_convert_type3A_1252 = tpu.bitcast %get3A_1251 : vector<16xf32> -> vector<16xi32>
        %shift_right_arithmetic3A = arith.constant 31 : i32
        %shift_right_arithmetic3A_1253 = vector.broadcast %shift_right_arithmetic3A : i32 to vector<16xi32>
        %shift_right_arithmetic3A_1254 = arith.shrsi %bitcast_convert_type3A_1252, %shift_right_arithmetic3A_1253 : vector<16xi32>
        %and3A_1255 = arith.constant 2147483647 : i32
        %and3A_1256 = vector.broadcast %and3A_1255 : i32 to vector<16xi32>
        %and3A_1257 = arith.andi %shift_right_arithmetic3A_1254, %and3A_1256 : vector<16xi32>
        %xor3A_1258 = arith.xori %bitcast_convert_type3A_1252, %and3A_1257 : vector<16xi32>
        %eq3A_1259 = vector.broadcast %select_n3A_570 : i32 to vector<16xi32>
        %eq3A_1260 = arith.cmpi eq, %xor3A_1258, %eq3A_1259 : vector<16xi32>
        %convert_element_type3A_1261 = arith.extui %eq3A_1260 : vector<16xi1> to vector<16xi32>
        %broadcast_in_dim3A_1262 = arith.constant true
        %broadcast_in_dim3A_1263 = vector.broadcast %broadcast_in_dim3A_1262 : i1 to vector<16xi1>
        %masked_cumsum3A_1264 = tpu.scan <sum>, %convert_element_type3A_1261 masked %broadcast_in_dim3A_1263 : vector<16xi32>, vector<16xi1> -> vector<16xi32>
        %add3A_1265 = vector.broadcast %scan3A_1247 : i32 to vector<16xi32>
        %add3A_1266 = arith.addi %add3A_1265, %masked_cumsum3A_1264 : vector<16xi32>
        %le3A = vector.broadcast %reduce_max3A_550 : i32 to vector<16xi32>
        %le3A_1267 = arith.cmpi sle, %add3A_1266, %le3A : vector<16xi32>
        %and3A_1268 = arith.andi %eq3A_1260, %le3A_1267 : vector<16xi1>
        %gt3A = vector.broadcast %select_n3A_570 : i32 to vector<16xi32>
        %gt3A_1269 = arith.cmpi sgt, %xor3A_1258, %gt3A : vector<16xi32>
        %or3A_1270 = arith.ori %gt3A_1269, %and3A_1268 : vector<16xi1>
        %jit3A_1271 = arith.constant 1.000000e+00 : f32
        %jit3A_1272 = arith.constant 0.000000e+00 : f32
        %broadcast_in_dim3A_1273 = vector.broadcast %jit3A_1271 : f32 to vector<16xf32>
        %broadcast_in_dim3A_1274 = vector.broadcast %jit3A_1272 : f32 to vector<16xf32>
        %select_n3A_1275 = arith.select %or3A_1270, %broadcast_in_dim3A_1273, %broadcast_in_dim3A_1274 : vector<16xi1>, vector<16xf32>
        %swap3A = arith.index_cast %mul3A_1249 : i32 to index
        %swap3A_1276 = tpu.vector_load %arg5[%swap3A] {strides = array<i32>} : memref<32768xf32, #tpu.memory_space<vmem>>, vector<16xf32>,
        tpu.vector_store %arg5[%swap3A], %select_n3A_1275 {strides = array<i32>} : memref<32768xf32, #tpu.memory_space<vmem>>, vector<16xf32>,
        %reduce_sum3A_1277 = arith.constant true
        %reduce_sum3A_1278 = vector.broadcast %reduce_sum3A_1277 : i1 to vector<16xi1>
        %reduce_sum3A_1279 = tpu.scan <sum>, %convert_element_type3A_1261 masked %reduce_sum3A_1278 : vector<16xi32>, vector<16xi1> -> vector<16xi32>
        %reduce_sum3A_1280 = vector.extract %reduce_sum3A_1279[15] : i32 from vector<16xi32>
        %add3A_1281 = arith.addi %scan3A_1247, %reduce_sum3A_1280 : i32
        scf.yield %add3A_1281 : i32
      }
      %scan3A_1245 = arith.constant 2048 : i32
    } else {
    }
    %add3A_598 = arith.constant 1 : i32
    %add3A_599 = arith.addi %mul3A_2, %add3A_598 : i32
    %dma_start3A_600 = arith.constant 0 : i32
    %dma_start3A_601 = tpu.memref_slice %arg3[%add3A_599, %dma_start3A_600] : memref<128x32768xf32, #tpu.memory_space<hbm>> -> memref<1x32768xf32, #tpu.memory_space<hbm>>
    %dma_start3A_602 = tpu.memref_squeeze %dma_start3A_601 : memref<1x32768xf32, #tpu.memory_space<hbm>> -> memref<32768xf32, #tpu.memory_space<hbm>>
    %dma_start3A_603 = arith.constant 0 : i32
    %dma_start3A_604 = tpu.memref_slice %arg3[%add3A_599, %dma_start3A_603] : memref<128x32768xf32, #tpu.memory_space<hbm>> -> memref<1x32768xf32, #tpu.memory_space<hbm>>
    %dma_start3A_605 = tpu.memref_squeeze %dma_start3A_604 : memref<1x32768xf32, #tpu.memory_space<hbm>> -> memref<32768xf32, #tpu.memory_space<hbm>>
    tpu.enqueue_dma source(%arg5 : memref<32768xf32, #tpu.memory_space<vmem>>) target(%dma_start3A_605 : memref<32768xf32, #tpu.memory_space<hbm>>) target_semaphore(%arg14 : memref<!tpu.dma_semaphore, #tpu.memory_space<semaphore_mem>>)
    %dma_wait3A_606 = arith.constant 0 : i32
    %dma_wait3A_607 = tpu.memref_slice %arg3[%add3A_290, %dma_wait3A_606] : memref<128x32768xf32, #tpu.memory_space<hbm>> -> memref<1x32768xf32, #tpu.memory_space<hbm>>
    %dma_wait3A_608 = tpu.memref_squeeze %dma_wait3A_607 : memref<1x32768xf32, #tpu.memory_space<hbm>> -> memref<32768xf32, #tpu.memory_space<hbm>>
    %dma_wait3A_609 = arith.constant 0 : i32
    %dma_wait3A_610 = tpu.memref_slice %arg3[%add3A_290, %dma_wait3A_609] : memref<128x32768xf32, #tpu.memory_space<hbm>> -> memref<1x32768xf32, #tpu.memory_space<hbm>>
    %dma_wait3A_611 = tpu.memref_squeeze %dma_wait3A_610 : memref<1x32768xf32, #tpu.memory_space<hbm>> -> memref<32768xf32, #tpu.memory_space<hbm>>
    tpu.wait_dma2 semaphore(%arg13 : memref<!tpu.dma_semaphore, #tpu.memory_space<semaphore_mem>>) src(%arg4 : memref<32768xf32, #tpu.memory_space<vmem>>) dst(%dma_wait3A_611 : memref<32768xf32, #tpu.memory_space<hbm>>)
    %add3A_612 = arith.constant 3 : i32
    %add3A_613 = arith.addi %mul3A_2, %add3A_612 : i32
    %dma_start3A_614 = arith.constant 0 : i32
    %dma_start3A_615 = tpu.memref_slice %arg2[%add3A_613, %dma_start3A_614] : memref<128x32768xf32, #tpu.memory_space<hbm>> -> memref<1x32768xf32, #tpu.memory_space<hbm>>
    %dma_start3A_616 = tpu.memref_squeeze %dma_start3A_615 : memref<1x32768xf32, #tpu.memory_space<hbm>> -> memref<32768xf32, #tpu.memory_space<hbm>>
    %dma_start3A_617 = arith.constant 0 : i32
    %dma_start3A_618 = tpu.memref_slice %arg2[%add3A_613, %dma_start3A_617] : memref<128x32768xf32, #tpu.memory_space<hbm>> -> memref<1x32768xf32, #tpu.memory_space<hbm>>
    %dma_start3A_619 = tpu.memref_squeeze %dma_start3A_618 : memref<1x32768xf32, #tpu.memory_space<hbm>> -> memref<32768xf32, #tpu.memory_space<hbm>>
    tpu.enqueue_dma source(%dma_start3A_619 : memref<32768xf32, #tpu.memory_space<hbm>>) target(%arg4 : memref<32768xf32, #tpu.memory_space<vmem>>) target_semaphore(%arg10 : memref<!tpu.dma_semaphore, #tpu.memory_space<semaphore_mem>>)
    %dma_wait3A_620 = arith.constant 0 : i32
    %dma_wait3A_621 = tpu.memref_slice %arg2[%add3A_298, %dma_wait3A_620] : memref<128x32768xf32, #tpu.memory_space<hbm>> -> memref<1x32768xf32, #tpu.memory_space<hbm>>
    %dma_wait3A_622 = tpu.memref_squeeze %dma_wait3A_621 : memref<1x32768xf32, #tpu.memory_space<hbm>> -> memref<32768xf32, #tpu.memory_space<hbm>>
    %dma_wait3A_623 = arith.constant 0 : i32
    %dma_wait3A_624 = tpu.memref_slice %arg2[%add3A_298, %dma_wait3A_623] : memref<128x32768xf32, #tpu.memory_space<hbm>> -> memref<1x32768xf32, #tpu.memory_space<hbm>>
    %dma_wait3A_625 = tpu.memref_squeeze %dma_wait3A_624 : memref<1x32768xf32, #tpu.memory_space<hbm>> -> memref<32768xf32, #tpu.memory_space<hbm>>
    tpu.wait_dma2 semaphore(%arg12 : memref<!tpu.dma_semaphore, #tpu.memory_space<semaphore_mem>>) src(%dma_wait3A_625 : memref<32768xf32, #tpu.memory_space<hbm>>) dst(%arg6 : memref<32768xf32, #tpu.memory_space<vmem>>)
    %broadcast_in_dim3A_626 = arith.constant 0 : i32
    %broadcast_in_dim3A_627 = vector.broadcast %broadcast_in_dim3A_626 : i32 to vector<16xi32>
    %parallel_loop3A_628 = arith.constant 0 : i32
    %parallel_loop3A_629 = arith.constant 256 : i32
    %parallel_loop3A_630 = arith.constant 1 : i32
    scf.for %parallel_loop3A_1240 = %parallel_loop3A_628 to %parallel_loop3A_629 step %parallel_loop3A_630  : i32 {
      %parallel_loop3A_1241 = arith.constant 16 : i32
      %parallel_loop3A_1242 = arith.muli %parallel_loop3A_1240, %parallel_loop3A_1241 : i32
      %parallel_loop3A_1243 = arith.index_cast %parallel_loop3A_1242 : i32 to index
      %parallel_loop3A_1244 = tpu.vector_load %arg7[%parallel_loop3A_1243] {strides = array<i32>} : memref<4096xi32, #tpu.memory_space<vmem>>, vector<16xi32>,
      tpu.vector_store %arg7[%parallel_loop3A_1243], %broadcast_in_dim3A_627 {strides = array<i32>} : memref<4096xi32, #tpu.memory_space<vmem>>, vector<16xi32>,
    } {sc.loop_unroll_factor = 4 : i64, sc.parallel_access}
    %broadcast_in_dim3A_631 = arith.constant 0 : i32
    %broadcast_in_dim3A_632 = vector.broadcast %broadcast_in_dim3A_631 : i32 to vector<16xi32>
    %parallel_loop3A_633 = arith.constant 0 : i32
    %parallel_loop3A_634 = arith.constant 256 : i32
    %parallel_loop3A_635 = arith.constant 1 : i32
    scf.for %parallel_loop3A_1240 = %parallel_loop3A_633 to %parallel_loop3A_634 step %parallel_loop3A_635  : i32 {
      %parallel_loop3A_1241 = arith.constant 16 : i32
      %parallel_loop3A_1242 = arith.muli %parallel_loop3A_1240, %parallel_loop3A_1241 : i32
      %parallel_loop3A_1243 = arith.index_cast %parallel_loop3A_1242 : i32 to index
      %parallel_loop3A_1244 = tpu.vector_load %arg8[%parallel_loop3A_1243] {strides = array<i32>} : memref<4096xi32, #tpu.memory_space<vmem>>, vector<16xi32>,
      tpu.vector_store %arg8[%parallel_loop3A_1243], %broadcast_in_dim3A_632 {strides = array<i32>} : memref<4096xi32, #tpu.memory_space<vmem>>, vector<16xi32>,
    } {sc.loop_unroll_factor = 4 : i64, sc.parallel_access}
    %parallel_loop3A_636 = arith.constant 0 : i32
    %parallel_loop3A_637 = arith.constant 2048 : i32
    %parallel_loop3A_638 = arith.constant 1 : i32
    scf.for %parallel_loop3A_1240 = %parallel_loop3A_636 to %parallel_loop3A_637 step %parallel_loop3A_638  : i32 {
      %parallel_loop3A_1241 = arith.constant 16 : i32
      %parallel_loop3A_1242 = arith.muli %parallel_loop3A_1240, %parallel_loop3A_1241 : i32
      %parallel_loop3A_1243 = arith.index_cast %parallel_loop3A_1242 : i32 to index
      %parallel_loop3A_1244 = tpu.vector_load %arg6[%parallel_loop3A_1243] {strides = array<i32>} : memref<32768xf32, #tpu.memory_space<vmem>>, vector<16xf32>,
      %parallel_loop3A_1245 = tpu.bitcast %parallel_loop3A_1244 : vector<16xf32> -> vector<16xi32>
      %parallel_loop3A_1246 = arith.constant 31 : i32
      %parallel_loop3A_1247 = vector.broadcast %parallel_loop3A_1246 : i32 to vector<16xi32>
      %parallel_loop3A_1248 = arith.shrsi %parallel_loop3A_1245, %parallel_loop3A_1247 : vector<16xi32>
      %parallel_loop3A_1249 = arith.constant 2147483647 : i32
      %parallel_loop3A_1250 = vector.broadcast %parallel_loop3A_1249 : i32 to vector<16xi32>
      %parallel_loop3A_1251 = arith.andi %parallel_loop3A_1248, %parallel_loop3A_1250 : vector<16xi32>
      %parallel_loop3A_1252 = arith.xori %parallel_loop3A_1245, %parallel_loop3A_1251 : vector<16xi32>
      %parallel_loop3A_1253 = arith.constant 20 : i32
      %parallel_loop3A_1254 = vector.broadcast %parallel_loop3A_1253 : i32 to vector<16xi32>
      %parallel_loop3A_1255 = arith.shrsi %parallel_loop3A_1252, %parallel_loop3A_1254 : vector<16xi32>
      %parallel_loop3A_1256 = arith.constant 2048 : i32
      %parallel_loop3A_1257 = vector.broadcast %parallel_loop3A_1256 : i32 to vector<16xi32>
      %parallel_loop3A_1258 = arith.addi %parallel_loop3A_1255, %parallel_loop3A_1257 : vector<16xi32>
      tpu.vector_store_idx %arg7[%parallel_loop3A_1258], %broadcast_in_dim3A_3 {add = true} : memref<4096xi32, #tpu.memory_space<vmem>>[vector<16xi32>], vector<16xi32>,
    } {sc.loop_unroll_factor = 8 : i64, sc.parallel_access}
    %mul3A_639 = arith.constant 255 : i32
    %mul3A_640 = arith.constant 16 : i32
    %mul3A_641 = arith.muli %mul3A_639, %mul3A_640 : i32
    %get3A_642 = arith.index_cast %mul3A_641 : i32 to index
    %get3A_643 = tpu.vector_load %arg7[%get3A_642] {strides = array<i32>} : memref<4096xi32, #tpu.memory_space<vmem>>, vector<16xi32>,
    %reduce_sum3A_644 = arith.constant true
    %reduce_sum3A_645 = vector.broadcast %reduce_sum3A_644 : i1 to vector<16xi1>
    %reduce_sum3A_646 = tpu.scan <sum>, %get3A_643 masked %reduce_sum3A_645 : vector<16xi32>, vector<16xi1> -> vector<16xi32>
    %reduce_sum3A_647 = vector.extract %reduce_sum3A_646[15] : i32 from vector<16xi32>
    %while3A_648 = arith.constant 1639 : i32
    %while3A_649 = arith.constant 0 : i32
    %while3A_650 = arith.constant 255 : i32
    %while3A_651:3 = scf.while (%while3A_1240 = %while3A_649, %while3A_1241 = %while3A_650, %while3A_1242 = %reduce_sum3A_647) : (i32, i32, i32) -> (i32, i32, i32) {
      %add3A_1243 = arith.addi %while3A_1240, %while3A_1242 : i32
      %lt3A_1244 = arith.cmpi slt, %add3A_1243, %while3A_648 : i32
      %gt3A = arith.constant 0 : i32
      %gt3A_1245 = arith.cmpi sgt, %while3A_1241, %gt3A : i32
      %and3A_1246 = arith.andi %lt3A_1244, %gt3A_1245 : i1
      scf.condition(%and3A_1246) %while3A_1240, %while3A_1241, %while3A_1242 : i32, i32, i32
    } do {
    ^bb0(%while3A_1240: i32, %while3A_1241: i32, %while3A_1242: i32):
      %sub3A_1243 = arith.constant 1 : i32
      %sub3A_1244 = arith.subi %while3A_1241, %sub3A_1243 : i32
      %add3A_1245 = arith.addi %while3A_1240, %while3A_1242 : i32
      %mul3A_1246 = arith.constant 16 : i32
      %mul3A_1247 = arith.muli %sub3A_1244, %mul3A_1246 : i32
      %get3A_1248 = arith.index_cast %mul3A_1247 : i32 to index
      %get3A_1249 = tpu.vector_load %arg7[%get3A_1248] {strides = array<i32>} : memref<4096xi32, #tpu.memory_space<vmem>>, vector<16xi32>,
      %reduce_sum3A_1250 = arith.constant true
      %reduce_sum3A_1251 = vector.broadcast %reduce_sum3A_1250 : i1 to vector<16xi1>
      %reduce_sum3A_1252 = tpu.scan <sum>, %get3A_1249 masked %reduce_sum3A_1251 : vector<16xi32>, vector<16xi1> -> vector<16xi32>
      %reduce_sum3A_1253 = vector.extract %reduce_sum3A_1252[15] : i32 from vector<16xi32>
      scf.yield %add3A_1245, %sub3A_1244, %reduce_sum3A_1253 : i32, i32, i32
    }
    %mul3A_652 = arith.constant 16 : i32
    %mul3A_653 = arith.muli %while3A_651#1, %mul3A_652 : i32
    %get3A_654 = arith.index_cast %mul3A_653 : i32 to index
    %get3A_655 = tpu.vector_load %arg7[%get3A_654] {strides = array<i32>} : memref<4096xi32, #tpu.memory_space<vmem>>, vector<16xi32>,
    %sub3A_656 = arith.constant 1639 : i32
    %sub3A_657 = arith.subi %sub3A_656, %while3A_651#0 : i32
    %iota3A_658 = tpu.iota {dimensions = array<i32: 0>} : vector<16xi32>
    %broadcast_in_dim3A_659 = arith.constant true
    %broadcast_in_dim3A_660 = vector.broadcast %broadcast_in_dim3A_659 : i1 to vector<16xi1>
    %masked_cumsum3A_661 = tpu.scan <sum>, %get3A_655 masked %broadcast_in_dim3A_660 : vector<16xi32>, vector<16xi1> -> vector<16xi32>
    %reduce_max3A_662 = arith.constant true
    %reduce_max3A_663 = vector.broadcast %reduce_max3A_662 : i1 to vector<16xi1>
    %reduce_max3A_664 = arith.constant -2147483648 : i32
    %reduce_max3A_665 = vector.broadcast %reduce_max3A_664 : i32 to vector<16xi32>
    %reduce_max3A_666 = arith.xori %masked_cumsum3A_661, %reduce_max3A_665 : vector<16xi32>
    %reduce_max3A_667 = tpu.scan <max>, %reduce_max3A_666 masked %reduce_max3A_663 : vector<16xi32>, vector<16xi1> -> vector<16xi32>
    %reduce_max3A_668 = arith.xori %reduce_max3A_667, %reduce_max3A_665 : vector<16xi32>
    %reduce_max3A_669 = vector.extract %reduce_max3A_668[15] : i32 from vector<16xi32>
    %sub3A_670 = vector.broadcast %reduce_max3A_669 : i32 to vector<16xi32>
    %sub3A_671 = arith.subi %sub3A_670, %masked_cumsum3A_661 : vector<16xi32>
    %lt3A_672 = vector.broadcast %sub3A_657 : i32 to vector<16xi32>
    %lt3A_673 = arith.cmpi slt, %sub3A_671, %lt3A_672 : vector<16xi32>
    %add3A_674 = arith.addi %sub3A_671, %get3A_655 : vector<16xi32>
    %ge3A_675 = vector.broadcast %sub3A_657 : i32 to vector<16xi32>
    %ge3A_676 = arith.cmpi sge, %add3A_674, %ge3A_675 : vector<16xi32>
    %and3A_677 = arith.andi %lt3A_673, %ge3A_676 : vector<16xi1>
    %jit3A_678 = arith.constant -1 : i32
    %broadcast_in_dim3A_679 = vector.broadcast %jit3A_678 : i32 to vector<16xi32>
    %select_n3A_680 = arith.select %and3A_677, %iota3A_658, %broadcast_in_dim3A_679 : vector<16xi1>, vector<16xi32>
    %reduce_max3A_681 = arith.constant true
    %reduce_max3A_682 = vector.broadcast %reduce_max3A_681 : i1 to vector<16xi1>
    %reduce_max3A_683 = arith.constant -2147483648 : i32
    %reduce_max3A_684 = vector.broadcast %reduce_max3A_683 : i32 to vector<16xi32>
    %reduce_max3A_685 = arith.xori %select_n3A_680, %reduce_max3A_684 : vector<16xi32>
    %reduce_max3A_686 = tpu.scan <max>, %reduce_max3A_685 masked %reduce_max3A_682 : vector<16xi32>, vector<16xi1> -> vector<16xi32>
    %reduce_max3A_687 = arith.xori %reduce_max3A_686, %reduce_max3A_684 : vector<16xi32>
    %reduce_max3A_688 = vector.extract %reduce_max3A_687[15] : i32 from vector<16xi32>
    %sub3A_689 = vector.broadcast %sub3A_657 : i32 to vector<16xi32>
    %sub3A_690 = arith.subi %sub3A_689, %sub3A_671 : vector<16xi32>
    %jit3A_691 = arith.constant -1 : i32
    %broadcast_in_dim3A_692 = vector.broadcast %jit3A_691 : i32 to vector<16xi32>
    %select_n3A_693 = arith.select %and3A_677, %sub3A_690, %broadcast_in_dim3A_692 : vector<16xi1>, vector<16xi32>
    %reduce_max3A_694 = arith.constant true
    %reduce_max3A_695 = vector.broadcast %reduce_max3A_694 : i1 to vector<16xi1>
    %reduce_max3A_696 = arith.constant -2147483648 : i32
    %reduce_max3A_697 = vector.broadcast %reduce_max3A_696 : i32 to vector<16xi32>
    %reduce_max3A_698 = arith.xori %select_n3A_693, %reduce_max3A_697 : vector<16xi32>
    %reduce_max3A_699 = tpu.scan <max>, %reduce_max3A_698 masked %reduce_max3A_695 : vector<16xi32>, vector<16xi1> -> vector<16xi32>
    %reduce_max3A_700 = arith.xori %reduce_max3A_699, %reduce_max3A_697 : vector<16xi32>
    %reduce_max3A_701 = vector.extract %reduce_max3A_700[15] : i32 from vector<16xi32>
    %jit3A_702 = arith.constant -1 : i32
    %broadcast_in_dim3A_703 = vector.broadcast %jit3A_702 : i32 to vector<16xi32>
    %select_n3A_704 = arith.select %and3A_677, %get3A_655, %broadcast_in_dim3A_703 : vector<16xi1>, vector<16xi32>
    %reduce_max3A_705 = arith.constant true
    %reduce_max3A_706 = vector.broadcast %reduce_max3A_705 : i1 to vector<16xi1>
    %reduce_max3A_707 = arith.constant -2147483648 : i32
    %reduce_max3A_708 = vector.broadcast %reduce_max3A_707 : i32 to vector<16xi32>
    %reduce_max3A_709 = arith.xori %select_n3A_704, %reduce_max3A_708 : vector<16xi32>
    %reduce_max3A_710 = tpu.scan <max>, %reduce_max3A_709 masked %reduce_max3A_706 : vector<16xi32>, vector<16xi1> -> vector<16xi32>
    %reduce_max3A_711 = arith.xori %reduce_max3A_710, %reduce_max3A_708 : vector<16xi32>
    %reduce_max3A_712 = vector.extract %reduce_max3A_711[15] : i32 from vector<16xi32>
    %mul3A_713 = arith.constant 16 : i32
    %mul3A_714 = arith.muli %while3A_651#1, %mul3A_713 : i32
    %add3A_715 = arith.addi %mul3A_714, %reduce_max3A_688 : i32
    %sub3A_716 = arith.constant 2048 : i32
    %sub3A_717 = arith.subi %add3A_715, %sub3A_716 : i32
    %shift_left3A_718 = arith.constant 20 : i32
    %shift_left3A_719 = arith.shli %sub3A_717, %shift_left3A_718 : i32
    %parallel_loop3A_720 = arith.constant 0 : i32
    %parallel_loop3A_721 = arith.constant 2048 : i32
    %parallel_loop3A_722 = arith.constant 1 : i32
    scf.for %parallel_loop3A_1240 = %parallel_loop3A_720 to %parallel_loop3A_721 step %parallel_loop3A_722  : i32 {
      %parallel_loop3A_1241 = arith.constant 16 : i32
      %parallel_loop3A_1242 = arith.muli %parallel_loop3A_1240, %parallel_loop3A_1241 : i32
      %parallel_loop3A_1243 = arith.index_cast %parallel_loop3A_1242 : i32 to index
      %parallel_loop3A_1244 = tpu.vector_load %arg6[%parallel_loop3A_1243] {strides = array<i32>} : memref<32768xf32, #tpu.memory_space<vmem>>, vector<16xf32>,
      %parallel_loop3A_1245 = tpu.bitcast %parallel_loop3A_1244 : vector<16xf32> -> vector<16xi32>
      %parallel_loop3A_1246 = arith.constant 31 : i32
      %parallel_loop3A_1247 = vector.broadcast %parallel_loop3A_1246 : i32 to vector<16xi32>
      %parallel_loop3A_1248 = arith.shrsi %parallel_loop3A_1245, %parallel_loop3A_1247 : vector<16xi32>
      %parallel_loop3A_1249 = arith.constant 2147483647 : i32
      %parallel_loop3A_1250 = vector.broadcast %parallel_loop3A_1249 : i32 to vector<16xi32>
      %parallel_loop3A_1251 = arith.andi %parallel_loop3A_1248, %parallel_loop3A_1250 : vector<16xi32>
      %parallel_loop3A_1252 = arith.xori %parallel_loop3A_1245, %parallel_loop3A_1251 : vector<16xi32>
      %parallel_loop3A_1253 = vector.broadcast %shift_left3A_719 : i32 to vector<16xi32>
      %parallel_loop3A_1254 = arith.subi %parallel_loop3A_1252, %parallel_loop3A_1253 : vector<16xi32>
      %parallel_loop3A_1255 = tpu.bitcast %parallel_loop3A_1254 : vector<16xi32> -> vector<16xi32>
      %parallel_loop3A_1256 = arith.constant 1048576 : i32
      %parallel_loop3A_1257 = vector.broadcast %parallel_loop3A_1256 : i32 to vector<16xi32>
      %parallel_loop3A_1258 = arith.cmpi ult, %parallel_loop3A_1255, %parallel_loop3A_1257 : vector<16xi32>
      %parallel_loop3A_1259 = arith.constant 8 : i32
      %parallel_loop3A_1260 = vector.broadcast %parallel_loop3A_1259 : i32 to vector<16xi32>
      %parallel_loop3A_1261 = arith.shrui %parallel_loop3A_1255, %parallel_loop3A_1260 : vector<16xi32>
      %parallel_loop3A_1262 = tpu.bitcast %parallel_loop3A_1261 : vector<16xi32> -> vector<16xi32>
      %parallel_loop3A_1263 = arith.constant 4095 : i32
      %parallel_loop3A_1264 = vector.broadcast %parallel_loop3A_1263 : i32 to vector<16xi32>
      %parallel_loop3A_1265 = arith.andi %parallel_loop3A_1262, %parallel_loop3A_1264 : vector<16xi32>
      tpu.vector_store_idx %arg8[%parallel_loop3A_1265], %broadcast_in_dim3A_3 masked %parallel_loop3A_1258 {add = true} : memref<4096xi32, #tpu.memory_space<vmem>>[vector<16xi32>], vector<16xi32>, vector<16xi1>
    } {sc.loop_unroll_factor = 8 : i64, sc.parallel_access}
    %mul3A_723 = arith.constant 255 : i32
    %mul3A_724 = arith.constant 16 : i32
    %mul3A_725 = arith.muli %mul3A_723, %mul3A_724 : i32
    %get3A_726 = arith.index_cast %mul3A_725 : i32 to index
    %get3A_727 = tpu.vector_load %arg8[%get3A_726] {strides = array<i32>} : memref<4096xi32, #tpu.memory_space<vmem>>, vector<16xi32>,
    %reduce_sum3A_728 = arith.constant true
    %reduce_sum3A_729 = vector.broadcast %reduce_sum3A_728 : i1 to vector<16xi1>
    %reduce_sum3A_730 = tpu.scan <sum>, %get3A_727 masked %reduce_sum3A_729 : vector<16xi32>, vector<16xi1> -> vector<16xi32>
    %reduce_sum3A_731 = vector.extract %reduce_sum3A_730[15] : i32 from vector<16xi32>
    %while3A_732 = arith.constant 0 : i32
    %while3A_733 = arith.constant 255 : i32
    %while3A_734:3 = scf.while (%while3A_1240 = %while3A_732, %while3A_1241 = %while3A_733, %while3A_1242 = %reduce_sum3A_731) : (i32, i32, i32) -> (i32, i32, i32) {
      %add3A_1243 = arith.addi %while3A_1240, %while3A_1242 : i32
      %lt3A_1244 = arith.cmpi slt, %add3A_1243, %reduce_max3A_701 : i32
      %gt3A = arith.constant 0 : i32
      %gt3A_1245 = arith.cmpi sgt, %while3A_1241, %gt3A : i32
      %and3A_1246 = arith.andi %lt3A_1244, %gt3A_1245 : i1
      scf.condition(%and3A_1246) %while3A_1240, %while3A_1241, %while3A_1242 : i32, i32, i32
    } do {
    ^bb0(%while3A_1240: i32, %while3A_1241: i32, %while3A_1242: i32):
      %sub3A_1243 = arith.constant 1 : i32
      %sub3A_1244 = arith.subi %while3A_1241, %sub3A_1243 : i32
      %add3A_1245 = arith.addi %while3A_1240, %while3A_1242 : i32
      %mul3A_1246 = arith.constant 16 : i32
      %mul3A_1247 = arith.muli %sub3A_1244, %mul3A_1246 : i32
      %get3A_1248 = arith.index_cast %mul3A_1247 : i32 to index
      %get3A_1249 = tpu.vector_load %arg8[%get3A_1248] {strides = array<i32>} : memref<4096xi32, #tpu.memory_space<vmem>>, vector<16xi32>,
      %reduce_sum3A_1250 = arith.constant true
      %reduce_sum3A_1251 = vector.broadcast %reduce_sum3A_1250 : i1 to vector<16xi1>
      %reduce_sum3A_1252 = tpu.scan <sum>, %get3A_1249 masked %reduce_sum3A_1251 : vector<16xi32>, vector<16xi1> -> vector<16xi32>
      %reduce_sum3A_1253 = vector.extract %reduce_sum3A_1252[15] : i32 from vector<16xi32>
      scf.yield %add3A_1245, %sub3A_1244, %reduce_sum3A_1253 : i32, i32, i32
    }
    %mul3A_735 = arith.constant 16 : i32
    %mul3A_736 = arith.muli %while3A_734#1, %mul3A_735 : i32
    %get3A_737 = arith.index_cast %mul3A_736 : i32 to index
    %get3A_738 = tpu.vector_load %arg8[%get3A_737] {strides = array<i32>} : memref<4096xi32, #tpu.memory_space<vmem>>, vector<16xi32>,
    %sub3A_739 = arith.subi %reduce_max3A_701, %while3A_734#0 : i32
    %iota3A_740 = tpu.iota {dimensions = array<i32: 0>} : vector<16xi32>
    %broadcast_in_dim3A_741 = arith.constant true
    %broadcast_in_dim3A_742 = vector.broadcast %broadcast_in_dim3A_741 : i1 to vector<16xi1>
    %masked_cumsum3A_743 = tpu.scan <sum>, %get3A_738 masked %broadcast_in_dim3A_742 : vector<16xi32>, vector<16xi1> -> vector<16xi32>
    %reduce_max3A_744 = arith.constant true
    %reduce_max3A_745 = vector.broadcast %reduce_max3A_744 : i1 to vector<16xi1>
    %reduce_max3A_746 = arith.constant -2147483648 : i32
    %reduce_max3A_747 = vector.broadcast %reduce_max3A_746 : i32 to vector<16xi32>
    %reduce_max3A_748 = arith.xori %masked_cumsum3A_743, %reduce_max3A_747 : vector<16xi32>
    %reduce_max3A_749 = tpu.scan <max>, %reduce_max3A_748 masked %reduce_max3A_745 : vector<16xi32>, vector<16xi1> -> vector<16xi32>
    %reduce_max3A_750 = arith.xori %reduce_max3A_749, %reduce_max3A_747 : vector<16xi32>
    %reduce_max3A_751 = vector.extract %reduce_max3A_750[15] : i32 from vector<16xi32>
    %sub3A_752 = vector.broadcast %reduce_max3A_751 : i32 to vector<16xi32>
    %sub3A_753 = arith.subi %sub3A_752, %masked_cumsum3A_743 : vector<16xi32>
    %lt3A_754 = vector.broadcast %sub3A_739 : i32 to vector<16xi32>
    %lt3A_755 = arith.cmpi slt, %sub3A_753, %lt3A_754 : vector<16xi32>
    %add3A_756 = arith.addi %sub3A_753, %get3A_738 : vector<16xi32>
    %ge3A_757 = vector.broadcast %sub3A_739 : i32 to vector<16xi32>
    %ge3A_758 = arith.cmpi sge, %add3A_756, %ge3A_757 : vector<16xi32>
    %and3A_759 = arith.andi %lt3A_755, %ge3A_758 : vector<16xi1>
    %jit3A_760 = arith.constant -1 : i32
    %broadcast_in_dim3A_761 = vector.broadcast %jit3A_760 : i32 to vector<16xi32>
    %select_n3A_762 = arith.select %and3A_759, %iota3A_740, %broadcast_in_dim3A_761 : vector<16xi1>, vector<16xi32>
    %reduce_max3A_763 = arith.constant true
    %reduce_max3A_764 = vector.broadcast %reduce_max3A_763 : i1 to vector<16xi1>
    %reduce_max3A_765 = arith.constant -2147483648 : i32
    %reduce_max3A_766 = vector.broadcast %reduce_max3A_765 : i32 to vector<16xi32>
    %reduce_max3A_767 = arith.xori %select_n3A_762, %reduce_max3A_766 : vector<16xi32>
    %reduce_max3A_768 = tpu.scan <max>, %reduce_max3A_767 masked %reduce_max3A_764 : vector<16xi32>, vector<16xi1> -> vector<16xi32>
    %reduce_max3A_769 = arith.xori %reduce_max3A_768, %reduce_max3A_766 : vector<16xi32>
    %reduce_max3A_770 = vector.extract %reduce_max3A_769[15] : i32 from vector<16xi32>
    %sub3A_771 = vector.broadcast %sub3A_739 : i32 to vector<16xi32>
    %sub3A_772 = arith.subi %sub3A_771, %sub3A_753 : vector<16xi32>
    %jit3A_773 = arith.constant -1 : i32
    %broadcast_in_dim3A_774 = vector.broadcast %jit3A_773 : i32 to vector<16xi32>
    %select_n3A_775 = arith.select %and3A_759, %sub3A_772, %broadcast_in_dim3A_774 : vector<16xi1>, vector<16xi32>
    %reduce_max3A_776 = arith.constant true
    %reduce_max3A_777 = vector.broadcast %reduce_max3A_776 : i1 to vector<16xi1>
    %reduce_max3A_778 = arith.constant -2147483648 : i32
    %reduce_max3A_779 = vector.broadcast %reduce_max3A_778 : i32 to vector<16xi32>
    %reduce_max3A_780 = arith.xori %select_n3A_775, %reduce_max3A_779 : vector<16xi32>
    %reduce_max3A_781 = tpu.scan <max>, %reduce_max3A_780 masked %reduce_max3A_777 : vector<16xi32>, vector<16xi1> -> vector<16xi32>
    %reduce_max3A_782 = arith.xori %reduce_max3A_781, %reduce_max3A_779 : vector<16xi32>
    %reduce_max3A_783 = vector.extract %reduce_max3A_782[15] : i32 from vector<16xi32>
    %jit3A_784 = arith.constant -1 : i32
    %broadcast_in_dim3A_785 = vector.broadcast %jit3A_784 : i32 to vector<16xi32>
    %select_n3A_786 = arith.select %and3A_759, %get3A_738, %broadcast_in_dim3A_785 : vector<16xi1>, vector<16xi32>
    %reduce_max3A_787 = arith.constant true
    %reduce_max3A_788 = vector.broadcast %reduce_max3A_787 : i1 to vector<16xi1>
    %reduce_max3A_789 = arith.constant -2147483648 : i32
    %reduce_max3A_790 = vector.broadcast %reduce_max3A_789 : i32 to vector<16xi32>
    %reduce_max3A_791 = arith.xori %select_n3A_786, %reduce_max3A_790 : vector<16xi32>
    %reduce_max3A_792 = tpu.scan <max>, %reduce_max3A_791 masked %reduce_max3A_788 : vector<16xi32>, vector<16xi1> -> vector<16xi32>
    %reduce_max3A_793 = arith.xori %reduce_max3A_792, %reduce_max3A_790 : vector<16xi32>
    %reduce_max3A_794 = vector.extract %reduce_max3A_793[15] : i32 from vector<16xi32>
    %mul3A_795 = arith.constant 16 : i32
    %mul3A_796 = arith.muli %while3A_734#1, %mul3A_795 : i32
    %add3A_797 = arith.addi %mul3A_796, %reduce_max3A_770 : i32
    %shift_left3A_798 = arith.constant 12 : i32
    %shift_left3A_799 = arith.shli %sub3A_717, %shift_left3A_798 : i32
    %or3A_800 = arith.ori %shift_left3A_799, %add3A_797 : i32
    %lt3A_801 = arith.cmpi slt, %reduce_max3A_783, %reduce_max3A_794 : i32
    %convert_element_type3A_802 = arith.extui %lt3A_801 : i1 to i32
    %cond3A_803 = arith.constant 0 : i32
    %cond3A_804 = arith.cmpi ne, %convert_element_type3A_802, %cond3A_803 : i32
    scf.if %cond3A_804 {
      %broadcast_in_dim3A_1240 = arith.constant 0 : i32
      %broadcast_in_dim3A_1241 = vector.broadcast %broadcast_in_dim3A_1240 : i32 to vector<16xi32>
      %parallel_loop3A_1242 = arith.constant 0 : i32
      %parallel_loop3A_1243 = arith.constant 16 : i32
      %parallel_loop3A_1244 = arith.constant 1 : i32
      scf.for %parallel_loop3A_1248 = %parallel_loop3A_1242 to %parallel_loop3A_1243 step %parallel_loop3A_1244  : i32 {
        %parallel_loop3A_1249 = arith.constant 16 : i32
        %parallel_loop3A_1250 = arith.muli %parallel_loop3A_1248, %parallel_loop3A_1249 : i32
        %parallel_loop3A_1251 = arith.index_cast %parallel_loop3A_1250 : i32 to index
        %parallel_loop3A_1252 = tpu.vector_load %arg9[%parallel_loop3A_1251] {strides = array<i32>} : memref<256xi32, #tpu.memory_space<vmem>>, vector<16xi32>,
        tpu.vector_store %arg9[%parallel_loop3A_1251], %broadcast_in_dim3A_1241 {strides = array<i32>} : memref<256xi32, #tpu.memory_space<vmem>>, vector<16xi32>,
      } {sc.loop_unroll_factor = 4 : i64, sc.parallel_access}
      %parallel_loop3A_1245 = arith.constant 0 : i32
      %parallel_loop3A_1246 = arith.constant 2048 : i32
      %parallel_loop3A_1247 = arith.constant 1 : i32
      scf.for %parallel_loop3A_1248 = %parallel_loop3A_1245 to %parallel_loop3A_1246 step %parallel_loop3A_1247  : i32 {
        %parallel_loop3A_1249 = arith.constant 16 : i32
        %parallel_loop3A_1250 = arith.muli %parallel_loop3A_1248, %parallel_loop3A_1249 : i32
        %parallel_loop3A_1251 = arith.index_cast %parallel_loop3A_1250 : i32 to index
        %parallel_loop3A_1252 = tpu.vector_load %arg6[%parallel_loop3A_1251] {strides = array<i32>} : memref<32768xf32, #tpu.memory_space<vmem>>, vector<16xf32>,
        %parallel_loop3A_1253 = tpu.bitcast %parallel_loop3A_1252 : vector<16xf32> -> vector<16xi32>
        %parallel_loop3A_1254 = arith.constant 31 : i32
        %parallel_loop3A_1255 = vector.broadcast %parallel_loop3A_1254 : i32 to vector<16xi32>
        %parallel_loop3A_1256 = arith.shrsi %parallel_loop3A_1253, %parallel_loop3A_1255 : vector<16xi32>
        %parallel_loop3A_1257 = arith.constant 2147483647 : i32
        %parallel_loop3A_1258 = vector.broadcast %parallel_loop3A_1257 : i32 to vector<16xi32>
        %parallel_loop3A_1259 = arith.andi %parallel_loop3A_1256, %parallel_loop3A_1258 : vector<16xi32>
        %parallel_loop3A_1260 = arith.xori %parallel_loop3A_1253, %parallel_loop3A_1259 : vector<16xi32>
        %parallel_loop3A_1261 = arith.constant 8 : i32
        %parallel_loop3A_1262 = vector.broadcast %parallel_loop3A_1261 : i32 to vector<16xi32>
        %parallel_loop3A_1263 = arith.shrsi %parallel_loop3A_1260, %parallel_loop3A_1262 : vector<16xi32>
        %parallel_loop3A_1264 = vector.broadcast %or3A_800 : i32 to vector<16xi32>
        %parallel_loop3A_1265 = arith.cmpi eq, %parallel_loop3A_1263, %parallel_loop3A_1264 : vector<16xi32>
        %parallel_loop3A_1266 = arith.constant 255 : i32
        %parallel_loop3A_1267 = vector.broadcast %parallel_loop3A_1266 : i32 to vector<16xi32>
        %parallel_loop3A_1268 = arith.andi %parallel_loop3A_1260, %parallel_loop3A_1267 : vector<16xi32>
        tpu.vector_store_idx %arg9[%parallel_loop3A_1268], %broadcast_in_dim3A_3 masked %parallel_loop3A_1265 {add = true} : memref<256xi32, #tpu.memory_space<vmem>>[vector<16xi32>], vector<16xi32>, vector<16xi1>
      } {sc.loop_unroll_factor = 8 : i64, sc.parallel_access}
    } else {
    }
    %mul3A_805 = arith.constant 15 : i32
    %mul3A_806 = arith.constant 16 : i32
    %mul3A_807 = arith.muli %mul3A_805, %mul3A_806 : i32
    %get3A_808 = arith.index_cast %mul3A_807 : i32 to index
    %get3A_809 = tpu.vector_load %arg9[%get3A_808] {strides = array<i32>} : memref<256xi32, #tpu.memory_space<vmem>>, vector<16xi32>,
    %reduce_sum3A_810 = arith.constant true
    %reduce_sum3A_811 = vector.broadcast %reduce_sum3A_810 : i1 to vector<16xi1>
    %reduce_sum3A_812 = tpu.scan <sum>, %get3A_809 masked %reduce_sum3A_811 : vector<16xi32>, vector<16xi1> -> vector<16xi32>
    %reduce_sum3A_813 = vector.extract %reduce_sum3A_812[15] : i32 from vector<16xi32>
    %while3A_814 = arith.constant 0 : i32
    %while3A_815 = arith.constant 15 : i32
    %while3A_816:3 = scf.while (%while3A_1240 = %while3A_814, %while3A_1241 = %while3A_815, %while3A_1242 = %reduce_sum3A_813) : (i32, i32, i32) -> (i32, i32, i32) {
      %add3A_1243 = arith.addi %while3A_1240, %while3A_1242 : i32
      %lt3A_1244 = arith.cmpi slt, %add3A_1243, %reduce_max3A_783 : i32
      %gt3A = arith.constant 0 : i32
      %gt3A_1245 = arith.cmpi sgt, %while3A_1241, %gt3A : i32
      %and3A_1246 = arith.andi %lt3A_1244, %gt3A_1245 : i1
      scf.condition(%and3A_1246) %while3A_1240, %while3A_1241, %while3A_1242 : i32, i32, i32
    } do {
    ^bb0(%while3A_1240: i32, %while3A_1241: i32, %while3A_1242: i32):
      %sub3A_1243 = arith.constant 1 : i32
      %sub3A_1244 = arith.subi %while3A_1241, %sub3A_1243 : i32
      %add3A_1245 = arith.addi %while3A_1240, %while3A_1242 : i32
      %mul3A_1246 = arith.constant 16 : i32
      %mul3A_1247 = arith.muli %sub3A_1244, %mul3A_1246 : i32
      %get3A_1248 = arith.index_cast %mul3A_1247 : i32 to index
      %get3A_1249 = tpu.vector_load %arg9[%get3A_1248] {strides = array<i32>} : memref<256xi32, #tpu.memory_space<vmem>>, vector<16xi32>,
      %reduce_sum3A_1250 = arith.constant true
      %reduce_sum3A_1251 = vector.broadcast %reduce_sum3A_1250 : i1 to vector<16xi1>
      %reduce_sum3A_1252 = tpu.scan <sum>, %get3A_1249 masked %reduce_sum3A_1251 : vector<16xi32>, vector<16xi1> -> vector<16xi32>
      %reduce_sum3A_1253 = vector.extract %reduce_sum3A_1252[15] : i32 from vector<16xi32>
      scf.yield %add3A_1245, %sub3A_1244, %reduce_sum3A_1253 : i32, i32, i32
    }
    %mul3A_817 = arith.constant 16 : i32
    %mul3A_818 = arith.muli %while3A_816#1, %mul3A_817 : i32
    %get3A_819 = arith.index_cast %mul3A_818 : i32 to index
    %get3A_820 = tpu.vector_load %arg9[%get3A_819] {strides = array<i32>} : memref<256xi32, #tpu.memory_space<vmem>>, vector<16xi32>,
    %sub3A_821 = arith.subi %reduce_max3A_783, %while3A_816#0 : i32
    %iota3A_822 = tpu.iota {dimensions = array<i32: 0>} : vector<16xi32>
    %broadcast_in_dim3A_823 = arith.constant true
    %broadcast_in_dim3A_824 = vector.broadcast %broadcast_in_dim3A_823 : i1 to vector<16xi1>
    %masked_cumsum3A_825 = tpu.scan <sum>, %get3A_820 masked %broadcast_in_dim3A_824 : vector<16xi32>, vector<16xi1> -> vector<16xi32>
    %reduce_max3A_826 = arith.constant true
    %reduce_max3A_827 = vector.broadcast %reduce_max3A_826 : i1 to vector<16xi1>
    %reduce_max3A_828 = arith.constant -2147483648 : i32
    %reduce_max3A_829 = vector.broadcast %reduce_max3A_828 : i32 to vector<16xi32>
    %reduce_max3A_830 = arith.xori %masked_cumsum3A_825, %reduce_max3A_829 : vector<16xi32>
    %reduce_max3A_831 = tpu.scan <max>, %reduce_max3A_830 masked %reduce_max3A_827 : vector<16xi32>, vector<16xi1> -> vector<16xi32>
    %reduce_max3A_832 = arith.xori %reduce_max3A_831, %reduce_max3A_829 : vector<16xi32>
    %reduce_max3A_833 = vector.extract %reduce_max3A_832[15] : i32 from vector<16xi32>
    %sub3A_834 = vector.broadcast %reduce_max3A_833 : i32 to vector<16xi32>
    %sub3A_835 = arith.subi %sub3A_834, %masked_cumsum3A_825 : vector<16xi32>
    %lt3A_836 = vector.broadcast %sub3A_821 : i32 to vector<16xi32>
    %lt3A_837 = arith.cmpi slt, %sub3A_835, %lt3A_836 : vector<16xi32>
    %add3A_838 = arith.addi %sub3A_835, %get3A_820 : vector<16xi32>
    %ge3A_839 = vector.broadcast %sub3A_821 : i32 to vector<16xi32>
    %ge3A_840 = arith.cmpi sge, %add3A_838, %ge3A_839 : vector<16xi32>
    %and3A_841 = arith.andi %lt3A_837, %ge3A_840 : vector<16xi1>
    %jit3A_842 = arith.constant -1 : i32
    %broadcast_in_dim3A_843 = vector.broadcast %jit3A_842 : i32 to vector<16xi32>
    %select_n3A_844 = arith.select %and3A_841, %iota3A_822, %broadcast_in_dim3A_843 : vector<16xi1>, vector<16xi32>
    %reduce_max3A_845 = arith.constant true
    %reduce_max3A_846 = vector.broadcast %reduce_max3A_845 : i1 to vector<16xi1>
    %reduce_max3A_847 = arith.constant -2147483648 : i32
    %reduce_max3A_848 = vector.broadcast %reduce_max3A_847 : i32 to vector<16xi32>
    %reduce_max3A_849 = arith.xori %select_n3A_844, %reduce_max3A_848 : vector<16xi32>
    %reduce_max3A_850 = tpu.scan <max>, %reduce_max3A_849 masked %reduce_max3A_846 : vector<16xi32>, vector<16xi1> -> vector<16xi32>
    %reduce_max3A_851 = arith.xori %reduce_max3A_850, %reduce_max3A_848 : vector<16xi32>
    %reduce_max3A_852 = vector.extract %reduce_max3A_851[15] : i32 from vector<16xi32>
    %sub3A_853 = vector.broadcast %sub3A_821 : i32 to vector<16xi32>
    %sub3A_854 = arith.subi %sub3A_853, %sub3A_835 : vector<16xi32>
    %jit3A_855 = arith.constant -1 : i32
    %broadcast_in_dim3A_856 = vector.broadcast %jit3A_855 : i32 to vector<16xi32>
    %select_n3A_857 = arith.select %and3A_841, %sub3A_854, %broadcast_in_dim3A_856 : vector<16xi1>, vector<16xi32>
    %reduce_max3A_858 = arith.constant true
    %reduce_max3A_859 = vector.broadcast %reduce_max3A_858 : i1 to vector<16xi1>
    %reduce_max3A_860 = arith.constant -2147483648 : i32
    %reduce_max3A_861 = vector.broadcast %reduce_max3A_860 : i32 to vector<16xi32>
    %reduce_max3A_862 = arith.xori %select_n3A_857, %reduce_max3A_861 : vector<16xi32>
    %reduce_max3A_863 = tpu.scan <max>, %reduce_max3A_862 masked %reduce_max3A_859 : vector<16xi32>, vector<16xi1> -> vector<16xi32>
    %reduce_max3A_864 = arith.xori %reduce_max3A_863, %reduce_max3A_861 : vector<16xi32>
    %reduce_max3A_865 = vector.extract %reduce_max3A_864[15] : i32 from vector<16xi32>
    %jit3A_866 = arith.constant -1 : i32
    %broadcast_in_dim3A_867 = vector.broadcast %jit3A_866 : i32 to vector<16xi32>
    %select_n3A_868 = arith.select %and3A_841, %get3A_820, %broadcast_in_dim3A_867 : vector<16xi1>, vector<16xi32>
    %reduce_max3A_869 = arith.constant true
    %reduce_max3A_870 = vector.broadcast %reduce_max3A_869 : i1 to vector<16xi1>
    %reduce_max3A_871 = arith.constant -2147483648 : i32
    %reduce_max3A_872 = vector.broadcast %reduce_max3A_871 : i32 to vector<16xi32>
    %reduce_max3A_873 = arith.xori %select_n3A_868, %reduce_max3A_872 : vector<16xi32>
    %reduce_max3A_874 = tpu.scan <max>, %reduce_max3A_873 masked %reduce_max3A_870 : vector<16xi32>, vector<16xi1> -> vector<16xi32>
    %reduce_max3A_875 = arith.xori %reduce_max3A_874, %reduce_max3A_872 : vector<16xi32>
    %reduce_max3A_876 = vector.extract %reduce_max3A_875[15] : i32 from vector<16xi32>
    %mul3A_877 = arith.constant 16 : i32
    %mul3A_878 = arith.muli %while3A_816#1, %mul3A_877 : i32
    %add3A_879 = arith.addi %mul3A_878, %reduce_max3A_852 : i32
    %shift_left3A_880 = arith.constant 8 : i32
    %shift_left3A_881 = arith.shli %or3A_800, %shift_left3A_880 : i32
    %or3A_882 = arith.ori %shift_left3A_881, %add3A_879 : i32
    %shift_left3A_883 = arith.constant 8 : i32
    %shift_left3A_884 = arith.shli %or3A_800, %shift_left3A_883 : i32
    %select_n3A_885 = arith.select %lt3A_801, %or3A_882, %shift_left3A_884 : i32
    %lt3A_886 = arith.cmpi slt, %reduce_max3A_865, %reduce_max3A_876 : i32
    %and3A_887 = arith.andi %lt3A_801, %lt3A_886 : i1
    %ge3A_888 = arith.constant 0 : i32
    %ge3A_889 = arith.cmpi sge, %select_n3A_885, %ge3A_888 : i32
    %xor3A_890 = arith.constant 2147483647 : i32
    %xor3A_891 = arith.xori %select_n3A_885, %xor3A_890 : i32
    %select_n3A_892 = arith.select %ge3A_889, %select_n3A_885, %xor3A_891 : i32
    %bitcast_convert_type3A_893 = arith.bitcast %select_n3A_892 : i32 to f32
    %not3A_894 = arith.constant true
    %not3A_895 = arith.xori %and3A_887, %not3A_894 : i1
    %eq3A_896 = arith.constant 0 : i32
    %eq3A_897 = arith.cmpi eq, %select_n3A_885, %eq3A_896 : i32
    %and3A_898 = arith.andi %not3A_895, %eq3A_897 : i1
    %not3A_899 = arith.constant true
    %not3A_900 = arith.xori %and3A_887, %not3A_899 : i1
    %ne3A_901 = arith.constant 0 : i32
    %ne3A_902 = arith.cmpi ne, %select_n3A_885, %ne3A_901 : i32
    %and3A_903 = arith.andi %not3A_900, %ne3A_902 : i1
    %convert_element_type3A_904 = arith.extui %and3A_903 : i1 to i32
    %cond3A_905 = arith.constant 0 : i32
    %cond3A_906 = arith.cmpi ne, %convert_element_type3A_904, %cond3A_905 : i32
    scf.if %cond3A_906 {
      %parallel_loop3A_1240 = arith.constant 0 : i32
      %parallel_loop3A_1241 = arith.constant 2048 : i32
      %parallel_loop3A_1242 = arith.constant 1 : i32
      scf.for %parallel_loop3A_1243 = %parallel_loop3A_1240 to %parallel_loop3A_1241 step %parallel_loop3A_1242  : i32 {
        %parallel_loop3A_1244 = arith.constant 16 : i32
        %parallel_loop3A_1245 = arith.muli %parallel_loop3A_1243, %parallel_loop3A_1244 : i32
        %parallel_loop3A_1246 = arith.index_cast %parallel_loop3A_1245 : i32 to index
        %parallel_loop3A_1247 = tpu.vector_load %arg6[%parallel_loop3A_1246] {strides = array<i32>} : memref<32768xf32, #tpu.memory_space<vmem>>, vector<16xf32>,
        %parallel_loop3A_1248 = vector.broadcast %bitcast_convert_type3A_893 : f32 to vector<16xf32>
        %parallel_loop3A_1249 = arith.cmpf oge, %parallel_loop3A_1247, %parallel_loop3A_1248 : vector<16xf32>
        %parallel_loop3A_1250 = arith.constant 1.000000e+00 : f32
        %parallel_loop3A_1251 = arith.constant 0.000000e+00 : f32
        %parallel_loop3A_1252 = vector.broadcast %parallel_loop3A_1250 : f32 to vector<16xf32>
        %parallel_loop3A_1253 = vector.broadcast %parallel_loop3A_1251 : f32 to vector<16xf32>
        %parallel_loop3A_1254 = arith.select %parallel_loop3A_1249, %parallel_loop3A_1252, %parallel_loop3A_1253 : vector<16xi1>, vector<16xf32>
        %parallel_loop3A_1255 = arith.index_cast %parallel_loop3A_1245 : i32 to index
        %parallel_loop3A_1256 = tpu.vector_load %arg6[%parallel_loop3A_1255] {strides = array<i32>} : memref<32768xf32, #tpu.memory_space<vmem>>, vector<16xf32>,
        tpu.vector_store %arg6[%parallel_loop3A_1255], %parallel_loop3A_1254 {strides = array<i32>} : memref<32768xf32, #tpu.memory_space<vmem>>, vector<16xf32>,
      } {sc.loop_unroll_factor = 8 : i64, sc.parallel_access}
    } else {
    }
    %convert_element_type3A_907 = arith.extui %and3A_898 : i1 to i32
    %cond3A_908 = arith.constant 0 : i32
    %cond3A_909 = arith.cmpi ne, %convert_element_type3A_907, %cond3A_908 : i32
    scf.if %cond3A_909 {
      %parallel_loop3A_1240 = arith.constant 0 : i32
      %parallel_loop3A_1241 = arith.constant 2048 : i32
      %parallel_loop3A_1242 = arith.constant 1 : i32
      scf.for %parallel_loop3A_1243 = %parallel_loop3A_1240 to %parallel_loop3A_1241 step %parallel_loop3A_1242  : i32 {
        %parallel_loop3A_1244 = arith.constant 16 : i32
        %parallel_loop3A_1245 = arith.muli %parallel_loop3A_1243, %parallel_loop3A_1244 : i32
        %parallel_loop3A_1246 = arith.index_cast %parallel_loop3A_1245 : i32 to index
        %parallel_loop3A_1247 = tpu.vector_load %arg6[%parallel_loop3A_1246] {strides = array<i32>} : memref<32768xf32, #tpu.memory_space<vmem>>, vector<16xf32>,
        %parallel_loop3A_1248 = tpu.bitcast %parallel_loop3A_1247 : vector<16xf32> -> vector<16xi32>
        %parallel_loop3A_1249 = arith.constant 31 : i32
        %parallel_loop3A_1250 = vector.broadcast %parallel_loop3A_1249 : i32 to vector<16xi32>
        %parallel_loop3A_1251 = arith.shrsi %parallel_loop3A_1248, %parallel_loop3A_1250 : vector<16xi32>
        %parallel_loop3A_1252 = arith.constant 2147483647 : i32
        %parallel_loop3A_1253 = vector.broadcast %parallel_loop3A_1252 : i32 to vector<16xi32>
        %parallel_loop3A_1254 = arith.andi %parallel_loop3A_1251, %parallel_loop3A_1253 : vector<16xi32>
        %parallel_loop3A_1255 = arith.xori %parallel_loop3A_1248, %parallel_loop3A_1254 : vector<16xi32>
        %parallel_loop3A_1256 = vector.broadcast %select_n3A_885 : i32 to vector<16xi32>
        %parallel_loop3A_1257 = arith.cmpi sge, %parallel_loop3A_1255, %parallel_loop3A_1256 : vector<16xi32>
        %parallel_loop3A_1258 = arith.constant 1.000000e+00 : f32
        %parallel_loop3A_1259 = arith.constant 0.000000e+00 : f32
        %parallel_loop3A_1260 = vector.broadcast %parallel_loop3A_1258 : f32 to vector<16xf32>
        %parallel_loop3A_1261 = vector.broadcast %parallel_loop3A_1259 : f32 to vector<16xf32>
        %parallel_loop3A_1262 = arith.select %parallel_loop3A_1257, %parallel_loop3A_1260, %parallel_loop3A_1261 : vector<16xi1>, vector<16xf32>
        %parallel_loop3A_1263 = arith.index_cast %parallel_loop3A_1245 : i32 to index
        %parallel_loop3A_1264 = tpu.vector_load %arg6[%parallel_loop3A_1263] {strides = array<i32>} : memref<32768xf32, #tpu.memory_space<vmem>>, vector<16xf32>,
        tpu.vector_store %arg6[%parallel_loop3A_1263], %parallel_loop3A_1262 {strides = array<i32>} : memref<32768xf32, #tpu.memory_space<vmem>>, vector<16xf32>,
      } {sc.loop_unroll_factor = 8 : i64, sc.parallel_access}
    } else {
    }
    %convert_element_type3A_910 = arith.extui %and3A_887 : i1 to i32
    %cond3A_911 = arith.constant 0 : i32
    %cond3A_912 = arith.cmpi ne, %convert_element_type3A_910, %cond3A_911 : i32
    scf.if %cond3A_912 {
      %scan3A = arith.constant 0 : i32
      %scan3A_1240 = arith.constant 0 : i32
      %scan3A_1241 = arith.constant 2048 : i32
      %scan3A_1242 = arith.addi %scan3A_1240, %scan3A_1241 : i32
      %scan3A_1243 = arith.constant 1 : i32
      %scan3A_1244 = scf.for %scan3A_1246 = %scan3A_1240 to %scan3A_1242 step %scan3A_1243 iter_args(%scan3A_1247 = %scan3A) -> (i32)  : i32 {
        %mul3A_1248 = arith.constant 16 : i32
        %mul3A_1249 = arith.muli %scan3A_1246, %mul3A_1248 : i32
        %get3A_1250 = arith.index_cast %mul3A_1249 : i32 to index
        %get3A_1251 = tpu.vector_load %arg6[%get3A_1250] {strides = array<i32>} : memref<32768xf32, #tpu.memory_space<vmem>>, vector<16xf32>,
        %bitcast_convert_type3A_1252 = tpu.bitcast %get3A_1251 : vector<16xf32> -> vector<16xi32>
        %shift_right_arithmetic3A = arith.constant 31 : i32
        %shift_right_arithmetic3A_1253 = vector.broadcast %shift_right_arithmetic3A : i32 to vector<16xi32>
        %shift_right_arithmetic3A_1254 = arith.shrsi %bitcast_convert_type3A_1252, %shift_right_arithmetic3A_1253 : vector<16xi32>
        %and3A_1255 = arith.constant 2147483647 : i32
        %and3A_1256 = vector.broadcast %and3A_1255 : i32 to vector<16xi32>
        %and3A_1257 = arith.andi %shift_right_arithmetic3A_1254, %and3A_1256 : vector<16xi32>
        %xor3A_1258 = arith.xori %bitcast_convert_type3A_1252, %and3A_1257 : vector<16xi32>
        %eq3A_1259 = vector.broadcast %select_n3A_885 : i32 to vector<16xi32>
        %eq3A_1260 = arith.cmpi eq, %xor3A_1258, %eq3A_1259 : vector<16xi32>
        %convert_element_type3A_1261 = arith.extui %eq3A_1260 : vector<16xi1> to vector<16xi32>
        %broadcast_in_dim3A_1262 = arith.constant true
        %broadcast_in_dim3A_1263 = vector.broadcast %broadcast_in_dim3A_1262 : i1 to vector<16xi1>
        %masked_cumsum3A_1264 = tpu.scan <sum>, %convert_element_type3A_1261 masked %broadcast_in_dim3A_1263 : vector<16xi32>, vector<16xi1> -> vector<16xi32>
        %add3A_1265 = vector.broadcast %scan3A_1247 : i32 to vector<16xi32>
        %add3A_1266 = arith.addi %add3A_1265, %masked_cumsum3A_1264 : vector<16xi32>
        %le3A = vector.broadcast %reduce_max3A_865 : i32 to vector<16xi32>
        %le3A_1267 = arith.cmpi sle, %add3A_1266, %le3A : vector<16xi32>
        %and3A_1268 = arith.andi %eq3A_1260, %le3A_1267 : vector<16xi1>
        %gt3A = vector.broadcast %select_n3A_885 : i32 to vector<16xi32>
        %gt3A_1269 = arith.cmpi sgt, %xor3A_1258, %gt3A : vector<16xi32>
        %or3A_1270 = arith.ori %gt3A_1269, %and3A_1268 : vector<16xi1>
        %jit3A_1271 = arith.constant 1.000000e+00 : f32
        %jit3A_1272 = arith.constant 0.000000e+00 : f32
        %broadcast_in_dim3A_1273 = vector.broadcast %jit3A_1271 : f32 to vector<16xf32>
        %broadcast_in_dim3A_1274 = vector.broadcast %jit3A_1272 : f32 to vector<16xf32>
        %select_n3A_1275 = arith.select %or3A_1270, %broadcast_in_dim3A_1273, %broadcast_in_dim3A_1274 : vector<16xi1>, vector<16xf32>
        %swap3A = arith.index_cast %mul3A_1249 : i32 to index
        %swap3A_1276 = tpu.vector_load %arg6[%swap3A] {strides = array<i32>} : memref<32768xf32, #tpu.memory_space<vmem>>, vector<16xf32>,
        tpu.vector_store %arg6[%swap3A], %select_n3A_1275 {strides = array<i32>} : memref<32768xf32, #tpu.memory_space<vmem>>, vector<16xf32>,
        %reduce_sum3A_1277 = arith.constant true
        %reduce_sum3A_1278 = vector.broadcast %reduce_sum3A_1277 : i1 to vector<16xi1>
        %reduce_sum3A_1279 = tpu.scan <sum>, %convert_element_type3A_1261 masked %reduce_sum3A_1278 : vector<16xi32>, vector<16xi1> -> vector<16xi32>
        %reduce_sum3A_1280 = vector.extract %reduce_sum3A_1279[15] : i32 from vector<16xi32>
        %add3A_1281 = arith.addi %scan3A_1247, %reduce_sum3A_1280 : i32
        scf.yield %add3A_1281 : i32
      }
      %scan3A_1245 = arith.constant 2048 : i32
    } else {
    }
    %add3A_913 = arith.constant 2 : i32
    %add3A_914 = arith.addi %mul3A_2, %add3A_913 : i32
    %dma_start3A_915 = arith.constant 0 : i32
    %dma_start3A_916 = tpu.memref_slice %arg3[%add3A_914, %dma_start3A_915] : memref<128x32768xf32, #tpu.memory_space<hbm>> -> memref<1x32768xf32, #tpu.memory_space<hbm>>
    %dma_start3A_917 = tpu.memref_squeeze %dma_start3A_916 : memref<1x32768xf32, #tpu.memory_space<hbm>> -> memref<32768xf32, #tpu.memory_space<hbm>>
    %dma_start3A_918 = arith.constant 0 : i32
    %dma_start3A_919 = tpu.memref_slice %arg3[%add3A_914, %dma_start3A_918] : memref<128x32768xf32, #tpu.memory_space<hbm>> -> memref<1x32768xf32, #tpu.memory_space<hbm>>
    %dma_start3A_920 = tpu.memref_squeeze %dma_start3A_919 : memref<1x32768xf32, #tpu.memory_space<hbm>> -> memref<32768xf32, #tpu.memory_space<hbm>>
    tpu.enqueue_dma source(%arg6 : memref<32768xf32, #tpu.memory_space<vmem>>) target(%dma_start3A_920 : memref<32768xf32, #tpu.memory_space<hbm>>) target_semaphore(%arg15 : memref<!tpu.dma_semaphore, #tpu.memory_space<semaphore_mem>>)
    %dma_wait3A_921 = arith.constant 0 : i32
    %dma_wait3A_922 = tpu.memref_slice %arg2[%add3A_613, %dma_wait3A_921] : memref<128x32768xf32, #tpu.memory_space<hbm>> -> memref<1x32768xf32, #tpu.memory_space<hbm>>
    %dma_wait3A_923 = tpu.memref_squeeze %dma_wait3A_922 : memref<1x32768xf32, #tpu.memory_space<hbm>> -> memref<32768xf32, #tpu.memory_space<hbm>>
    %dma_wait3A_924 = arith.constant 0 : i32
    %dma_wait3A_925 = tpu.memref_slice %arg2[%add3A_613, %dma_wait3A_924] : memref<128x32768xf32, #tpu.memory_space<hbm>> -> memref<1x32768xf32, #tpu.memory_space<hbm>>
    %dma_wait3A_926 = tpu.memref_squeeze %dma_wait3A_925 : memref<1x32768xf32, #tpu.memory_space<hbm>> -> memref<32768xf32, #tpu.memory_space<hbm>>
    tpu.wait_dma2 semaphore(%arg10 : memref<!tpu.dma_semaphore, #tpu.memory_space<semaphore_mem>>) src(%dma_wait3A_926 : memref<32768xf32, #tpu.memory_space<hbm>>) dst(%arg4 : memref<32768xf32, #tpu.memory_space<vmem>>)
    %broadcast_in_dim3A_927 = arith.constant 0 : i32
    %broadcast_in_dim3A_928 = vector.broadcast %broadcast_in_dim3A_927 : i32 to vector<16xi32>
    %parallel_loop3A_929 = arith.constant 0 : i32
    %parallel_loop3A_930 = arith.constant 256 : i32
    %parallel_loop3A_931 = arith.constant 1 : i32
    scf.for %parallel_loop3A_1240 = %parallel_loop3A_929 to %parallel_loop3A_930 step %parallel_loop3A_931  : i32 {
      %parallel_loop3A_1241 = arith.constant 16 : i32
      %parallel_loop3A_1242 = arith.muli %parallel_loop3A_1240, %parallel_loop3A_1241 : i32
      %parallel_loop3A_1243 = arith.index_cast %parallel_loop3A_1242 : i32 to index
      %parallel_loop3A_1244 = tpu.vector_load %arg7[%parallel_loop3A_1243] {strides = array<i32>} : memref<4096xi32, #tpu.memory_space<vmem>>, vector<16xi32>,
      tpu.vector_store %arg7[%parallel_loop3A_1243], %broadcast_in_dim3A_928 {strides = array<i32>} : memref<4096xi32, #tpu.memory_space<vmem>>, vector<16xi32>,
    } {sc.loop_unroll_factor = 4 : i64, sc.parallel_access}
    %broadcast_in_dim3A_932 = arith.constant 0 : i32
    %broadcast_in_dim3A_933 = vector.broadcast %broadcast_in_dim3A_932 : i32 to vector<16xi32>
    %parallel_loop3A_934 = arith.constant 0 : i32
    %parallel_loop3A_935 = arith.constant 256 : i32
    %parallel_loop3A_936 = arith.constant 1 : i32
    scf.for %parallel_loop3A_1240 = %parallel_loop3A_934 to %parallel_loop3A_935 step %parallel_loop3A_936  : i32 {
      %parallel_loop3A_1241 = arith.constant 16 : i32
      %parallel_loop3A_1242 = arith.muli %parallel_loop3A_1240, %parallel_loop3A_1241 : i32
      %parallel_loop3A_1243 = arith.index_cast %parallel_loop3A_1242 : i32 to index
      %parallel_loop3A_1244 = tpu.vector_load %arg8[%parallel_loop3A_1243] {strides = array<i32>} : memref<4096xi32, #tpu.memory_space<vmem>>, vector<16xi32>,
      tpu.vector_store %arg8[%parallel_loop3A_1243], %broadcast_in_dim3A_933 {strides = array<i32>} : memref<4096xi32, #tpu.memory_space<vmem>>, vector<16xi32>,
    } {sc.loop_unroll_factor = 4 : i64, sc.parallel_access}
    %parallel_loop3A_937 = arith.constant 0 : i32
    %parallel_loop3A_938 = arith.constant 2048 : i32
    %parallel_loop3A_939 = arith.constant 1 : i32
    scf.for %parallel_loop3A_1240 = %parallel_loop3A_937 to %parallel_loop3A_938 step %parallel_loop3A_939  : i32 {
      %parallel_loop3A_1241 = arith.constant 16 : i32
      %parallel_loop3A_1242 = arith.muli %parallel_loop3A_1240, %parallel_loop3A_1241 : i32
      %parallel_loop3A_1243 = arith.index_cast %parallel_loop3A_1242 : i32 to index
      %parallel_loop3A_1244 = tpu.vector_load %arg4[%parallel_loop3A_1243] {strides = array<i32>} : memref<32768xf32, #tpu.memory_space<vmem>>, vector<16xf32>,
      %parallel_loop3A_1245 = tpu.bitcast %parallel_loop3A_1244 : vector<16xf32> -> vector<16xi32>
      %parallel_loop3A_1246 = arith.constant 31 : i32
      %parallel_loop3A_1247 = vector.broadcast %parallel_loop3A_1246 : i32 to vector<16xi32>
      %parallel_loop3A_1248 = arith.shrsi %parallel_loop3A_1245, %parallel_loop3A_1247 : vector<16xi32>
      %parallel_loop3A_1249 = arith.constant 2147483647 : i32
      %parallel_loop3A_1250 = vector.broadcast %parallel_loop3A_1249 : i32 to vector<16xi32>
      %parallel_loop3A_1251 = arith.andi %parallel_loop3A_1248, %parallel_loop3A_1250 : vector<16xi32>
      %parallel_loop3A_1252 = arith.xori %parallel_loop3A_1245, %parallel_loop3A_1251 : vector<16xi32>
      %parallel_loop3A_1253 = arith.constant 20 : i32
      %parallel_loop3A_1254 = vector.broadcast %parallel_loop3A_1253 : i32 to vector<16xi32>
      %parallel_loop3A_1255 = arith.shrsi %parallel_loop3A_1252, %parallel_loop3A_1254 : vector<16xi32>
      %parallel_loop3A_1256 = arith.constant 2048 : i32
      %parallel_loop3A_1257 = vector.broadcast %parallel_loop3A_1256 : i32 to vector<16xi32>
      %parallel_loop3A_1258 = arith.addi %parallel_loop3A_1255, %parallel_loop3A_1257 : vector<16xi32>
      tpu.vector_store_idx %arg7[%parallel_loop3A_1258], %broadcast_in_dim3A_3 {add = true} : memref<4096xi32, #tpu.memory_space<vmem>>[vector<16xi32>], vector<16xi32>,
    } {sc.loop_unroll_factor = 8 : i64, sc.parallel_access}
    %mul3A_940 = arith.constant 255 : i32
    %mul3A_941 = arith.constant 16 : i32
    %mul3A_942 = arith.muli %mul3A_940, %mul3A_941 : i32
    %get3A_943 = arith.index_cast %mul3A_942 : i32 to index
    %get3A_944 = tpu.vector_load %arg7[%get3A_943] {strides = array<i32>} : memref<4096xi32, #tpu.memory_space<vmem>>, vector<16xi32>,
    %reduce_sum3A_945 = arith.constant true
    %reduce_sum3A_946 = vector.broadcast %reduce_sum3A_945 : i1 to vector<16xi1>
    %reduce_sum3A_947 = tpu.scan <sum>, %get3A_944 masked %reduce_sum3A_946 : vector<16xi32>, vector<16xi1> -> vector<16xi32>
    %reduce_sum3A_948 = vector.extract %reduce_sum3A_947[15] : i32 from vector<16xi32>
    %while3A_949 = arith.constant 1639 : i32
    %while3A_950 = arith.constant 0 : i32
    %while3A_951 = arith.constant 255 : i32
    %while3A_952:3 = scf.while (%while3A_1240 = %while3A_950, %while3A_1241 = %while3A_951, %while3A_1242 = %reduce_sum3A_948) : (i32, i32, i32) -> (i32, i32, i32) {
      %add3A_1243 = arith.addi %while3A_1240, %while3A_1242 : i32
      %lt3A_1244 = arith.cmpi slt, %add3A_1243, %while3A_949 : i32
      %gt3A = arith.constant 0 : i32
      %gt3A_1245 = arith.cmpi sgt, %while3A_1241, %gt3A : i32
      %and3A_1246 = arith.andi %lt3A_1244, %gt3A_1245 : i1
      scf.condition(%and3A_1246) %while3A_1240, %while3A_1241, %while3A_1242 : i32, i32, i32
    } do {
    ^bb0(%while3A_1240: i32, %while3A_1241: i32, %while3A_1242: i32):
      %sub3A_1243 = arith.constant 1 : i32
      %sub3A_1244 = arith.subi %while3A_1241, %sub3A_1243 : i32
      %add3A_1245 = arith.addi %while3A_1240, %while3A_1242 : i32
      %mul3A_1246 = arith.constant 16 : i32
      %mul3A_1247 = arith.muli %sub3A_1244, %mul3A_1246 : i32
      %get3A_1248 = arith.index_cast %mul3A_1247 : i32 to index
      %get3A_1249 = tpu.vector_load %arg7[%get3A_1248] {strides = array<i32>} : memref<4096xi32, #tpu.memory_space<vmem>>, vector<16xi32>,
      %reduce_sum3A_1250 = arith.constant true
      %reduce_sum3A_1251 = vector.broadcast %reduce_sum3A_1250 : i1 to vector<16xi1>
      %reduce_sum3A_1252 = tpu.scan <sum>, %get3A_1249 masked %reduce_sum3A_1251 : vector<16xi32>, vector<16xi1> -> vector<16xi32>
      %reduce_sum3A_1253 = vector.extract %reduce_sum3A_1252[15] : i32 from vector<16xi32>
      scf.yield %add3A_1245, %sub3A_1244, %reduce_sum3A_1253 : i32, i32, i32
    }
    %mul3A_953 = arith.constant 16 : i32
    %mul3A_954 = arith.muli %while3A_952#1, %mul3A_953 : i32
    %get3A_955 = arith.index_cast %mul3A_954 : i32 to index
    %get3A_956 = tpu.vector_load %arg7[%get3A_955] {strides = array<i32>} : memref<4096xi32, #tpu.memory_space<vmem>>, vector<16xi32>,
    %sub3A_957 = arith.constant 1639 : i32
    %sub3A_958 = arith.subi %sub3A_957, %while3A_952#0 : i32
    %iota3A_959 = tpu.iota {dimensions = array<i32: 0>} : vector<16xi32>
    %broadcast_in_dim3A_960 = arith.constant true
    %broadcast_in_dim3A_961 = vector.broadcast %broadcast_in_dim3A_960 : i1 to vector<16xi1>
    %masked_cumsum3A_962 = tpu.scan <sum>, %get3A_956 masked %broadcast_in_dim3A_961 : vector<16xi32>, vector<16xi1> -> vector<16xi32>
    %reduce_max3A_963 = arith.constant true
    %reduce_max3A_964 = vector.broadcast %reduce_max3A_963 : i1 to vector<16xi1>
    %reduce_max3A_965 = arith.constant -2147483648 : i32
    %reduce_max3A_966 = vector.broadcast %reduce_max3A_965 : i32 to vector<16xi32>
    %reduce_max3A_967 = arith.xori %masked_cumsum3A_962, %reduce_max3A_966 : vector<16xi32>
    %reduce_max3A_968 = tpu.scan <max>, %reduce_max3A_967 masked %reduce_max3A_964 : vector<16xi32>, vector<16xi1> -> vector<16xi32>
    %reduce_max3A_969 = arith.xori %reduce_max3A_968, %reduce_max3A_966 : vector<16xi32>
    %reduce_max3A_970 = vector.extract %reduce_max3A_969[15] : i32 from vector<16xi32>
    %sub3A_971 = vector.broadcast %reduce_max3A_970 : i32 to vector<16xi32>
    %sub3A_972 = arith.subi %sub3A_971, %masked_cumsum3A_962 : vector<16xi32>
    %lt3A_973 = vector.broadcast %sub3A_958 : i32 to vector<16xi32>
    %lt3A_974 = arith.cmpi slt, %sub3A_972, %lt3A_973 : vector<16xi32>
    %add3A_975 = arith.addi %sub3A_972, %get3A_956 : vector<16xi32>
    %ge3A_976 = vector.broadcast %sub3A_958 : i32 to vector<16xi32>
    %ge3A_977 = arith.cmpi sge, %add3A_975, %ge3A_976 : vector<16xi32>
    %and3A_978 = arith.andi %lt3A_974, %ge3A_977 : vector<16xi1>
    %jit3A_979 = arith.constant -1 : i32
    %broadcast_in_dim3A_980 = vector.broadcast %jit3A_979 : i32 to vector<16xi32>
    %select_n3A_981 = arith.select %and3A_978, %iota3A_959, %broadcast_in_dim3A_980 : vector<16xi1>, vector<16xi32>
    %reduce_max3A_982 = arith.constant true
    %reduce_max3A_983 = vector.broadcast %reduce_max3A_982 : i1 to vector<16xi1>
    %reduce_max3A_984 = arith.constant -2147483648 : i32
    %reduce_max3A_985 = vector.broadcast %reduce_max3A_984 : i32 to vector<16xi32>
    %reduce_max3A_986 = arith.xori %select_n3A_981, %reduce_max3A_985 : vector<16xi32>
    %reduce_max3A_987 = tpu.scan <max>, %reduce_max3A_986 masked %reduce_max3A_983 : vector<16xi32>, vector<16xi1> -> vector<16xi32>
    %reduce_max3A_988 = arith.xori %reduce_max3A_987, %reduce_max3A_985 : vector<16xi32>
    %reduce_max3A_989 = vector.extract %reduce_max3A_988[15] : i32 from vector<16xi32>
    %sub3A_990 = vector.broadcast %sub3A_958 : i32 to vector<16xi32>
    %sub3A_991 = arith.subi %sub3A_990, %sub3A_972 : vector<16xi32>
    %jit3A_992 = arith.constant -1 : i32
    %broadcast_in_dim3A_993 = vector.broadcast %jit3A_992 : i32 to vector<16xi32>
    %select_n3A_994 = arith.select %and3A_978, %sub3A_991, %broadcast_in_dim3A_993 : vector<16xi1>, vector<16xi32>
    %reduce_max3A_995 = arith.constant true
    %reduce_max3A_996 = vector.broadcast %reduce_max3A_995 : i1 to vector<16xi1>
    %reduce_max3A_997 = arith.constant -2147483648 : i32
    %reduce_max3A_998 = vector.broadcast %reduce_max3A_997 : i32 to vector<16xi32>
    %reduce_max3A_999 = arith.xori %select_n3A_994, %reduce_max3A_998 : vector<16xi32>
    %reduce_max3A_1000 = tpu.scan <max>, %reduce_max3A_999 masked %reduce_max3A_996 : vector<16xi32>, vector<16xi1> -> vector<16xi32>
    %reduce_max3A_1001 = arith.xori %reduce_max3A_1000, %reduce_max3A_998 : vector<16xi32>
    %reduce_max3A_1002 = vector.extract %reduce_max3A_1001[15] : i32 from vector<16xi32>
    %jit3A_1003 = arith.constant -1 : i32
    %broadcast_in_dim3A_1004 = vector.broadcast %jit3A_1003 : i32 to vector<16xi32>
    %select_n3A_1005 = arith.select %and3A_978, %get3A_956, %broadcast_in_dim3A_1004 : vector<16xi1>, vector<16xi32>
    %reduce_max3A_1006 = arith.constant true
    %reduce_max3A_1007 = vector.broadcast %reduce_max3A_1006 : i1 to vector<16xi1>
    %reduce_max3A_1008 = arith.constant -2147483648 : i32
    %reduce_max3A_1009 = vector.broadcast %reduce_max3A_1008 : i32 to vector<16xi32>
    %reduce_max3A_1010 = arith.xori %select_n3A_1005, %reduce_max3A_1009 : vector<16xi32>
    %reduce_max3A_1011 = tpu.scan <max>, %reduce_max3A_1010 masked %reduce_max3A_1007 : vector<16xi32>, vector<16xi1> -> vector<16xi32>
    %reduce_max3A_1012 = arith.xori %reduce_max3A_1011, %reduce_max3A_1009 : vector<16xi32>
    %reduce_max3A_1013 = vector.extract %reduce_max3A_1012[15] : i32 from vector<16xi32>
    %mul3A_1014 = arith.constant 16 : i32
    %mul3A_1015 = arith.muli %while3A_952#1, %mul3A_1014 : i32
    %add3A_1016 = arith.addi %mul3A_1015, %reduce_max3A_989 : i32
    %sub3A_1017 = arith.constant 2048 : i32
    %sub3A_1018 = arith.subi %add3A_1016, %sub3A_1017 : i32
    %shift_left3A_1019 = arith.constant 20 : i32
    %shift_left3A_1020 = arith.shli %sub3A_1018, %shift_left3A_1019 : i32
    %parallel_loop3A_1021 = arith.constant 0 : i32
    %parallel_loop3A_1022 = arith.constant 2048 : i32
    %parallel_loop3A_1023 = arith.constant 1 : i32
    scf.for %parallel_loop3A_1240 = %parallel_loop3A_1021 to %parallel_loop3A_1022 step %parallel_loop3A_1023  : i32 {
      %parallel_loop3A_1241 = arith.constant 16 : i32
      %parallel_loop3A_1242 = arith.muli %parallel_loop3A_1240, %parallel_loop3A_1241 : i32
      %parallel_loop3A_1243 = arith.index_cast %parallel_loop3A_1242 : i32 to index
      %parallel_loop3A_1244 = tpu.vector_load %arg4[%parallel_loop3A_1243] {strides = array<i32>} : memref<32768xf32, #tpu.memory_space<vmem>>, vector<16xf32>,
      %parallel_loop3A_1245 = tpu.bitcast %parallel_loop3A_1244 : vector<16xf32> -> vector<16xi32>
      %parallel_loop3A_1246 = arith.constant 31 : i32
      %parallel_loop3A_1247 = vector.broadcast %parallel_loop3A_1246 : i32 to vector<16xi32>
      %parallel_loop3A_1248 = arith.shrsi %parallel_loop3A_1245, %parallel_loop3A_1247 : vector<16xi32>
      %parallel_loop3A_1249 = arith.constant 2147483647 : i32
      %parallel_loop3A_1250 = vector.broadcast %parallel_loop3A_1249 : i32 to vector<16xi32>
      %parallel_loop3A_1251 = arith.andi %parallel_loop3A_1248, %parallel_loop3A_1250 : vector<16xi32>
      %parallel_loop3A_1252 = arith.xori %parallel_loop3A_1245, %parallel_loop3A_1251 : vector<16xi32>
      %parallel_loop3A_1253 = vector.broadcast %shift_left3A_1020 : i32 to vector<16xi32>
      %parallel_loop3A_1254 = arith.subi %parallel_loop3A_1252, %parallel_loop3A_1253 : vector<16xi32>
      %parallel_loop3A_1255 = tpu.bitcast %parallel_loop3A_1254 : vector<16xi32> -> vector<16xi32>
      %parallel_loop3A_1256 = arith.constant 1048576 : i32
      %parallel_loop3A_1257 = vector.broadcast %parallel_loop3A_1256 : i32 to vector<16xi32>
      %parallel_loop3A_1258 = arith.cmpi ult, %parallel_loop3A_1255, %parallel_loop3A_1257 : vector<16xi32>
      %parallel_loop3A_1259 = arith.constant 8 : i32
      %parallel_loop3A_1260 = vector.broadcast %parallel_loop3A_1259 : i32 to vector<16xi32>
      %parallel_loop3A_1261 = arith.shrui %parallel_loop3A_1255, %parallel_loop3A_1260 : vector<16xi32>
      %parallel_loop3A_1262 = tpu.bitcast %parallel_loop3A_1261 : vector<16xi32> -> vector<16xi32>
      %parallel_loop3A_1263 = arith.constant 4095 : i32
      %parallel_loop3A_1264 = vector.broadcast %parallel_loop3A_1263 : i32 to vector<16xi32>
      %parallel_loop3A_1265 = arith.andi %parallel_loop3A_1262, %parallel_loop3A_1264 : vector<16xi32>
      tpu.vector_store_idx %arg8[%parallel_loop3A_1265], %broadcast_in_dim3A_3 masked %parallel_loop3A_1258 {add = true} : memref<4096xi32, #tpu.memory_space<vmem>>[vector<16xi32>], vector<16xi32>, vector<16xi1>
    } {sc.loop_unroll_factor = 8 : i64, sc.parallel_access}
    %mul3A_1024 = arith.constant 255 : i32
    %mul3A_1025 = arith.constant 16 : i32
    %mul3A_1026 = arith.muli %mul3A_1024, %mul3A_1025 : i32
    %get3A_1027 = arith.index_cast %mul3A_1026 : i32 to index
    %get3A_1028 = tpu.vector_load %arg8[%get3A_1027] {strides = array<i32>} : memref<4096xi32, #tpu.memory_space<vmem>>, vector<16xi32>,
    %reduce_sum3A_1029 = arith.constant true
    %reduce_sum3A_1030 = vector.broadcast %reduce_sum3A_1029 : i1 to vector<16xi1>
    %reduce_sum3A_1031 = tpu.scan <sum>, %get3A_1028 masked %reduce_sum3A_1030 : vector<16xi32>, vector<16xi1> -> vector<16xi32>
    %reduce_sum3A_1032 = vector.extract %reduce_sum3A_1031[15] : i32 from vector<16xi32>
    %while3A_1033 = arith.constant 0 : i32
    %while3A_1034 = arith.constant 255 : i32
    %while3A_1035:3 = scf.while (%while3A_1240 = %while3A_1033, %while3A_1241 = %while3A_1034, %while3A_1242 = %reduce_sum3A_1032) : (i32, i32, i32) -> (i32, i32, i32) {
      %add3A_1243 = arith.addi %while3A_1240, %while3A_1242 : i32
      %lt3A_1244 = arith.cmpi slt, %add3A_1243, %reduce_max3A_1002 : i32
      %gt3A = arith.constant 0 : i32
      %gt3A_1245 = arith.cmpi sgt, %while3A_1241, %gt3A : i32
      %and3A_1246 = arith.andi %lt3A_1244, %gt3A_1245 : i1
      scf.condition(%and3A_1246) %while3A_1240, %while3A_1241, %while3A_1242 : i32, i32, i32
    } do {
    ^bb0(%while3A_1240: i32, %while3A_1241: i32, %while3A_1242: i32):
      %sub3A_1243 = arith.constant 1 : i32
      %sub3A_1244 = arith.subi %while3A_1241, %sub3A_1243 : i32
      %add3A_1245 = arith.addi %while3A_1240, %while3A_1242 : i32
      %mul3A_1246 = arith.constant 16 : i32
      %mul3A_1247 = arith.muli %sub3A_1244, %mul3A_1246 : i32
      %get3A_1248 = arith.index_cast %mul3A_1247 : i32 to index
      %get3A_1249 = tpu.vector_load %arg8[%get3A_1248] {strides = array<i32>} : memref<4096xi32, #tpu.memory_space<vmem>>, vector<16xi32>,
      %reduce_sum3A_1250 = arith.constant true
      %reduce_sum3A_1251 = vector.broadcast %reduce_sum3A_1250 : i1 to vector<16xi1>
      %reduce_sum3A_1252 = tpu.scan <sum>, %get3A_1249 masked %reduce_sum3A_1251 : vector<16xi32>, vector<16xi1> -> vector<16xi32>
      %reduce_sum3A_1253 = vector.extract %reduce_sum3A_1252[15] : i32 from vector<16xi32>
      scf.yield %add3A_1245, %sub3A_1244, %reduce_sum3A_1253 : i32, i32, i32
    }
    %mul3A_1036 = arith.constant 16 : i32
    %mul3A_1037 = arith.muli %while3A_1035#1, %mul3A_1036 : i32
    %get3A_1038 = arith.index_cast %mul3A_1037 : i32 to index
    %get3A_1039 = tpu.vector_load %arg8[%get3A_1038] {strides = array<i32>} : memref<4096xi32, #tpu.memory_space<vmem>>, vector<16xi32>,
    %sub3A_1040 = arith.subi %reduce_max3A_1002, %while3A_1035#0 : i32
    %iota3A_1041 = tpu.iota {dimensions = array<i32: 0>} : vector<16xi32>
    %broadcast_in_dim3A_1042 = arith.constant true
    %broadcast_in_dim3A_1043 = vector.broadcast %broadcast_in_dim3A_1042 : i1 to vector<16xi1>
    %masked_cumsum3A_1044 = tpu.scan <sum>, %get3A_1039 masked %broadcast_in_dim3A_1043 : vector<16xi32>, vector<16xi1> -> vector<16xi32>
    %reduce_max3A_1045 = arith.constant true
    %reduce_max3A_1046 = vector.broadcast %reduce_max3A_1045 : i1 to vector<16xi1>
    %reduce_max3A_1047 = arith.constant -2147483648 : i32
    %reduce_max3A_1048 = vector.broadcast %reduce_max3A_1047 : i32 to vector<16xi32>
    %reduce_max3A_1049 = arith.xori %masked_cumsum3A_1044, %reduce_max3A_1048 : vector<16xi32>
    %reduce_max3A_1050 = tpu.scan <max>, %reduce_max3A_1049 masked %reduce_max3A_1046 : vector<16xi32>, vector<16xi1> -> vector<16xi32>
    %reduce_max3A_1051 = arith.xori %reduce_max3A_1050, %reduce_max3A_1048 : vector<16xi32>
    %reduce_max3A_1052 = vector.extract %reduce_max3A_1051[15] : i32 from vector<16xi32>
    %sub3A_1053 = vector.broadcast %reduce_max3A_1052 : i32 to vector<16xi32>
    %sub3A_1054 = arith.subi %sub3A_1053, %masked_cumsum3A_1044 : vector<16xi32>
    %lt3A_1055 = vector.broadcast %sub3A_1040 : i32 to vector<16xi32>
    %lt3A_1056 = arith.cmpi slt, %sub3A_1054, %lt3A_1055 : vector<16xi32>
    %add3A_1057 = arith.addi %sub3A_1054, %get3A_1039 : vector<16xi32>
    %ge3A_1058 = vector.broadcast %sub3A_1040 : i32 to vector<16xi32>
    %ge3A_1059 = arith.cmpi sge, %add3A_1057, %ge3A_1058 : vector<16xi32>
    %and3A_1060 = arith.andi %lt3A_1056, %ge3A_1059 : vector<16xi1>
    %jit3A_1061 = arith.constant -1 : i32
    %broadcast_in_dim3A_1062 = vector.broadcast %jit3A_1061 : i32 to vector<16xi32>
    %select_n3A_1063 = arith.select %and3A_1060, %iota3A_1041, %broadcast_in_dim3A_1062 : vector<16xi1>, vector<16xi32>
    %reduce_max3A_1064 = arith.constant true
    %reduce_max3A_1065 = vector.broadcast %reduce_max3A_1064 : i1 to vector<16xi1>
    %reduce_max3A_1066 = arith.constant -2147483648 : i32
    %reduce_max3A_1067 = vector.broadcast %reduce_max3A_1066 : i32 to vector<16xi32>
    %reduce_max3A_1068 = arith.xori %select_n3A_1063, %reduce_max3A_1067 : vector<16xi32>
    %reduce_max3A_1069 = tpu.scan <max>, %reduce_max3A_1068 masked %reduce_max3A_1065 : vector<16xi32>, vector<16xi1> -> vector<16xi32>
    %reduce_max3A_1070 = arith.xori %reduce_max3A_1069, %reduce_max3A_1067 : vector<16xi32>
    %reduce_max3A_1071 = vector.extract %reduce_max3A_1070[15] : i32 from vector<16xi32>
    %sub3A_1072 = vector.broadcast %sub3A_1040 : i32 to vector<16xi32>
    %sub3A_1073 = arith.subi %sub3A_1072, %sub3A_1054 : vector<16xi32>
    %jit3A_1074 = arith.constant -1 : i32
    %broadcast_in_dim3A_1075 = vector.broadcast %jit3A_1074 : i32 to vector<16xi32>
    %select_n3A_1076 = arith.select %and3A_1060, %sub3A_1073, %broadcast_in_dim3A_1075 : vector<16xi1>, vector<16xi32>
    %reduce_max3A_1077 = arith.constant true
    %reduce_max3A_1078 = vector.broadcast %reduce_max3A_1077 : i1 to vector<16xi1>
    %reduce_max3A_1079 = arith.constant -2147483648 : i32
    %reduce_max3A_1080 = vector.broadcast %reduce_max3A_1079 : i32 to vector<16xi32>
    %reduce_max3A_1081 = arith.xori %select_n3A_1076, %reduce_max3A_1080 : vector<16xi32>
    %reduce_max3A_1082 = tpu.scan <max>, %reduce_max3A_1081 masked %reduce_max3A_1078 : vector<16xi32>, vector<16xi1> -> vector<16xi32>
    %reduce_max3A_1083 = arith.xori %reduce_max3A_1082, %reduce_max3A_1080 : vector<16xi32>
    %reduce_max3A_1084 = vector.extract %reduce_max3A_1083[15] : i32 from vector<16xi32>
    %jit3A_1085 = arith.constant -1 : i32
    %broadcast_in_dim3A_1086 = vector.broadcast %jit3A_1085 : i32 to vector<16xi32>
    %select_n3A_1087 = arith.select %and3A_1060, %get3A_1039, %broadcast_in_dim3A_1086 : vector<16xi1>, vector<16xi32>
    %reduce_max3A_1088 = arith.constant true
    %reduce_max3A_1089 = vector.broadcast %reduce_max3A_1088 : i1 to vector<16xi1>
    %reduce_max3A_1090 = arith.constant -2147483648 : i32
    %reduce_max3A_1091 = vector.broadcast %reduce_max3A_1090 : i32 to vector<16xi32>
    %reduce_max3A_1092 = arith.xori %select_n3A_1087, %reduce_max3A_1091 : vector<16xi32>
    %reduce_max3A_1093 = tpu.scan <max>, %reduce_max3A_1092 masked %reduce_max3A_1089 : vector<16xi32>, vector<16xi1> -> vector<16xi32>
    %reduce_max3A_1094 = arith.xori %reduce_max3A_1093, %reduce_max3A_1091 : vector<16xi32>
    %reduce_max3A_1095 = vector.extract %reduce_max3A_1094[15] : i32 from vector<16xi32>
    %mul3A_1096 = arith.constant 16 : i32
    %mul3A_1097 = arith.muli %while3A_1035#1, %mul3A_1096 : i32
    %add3A_1098 = arith.addi %mul3A_1097, %reduce_max3A_1071 : i32
    %shift_left3A_1099 = arith.constant 12 : i32
    %shift_left3A_1100 = arith.shli %sub3A_1018, %shift_left3A_1099 : i32
    %or3A_1101 = arith.ori %shift_left3A_1100, %add3A_1098 : i32
    %lt3A_1102 = arith.cmpi slt, %reduce_max3A_1084, %reduce_max3A_1095 : i32
    %convert_element_type3A_1103 = arith.extui %lt3A_1102 : i1 to i32
    %cond3A_1104 = arith.constant 0 : i32
    %cond3A_1105 = arith.cmpi ne, %convert_element_type3A_1103, %cond3A_1104 : i32
    scf.if %cond3A_1105 {
      %broadcast_in_dim3A_1240 = arith.constant 0 : i32
      %broadcast_in_dim3A_1241 = vector.broadcast %broadcast_in_dim3A_1240 : i32 to vector<16xi32>
      %parallel_loop3A_1242 = arith.constant 0 : i32
      %parallel_loop3A_1243 = arith.constant 16 : i32
      %parallel_loop3A_1244 = arith.constant 1 : i32
      scf.for %parallel_loop3A_1248 = %parallel_loop3A_1242 to %parallel_loop3A_1243 step %parallel_loop3A_1244  : i32 {
        %parallel_loop3A_1249 = arith.constant 16 : i32
        %parallel_loop3A_1250 = arith.muli %parallel_loop3A_1248, %parallel_loop3A_1249 : i32
        %parallel_loop3A_1251 = arith.index_cast %parallel_loop3A_1250 : i32 to index
        %parallel_loop3A_1252 = tpu.vector_load %arg9[%parallel_loop3A_1251] {strides = array<i32>} : memref<256xi32, #tpu.memory_space<vmem>>, vector<16xi32>,
        tpu.vector_store %arg9[%parallel_loop3A_1251], %broadcast_in_dim3A_1241 {strides = array<i32>} : memref<256xi32, #tpu.memory_space<vmem>>, vector<16xi32>,
      } {sc.loop_unroll_factor = 4 : i64, sc.parallel_access}
      %parallel_loop3A_1245 = arith.constant 0 : i32
      %parallel_loop3A_1246 = arith.constant 2048 : i32
      %parallel_loop3A_1247 = arith.constant 1 : i32
      scf.for %parallel_loop3A_1248 = %parallel_loop3A_1245 to %parallel_loop3A_1246 step %parallel_loop3A_1247  : i32 {
        %parallel_loop3A_1249 = arith.constant 16 : i32
        %parallel_loop3A_1250 = arith.muli %parallel_loop3A_1248, %parallel_loop3A_1249 : i32
        %parallel_loop3A_1251 = arith.index_cast %parallel_loop3A_1250 : i32 to index
        %parallel_loop3A_1252 = tpu.vector_load %arg4[%parallel_loop3A_1251] {strides = array<i32>} : memref<32768xf32, #tpu.memory_space<vmem>>, vector<16xf32>,
        %parallel_loop3A_1253 = tpu.bitcast %parallel_loop3A_1252 : vector<16xf32> -> vector<16xi32>
        %parallel_loop3A_1254 = arith.constant 31 : i32
        %parallel_loop3A_1255 = vector.broadcast %parallel_loop3A_1254 : i32 to vector<16xi32>
        %parallel_loop3A_1256 = arith.shrsi %parallel_loop3A_1253, %parallel_loop3A_1255 : vector<16xi32>
        %parallel_loop3A_1257 = arith.constant 2147483647 : i32
        %parallel_loop3A_1258 = vector.broadcast %parallel_loop3A_1257 : i32 to vector<16xi32>
        %parallel_loop3A_1259 = arith.andi %parallel_loop3A_1256, %parallel_loop3A_1258 : vector<16xi32>
        %parallel_loop3A_1260 = arith.xori %parallel_loop3A_1253, %parallel_loop3A_1259 : vector<16xi32>
        %parallel_loop3A_1261 = arith.constant 8 : i32
        %parallel_loop3A_1262 = vector.broadcast %parallel_loop3A_1261 : i32 to vector<16xi32>
        %parallel_loop3A_1263 = arith.shrsi %parallel_loop3A_1260, %parallel_loop3A_1262 : vector<16xi32>
        %parallel_loop3A_1264 = vector.broadcast %or3A_1101 : i32 to vector<16xi32>
        %parallel_loop3A_1265 = arith.cmpi eq, %parallel_loop3A_1263, %parallel_loop3A_1264 : vector<16xi32>
        %parallel_loop3A_1266 = arith.constant 255 : i32
        %parallel_loop3A_1267 = vector.broadcast %parallel_loop3A_1266 : i32 to vector<16xi32>
        %parallel_loop3A_1268 = arith.andi %parallel_loop3A_1260, %parallel_loop3A_1267 : vector<16xi32>
        tpu.vector_store_idx %arg9[%parallel_loop3A_1268], %broadcast_in_dim3A_3 masked %parallel_loop3A_1265 {add = true} : memref<256xi32, #tpu.memory_space<vmem>>[vector<16xi32>], vector<16xi32>, vector<16xi1>
      } {sc.loop_unroll_factor = 8 : i64, sc.parallel_access}
    } else {
    }
    %mul3A_1106 = arith.constant 15 : i32
    %mul3A_1107 = arith.constant 16 : i32
    %mul3A_1108 = arith.muli %mul3A_1106, %mul3A_1107 : i32
    %get3A_1109 = arith.index_cast %mul3A_1108 : i32 to index
    %get3A_1110 = tpu.vector_load %arg9[%get3A_1109] {strides = array<i32>} : memref<256xi32, #tpu.memory_space<vmem>>, vector<16xi32>,
    %reduce_sum3A_1111 = arith.constant true
    %reduce_sum3A_1112 = vector.broadcast %reduce_sum3A_1111 : i1 to vector<16xi1>
    %reduce_sum3A_1113 = tpu.scan <sum>, %get3A_1110 masked %reduce_sum3A_1112 : vector<16xi32>, vector<16xi1> -> vector<16xi32>
    %reduce_sum3A_1114 = vector.extract %reduce_sum3A_1113[15] : i32 from vector<16xi32>
    %while3A_1115 = arith.constant 0 : i32
    %while3A_1116 = arith.constant 15 : i32
    %while3A_1117:3 = scf.while (%while3A_1240 = %while3A_1115, %while3A_1241 = %while3A_1116, %while3A_1242 = %reduce_sum3A_1114) : (i32, i32, i32) -> (i32, i32, i32) {
      %add3A_1243 = arith.addi %while3A_1240, %while3A_1242 : i32
      %lt3A_1244 = arith.cmpi slt, %add3A_1243, %reduce_max3A_1084 : i32
      %gt3A = arith.constant 0 : i32
      %gt3A_1245 = arith.cmpi sgt, %while3A_1241, %gt3A : i32
      %and3A_1246 = arith.andi %lt3A_1244, %gt3A_1245 : i1
      scf.condition(%and3A_1246) %while3A_1240, %while3A_1241, %while3A_1242 : i32, i32, i32
    } do {
    ^bb0(%while3A_1240: i32, %while3A_1241: i32, %while3A_1242: i32):
      %sub3A_1243 = arith.constant 1 : i32
      %sub3A_1244 = arith.subi %while3A_1241, %sub3A_1243 : i32
      %add3A_1245 = arith.addi %while3A_1240, %while3A_1242 : i32
      %mul3A_1246 = arith.constant 16 : i32
      %mul3A_1247 = arith.muli %sub3A_1244, %mul3A_1246 : i32
      %get3A_1248 = arith.index_cast %mul3A_1247 : i32 to index
      %get3A_1249 = tpu.vector_load %arg9[%get3A_1248] {strides = array<i32>} : memref<256xi32, #tpu.memory_space<vmem>>, vector<16xi32>,
      %reduce_sum3A_1250 = arith.constant true
      %reduce_sum3A_1251 = vector.broadcast %reduce_sum3A_1250 : i1 to vector<16xi1>
      %reduce_sum3A_1252 = tpu.scan <sum>, %get3A_1249 masked %reduce_sum3A_1251 : vector<16xi32>, vector<16xi1> -> vector<16xi32>
      %reduce_sum3A_1253 = vector.extract %reduce_sum3A_1252[15] : i32 from vector<16xi32>
      scf.yield %add3A_1245, %sub3A_1244, %reduce_sum3A_1253 : i32, i32, i32
    }
    %mul3A_1118 = arith.constant 16 : i32
    %mul3A_1119 = arith.muli %while3A_1117#1, %mul3A_1118 : i32
    %get3A_1120 = arith.index_cast %mul3A_1119 : i32 to index
    %get3A_1121 = tpu.vector_load %arg9[%get3A_1120] {strides = array<i32>} : memref<256xi32, #tpu.memory_space<vmem>>, vector<16xi32>,
    %sub3A_1122 = arith.subi %reduce_max3A_1084, %while3A_1117#0 : i32
    %iota3A_1123 = tpu.iota {dimensions = array<i32: 0>} : vector<16xi32>
    %broadcast_in_dim3A_1124 = arith.constant true
    %broadcast_in_dim3A_1125 = vector.broadcast %broadcast_in_dim3A_1124 : i1 to vector<16xi1>
    %masked_cumsum3A_1126 = tpu.scan <sum>, %get3A_1121 masked %broadcast_in_dim3A_1125 : vector<16xi32>, vector<16xi1> -> vector<16xi32>
    %reduce_max3A_1127 = arith.constant true
    %reduce_max3A_1128 = vector.broadcast %reduce_max3A_1127 : i1 to vector<16xi1>
    %reduce_max3A_1129 = arith.constant -2147483648 : i32
    %reduce_max3A_1130 = vector.broadcast %reduce_max3A_1129 : i32 to vector<16xi32>
    %reduce_max3A_1131 = arith.xori %masked_cumsum3A_1126, %reduce_max3A_1130 : vector<16xi32>
    %reduce_max3A_1132 = tpu.scan <max>, %reduce_max3A_1131 masked %reduce_max3A_1128 : vector<16xi32>, vector<16xi1> -> vector<16xi32>
    %reduce_max3A_1133 = arith.xori %reduce_max3A_1132, %reduce_max3A_1130 : vector<16xi32>
    %reduce_max3A_1134 = vector.extract %reduce_max3A_1133[15] : i32 from vector<16xi32>
    %sub3A_1135 = vector.broadcast %reduce_max3A_1134 : i32 to vector<16xi32>
    %sub3A_1136 = arith.subi %sub3A_1135, %masked_cumsum3A_1126 : vector<16xi32>
    %lt3A_1137 = vector.broadcast %sub3A_1122 : i32 to vector<16xi32>
    %lt3A_1138 = arith.cmpi slt, %sub3A_1136, %lt3A_1137 : vector<16xi32>
    %add3A_1139 = arith.addi %sub3A_1136, %get3A_1121 : vector<16xi32>
    %ge3A_1140 = vector.broadcast %sub3A_1122 : i32 to vector<16xi32>
    %ge3A_1141 = arith.cmpi sge, %add3A_1139, %ge3A_1140 : vector<16xi32>
    %and3A_1142 = arith.andi %lt3A_1138, %ge3A_1141 : vector<16xi1>
    %jit3A_1143 = arith.constant -1 : i32
    %broadcast_in_dim3A_1144 = vector.broadcast %jit3A_1143 : i32 to vector<16xi32>
    %select_n3A_1145 = arith.select %and3A_1142, %iota3A_1123, %broadcast_in_dim3A_1144 : vector<16xi1>, vector<16xi32>
    %reduce_max3A_1146 = arith.constant true
    %reduce_max3A_1147 = vector.broadcast %reduce_max3A_1146 : i1 to vector<16xi1>
    %reduce_max3A_1148 = arith.constant -2147483648 : i32
    %reduce_max3A_1149 = vector.broadcast %reduce_max3A_1148 : i32 to vector<16xi32>
    %reduce_max3A_1150 = arith.xori %select_n3A_1145, %reduce_max3A_1149 : vector<16xi32>
    %reduce_max3A_1151 = tpu.scan <max>, %reduce_max3A_1150 masked %reduce_max3A_1147 : vector<16xi32>, vector<16xi1> -> vector<16xi32>
    %reduce_max3A_1152 = arith.xori %reduce_max3A_1151, %reduce_max3A_1149 : vector<16xi32>
    %reduce_max3A_1153 = vector.extract %reduce_max3A_1152[15] : i32 from vector<16xi32>
    %sub3A_1154 = vector.broadcast %sub3A_1122 : i32 to vector<16xi32>
    %sub3A_1155 = arith.subi %sub3A_1154, %sub3A_1136 : vector<16xi32>
    %jit3A_1156 = arith.constant -1 : i32
    %broadcast_in_dim3A_1157 = vector.broadcast %jit3A_1156 : i32 to vector<16xi32>
    %select_n3A_1158 = arith.select %and3A_1142, %sub3A_1155, %broadcast_in_dim3A_1157 : vector<16xi1>, vector<16xi32>
    %reduce_max3A_1159 = arith.constant true
    %reduce_max3A_1160 = vector.broadcast %reduce_max3A_1159 : i1 to vector<16xi1>
    %reduce_max3A_1161 = arith.constant -2147483648 : i32
    %reduce_max3A_1162 = vector.broadcast %reduce_max3A_1161 : i32 to vector<16xi32>
    %reduce_max3A_1163 = arith.xori %select_n3A_1158, %reduce_max3A_1162 : vector<16xi32>
    %reduce_max3A_1164 = tpu.scan <max>, %reduce_max3A_1163 masked %reduce_max3A_1160 : vector<16xi32>, vector<16xi1> -> vector<16xi32>
    %reduce_max3A_1165 = arith.xori %reduce_max3A_1164, %reduce_max3A_1162 : vector<16xi32>
    %reduce_max3A_1166 = vector.extract %reduce_max3A_1165[15] : i32 from vector<16xi32>
    %jit3A_1167 = arith.constant -1 : i32
    %broadcast_in_dim3A_1168 = vector.broadcast %jit3A_1167 : i32 to vector<16xi32>
    %select_n3A_1169 = arith.select %and3A_1142, %get3A_1121, %broadcast_in_dim3A_1168 : vector<16xi1>, vector<16xi32>
    %reduce_max3A_1170 = arith.constant true
    %reduce_max3A_1171 = vector.broadcast %reduce_max3A_1170 : i1 to vector<16xi1>
    %reduce_max3A_1172 = arith.constant -2147483648 : i32
    %reduce_max3A_1173 = vector.broadcast %reduce_max3A_1172 : i32 to vector<16xi32>
    %reduce_max3A_1174 = arith.xori %select_n3A_1169, %reduce_max3A_1173 : vector<16xi32>
    %reduce_max3A_1175 = tpu.scan <max>, %reduce_max3A_1174 masked %reduce_max3A_1171 : vector<16xi32>, vector<16xi1> -> vector<16xi32>
    %reduce_max3A_1176 = arith.xori %reduce_max3A_1175, %reduce_max3A_1173 : vector<16xi32>
    %reduce_max3A_1177 = vector.extract %reduce_max3A_1176[15] : i32 from vector<16xi32>
    %mul3A_1178 = arith.constant 16 : i32
    %mul3A_1179 = arith.muli %while3A_1117#1, %mul3A_1178 : i32
    %add3A_1180 = arith.addi %mul3A_1179, %reduce_max3A_1153 : i32
    %shift_left3A_1181 = arith.constant 8 : i32
    %shift_left3A_1182 = arith.shli %or3A_1101, %shift_left3A_1181 : i32
    %or3A_1183 = arith.ori %shift_left3A_1182, %add3A_1180 : i32
    %shift_left3A_1184 = arith.constant 8 : i32
    %shift_left3A_1185 = arith.shli %or3A_1101, %shift_left3A_1184 : i32
    %select_n3A_1186 = arith.select %lt3A_1102, %or3A_1183, %shift_left3A_1185 : i32
    %lt3A_1187 = arith.cmpi slt, %reduce_max3A_1166, %reduce_max3A_1177 : i32
    %and3A_1188 = arith.andi %lt3A_1102, %lt3A_1187 : i1
    %ge3A_1189 = arith.constant 0 : i32
    %ge3A_1190 = arith.cmpi sge, %select_n3A_1186, %ge3A_1189 : i32
    %xor3A_1191 = arith.constant 2147483647 : i32
    %xor3A_1192 = arith.xori %select_n3A_1186, %xor3A_1191 : i32
    %select_n3A_1193 = arith.select %ge3A_1190, %select_n3A_1186, %xor3A_1192 : i32
    %bitcast_convert_type3A_1194 = arith.bitcast %select_n3A_1193 : i32 to f32
    %not3A_1195 = arith.constant true
    %not3A_1196 = arith.xori %and3A_1188, %not3A_1195 : i1
    %eq3A_1197 = arith.constant 0 : i32
    %eq3A_1198 = arith.cmpi eq, %select_n3A_1186, %eq3A_1197 : i32
    %and3A_1199 = arith.andi %not3A_1196, %eq3A_1198 : i1
    %not3A_1200 = arith.constant true
    %not3A_1201 = arith.xori %and3A_1188, %not3A_1200 : i1
    %ne3A_1202 = arith.constant 0 : i32
    %ne3A_1203 = arith.cmpi ne, %select_n3A_1186, %ne3A_1202 : i32
    %and3A_1204 = arith.andi %not3A_1201, %ne3A_1203 : i1
    %convert_element_type3A_1205 = arith.extui %and3A_1204 : i1 to i32
    %cond3A_1206 = arith.constant 0 : i32
    %cond3A_1207 = arith.cmpi ne, %convert_element_type3A_1205, %cond3A_1206 : i32
    scf.if %cond3A_1207 {
      %parallel_loop3A_1240 = arith.constant 0 : i32
      %parallel_loop3A_1241 = arith.constant 2048 : i32
      %parallel_loop3A_1242 = arith.constant 1 : i32
      scf.for %parallel_loop3A_1243 = %parallel_loop3A_1240 to %parallel_loop3A_1241 step %parallel_loop3A_1242  : i32 {
        %parallel_loop3A_1244 = arith.constant 16 : i32
        %parallel_loop3A_1245 = arith.muli %parallel_loop3A_1243, %parallel_loop3A_1244 : i32
        %parallel_loop3A_1246 = arith.index_cast %parallel_loop3A_1245 : i32 to index
        %parallel_loop3A_1247 = tpu.vector_load %arg4[%parallel_loop3A_1246] {strides = array<i32>} : memref<32768xf32, #tpu.memory_space<vmem>>, vector<16xf32>,
        %parallel_loop3A_1248 = vector.broadcast %bitcast_convert_type3A_1194 : f32 to vector<16xf32>
        %parallel_loop3A_1249 = arith.cmpf oge, %parallel_loop3A_1247, %parallel_loop3A_1248 : vector<16xf32>
        %parallel_loop3A_1250 = arith.constant 1.000000e+00 : f32
        %parallel_loop3A_1251 = arith.constant 0.000000e+00 : f32
        %parallel_loop3A_1252 = vector.broadcast %parallel_loop3A_1250 : f32 to vector<16xf32>
        %parallel_loop3A_1253 = vector.broadcast %parallel_loop3A_1251 : f32 to vector<16xf32>
        %parallel_loop3A_1254 = arith.select %parallel_loop3A_1249, %parallel_loop3A_1252, %parallel_loop3A_1253 : vector<16xi1>, vector<16xf32>
        %parallel_loop3A_1255 = arith.index_cast %parallel_loop3A_1245 : i32 to index
        %parallel_loop3A_1256 = tpu.vector_load %arg4[%parallel_loop3A_1255] {strides = array<i32>} : memref<32768xf32, #tpu.memory_space<vmem>>, vector<16xf32>,
        tpu.vector_store %arg4[%parallel_loop3A_1255], %parallel_loop3A_1254 {strides = array<i32>} : memref<32768xf32, #tpu.memory_space<vmem>>, vector<16xf32>,
      } {sc.loop_unroll_factor = 8 : i64, sc.parallel_access}
    } else {
    }
    %convert_element_type3A_1208 = arith.extui %and3A_1199 : i1 to i32
    %cond3A_1209 = arith.constant 0 : i32
    %cond3A_1210 = arith.cmpi ne, %convert_element_type3A_1208, %cond3A_1209 : i32
    scf.if %cond3A_1210 {
      %parallel_loop3A_1240 = arith.constant 0 : i32
      %parallel_loop3A_1241 = arith.constant 2048 : i32
      %parallel_loop3A_1242 = arith.constant 1 : i32
      scf.for %parallel_loop3A_1243 = %parallel_loop3A_1240 to %parallel_loop3A_1241 step %parallel_loop3A_1242  : i32 {
        %parallel_loop3A_1244 = arith.constant 16 : i32
        %parallel_loop3A_1245 = arith.muli %parallel_loop3A_1243, %parallel_loop3A_1244 : i32
        %parallel_loop3A_1246 = arith.index_cast %parallel_loop3A_1245 : i32 to index
        %parallel_loop3A_1247 = tpu.vector_load %arg4[%parallel_loop3A_1246] {strides = array<i32>} : memref<32768xf32, #tpu.memory_space<vmem>>, vector<16xf32>,
        %parallel_loop3A_1248 = tpu.bitcast %parallel_loop3A_1247 : vector<16xf32> -> vector<16xi32>
        %parallel_loop3A_1249 = arith.constant 31 : i32
        %parallel_loop3A_1250 = vector.broadcast %parallel_loop3A_1249 : i32 to vector<16xi32>
        %parallel_loop3A_1251 = arith.shrsi %parallel_loop3A_1248, %parallel_loop3A_1250 : vector<16xi32>
        %parallel_loop3A_1252 = arith.constant 2147483647 : i32
        %parallel_loop3A_1253 = vector.broadcast %parallel_loop3A_1252 : i32 to vector<16xi32>
        %parallel_loop3A_1254 = arith.andi %parallel_loop3A_1251, %parallel_loop3A_1253 : vector<16xi32>
        %parallel_loop3A_1255 = arith.xori %parallel_loop3A_1248, %parallel_loop3A_1254 : vector<16xi32>
        %parallel_loop3A_1256 = vector.broadcast %select_n3A_1186 : i32 to vector<16xi32>
        %parallel_loop3A_1257 = arith.cmpi sge, %parallel_loop3A_1255, %parallel_loop3A_1256 : vector<16xi32>
        %parallel_loop3A_1258 = arith.constant 1.000000e+00 : f32
        %parallel_loop3A_1259 = arith.constant 0.000000e+00 : f32
        %parallel_loop3A_1260 = vector.broadcast %parallel_loop3A_1258 : f32 to vector<16xf32>
        %parallel_loop3A_1261 = vector.broadcast %parallel_loop3A_1259 : f32 to vector<16xf32>
        %parallel_loop3A_1262 = arith.select %parallel_loop3A_1257, %parallel_loop3A_1260, %parallel_loop3A_1261 : vector<16xi1>, vector<16xf32>
        %parallel_loop3A_1263 = arith.index_cast %parallel_loop3A_1245 : i32 to index
        %parallel_loop3A_1264 = tpu.vector_load %arg4[%parallel_loop3A_1263] {strides = array<i32>} : memref<32768xf32, #tpu.memory_space<vmem>>, vector<16xf32>,
        tpu.vector_store %arg4[%parallel_loop3A_1263], %parallel_loop3A_1262 {strides = array<i32>} : memref<32768xf32, #tpu.memory_space<vmem>>, vector<16xf32>,
      } {sc.loop_unroll_factor = 8 : i64, sc.parallel_access}
    } else {
    }
    %convert_element_type3A_1211 = arith.extui %and3A_1188 : i1 to i32
    %cond3A_1212 = arith.constant 0 : i32
    %cond3A_1213 = arith.cmpi ne, %convert_element_type3A_1211, %cond3A_1212 : i32
    scf.if %cond3A_1213 {
      %scan3A = arith.constant 0 : i32
      %scan3A_1240 = arith.constant 0 : i32
      %scan3A_1241 = arith.constant 2048 : i32
      %scan3A_1242 = arith.addi %scan3A_1240, %scan3A_1241 : i32
      %scan3A_1243 = arith.constant 1 : i32
      %scan3A_1244 = scf.for %scan3A_1246 = %scan3A_1240 to %scan3A_1242 step %scan3A_1243 iter_args(%scan3A_1247 = %scan3A) -> (i32)  : i32 {
        %mul3A_1248 = arith.constant 16 : i32
        %mul3A_1249 = arith.muli %scan3A_1246, %mul3A_1248 : i32
        %get3A_1250 = arith.index_cast %mul3A_1249 : i32 to index
        %get3A_1251 = tpu.vector_load %arg4[%get3A_1250] {strides = array<i32>} : memref<32768xf32, #tpu.memory_space<vmem>>, vector<16xf32>,
        %bitcast_convert_type3A_1252 = tpu.bitcast %get3A_1251 : vector<16xf32> -> vector<16xi32>
        %shift_right_arithmetic3A = arith.constant 31 : i32
        %shift_right_arithmetic3A_1253 = vector.broadcast %shift_right_arithmetic3A : i32 to vector<16xi32>
        %shift_right_arithmetic3A_1254 = arith.shrsi %bitcast_convert_type3A_1252, %shift_right_arithmetic3A_1253 : vector<16xi32>
        %and3A_1255 = arith.constant 2147483647 : i32
        %and3A_1256 = vector.broadcast %and3A_1255 : i32 to vector<16xi32>
        %and3A_1257 = arith.andi %shift_right_arithmetic3A_1254, %and3A_1256 : vector<16xi32>
        %xor3A_1258 = arith.xori %bitcast_convert_type3A_1252, %and3A_1257 : vector<16xi32>
        %eq3A_1259 = vector.broadcast %select_n3A_1186 : i32 to vector<16xi32>
        %eq3A_1260 = arith.cmpi eq, %xor3A_1258, %eq3A_1259 : vector<16xi32>
        %convert_element_type3A_1261 = arith.extui %eq3A_1260 : vector<16xi1> to vector<16xi32>
        %broadcast_in_dim3A_1262 = arith.constant true
        %broadcast_in_dim3A_1263 = vector.broadcast %broadcast_in_dim3A_1262 : i1 to vector<16xi1>
        %masked_cumsum3A_1264 = tpu.scan <sum>, %convert_element_type3A_1261 masked %broadcast_in_dim3A_1263 : vector<16xi32>, vector<16xi1> -> vector<16xi32>
        %add3A_1265 = vector.broadcast %scan3A_1247 : i32 to vector<16xi32>
        %add3A_1266 = arith.addi %add3A_1265, %masked_cumsum3A_1264 : vector<16xi32>
        %le3A = vector.broadcast %reduce_max3A_1166 : i32 to vector<16xi32>
        %le3A_1267 = arith.cmpi sle, %add3A_1266, %le3A : vector<16xi32>
        %and3A_1268 = arith.andi %eq3A_1260, %le3A_1267 : vector<16xi1>
        %gt3A = vector.broadcast %select_n3A_1186 : i32 to vector<16xi32>
        %gt3A_1269 = arith.cmpi sgt, %xor3A_1258, %gt3A : vector<16xi32>
        %or3A_1270 = arith.ori %gt3A_1269, %and3A_1268 : vector<16xi1>
        %jit3A_1271 = arith.constant 1.000000e+00 : f32
        %jit3A_1272 = arith.constant 0.000000e+00 : f32
        %broadcast_in_dim3A_1273 = vector.broadcast %jit3A_1271 : f32 to vector<16xf32>
        %broadcast_in_dim3A_1274 = vector.broadcast %jit3A_1272 : f32 to vector<16xf32>
        %select_n3A_1275 = arith.select %or3A_1270, %broadcast_in_dim3A_1273, %broadcast_in_dim3A_1274 : vector<16xi1>, vector<16xf32>
        %swap3A = arith.index_cast %mul3A_1249 : i32 to index
        %swap3A_1276 = tpu.vector_load %arg4[%swap3A] {strides = array<i32>} : memref<32768xf32, #tpu.memory_space<vmem>>, vector<16xf32>,
        tpu.vector_store %arg4[%swap3A], %select_n3A_1275 {strides = array<i32>} : memref<32768xf32, #tpu.memory_space<vmem>>, vector<16xf32>,
        %reduce_sum3A_1277 = arith.constant true
        %reduce_sum3A_1278 = vector.broadcast %reduce_sum3A_1277 : i1 to vector<16xi1>
        %reduce_sum3A_1279 = tpu.scan <sum>, %convert_element_type3A_1261 masked %reduce_sum3A_1278 : vector<16xi32>, vector<16xi1> -> vector<16xi32>
        %reduce_sum3A_1280 = vector.extract %reduce_sum3A_1279[15] : i32 from vector<16xi32>
        %add3A_1281 = arith.addi %scan3A_1247, %reduce_sum3A_1280 : i32
        scf.yield %add3A_1281 : i32
      }
      %scan3A_1245 = arith.constant 2048 : i32
    } else {
    }
    %add3A_1214 = arith.constant 3 : i32
    %add3A_1215 = arith.addi %mul3A_2, %add3A_1214 : i32
    %dma_start3A_1216 = arith.constant 0 : i32
    %dma_start3A_1217 = tpu.memref_slice %arg3[%add3A_1215, %dma_start3A_1216] : memref<128x32768xf32, #tpu.memory_space<hbm>> -> memref<1x32768xf32, #tpu.memory_space<hbm>>
    %dma_start3A_1218 = tpu.memref_squeeze %dma_start3A_1217 : memref<1x32768xf32, #tpu.memory_space<hbm>> -> memref<32768xf32, #tpu.memory_space<hbm>>
    %dma_start3A_1219 = arith.constant 0 : i32
    %dma_start3A_1220 = tpu.memref_slice %arg3[%add3A_1215, %dma_start3A_1219] : memref<128x32768xf32, #tpu.memory_space<hbm>> -> memref<1x32768xf32, #tpu.memory_space<hbm>>
    %dma_start3A_1221 = tpu.memref_squeeze %dma_start3A_1220 : memref<1x32768xf32, #tpu.memory_space<hbm>> -> memref<32768xf32, #tpu.memory_space<hbm>>
    tpu.enqueue_dma source(%arg4 : memref<32768xf32, #tpu.memory_space<vmem>>) target(%dma_start3A_1221 : memref<32768xf32, #tpu.memory_space<hbm>>) target_semaphore(%arg13 : memref<!tpu.dma_semaphore, #tpu.memory_space<semaphore_mem>>)
    %dma_wait3A_1222 = arith.constant 0 : i32
    %dma_wait3A_1223 = tpu.memref_slice %arg3[%add3A_599, %dma_wait3A_1222] : memref<128x32768xf32, #tpu.memory_space<hbm>> -> memref<1x32768xf32, #tpu.memory_space<hbm>>
    %dma_wait3A_1224 = tpu.memref_squeeze %dma_wait3A_1223 : memref<1x32768xf32, #tpu.memory_space<hbm>> -> memref<32768xf32, #tpu.memory_space<hbm>>
    %dma_wait3A_1225 = arith.constant 0 : i32
    %dma_wait3A_1226 = tpu.memref_slice %arg3[%add3A_599, %dma_wait3A_1225] : memref<128x32768xf32, #tpu.memory_space<hbm>> -> memref<1x32768xf32, #tpu.memory_space<hbm>>
    %dma_wait3A_1227 = tpu.memref_squeeze %dma_wait3A_1226 : memref<1x32768xf32, #tpu.memory_space<hbm>> -> memref<32768xf32, #tpu.memory_space<hbm>>
    tpu.wait_dma2 semaphore(%arg14 : memref<!tpu.dma_semaphore, #tpu.memory_space<semaphore_mem>>) src(%arg5 : memref<32768xf32, #tpu.memory_space<vmem>>) dst(%dma_wait3A_1227 : memref<32768xf32, #tpu.memory_space<hbm>>)
    %dma_wait3A_1228 = arith.constant 0 : i32
    %dma_wait3A_1229 = tpu.memref_slice %arg3[%add3A_914, %dma_wait3A_1228] : memref<128x32768xf32, #tpu.memory_space<hbm>> -> memref<1x32768xf32, #tpu.memory_space<hbm>>
    %dma_wait3A_1230 = tpu.memref_squeeze %dma_wait3A_1229 : memref<1x32768xf32, #tpu.memory_space<hbm>> -> memref<32768xf32, #tpu.memory_space<hbm>>
    %dma_wait3A_1231 = arith.constant 0 : i32
    %dma_wait3A_1232 = tpu.memref_slice %arg3[%add3A_914, %dma_wait3A_1231] : memref<128x32768xf32, #tpu.memory_space<hbm>> -> memref<1x32768xf32, #tpu.memory_space<hbm>>
    %dma_wait3A_1233 = tpu.memref_squeeze %dma_wait3A_1232 : memref<1x32768xf32, #tpu.memory_space<hbm>> -> memref<32768xf32, #tpu.memory_space<hbm>>
    tpu.wait_dma2 semaphore(%arg15 : memref<!tpu.dma_semaphore, #tpu.memory_space<semaphore_mem>>) src(%arg6 : memref<32768xf32, #tpu.memory_space<vmem>>) dst(%dma_wait3A_1233 : memref<32768xf32, #tpu.memory_space<hbm>>)
    %dma_wait3A_1234 = arith.constant 0 : i32
    %dma_wait3A_1235 = tpu.memref_slice %arg3[%add3A_1215, %dma_wait3A_1234] : memref<128x32768xf32, #tpu.memory_space<hbm>> -> memref<1x32768xf32, #tpu.memory_space<hbm>>
    %dma_wait3A_1236 = tpu.memref_squeeze %dma_wait3A_1235 : memref<1x32768xf32, #tpu.memory_space<hbm>> -> memref<32768xf32, #tpu.memory_space<hbm>>
    %dma_wait3A_1237 = arith.constant 0 : i32
    %dma_wait3A_1238 = tpu.memref_slice %arg3[%add3A_1215, %dma_wait3A_1237] : memref<128x32768xf32, #tpu.memory_space<hbm>> -> memref<1x32768xf32, #tpu.memory_space<hbm>>
    %dma_wait3A_1239 = tpu.memref_squeeze %dma_wait3A_1238 : memref<1x32768xf32, #tpu.memory_space<hbm>> -> memref<32768xf32, #tpu.memory_space<hbm>>
    tpu.wait_dma2 semaphore(%arg13 : memref<!tpu.dma_semaphore, #tpu.memory_space<semaphore_mem>>) src(%arg4 : memref<32768xf32, #tpu.memory_space<vmem>>) dst(%dma_wait3A_1239 : memref<32768xf32, #tpu.memory_space<hbm>>)
    return
  }
}

</mosaic_0001>

<sc_bundles>
// kernel: kernel.3.cloned.1.call-start
scs
__scs_entry_jumppad:
0x0: {  	(pc) =	sbr.rel $0x88, $3  }
0x1: {  	(tag) =	ssettag $0x0;
	lr =	simm.s32 $0x1  }
0x2: {  	[smem:$0x3FA0] =	sst lr;
	_ =	strace $0xD0000000  }
0x3: {  	_ = 	snop  }
0x4: {  	_ = 	snop  }
0x5: {  	_ = 	snop  }
0x6: {  	_ = 	snop  }
0x7: {  	_ = 	snop  }
__scs_overlays_trampoline_lowered:
0x8: {  	[smem:$0x3FAF] =	sst s0  }
0x9: {  	[smem:$0x3FB0] =	sst s1  }
0xa: {  	[smem:$0x3FB1] =	sst s2  }
0xb: {  	[smem:$0x3FB2] =	sst s3  }
0xc: {  	[smem:$0x3FB3] =	sst s4  }
0xd: {  	[smem:$0x3FB4] =	sst s5  }
0xe: {  	[smem:$0x3FB5] =	sst s6  }
0xf: {  	[smem:$0x3FB6] =	sst s7  }
0x10: {  	[smem:$0x3FB7] =	sst s8  }
0x11: {  	[smem:$0x3FB8] =	sst s9;
	s0 =	simm.s32 @!p0 $0x0  }
0x12: {  	s1 =	sld [smem:$0x3F9E];
	s0 =	simm.s32 @p0 $0x1  }
0x13: {  	[smem:$0x3FB9] =	sst s0;
	s0 =	simm.s32 @!p1 $0x0  }
0x14: {  	s2 =	sld [smem:$0x3F9D];
	s0 =	simm.s32 @p1 $0x1  }
0x15: {  	[smem:$0x3FBA] =	sst s0;
	s0 =	simm.s32 @!p2 $0x0  }
0x16: {  	s3 =	sld [smem:$0x3FDB];
	s0 =	simm.s32 @p2 $0x1  }
0x17: {  	s4 =	simm.s32 $0x1BF5;
	[smem:$0x3FBC] =	sst s0  }
0x18: {  	s0 =	sld [smem:$0x3F9F];
	_ =	swait.ge [sflag:s4], $0x0  }
0x19: {  	s7 =	sld [smem:$0x3FA0]  }
0x1a: {  	s8 =	sadd.s32 $0xFFFFE003, lr  }
0x1b: {  	s9 =	sadd.s32 $0xFFFFFEF7, lr;
	s5 =	simm.s32 $0xFFFFFFFF;
	p2 =	slt.u32 s8, $0xFFFFF086  }
0x1c: {  	p1 =	slt.u32 s9, $0xF7A;
	s5 =	simm.s32 @!p2 $0x0  }
0x1d: {  	s5 =	simm.s32 @p1 $0x1;
	p0 =	seq.s32 s7, s2  }
0x1e: {  	s7 =	smul.u32 @!p0 $0xF7A, s2;
	p2 =	seq.s32 @!p0 s5, $0x0  }
0x1f: {  	s9 =	smul.u32 $0xF7A, s1;
	s8 =	simm.s32 @!p0 $0x1BF5;
	p2 =	por !p2, p0  }
0x20: {  	[sflag:s8] =	ssyncset.s32 @!p0 $0xFFFFF086;
	s6 =	sadd.s32 @!p0 s3, s7;
	s7 =	simm.s32 @!p0 $0x108  }
0x21: {  	s3 =	sadd.s32 s3, s9;
	s6 =	sadd.s32 @!p0 $0x88, s6;
	s7 =	simm.s32 @p2 $0x1082  }
0x22: {  	[simem:s7], [sflag:s8] =	dma.local @!p0 [hbm:s6], $0xF7A  }
0x23: {  	s9 =	sor.u32 $0xD0000000, s2;
	s6 =	simm.s32 $0x108;
	_ =	swait.ge @!p0 [sflag:s8], $0x0  }
0x24: {  	s3 =	sadd.s32 $0x88, s3;
	s6 =	simm.s32 @!p1 $0x1082;
	[sflag:s4] =	ssyncset.s32 $0xFFFFF086  }
0x25: {  	[simem:s6], [sflag:s4] =	dma.local [hbm:s3], $0xF7A  }
0x26: {  	[smem:$0x3FA0] =	sst s1;
	(tag) =	ssettag s2;
	_ =	strace s9  }
0x27: {  	s1 =	sld [smem:$0x3FB0]  }
0x28: {  	s2 =	sld [smem:$0x3FB1]  }
0x29: {  	s4 =	sld [smem:$0x3FB3]  }
0x2a: {  	p0 =	seq.s32 s5, $0x0;
	s5 =	sld [smem:$0x3FB4]  }
0x2b: {  	s6 =	sld [smem:$0x3FB5]  }
0x2c: {  	s7 =	sld [smem:$0x3FB6]  }
0x2d: {  	s3 =	simm.s32 $0x108;
	s8 =	sld [smem:$0x3FB7]  }
0x2e: {  	s3 =	simm.s32 @!p0 $0x1082;
	s9 =	sld [smem:$0x3FB8]  }
0x2f: {  	lr =	sadd.s32 s0, s3;
	s0 =	sld [smem:$0x3FAF]  }
0x30: {  	s3 =	sld [smem:$0x3FB2]  }
0x31: {  	[smem:$0x3FBB] =	sst s10  }
0x32: {  	s10 =	sld [smem:$0x3FB9];
	_ =	sdelay $0x3  }
0x33: {  	p0 =	seq.s32 s10, $0x1;
	s10 =	sld [smem:$0x3FBB];
	_ =	sdelay $0x3  }
0x34: {  	[smem:$0x3FBB] =	sst s10  }
0x35: {  	s10 =	sld [smem:$0x3FBA];
	_ =	sdelay $0x3  }
0x36: {  	p1 =	seq.s32 s10, $0x1;
	s10 =	sld [smem:$0x3FBB];
	_ =	sdelay $0x3  }
0x37: {  	[smem:$0x3FBB] =	sst s10  }
0x38: {  	s10 =	sld [smem:$0x3FBC]  }
0x39: {  	_ = 	snop;
	(pc) =	sbr.ind lr, $3  }
0x3a: {  	_ = 	snop  }
0x3b: {  	_ = 	snop  }
0x3c: {  	p2 =	seq.s32 s10, $0x1;
	s10 =	sld [smem:$0x3FBB]  }
0x3d: {  	_ =	shalt  }
0x3e: {  	_ =	shalt  }
0x3f: {  	_ =	shalt  }
0x40: {  	_ =	shalt  }
0x41: {  	_ =	shalt  }
0x42: {  	_ =	shalt  }
0x43: {  	_ =	shalt  }
0x44: {  	_ =	shalt  }
0x45: {  	_ =	shalt  }
0x46: {  	_ =	shalt  }
0x47: {  	_ =	shalt  }
0x48: {  	_ =	shalt  }
0x49: {  	_ =	shalt  }
0x4a: {  	_ =	shalt  }
0x4b: {  	_ =	shalt  }
0x4c: {  	_ =	shalt  }
0x4d: {  	_ =	shalt  }
0x4e: {  	_ =	shalt  }
0x4f: {  	_ =	shalt  }
0x50: {  	_ =	shalt  }
0x51: {  	_ =	shalt  }
0x52: {  	_ =	shalt  }
0x53: {  	_ =	shalt  }
0x54: {  	_ =	shalt  }
0x55: {  	_ =	shalt  }
0x56: {  	_ =	shalt  }
0x57: {  	_ =	shalt  }
0x58: {  	_ =	shalt  }
0x59: {  	_ =	shalt  }
0x5a: {  	_ =	shalt  }
0x5b: {  	_ =	shalt  }
0x5c: {  	_ =	shalt  }
0x5d: {  	_ =	shalt  }
0x5e: {  	_ =	shalt  }
0x5f: {  	_ =	shalt  }
0x60: {  	_ =	shalt  }
0x61: {  	_ =	shalt  }
0x62: {  	_ =	shalt  }
0x63: {  	_ =	shalt  }
0x64: {  	_ =	shalt  }
0x65: {  	_ =	shalt  }
0x66: {  	_ =	shalt  }
0x67: {  	_ =	shalt  }
0x68: {  	_ =	shalt  }
0x69: {  	_ =	shalt  }
0x6a: {  	_ =	shalt  }
0x6b: {  	_ =	shalt  }
0x6c: {  	_ =	shalt  }
0x6d: {  	_ =	shalt  }
0x6e: {  	_ =	shalt  }
0x6f: {  	_ =	shalt  }
0x70: {  	_ =	shalt  }
0x71: {  	_ =	shalt  }
0x72: {  	_ =	shalt  }
0x73: {  	_ =	shalt  }
0x74: {  	_ =	shalt  }
0x75: {  	_ =	shalt  }
0x76: {  	_ =	shalt  }
0x77: {  	_ =	shalt  }
0x78: {  	_ =	shalt  }
0x79: {  	_ =	shalt  }
0x7a: {  	_ =	shalt  }
0x7b: {  	_ =	shalt  }
0x7c: {  	_ =	shalt  }
0x7d: {  	_ =	shalt  }
0x7e: {  	_ =	shalt  }
0x7f: {  	_ =	shalt  }
0x80: {  	_ =	shalt  }
0x81: {  	_ =	shalt  }
0x82: {  	_ =	shalt  }
0x83: {  	_ =	shalt  }
0x84: {  	_ =	shalt  }
0x85: {  	_ =	shalt  }
0x86: {  	_ =	shalt  }
0x87: {  	_ =	shalt  }
.Lfunc_end0:
.L_simem_size_0:
called_computation_lowered:
.L_overlay_start_0:
0x88: {  	s2 =	sld [smem:$0x3FD9]  }
0x89: {  	s3 =	sld [smem:$0x3FFE];
	_ =	sdelay $0x1  }
0x8a: {  	s1 =	srdreg.scid  }
0x8b: {  	s0 =	sand.u32 $0x1, s1  }
0x8c: {  	s18 =	sshll.u32 s0, $0xA;
	s2 =	sadd.s32 s3, s2  }
0x8d: {  	s2 =	sadd.s32 s2, s18  }
0x8e: {  	[smem:$0x3FC7] =	sst s2  }
0x8f: {  	_ = 	snop  }
0x90: {  	s2 =	sld [smem:$0x3FC9]  }
0x91: {  	s19 =	sld [smem:$0x3FD0];
	(tm) =	ssettm $0x1  }
0x92: {  	s4 =	sld [smem:$0x3FFB];
	_ =	sdelay $0x3  }
0x93: {  	_ =	strace s4  }
0x94: {  	s4 =	sld [smem:$0x3FFC];
	_ =	sdelay $0x3  }
0x95: {  	_ =	strace s4  }
0x96: {  	s4 =	sld [smem:$0x3FFD];
	_ =	sdelay $0x3  }
0x97: {  	_ =	strace s4  }
0x98: {  	_ =	strace $0x8FFFFFFF  }
0x99: {  	s20 =	sld [smem:$0x3FDB];
	_ =	sdelay $0x1  }
0x9a: {  	s5 =	simm.s32 $_scs_section_size  }
0x9b: {  	s6 =	simm.s32 $_size__tile_overlayer_lowered;
	s7 =	simm.s32 $_tile_overlayer_lowered  }
0x9c: {  	s23 =	simm.s32 $0x1BFF;
	s22 =	sshll.u32 s7, $0x1;
	s4 =	sadd.s32 s5, s20  }
0x9d: {  	s8 =	simm.s32 $0x0;
	s21 =	sshll.u32 s6, $0x1;
	s6 =	sadd.s32 s22, s4  }
0x9e: {  	[timem:s8], [sflag:s23] =	dma.local [hbm:s6], s21  }
0x9f: {  	_ =	swait.ge [sflag:s23], s21  }
0xa0: {  	s5 =	ssub.s32 $0x0, s21;
	[sflag:s23] =	ssyncset.done $0x0  }
0xa1: {  	[sflag:s23] =	ssyncadd.s32 s5;
	_ =	sdelay $0x1  }
0xa2: {  	s24 =	simm.s32 $0x1B8B  }
0xa3: {  	_ =	swait.ge [sflag:s24], $0x1  }
0xa4: {  	[sflag:s24] =	ssyncset.done $0x0  }
0xa5: {  	s25 =	simm.s32 $0x1B8E;
	[sflag:s24] =	ssyncadd.s32 $0xFFFFFFFF  }
0xa6: {  	s26 =	simm.s32 $execute0_lowered;
	[smem:$0x3FD2] =	sst s25  }
0xa7: {  	s5 =	sshll.u32 s26, $0x1;
	_ =	strace $0x80000046;
	[dreg:$0x1] =	wrdreg $0xFFFFFFFF  }
0xa8: {  	s28 =	simm.s32 $_size_execute0_lowered;
	s4 =	sadd.s32 s4, s5;
	[dreg:$0x0] =	wrdreg $0x0  }
0xa9: {  	s5 =	sshll.u32 s28, $0x1;
	[dreg:$0x2] =	wrdreg s4  }
0xaa: {  	[dreg:$0x3] =	wrdreg s5  }
0xab: {  	[dreg:$0x4] =	wrdreg $0xC0  }
0xac: {  	_ =	task [dreg:s8], $0x5FFFF  }
0xad: {  	[dreg:$0x1] =	wrdreg $0xFFFFFFFF  }
0xae: {  	[dreg:$0x0] =	wrdreg $0x60  }
0xaf: {  	[dreg:$0x2] =	wrdreg s2  }
0xb0: {  	[dreg:$0x3] =	wrdreg s19  }
0xb1: {  	[dreg:$0x4] =	wrdreg $0x9  }
0xb2: {  	_ =	task.clear_ibuf [dreg:s8], $0x5FFFF;
	_ =	strace $0x90000046  }
0xb3: {  	s29 =	simm.s32 $0x9;
	_ =	strace $0x80000048  }
0xb4: {  	_ =	swait.ge [sflag:s29], $0x1  }
0xb5: {  	[sflag:s29] =	ssyncadd.s32 $0xFFFFFFFF  }
0xb6: {  	_ =	strace $0x90000048  }
0xb7: {  	_ =	sfence  }
0xb8: {  	s30 =	sld [smem:$0x0];
	_ =	sdelay $0x2  }
0xb9: {  	s31 =	sshll.u32 s1, $0xD;
	s1 =	sshrl.u32 s1, $0x2  }
0xba: {  	s3 =	sand.u32 $0x4000, s31;
	s1 =	sadd.s32 s1, s30  }
0xbb: {  	s0 =	sor.u32 s3, s0;
	s1 =	sshll.u32 s1, $0x11  }
0xbc: {  	s0 =	sor.u32 s1, s0  }
0xbd: {  	s0 =	sadd.s32 $0x8F2B, s0  }
0xbe: {  	[sflag:s0] =	ssyncadd.remote.s32 $0x1  }
0xbf: {  	_ =	sfence.sel $0xFFFF  }
0xc0: {  	[dreg:$0x0] =	wrdreg $0xFFFFFFFF;
	(pc) =	sbr.abs _section_cstart, $3  }
0xc1: {  	[dreg:$0x1] =	wrdreg $0xFFFFFFFF  }
0xc2: {  	_ =	task.clear_ibuf [dreg:s8], $0x2FFFF;
	_ =	strace $0x9FFFFFFF  }
0xc3: {  	(tm) =	ssettm $0x7FFFFFFF  }
tec
execute0_lowered:
.L_overlay_start_1:
0x0: {  	(tag) =	ssettag $0x1  }
0x1: {  	s0 =	rddreg [dreg:$0x0]  }
0x2: {  	s1 =	rddreg [dreg:$0x1]  }
0x3: {  	s2 =	simm.s32 $0x0;
	s3 =	srdreg.scid;
	s5 =	stileid.u32  }
0x4: {  	s12 =	simm.s32 $0x80;
	s13 =	simm.s32 $0x400;
	s14 =	simm.s32 $0x8000  }
0x5: {  	s15 =	simm.s32 $0x1;
	s16 =	simm.s32 $0x18000;
	s17 =	simm.s32 $0x19000  }
0x6: {  	s18 =	simm.s32 $0x10000;
	s19 =	simm.s32 $0x2;
	s20 =	simm.s32 $0x4  }
0x7: {  	s21 =	simm.s32 $0x3;
	s22 =	simm.s32 $0x5;
	s23 =	simm.s32 $0x6  }
0x8: {  	s24 =	simm.s32 $0x1A000;
	s25 =	simm.s32 $0x0;
	s3 =	sand.u32 $0x1, s3  }
0x9: {  	[smem:$0x7FF] =	sst s2;
	s5 =	sshll.u32 s5, $0xF;
	s4 =	ssub.s32 $0x2, s3  }
0xa: {  	s3 =	sshll.u32 s3, $0x6;
	_ =	strace $0x80000047;
	s6 =	sshrl.u32 s4, $0x1  }
.Ltmp0:
0xb: {  	s8 =	sor.u32 s3, s5;
	s11 =	ssub.s32 s4, s6;
	(pc) =	sbr.rel .LBB2_1-.Ltmp0, $4  }
0xc: {  	s3 =	sadd.s32 s0, s8;
	s7 =	sor.u32 $0x10, s8;
	s5 =	sadd.s32 s1, s8  }
0xd: {  	s9 =	sor.u32 $0x20, s8;
	s10 =	sor.u32 $0x30, s8;
	s4 =	sadd.s32 s0, s7  }
0xe: {  	v0 =	vimm.s32 $0x0;
	v1 =	vimm.s32 $0x1;
	v2 =	vlaneseq.u32;
	s6 =	sadd.s32 s0, s9;
	s7 =	sadd.s32 s1, s7;
	s8 =	sadd.s32 s0, s10  }
0xf: {  	v3 =	vimm.f32 $0.0e+00;
	v4 =	vimm.f32 $1.000000000e+00;
	v2 =	vor.u32 $0x80000000, v2;
	s9 =	sadd.s32 s1, s9;
	s10 =	sadd.s32 s1, s10;
	s11 =	smax.u32 s11, $0x1  }
.LBB2_152:
0x10: {  	v7 =	vld [tilespmem:s28+$0x0];
	_ =	sdelay $0x4  }
0x11: {  	v8 =	vshra.s32 v7, $0x1F  }
0x12: {  	v8 =	vand.u32 $0x7FFFFFFF, v8  }
0x13: {  	v7 =	vxor.u32 v7, v8  }
0x14: {  	vm0 =	veq.s32 v7, v5  }
0x15: {  	v63 =	vsel vm0, $0x1, v0  }
0x16: {  	(xrf0) =	vadd.scan.msk.s32 $0xffff, v63;
	_ =	sdelay $0x5  }
0x17: {  	v8, _, _ =	vpop (xrf0)  }
0x18: {  	(v2sf) =	vpush v8, $0xF;
	_ =	sdelay $0x7  }
0x19: {  	s0 =	spop (v2sf)  }
0x1a: {  	s0 =	sadd.s32 s26, s0  }
0x1b: {  	v8 =	vadd.s32 s0, v8  }
0x1c: {  	vm1 =	vle.s32 v8, v6  }
0x1d: {  	vm2 =	vgt.s32 v7, v5;
	vm0 =	vmand vm0, vm1  }
0x1e: {  	vm0 =	vmor vm2, vm0  }
0x1f: {  	v5 =	vsel vm0, $0x3F800000, v3  }
0x20: {  	[tilespmem:s28+$0x0] =	vst v5;
	s31 =	spop (v2sf)  }
.LBB2_153:
0x21: {  	[hbm4b:s10+s12] =	stream.strided.scatter [tilespmem:s2], [sflag:$0x4], $0x8000, s13, s12, $0x38;
	[tilespmem:$0x1A100] =	vst v63  }
0x22: {  	_ =	swait.ge [sflag:s22], $0x8000  }
0x23: {  	[sflag:s22] =	ssyncset.done $0x0  }
0x24: {  	s25 =	sadd.s32 $0x1, s25;
	[sflag:s22] =	ssyncadd.s32 $0xFFFF8000  }
0x25: {  	p0 =	sne.s32 s25, s11;
	_ =	swait.ge [sflag:s23], $0x8000  }
.Ltmp1:
0x26: {  	[sflag:s23] =	ssyncset.done $0x0;
	(pc) =	sbr.rel @!p0 .LBB2_154-.Ltmp1, $4  }
0x27: {  	[sflag:s23] =	ssyncadd.s32 $0xFFFF8000  }
0x28: {  	_ =	swait.ge [sflag:s20], $0x8000  }
0x29: {  	[sflag:s20] =	ssyncset.done $0x0  }
0x2a: {  	[sflag:s20] =	ssyncadd.s32 $0xFFFF8000  }
.LBB2_1:
0x2b: {  	[tilespmem:s2], [sflag:$0x1] =	stream.strided.gather [hbm4b:s3+s12], $0x8000, s13, s12, $0x38;
	[tilespmem:$0x1A100] =	vst v63  }
0x2c: {  	_ = 	snop  }
0x2d: {  	[tilespmem:s14], [sflag:$0x2] =	stream.strided.gather [hbm4b:s4+s12], $0x8000, s13, s12, $0x38;
	[tilespmem:$0x1A100] =	vst v63  }
0x2e: {  	_ =	swait.ge [sflag:s15], $0x8000  }
0x2f: {  	[sflag:s15] =	ssyncset.done $0x0  }
0x30: {  	s28 =	simm.s32 $0x18020;
	[sflag:s15] =	ssyncadd.s32 $0xFFFF8000  }
0x31: {  	[tilespmem:s28+$0xFFFFFFE0] =	vst v0  }
0x32: {  	[tilespmem:s28+$0x10] =	vst v0  }
0x33: {  	s29 =	simm.s32 $0x0;
	[tilespmem:s28+$0x0] =	vst v0  }
.LBB2_2:
0x34: {  	s29 =	sadd.s32 $0x4, s29  }
0x35: {  	[tilespmem:s28+$0xFFFFFFF0] =	vst v0;
	s28 =	sadd.s32 $0x40, s28;
	s26 =	simm.s32 $0x19020;
	p0 =	slt.u32 s29, $0xFC  }
.Ltmp2:
0x36: {  	[tilespmem:s28+$0xFFFFFFE0] =	vst v0;
	(pc) =	sbr.rel @p0 .LBB2_2-.Ltmp2, $3  }
0x37: {  	_ =	sdelay $0x1  }
0x38: {  	[tilespmem:s28+$0x10] =	vst v0  }
0x39: {  	[tilespmem:s28+$0x0] =	vst v0  }
0x3a: {  	[tilespmem:s28+$0xFFFFFFF0] =	vst v0  }
0x3b: {  	[tilespmem:s26+$0xFFFFFFE0] =	vst v0  }
0x3c: {  	[tilespmem:s26+$0x10] =	vst v0  }
0x3d: {  	s29 =	simm.s32 $0x0;
	s28 =	simm.s32 $0x40;
	[tilespmem:s26+$0x0] =	vst v0  }
.LBB2_4:
0x3e: {  	s29 =	sadd.s32 $0x4, s29  }
0x3f: {  	[tilespmem:s26+$0xFFFFFFF0] =	vst v0;
	s26 =	sadd.s32 $0x40, s26;
	p0 =	slt.u32 s29, $0xFC  }
.Ltmp3:
0x40: {  	[tilespmem:s26+$0xFFFFFFE0] =	vst v0;
	(pc) =	sbr.rel @p0 .LBB2_4-.Ltmp3, $3  }
0x41: {  	_ =	sdelay $0x1  }
0x42: {  	[tilespmem:s26+$0x10] =	vst v0  }
0x43: {  	[tilespmem:s26+$0x0] =	vst v0  }
0x44: {  	[tilespmem:s26+$0xFFFFFFF0] =	vst v0  }
0x45: {  	v5 =	vld [tilespmem:s28+$0x30]  }
0x46: {  	v6 =	vld [tilespmem:s28+$0xFFFFFFD0]  }
0x47: {  	v7 =	vld [tilespmem:s28+$0xFFFFFFE0]  }
0x48: {  	v8 =	vld [tilespmem:s28+$0xFFFFFFF0]  }
0x49: {  	v9 =	vld [tilespmem:s28+$0x0];
	_ =	sdelay $0x1  }
0x4a: {  	v10 =	vld [tilespmem:s28+$0x10]  }
0x4b: {  	v13 =	vld [tilespmem:s28+$0x20]  }
0x4c: {  	v14 =	vld [tilespmem:s28+$0xFFFFFFC0];
	v11 =	vshra.s32 v5, $0x1F;
	v12 =	vshra.s32 v6, $0x1F;
	v15 =	vshra.s32 v7, $0x1F  }
0x4d: {  	v62 =	vshra.s32 v8, $0x1F;
	v16 =	vshra.s32 v9, $0x1F;
	v11 =	vand.u32 $0x7FF00000, v11  }
0x4e: {  	v12 =	vand.u32 $0x7FF00000, v12;
	v5 =	vxor.u32 v5, v11;
	v11 =	vand.u32 $0x7FF00000, v15  }
0x4f: {  	v15 =	vand.u32 $0x7FF00000, v62;
	v12 =	vxor.u32 v6, v12;
	v5 =	vshra.s32 v5, $0x14  }
0x50: {  	v6 =	vshra.s32 v10, $0x1F;
	v63 =	vxor.u32 v7, v11;
	v17 =	vadd.s32 $0x800, v5  }
0x51: {  	v7 =	vand.u32 $0x7FF00000, v6;
	v6 =	vshra.s32 v13, $0x1F;
	v11 =	vshra.s32 v14, $0x1F  }
0x52: {  	v15 =	vxor.u32 v8, v15;
	v5 =	vand.u32 $0x7FF00000, v16;
	v8 =	vand.u32 $0x7FF00000, v6  }
0x53: {  	v11 =	vand.u32 $0x7FF00000, v11;
	v6 =	vxor.u32 v9, v5;
	v5 =	vxor.u32 v10, v7  }
0x54: {  	v9 =	vxor.u32 v14, v11;
	v7 =	vshra.s32 v12, $0x14;
	v8 =	vxor.u32 v13, v8  }
0x55: {  	s26 =	simm.s32 $0x0;
	s28 =	simm.s32 $0xC0;
	v10 =	vshra.s32 v63, $0x14;
	v11 =	vshra.s32 v9, $0x14;
	v9 =	vshra.s32 v15, $0x14;
	[tilespmem:v17+s16+$0x0] =	vst.idx.add.s32.msk $0xffff, v1  }
.LBB2_6:
0x56: {  	v12 =	vld [tilespmem:s28+$0x30];
	s26 =	sadd.s32 $0x8, s26;
	v6 =	vshra.s32 v6, $0x14;
	v5 =	vshra.s32 v5, $0x14;
	v8 =	vshra.s32 v8, $0x14  }
0x57: {  	v11 =	vadd.s32 $0x800, v11;
	v7 =	vadd.s32 $0x800, v7;
	v10 =	vadd.s32 $0x800, v10;
	v13 =	vld [tilespmem:s28+$0xFFFFFFD0];
	p0 =	slt.u32 s26, $0x7F8  }
0x58: {  	v9 =	vadd.s32 $0x800, v9;
	v6 =	vadd.s32 $0x800, v6;
	v15 =	vadd.s32 $0x800, v5;
	v14 =	vld [tilespmem:s28+$0xFFFFFFE0]  }
0x59: {  	v16 =	vadd.s32 $0x800, v8;
	v5 =	vld [tilespmem:s28+$0xFFFFFFF0]  }
0x5a: {  	v8 =	vld [tilespmem:s28+$0x0]  }
0x5b: {  	v17 =	vld [tilespmem:s28+$0x10];
	v18 =	vshra.s32 v12, $0x1F  }
0x5c: {  	v19 =	vshra.s32 v13, $0x1F;
	v20 =	vld [tilespmem:s28+$0x20];
	v18 =	vand.u32 $0x7FF00000, v18  }
0x5d: {  	v21 =	vld [tilespmem:s28+$0xFFFFFFC0];
	v19 =	vand.u32 $0x7FF00000, v19;
	v22 =	vshra.s32 v14, $0x1F;
	v12 =	vxor.u32 v12, v18  }
0x5e: {  	v18 =	vand.u32 $0x7FF00000, v22;
	v22 =	vshra.s32 v5, $0x1F;
	v12 =	vshra.s32 v12, $0x14;
	[tilespmem:v11+s16+$0x0] =	vst.idx.add.s32.msk $0xffff, v1  }
0x5f: {  	v11 =	vand.u32 $0x7FF00000, v22;
	v22 =	vshra.s32 v8, $0x1F;
	v12 =	vadd.s32 $0x800, v12;
	[tilespmem:v7+s16+$0x0] =	vst.idx.add.s32.msk $0xffff, v1  }
0x60: {  	v7 =	vxor.u32 v13, v19;
	v13 =	vand.u32 $0x7FF00000, v22;
	v19 =	vshra.s32 v17, $0x1F;
	[tilespmem:v10+s16+$0x0] =	vst.idx.add.s32.msk $0xffff, v1  }
.Ltmp4:
0x61: {  	v10 =	vxor.u32 v14, v18;
	v14 =	vand.u32 $0x7FF00000, v19;
	v18 =	vshra.s32 v20, $0x1F;
	[tilespmem:v9+s16+$0x0] =	vst.idx.add.s32.msk $0xffff, v1;
	(pc) =	sbr.rel @p0 .LBB2_6-.Ltmp4, $4  }
0x62: {  	v19 =	vxor.u32 v5, v11;
	v9 =	vshra.s32 v21, $0x1F;
	v11 =	vand.u32 $0x7FF00000, v18;
	[tilespmem:v6+s16+$0x0] =	vst.idx.add.s32.msk $0xffff, v1  }
0x63: {  	v6 =	vxor.u32 v8, v13;
	v5 =	vxor.u32 v17, v14;
	v9 =	vand.u32 $0x7FF00000, v9;
	[tilespmem:v15+s16+$0x0] =	vst.idx.add.s32.msk $0xffff, v1  }
0x64: {  	v7 =	vshra.s32 v7, $0x14;
	v8 =	vxor.u32 v20, v11;
	v9 =	vxor.u32 v21, v9;
	[tilespmem:v12+s16+$0x0] =	vst.idx.add.s32.msk $0xffff, v1  }
0x65: {  	s28 =	sadd.s32 $0x80, s28;
	v10 =	vshra.s32 v10, $0x14;
	v11 =	vshra.s32 v9, $0x14;
	v9 =	vshra.s32 v19, $0x14;
	[tilespmem:v16+s16+$0x0] =	vst.idx.add.s32.msk $0xffff, v1  }
0x66: {  	v11 =	vadd.s32 $0x800, v11  }
0x67: {  	v7 =	vadd.s32 $0x800, v7  }
0x68: {  	v10 =	vadd.s32 $0x800, v10  }
0x69: {  	v6 =	vshra.s32 v6, $0x14;
	v9 =	vadd.s32 $0x800, v9  }
0x6a: {  	v5 =	vshra.s32 v5, $0x14;
	v6 =	vadd.s32 $0x800, v6  }
0x6b: {  	v8 =	vshra.s32 v8, $0x14;
	v5 =	vadd.s32 $0x800, v5;
	[tilespmem:v11+s16+$0x0] =	vst.idx.add.s32.msk $0xffff, v1  }
0x6c: {  	v8 =	vadd.s32 $0x800, v8;
	[tilespmem:v7+s16+$0x0] =	vst.idx.add.s32.msk $0xffff, v1  }
0x6d: {  	[tilespmem:v10+s16+$0x0] =	vst.idx.add.s32.msk $0xffff, v1  }
0x6e: {  	[tilespmem:v9+s16+$0x0] =	vst.idx.add.s32.msk $0xffff, v1  }
0x6f: {  	[tilespmem:v6+s16+$0x0] =	vst.idx.add.s32.msk $0xffff, v1  }
0x70: {  	[tilespmem:v5+s16+$0x0] =	vst.idx.add.s32.msk $0xffff, v1  }
0x71: {  	[tilespmem:v8+s16+$0x0] =	vst.idx.add.s32.msk $0xffff, v1  }
0x72: {  	v5 =	vld [tilespmem:$0x18FF0];
	_ =	sdelay $0x4  }
0x73: {  	(xrf0) =	vadd.scan.msk.s32 $0xffff, v5;
	_ =	sdelay $0x5  }
0x74: {  	v5, _, _ =	vpop (xrf0)  }
0x75: {  	(v2sf) =	vpush v5, $0xF;
	_ =	sdelay $0xe  }
0x76: {  	s29 =	spop (v2sf)  }
0x77: {  	p0 =	sgt.s32 s29, $0x666  }
.Ltmp5:
0x78: {  	_ = 	snop;
	(pc) =	sbr.rel @p0 .LBB2_11-.Ltmp5, $2  }
0x79: {  	_ =	sdelay $0x2  }
0x7a: {  	s28 =	simm.s32 $0x667;
	s26 =	simm.s32 $0xFF0  }
0x7b: {  	s0 =	simm.s32 $0xFF;
	s28 =	simm.s32 $0x18FE0  }
.LBB2_9:
0x7c: {  	v5 =	vld [tilespmem:s28+$0x0];
	_ =	sdelay $0x4  }
0x7d: {  	(xrf0) =	vadd.scan.msk.s32 $0xffff, v5;
	_ =	sdelay $0x5  }
0x7e: {  	v5, _, _ =	vpop (xrf0)  }
0x7f: {  	(v2sf) =	vpush v5, $0xF;
	_ =	sdelay $0xe  }
0x80: {  	s1 =	smov.u32 s29;
	s29 =	spop (v2sf)  }
0x81: {  	p0 =	slt.u32 s0, $0x2;
	s29 =	sadd.s32 s1, s29  }
0x82: {  	p1 =	slt.s32 @!p0 s29, $0x667  }
0x83: {  	p0 =	por p0, !p1  }
.Ltmp6:
0x84: {  	_ = 	snop;
	(pc) =	sbr.rel @!p0 .LBB2_9-.Ltmp6, $2  }
0x85: {  	_ =	sdelay $0x2  }
0x86: {  	s0 =	sadd.s32 $0xFFFFFFFF, s0;
	s26 =	sadd.s32 $0xFFFFFFF0, s26;
	s28 =	sadd.s32 $0xFFFFFFF0, s28  }
0x87: {  	s28 =	ssub.s32 $0x667, s1  }
.LBB2_11:
0x88: {  	v6 =	vld [tilespmem:s26+$0x18000];
	_ =	sdelay $0x4  }
0x89: {  	(xrf0) =	vadd.scan.msk.s32 $0xffff, v6;
	_ =	sdelay $0x5  }
0x8a: {  	v5, _, _ =	vpop (xrf0)  }
0x8b: {  	v7 =	vxor.u32 $0x80000000, v5  }
0x8c: {  	(xrf0) =	vmax.scan.msk.u32 $0xffff, v7;
	_ =	sdelay $0x5  }
0x8d: {  	v7, _, _ =	vpop (xrf0)  }
0x8e: {  	(v2sf) =	vpush v7, $0xF;
	_ =	sdelay $0xe  }
0x8f: {  	s0 =	spop (v2sf)  }
0x90: {  	s0 =	sxor.u32 $0x80000000, s0  }
0x91: {  	v5 =	vsub.s32 s0, v5  }
0x92: {  	v6 =	vadd.s32 v6, v5  }
0x93: {  	vm0 =	vlt.s32 v5, s28;
	vm1 =	vge.s32 v6, s28  }
0x94: {  	vm0 =	vmand vm0, vm1  }
0x95: {  	v6 =	vnsel vm0, $0x7FFFFFFF, v2  }
0x96: {  	(xrf0) =	vmax.scan.msk.u32 $0xffff, v6;
	_ =	sdelay $0x5  }
0x97: {  	v6, _, _ =	vpop (xrf0)  }
0x98: {  	(v2sf) =	vpush v6, $0xF;
	_ =	sdelay $0x5  }
0x99: {  	s31 =	simm.s32 $0x40  }
0x9a: {  	v8 =	vld [tilespmem:s31+$0x30]  }
0x9b: {  	v9 =	vld [tilespmem:s31+$0xFFFFFFD0]  }
0x9c: {  	v10 =	vld [tilespmem:s31+$0xFFFFFFE0]  }
0x9d: {  	v12 =	vld [tilespmem:s31+$0x0]  }
0x9e: {  	v17 =	vld [tilespmem:s31+$0xFFFFFFC0]  }
0x9f: {  	v11 =	vld [tilespmem:s31+$0xFFFFFFF0];
	_ =	sdelay $0x1  }
0xa0: {  	v14 =	vshra.s32 v8, $0x1F;
	v15 =	vshra.s32 v9, $0x1F  }
0xa1: {  	v18 =	vshra.s32 v10, $0x1F;
	v20 =	vshra.s32 v12, $0x1F;
	v14 =	vand.u32 $0x7FFFFFFF, v14;
	s1 =	spop (v2sf)  }
0xa2: {  	v22 =	vshra.s32 v17, $0x1F;
	v15 =	vand.u32 $0x7FFFFFFF, v15;
	v8 =	vxor.u32 v8, v14;
	s1 =	sadd.s32 s1, s26  }
0xa3: {  	v13 =	vld [tilespmem:s31+$0x10];
	v14 =	vand.u32 $0x7FFFFFFF, v18;
	v18 =	vshra.s32 v11, $0x1F;
	v23 =	vxor.u32 v9, v15;
	s26 =	sadd.s32 $0xFFFFF800, s1  }
0xa4: {  	v16 =	vld [tilespmem:s31+$0x20];
	v9 =	vand.u32 $0x7FFFFFFF, v22;
	v18 =	vand.u32 $0x7FFFFFFF, v18;
	v22 =	vxor.u32 v10, v14;
	s1 =	sshll.u32 s26, $0x14  }
0xa5: {  	v10 =	vxor.u32 v17, v9;
	v24 =	vxor.u32 v11, v18;
	v7 =	vmov s1  }
0xa6: {  	v17 =	vshrl.u32 v24, $0x8;
	v6 =	vmov s28;
	v19 =	vsub.s32 v8, v7  }
0xa7: {  	v8 =	vshrl.u32 v8, $0x8;
	v14 =	vsub.s32 v10, v7;
	vm1 =	vlt.u32 v19, $0x100000  }
0xa8: {  	v18 =	vsub.s32 v22, v7;
	v19 =	vshra.s32 v13, $0x1F;
	v21 =	vand.u32 $0xFFF, v8  }
0xa9: {  	v8 =	vand.u32 $0x7FFFFFFF, v20;
	v20 =	vshra.s32 v16, $0x1F;
	v19 =	vand.u32 $0x7FFFFFFF, v19  }
0xaa: {  	v15 =	vand.u32 $0x7FFFFFFF, v20;
	v11 =	vxor.u32 v12, v8;
	v8 =	vshrl.u32 v10, $0x8  }
0xab: {  	v20 =	vsub.s32 v23, v7;
	v9 =	vxor.u32 v13, v19;
	v12 =	vxor.u32 v16, v15  }
0xac: {  	v16 =	vsub.s32 v24, v7;
	v15 =	vsub.s32 v11, v7;
	v19 =	vshrl.u32 v22, $0x8  }
0xad: {  	s29 =	simm.s32 $0xC0;
	s28 =	simm.s32 $0x0;
	v13 =	vsub.s32 v9, v7;
	v10 =	vsub.s32 v12, v7;
	[tilespmem:v21+s17+$0x0] =	vst.idx.add.s32.msk vm1, v1;
	v21 =	vshrl.u32 v23, $0x8  }
.LBB2_12:
0xae: {  	v22 =	vld [tilespmem:s29+$0x30];
	s28 =	sadd.s32 $0x8, s28;
	v11 =	vshrl.u32 v11, $0x8;
	v9 =	vshrl.u32 v9, $0x8;
	v12 =	vshrl.u32 v12, $0x8  }
0xaf: {  	vm7 =	vlt.u32 v14, $0x100000;
	vm6 =	vlt.u32 v20, $0x100000;
	vm5 =	vlt.u32 v18, $0x100000;
	v23 =	vld [tilespmem:s29+$0xFFFFFFD0];
	p0 =	slt.u32 s28, $0x7F8  }
0xb0: {  	vm4 =	vlt.u32 v16, $0x100000;
	vm3 =	vlt.u32 v15, $0x100000;
	vm2 =	vlt.u32 v13, $0x100000;
	v14 =	vld [tilespmem:s29+$0xFFFFFFE0]  }
0xb1: {  	v8 =	vand.u32 $0xFFF, v8;
	v15 =	vand.u32 $0xFFF, v21;
	vm1 =	vlt.u32 v10, $0x100000;
	v13 =	vld [tilespmem:s29+$0xFFFFFFF0]  }
0xb2: {  	v16 =	vand.u32 $0xFFF, v19;
	v17 =	vand.u32 $0xFFF, v17;
	v11 =	vand.u32 $0xFFF, v11;
	v10 =	vld [tilespmem:s29+$0x0]  }
0xb3: {  	v9 =	vand.u32 $0xFFF, v9;
	v24 =	vand.u32 $0xFFF, v12;
	v18 =	vld [tilespmem:s29+$0x10];
	v19 =	vshra.s32 v22, $0x1F  }
0xb4: {  	v12 =	vshra.s32 v23, $0x1F;
	v20 =	vld [tilespmem:s29+$0x20];
	v19 =	vand.u32 $0x7FFFFFFF, v19  }
0xb5: {  	v21 =	vld [tilespmem:s29+$0xFFFFFFC0];
	v12 =	vand.u32 $0x7FFFFFFF, v12;
	v25 =	vshra.s32 v14, $0x1F;
	v19 =	vxor.u32 v22, v19  }
0xb6: {  	v22 =	vand.u32 $0x7FFFFFFF, v25;
	v25 =	vshra.s32 v13, $0x1F;
	v26 =	vsub.s32 v19, v7;
	[tilespmem:v8+s17+$0x0] =	vst.idx.add.s32.msk vm7, v1  }
0xb7: {  	v19 =	vshrl.u32 v19, $0x8;
	v8 =	vshra.s32 v10, $0x1F;
	vm7 =	vlt.u32 v26, $0x100000;
	[tilespmem:v15+s17+$0x0] =	vst.idx.add.s32.msk vm6, v1  }
0xb8: {  	v15 =	vand.u32 $0x7FFFFFFF, v25;
	v19 =	vand.u32 $0xFFF, v19;
	v25 =	vshra.s32 v18, $0x1F;
	[tilespmem:v16+s17+$0x0] =	vst.idx.add.s32.msk vm5, v1  }
0xb9: {  	v8 =	vand.u32 $0x7FFFFFFF, v8;
	v16 =	vand.u32 $0x7FFFFFFF, v25;
	v25 =	vshra.s32 v20, $0x1F;
	[tilespmem:v17+s17+$0x0] =	vst.idx.add.s32.msk vm4, v1  }
0xba: {  	v23 =	vxor.u32 v23, v12;
	v17 =	vshra.s32 v21, $0x1F;
	v12 =	vand.u32 $0x7FFFFFFF, v25;
	[tilespmem:v11+s17+$0x0] =	vst.idx.add.s32.msk vm3, v1  }
0xbb: {  	v11 =	vand.u32 $0x7FFFFFFF, v17;
	v17 =	vxor.u32 v14, v22;
	v22 =	vxor.u32 v13, v15;
	[tilespmem:v9+s17+$0x0] =	vst.idx.add.s32.msk vm2, v1  }
.Ltmp7:
0xbc: {  	v9 =	vxor.u32 v18, v16;
	v13 =	vxor.u32 v21, v11;
	v11 =	vxor.u32 v10, v8;
	(pc) =	sbr.rel @p0 .LBB2_12-.Ltmp7, $4  }
0xbd: {  	v12 =	vxor.u32 v20, v12;
	v14 =	vsub.s32 v13, v7;
	v8 =	vshrl.u32 v13, $0x8;
	[tilespmem:v19+s17+$0x0] =	vst.idx.add.s32.msk vm7, v1  }
0xbe: {  	v20 =	vsub.s32 v23, v7;
	v18 =	vsub.s32 v17, v7;
	v16 =	vsub.s32 v22, v7  }
0xbf: {  	v10 =	vsub.s32 v12, v7;
	v15 =	vsub.s32 v11, v7;
	v13 =	vsub.s32 v9, v7  }
0xc0: {  	s29 =	sadd.s32 $0x80, s29;
	v21 =	vshrl.u32 v23, $0x8;
	v19 =	vshrl.u32 v17, $0x8;
	v17 =	vshrl.u32 v22, $0x8;
	[tilespmem:v24+s17+$0x0] =	vst.idx.add.s32.msk vm1, v1  }
0xc1: {  	vm1 =	vlt.u32 v14, $0x100000  }
0xc2: {  	vm2 =	vlt.u32 v20, $0x100000;
	v7 =	vand.u32 $0xFFF, v8  }
0xc3: {  	vm3 =	vlt.u32 v18, $0x100000;
	v61 =	vand.u32 $0xFFF, v21  }
0xc4: {  	vm4 =	vlt.u32 v16, $0x100000;
	v62 =	vand.u32 $0xFFF, v19  }
0xc5: {  	v11 =	vshrl.u32 v11, $0x8;
	vm5 =	vlt.u32 v15, $0x100000;
	v63 =	vand.u32 $0xFFF, v17  }
0xc6: {  	v9 =	vshrl.u32 v9, $0x8;
	vm6 =	vlt.u32 v13, $0x100000;
	v11 =	vand.u32 $0xFFF, v11  }
0xc7: {  	v12 =	vshrl.u32 v12, $0x8;
	vm7 =	vlt.u32 v10, $0x100000;
	v9 =	vand.u32 $0xFFF, v9;
	[tilespmem:v7+s17+$0x0] =	vst.idx.add.s32.msk vm1, v1  }
0xc8: {  	v7 =	vand.u32 $0xFFF, v12;
	[tilespmem:v61+s17+$0x0] =	vst.idx.add.s32.msk vm2, v1  }
0xc9: {  	[tilespmem:v62+s17+$0x0] =	vst.idx.add.s32.msk vm3, v1  }
0xca: {  	[tilespmem:v63+s17+$0x0] =	vst.idx.add.s32.msk vm4, v1  }
0xcb: {  	[tilespmem:v11+s17+$0x0] =	vst.idx.add.s32.msk vm5, v1  }
0xcc: {  	[tilespmem:v9+s17+$0x0] =	vst.idx.add.s32.msk vm6, v1  }
0xcd: {  	[tilespmem:v7+s17+$0x0] =	vst.idx.add.s32.msk vm7, v1  }
0xce: {  	v7 =	vld [tilespmem:$0x19FF0]  }
0xcf: {  	v5 =	vsub.s32 v6, v5  }
0xd0: {  	v5 =	vxor.u32 $0x80000000, v5  }
0xd1: {  	v5 =	vnsel vm0, $0x7FFFFFFF, v5  }
0xd2: {  	(xrf0) =	vmax.scan.msk.u32 $0xffff, v5  }
0xd3: {  	(xrf0) =	vadd.scan.msk.s32 $0xffff, v7;
	_ =	sdelay $0x4  }
0xd4: {  	v5, _, _ =	vpop (xrf0)  }
0xd5: {  	(v2sf) =	vpush v5, $0xF;
	v5, _, _ =	vpop (xrf0)  }
0xd6: {  	(v2sf) =	vpush v5, $0xF;
	_ =	sdelay $0xd  }
0xd7: {  	s0 =	spop (v2sf)  }
0xd8: {  	s28 =	sxor.u32 $0x80000000, s0;
	s31 =	spop (v2sf)  }
0xd9: {  	p0 =	sge.s32 s31, s28  }
.Ltmp8:
0xda: {  	_ = 	snop;
	(pc) =	sbr.rel @p0 .LBB2_17-.Ltmp8, $2  }
0xdb: {  	_ =	sdelay $0x2  }
0xdc: {  	s30 =	simm.s32 $0x0;
	s29 =	simm.s32 $0xFF0  }
0xdd: {  	s1 =	simm.s32 $0xFF;
	s0 =	simm.s32 $0x19FE0  }
.LBB2_15:
0xde: {  	v5 =	vld [tilespmem:s0+$0x0];
	_ =	sdelay $0x4  }
0xdf: {  	(xrf0) =	vadd.scan.msk.s32 $0xffff, v5;
	_ =	sdelay $0x5  }
0xe0: {  	v5, _, _ =	vpop (xrf0)  }
0xe1: {  	(v2sf) =	vpush v5, $0xF;
	_ =	sdelay $0xe  }
0xe2: {  	s30 =	smov.u32 s31;
	s31 =	spop (v2sf)  }
0xe3: {  	p0 =	slt.u32 s1, $0x2;
	s31 =	sadd.s32 s30, s31  }
0xe4: {  	p1 =	slt.s32 @!p0 s31, s28  }
0xe5: {  	p1 =	por p0, !p1  }
.Ltmp9:
0xe6: {  	_ = 	snop;
	(pc) =	sbr.rel @!p1 .LBB2_15-.Ltmp9, $2  }
0xe7: {  	_ =	sdelay $0x2  }
0xe8: {  	s1 =	sadd.s32 $0xFFFFFFFF, s1;
	s29 =	sadd.s32 $0xFFFFFFF0, s29;
	s0 =	sadd.s32 $0xFFFFFFF0, s0  }
0xe9: {  	s30 =	smov.u32 @p0 s30;
	s29 =	smov.u32 @p0 s29  }
.LBB2_17:
0xea: {  	v5 =	vld [tilespmem:s29+$0x19000];
	_ =	sdelay $0x4  }
0xeb: {  	(xrf0) =	vadd.scan.msk.s32 $0xffff, v5;
	_ =	sdelay $0x5  }
0xec: {  	v6, _, _ =	vpop (xrf0)  }
0xed: {  	v7 =	vxor.u32 $0x80000000, v6  }
0xee: {  	(xrf0) =	vmax.scan.msk.u32 $0xffff, v7;
	_ =	sdelay $0x5  }
0xef: {  	v7, _, _ =	vpop (xrf0)  }
0xf0: {  	(v2sf) =	vpush v7, $0xF;
	_ =	sdelay $0xe  }
0xf1: {  	s0 =	spop (v2sf)  }
0xf2: {  	s0 =	sxor.u32 $0x80000000, s0  }
0xf3: {  	s1 =	ssub.s32 s28, s30;
	v6 =	vsub.s32 s0, v6  }
0xf4: {  	v7 =	vmov s1;
	v8 =	vadd.s32 v5, v6  }
0xf5: {  	vm0 =	vgt.s32 v7, v6;
	vm1 =	vge.s32 v8, s1  }
0xf6: {  	v6 =	vsub.s32 s1, v6;
	vm0 =	vmand vm0, vm1  }
0xf7: {  	v6 =	vxor.u32 $0x80000000, v6;
	v7 =	vnsel vm0, $0x7FFFFFFF, v2  }
0xf8: {  	v5 =	vxor.u32 $0x80000000, v5;
	v6 =	vnsel vm0, $0x7FFFFFFF, v6;
	(xrf0) =	vmax.scan.msk.u32 $0xffff, v7  }
0xf9: {  	v5 =	vnsel vm0, $0x7FFFFFFF, v5;
	(xrf0) =	vmax.scan.msk.u32 $0xffff, v6  }
0xfa: {  	(xrf0) =	vmax.scan.msk.u32 $0xffff, v5;
	_ =	sdelay $0x3  }
0xfb: {  	v5, _, _ =	vpop (xrf0)  }
0xfc: {  	v6, _, _ =	vpop (xrf0);
	(v2sf) =	vpush v5, $0xF  }
0xfd: {  	(v2sf) =	vpush v6, $0xF;
	v5, _, _ =	vpop (xrf0)  }
0xfe: {  	(v2sf) =	vpush v5, $0xF;
	_ =	sdelay $0xc  }
0xff: {  	s30 =	spop (v2sf)  }
0x100: {  	s28 =	spop (v2sf)  }
0x101: {  	s31 =	spop (v2sf)  }
0x102: {  	p0 =	sge.u32 s28, s31  }
.Ltmp10:
0x103: {  	_ = 	snop;
	(pc) =	sbr.rel @p0 .LBB2_23-.Ltmp10, $4  }
0x104: {  	_ = 	snop  }
0x105: {  	s0 =	sadd.s32 s30, s29  }
0x106: {  	s26 =	sshll.u32 s26, $0xC;
	s0 =	sadd.s32 $0x80000000, s0  }
0x107: {  	s26 =	sor.u32 s26, s0  }
0x108: {  	s29 =	simm.s32 $0x1A020  }
0x109: {  	[tilespmem:s29+$0xFFFFFFE0] =	vst v0  }
0x10a: {  	[tilespmem:s29+$0x10] =	vst v0  }
0x10b: {  	s30 =	simm.s32 $0x0;
	[tilespmem:s29+$0x0] =	vst v0  }
.LBB2_19:
0x10c: {  	s30 =	sadd.s32 $0x4, s30  }
0x10d: {  	[tilespmem:s29+$0xFFFFFFF0] =	vst v0;
	s29 =	sadd.s32 $0x40, s29;
	p1 =	slt.u32 s30, $0xC  }
.Ltmp11:
0x10e: {  	[tilespmem:s29+$0xFFFFFFE0] =	vst v0;
	(pc) =	sbr.rel @p1 .LBB2_19-.Ltmp11, $3  }
0x10f: {  	_ =	sdelay $0x1  }
0x110: {  	[tilespmem:s29+$0x10] =	vst v0  }
0x111: {  	[tilespmem:s29+$0x0] =	vst v0  }
0x112: {  	[tilespmem:s29+$0xFFFFFFF0] =	vst v0;
	s0 =	simm.s32 $0x40  }
0x113: {  	v9 =	vld [tilespmem:s0+$0x20];
	_ =	sdelay $0x1  }
0x114: {  	v10 =	vld [tilespmem:s0+$0xFFFFFFC0]  }
0x115: {  	v7 =	vld [tilespmem:s0+$0xFFFFFFF0]  }
0x116: {  	v6 =	vld [tilespmem:s0+$0xFFFFFFE0]  }
0x117: {  	v15 =	vld [tilespmem:s0+$0x0];
	v8 =	vshra.s32 v9, $0x1F  }
0x118: {  	v11 =	vld [tilespmem:s0+$0x30];
	v12 =	vand.u32 $0x7FFFFFFF, v8  }
0x119: {  	v5 =	vmov s26;
	v12 =	vxor.u32 v9, v12  }
0x11a: {  	v13 =	vshra.s32 v10, $0x1F;
	v14 =	vshra.s32 v7, $0x1F;
	v8 =	vld [tilespmem:s0+$0x10];
	v16 =	vshra.s32 v12, $0x8  }
0x11b: {  	v17 =	vshra.s32 v6, $0x1F;
	v13 =	vand.u32 $0x7FFFFFFF, v13;
	v9 =	vld [tilespmem:s0+$0xFFFFFFD0];
	vm1 =	veq.s32 v16, v5  }
0x11c: {  	v18 =	vshra.s32 v15, $0x1F;
	v10 =	vxor.u32 v10, v13;
	v19 =	vand.u32 $0xFF, v12  }
0x11d: {  	v13 =	vand.u32 $0x7FFFFFFF, v17;
	v17 =	vshra.s32 v10, $0x8;
	v16 =	vshra.s32 v11, $0x1F  }
0x11e: {  	v14 =	vand.u32 $0x7FFFFFFF, v14;
	vm0 =	veq.s32 v17, v5;
	v16 =	vand.u32 $0x7FFFFFFF, v16  }
0x11f: {  	v17 =	vand.u32 $0x7FFFFFFF, v18;
	v12 =	vshra.s32 v8, $0x1F;
	v16 =	vxor.u32 v11, v16  }
0x120: {  	v11 =	vxor.u32 v15, v17;
	v18 =	vshra.s32 v9, $0x1F;
	v20 =	vshra.s32 v16, $0x8  }
0x121: {  	s29 =	simm.s32 $0x0;
	s30 =	simm.s32 $0xC0;
	v17 =	vshra.s32 v11, $0x8;
	v15 =	vand.u32 $0x7FFFFFFF, v18;
	[tilespmem:v19+s24+$0x0] =	vst.idx.add.s32.msk vm1, v1;
	vm1 =	veq.s32 v20, v5  }
.LBB2_21:
0x122: {  	v18 =	vld [tilespmem:s30+$0x20];
	s29 =	sadd.s32 $0x8, s29;
	v13 =	vxor.u32 v6, v13;
	v14 =	vxor.u32 v7, v14;
	v16 =	vand.u32 $0xFF, v16  }
0x123: {  	v12 =	vand.u32 $0x7FFFFFFF, v12;
	v6 =	vld [tilespmem:s30+$0xFFFFFFE0];
	p1 =	slt.u32 s29, $0x7F8;
	v7 =	vshra.s32 v13, $0x8;
	v19 =	vshra.s32 v14, $0x8  }
0x124: {  	v10 =	vand.u32 $0xFF, v10;
	v8 =	vxor.u32 v8, v12;
	v20 =	vld [tilespmem:s30+$0xFFFFFFC0];
	vm2 =	veq.s32 v7, v5  }
0x125: {  	v9 =	vxor.u32 v9, v15;
	vm4 =	veq.s32 v17, v5;
	v12 =	vshra.s32 v8, $0x8;
	v7 =	vld [tilespmem:s30+$0xFFFFFFF0]  }
0x126: {  	v11 =	vand.u32 $0xFF, v11;
	v17 =	vand.u32 $0xFF, v9;
	v21 =	vand.u32 $0xFF, v13;
	v15 =	vld [tilespmem:s30+$0x30]  }
0x127: {  	vm5 =	veq.s32 v12, v5;
	v12 =	vand.u32 $0xFF, v8;
	v22 =	vld [tilespmem:s30+$0x0];
	v13 =	vshra.s32 v18, $0x1F  }
0x128: {  	v23 =	vshra.s32 v9, $0x8;
	vm3 =	veq.s32 v19, v5;
	v8 =	vld [tilespmem:s30+$0x10];
	v13 =	vand.u32 $0x7FFFFFFF, v13  }
0x129: {  	vm6 =	veq.s32 v23, v5;
	v9 =	vld [tilespmem:s30+$0xFFFFFFD0];
	v13 =	vxor.u32 v18, v13;
	v18 =	vand.u32 $0xFF, v14  }
0x12a: {  	v14 =	vshra.s32 v20, $0x1F;
	v19 =	vshra.s32 v7, $0x1F;
	v23 =	vshra.s32 v13, $0x8;
	[tilespmem:v10+s24+$0x0] =	vst.idx.add.s32.msk vm0, v1  }
0x12b: {  	v24 =	vshra.s32 v6, $0x1F;
	vm7 =	veq.s32 v23, v5;
	v23 =	vshra.s32 v15, $0x1F;
	[tilespmem:v11+s24+$0x0] =	vst.idx.add.s32.msk vm4, v1  }
0x12c: {  	v10 =	vand.u32 $0x7FFFFFFF, v14;
	v25 =	vand.u32 $0xFF, v13;
	v11 =	vshra.s32 v22, $0x1F;
	[tilespmem:v16+s24+$0x0] =	vst.idx.add.s32.msk vm1, v1  }
.Ltmp12:
0x12d: {  	v13 =	vand.u32 $0x7FFFFFFF, v24;
	v10 =	vxor.u32 v20, v10;
	v14 =	vand.u32 $0x7FFFFFFF, v19;
	[tilespmem:v12+s24+$0x0] =	vst.idx.add.s32.msk vm5, v1;
	(pc) =	sbr.rel @p1 .LBB2_21-.Ltmp12, $4  }
0x12e: {  	v16 =	vshra.s32 v10, $0x8;
	v19 =	vand.u32 $0x7FFFFFFF, v23;
	v12 =	vshra.s32 v8, $0x1F;
	[tilespmem:v21+s24+$0x0] =	vst.idx.add.s32.msk vm2, v1  }
0x12f: {  	vm0 =	veq.s32 v16, v5;
	v11 =	vand.u32 $0x7FFFFFFF, v11;
	v16 =	vxor.u32 v15, v19;
	[tilespmem:v17+s24+$0x0] =	vst.idx.add.s32.msk vm6, v1  }
0x130: {  	v15 =	vshra.s32 v9, $0x1F;
	v11 =	vxor.u32 v22, v11;
	v19 =	vshra.s32 v16, $0x8;
	[tilespmem:v18+s24+$0x0] =	vst.idx.add.s32.msk vm3, v1  }
0x131: {  	s30 =	sadd.s32 $0x80, s30;
	v15 =	vand.u32 $0x7FFFFFFF, v15;
	v17 =	vshra.s32 v11, $0x8;
	vm1 =	veq.s32 v19, v5;
	[tilespmem:v25+s24+$0x0] =	vst.idx.add.s32.msk vm7, v1  }
0x132: {  	v6 =	vxor.u32 v6, v13;
	v7 =	vxor.u32 v7, v14;
	v12 =	vand.u32 $0x7FFFFFFF, v12  }
0x133: {  	v10 =	vand.u32 $0xFF, v10;
	vm2 =	veq.s32 v17, v5;
	v59 =	vand.u32 $0xFF, v16  }
0x134: {  	v11 =	vand.u32 $0xFF, v11;
	v9 =	vxor.u32 v9, v15;
	v61 =	vshra.s32 v6, $0x8  }
0x135: {  	v8 =	vxor.u32 v8, v12;
	v62 =	vshra.s32 v9, $0x8;
	vm4 =	veq.s32 v61, v5  }
0x136: {  	v63 =	vshra.s32 v7, $0x8;
	v6 =	vand.u32 $0xFF, v6;
	vm5 =	veq.s32 v62, v5  }
0x137: {  	v9 =	vand.u32 $0xFF, v9;
	v60 =	vshra.s32 v8, $0x8;
	vm6 =	veq.s32 v63, v5  }
0x138: {  	vm3 =	veq.s32 v60, v5;
	v5 =	vand.u32 $0xFF, v7;
	[tilespmem:v10+s24+$0x0] =	vst.idx.add.s32.msk vm0, v1  }
0x139: {  	v8 =	vand.u32 $0xFF, v8;
	[tilespmem:v59+s24+$0x0] =	vst.idx.add.s32.msk vm1, v1  }
0x13a: {  	[tilespmem:v11+s24+$0x0] =	vst.idx.add.s32.msk vm2, v1  }
0x13b: {  	[tilespmem:v6+s24+$0x0] =	vst.idx.add.s32.msk vm4, v1  }
0x13c: {  	[tilespmem:v9+s24+$0x0] =	vst.idx.add.s32.msk vm5, v1  }
0x13d: {  	[tilespmem:v5+s24+$0x0] =	vst.idx.add.s32.msk vm6, v1  }
0x13e: {  	[tilespmem:v8+s24+$0x0] =	vst.idx.add.s32.msk vm3, v1  }
.LBB2_23:
0x13f: {  	v5 =	vld [tilespmem:$0x1A0F0];
	_ =	sdelay $0x4  }
0x140: {  	(xrf0) =	vadd.scan.msk.s32 $0xffff, v5;
	_ =	sdelay $0x5  }
0x141: {  	v5, _, _ =	vpop (xrf0)  }
0x142: {  	(v2sf) =	vpush v5, $0xF;
	_ =	sdelay $0xe  }
0x143: {  	s28 =	sxor.u32 $0x80000000, s28;
	s31 =	spop (v2sf)  }
0x144: {  	p1 =	sge.s32 s31, s28  }
.Ltmp13:
0x145: {  	_ = 	snop;
	(pc) =	sbr.rel @p1 .LBB2_27-.Ltmp13, $2  }
0x146: {  	_ =	sdelay $0x2  }
0x147: {  	s30 =	simm.s32 $0x0;
	s29 =	simm.s32 $0xF0  }
0x148: {  	s1 =	simm.s32 $0xF;
	s0 =	simm.s32 $0x1A0E0  }
.LBB2_25:
0x149: {  	v5 =	vld [tilespmem:s0+$0x0];
	_ =	sdelay $0x4  }
0x14a: {  	(xrf0) =	vadd.scan.msk.s32 $0xffff, v5;
	_ =	sdelay $0x5  }
0x14b: {  	v5, _, _ =	vpop (xrf0)  }
0x14c: {  	(v2sf) =	vpush v5, $0xF;
	_ =	sdelay $0xe  }
0x14d: {  	s30 =	smov.u32 s31;
	s31 =	spop (v2sf)  }
0x14e: {  	p1 =	slt.u32 s1, $0x2;
	s31 =	sadd.s32 s30, s31  }
0x14f: {  	p2 =	slt.s32 @!p1 s31, s28  }
0x150: {  	p2 =	por p1, !p2  }
.Ltmp14:
0x151: {  	_ = 	snop;
	(pc) =	sbr.rel @!p2 .LBB2_25-.Ltmp14, $2  }
0x152: {  	_ =	sdelay $0x2  }
0x153: {  	s1 =	sadd.s32 $0xFFFFFFFF, s1;
	s29 =	sadd.s32 $0xFFFFFFF0, s29;
	s0 =	sadd.s32 $0xFFFFFFF0, s0  }
0x154: {  	s30 =	smov.u32 @p1 s30;
	s29 =	smov.u32 @p1 s29  }
.LBB2_27:
0x155: {  	v5 =	vld [tilespmem:s29+$0x1A000];
	_ =	sdelay $0x4  }
0x156: {  	(xrf0) =	vadd.scan.msk.s32 $0xffff, v5;
	_ =	sdelay $0x5  }
0x157: {  	v6, _, _ =	vpop (xrf0)  }
0x158: {  	v7 =	vxor.u32 $0x80000000, v6  }
0x159: {  	(xrf0) =	vmax.scan.msk.u32 $0xffff, v7;
	_ =	sdelay $0x5  }
0x15a: {  	v7, _, _ =	vpop (xrf0)  }
0x15b: {  	(v2sf) =	vpush v7, $0xF;
	_ =	sdelay $0xe  }
0x15c: {  	s0 =	spop (v2sf)  }
0x15d: {  	s0 =	sxor.u32 $0x80000000, s0  }
0x15e: {  	s1 =	ssub.s32 s28, s30;
	v6 =	vsub.s32 s0, v6  }
0x15f: {  	v7 =	vmov s1;
	v8 =	vadd.s32 v5, v6  }
0x160: {  	vm0 =	vgt.s32 v7, v6;
	vm1 =	vge.s32 v8, s1  }
0x161: {  	v6 =	vsub.s32 s1, v6;
	vm0 =	vmand vm0, vm1  }
0x162: {  	v6 =	vxor.u32 $0x80000000, v6;
	v7 =	vnsel vm0, $0x7FFFFFFF, v2  }
0x163: {  	v5 =	vxor.u32 $0x80000000, v5;
	v6 =	vnsel vm0, $0x7FFFFFFF, v6;
	(xrf0) =	vmax.scan.msk.u32 $0xffff, v7  }
0x164: {  	v5 =	vnsel vm0, $0x7FFFFFFF, v5;
	(xrf0) =	vmax.scan.msk.u32 $0xffff, v6  }
0x165: {  	(xrf0) =	vmax.scan.msk.u32 $0xffff, v5;
	_ =	sdelay $0x3  }
0x166: {  	v5, _, _ =	vpop (xrf0)  }
0x167: {  	v6, _, _ =	vpop (xrf0);
	(v2sf) =	vpush v5, $0xF  }
0x168: {  	(v2sf) =	vpush v6, $0xF;
	v5, _, _ =	vpop (xrf0)  }
0x169: {  	(v2sf) =	vpush v5, $0xF;
	_ =	sdelay $0xc  }
0x16a: {  	s30 =	spop (v2sf)  }
0x16b: {  	s28 =	spop (v2sf);
	s0 =	sadd.s32 s30, s29  }
0x16c: {  	s31 =	spop (v2sf);
	s0 =	sadd.s32 $0x80000000, s0  }
0x16d: {  	s26 =	sshll.u32 s26, $0x8;
	s0 =	simm.s32 @p0 $0x0;
	p1 =	sge.u32 s28, s31  }
0x16e: {  	s26 =	sor.u32 s26, s0;
	p0 =	por p0, p1  }
0x16f: {  	p1 =	seq.s32 @p0 s26, $0x0  }
0x170: {  	p1 =	por !p0, p1  }
.Ltmp15:
0x171: {  	_ = 	snop;
	(pc) =	sbr.rel @p1 .LBB2_31-.Ltmp15, $1  }
0x172: {  	_ =	sdelay $0x3  }
0x173: {  	s29 =	simm.s32 $0x40  }
0x174: {  	p1 =	slt.s32 s26, $0x0;
	s0 =	sxor.u32 $0x7FFFFFFF, s26;
	s1 =	smov.u32 s26;
	v7 =	vld [tilespmem:s29+$0x30]  }
0x175: {  	s1 =	smov.u32 @p1 s0;
	v10 =	vld [tilespmem:s29+$0xFFFFFFD0]  }
0x176: {  	v12 =	vld [tilespmem:s29+$0xFFFFFFE0];
	v5 =	vmov s1  }
0x177: {  	v9 =	vld [tilespmem:s29+$0xFFFFFFF0];
	v5 =	vbroadcast v5, $0x0  }
0x178: {  	v8 =	vld [tilespmem:s29+$0x0]  }
0x179: {  	v6 =	vld [tilespmem:s29+$0x10];
	vm0 =	vge.f32 v7, v5  }
0x17a: {  	vm1 =	vge.f32 v10, v5;
	v7 =	vld [tilespmem:s29+$0x20];
	v13 =	vsel vm0, $0x3F800000, v3  }
0x17b: {  	s30 =	simm.s32 $0x0;
	s31 =	simm.s32 $0xC0;
	v10 =	vld [tilespmem:s29+$0xFFFFFFC0];
	v11 =	vsel vm1, $0x3F800000, v3;
	vm0 =	vge.f32 v12, v5;
	[tilespmem:s29+$0x30] =	vst v13  }
.LBB2_29:
0x17c: {  	v12 =	vld [tilespmem:s31+$0x30];
	s30 =	sadd.s32 $0x8, s30;
	[tilespmem:s29+$0xFFFFFFD0] =	vst v11;
	v11 =	vsel vm0, $0x3F800000, v3;
	vm0 =	vge.f32 v9, v5  }
0x17d: {  	v13 =	vld [tilespmem:s31+$0xFFFFFFD0];
	p1 =	slt.u32 s30, $0x7F8;
	[tilespmem:s29+$0xFFFFFFE0] =	vst v11;
	v9 =	vsel vm0, $0x3F800000, v3;
	vm0 =	vge.f32 v8, v5  }
0x17e: {  	v14 =	vld [tilespmem:s31+$0xFFFFFFE0];
	[tilespmem:s29+$0xFFFFFFF0] =	vst v9;
	v8 =	vsel vm0, $0x3F800000, v3;
	vm0 =	vge.f32 v6, v5  }
.Ltmp16:
0x17f: {  	v9 =	vld [tilespmem:s31+$0xFFFFFFF0];
	[tilespmem:s29+$0x0] =	vst v8;
	v6 =	vsel vm0, $0x3F800000, v3;
	vm0 =	vge.f32 v7, v5;
	(pc) =	sbr.rel @p1 .LBB2_29-.Ltmp16, $4  }
0x180: {  	v8 =	vld [tilespmem:s31+$0x0];
	vm1 =	vge.f32 v10, v5;
	[tilespmem:s29+$0x10] =	vst v6;
	v7 =	vsel vm0, $0x3F800000, v3  }
0x181: {  	v6 =	vld [tilespmem:s31+$0x10];
	vm0 =	vge.f32 v12, v5;
	v10 =	vsel vm1, $0x3F800000, v3;
	[tilespmem:s29+$0x20] =	vst v7  }
0x182: {  	vm1 =	vge.f32 v13, v5;
	v7 =	vld [tilespmem:s31+$0x20];
	v12 =	vsel vm0, $0x3F800000, v3;
	[tilespmem:s29+$0xFFFFFFC0] =	vst v10;
	s29 =	smov.u32 s31  }
0x183: {  	s31 =	sadd.s32 $0x80, s31;
	v10 =	vld [tilespmem:s29+$0xFFFFFFC0];
	v11 =	vsel vm1, $0x3F800000, v3;
	vm0 =	vge.f32 v14, v5;
	[tilespmem:s29+$0x30] =	vst v12  }
0x184: {  	[tilespmem:s29+$0xFFFFFFD0] =	vst v11;
	v63 =	vsel vm0, $0x3F800000, v3;
	vm12 =	vge.f32 v9, v5  }
0x185: {  	[tilespmem:s29+$0xFFFFFFE0] =	vst v63;
	v9 =	vsel vm12, $0x3F800000, v3;
	vm13 =	vge.f32 v8, v5  }
0x186: {  	[tilespmem:s29+$0xFFFFFFF0] =	vst v9;
	v8 =	vsel vm13, $0x3F800000, v3;
	vm14 =	vge.f32 v6, v5  }
0x187: {  	[tilespmem:s29+$0x0] =	vst v8;
	v6 =	vsel vm14, $0x3F800000, v3;
	vm15 =	vge.f32 v7, v5  }
0x188: {  	vm1 =	vge.f32 v10, v5;
	[tilespmem:s29+$0x10] =	vst v6;
	v5 =	vsel vm15, $0x3F800000, v3  }
0x189: {  	v6 =	vsel vm1, $0x3F800000, v3;
	[tilespmem:s29+$0x20] =	vst v5  }
0x18a: {  	[tilespmem:s29+$0xFFFFFFC0] =	vst v6  }
.LBB2_31:
0x18b: {  	p1 =	seq.s32 s26, $0x0  }
0x18c: {  	p1 =	por !p0, !p1  }
0x18d: {  	p1 =	por !p1, !p1  }
.Ltmp17:
0x18e: {  	_ = 	snop;
	(pc) =	sbr.rel @!p1 .LBB2_35-.Ltmp17, $1  }
0x18f: {  	_ =	sdelay $0x3  }
0x190: {  	s29 =	simm.s32 $0x40  }
0x191: {  	v6 =	vld [tilespmem:s29+$0x30]  }
0x192: {  	v9 =	vld [tilespmem:s29+$0xFFFFFFD0]  }
0x193: {  	v11 =	vld [tilespmem:s29+$0xFFFFFFE0]  }
0x194: {  	v8 =	vld [tilespmem:s29+$0xFFFFFFF0]  }
0x195: {  	v7 =	vld [tilespmem:s29+$0x0]  }
0x196: {  	v5 =	vld [tilespmem:s29+$0x10];
	vm0 =	vlt.s32 v6, $0x0  }
0x197: {  	vm1 =	vlt.s32 v9, $0x0;
	v6 =	vld [tilespmem:s29+$0x20];
	v12 =	vsel vm0, $0x0, v4  }
0x198: {  	s30 =	simm.s32 $0x0;
	s31 =	simm.s32 $0xC0;
	v9 =	vld [tilespmem:s29+$0xFFFFFFC0];
	v10 =	vsel vm1, $0x0, v4;
	vm0 =	vlt.s32 v11, $0x0;
	[tilespmem:s29+$0x30] =	vst v12  }
.LBB2_33:
0x199: {  	v11 =	vld [tilespmem:s31+$0x30];
	s30 =	sadd.s32 $0x8, s30;
	[tilespmem:s29+$0xFFFFFFD0] =	vst v10;
	v10 =	vsel vm0, $0x0, v4;
	vm0 =	vlt.s32 v8, $0x0  }
0x19a: {  	v12 =	vld [tilespmem:s31+$0xFFFFFFD0];
	p1 =	slt.u32 s30, $0x7F8;
	[tilespmem:s29+$0xFFFFFFE0] =	vst v10;
	v8 =	vsel vm0, $0x0, v4;
	vm0 =	vlt.s32 v7, $0x0  }
0x19b: {  	v13 =	vld [tilespmem:s31+$0xFFFFFFE0];
	[tilespmem:s29+$0xFFFFFFF0] =	vst v8;
	v7 =	vsel vm0, $0x0, v4;
	vm0 =	vlt.s32 v5, $0x0  }
.Ltmp18:
0x19c: {  	v8 =	vld [tilespmem:s31+$0xFFFFFFF0];
	[tilespmem:s29+$0x0] =	vst v7;
	v5 =	vsel vm0, $0x0, v4;
	vm0 =	vlt.s32 v6, $0x0;
	(pc) =	sbr.rel @p1 .LBB2_33-.Ltmp18, $4  }
0x19d: {  	v7 =	vld [tilespmem:s31+$0x0];
	vm1 =	vlt.s32 v9, $0x0;
	[tilespmem:s29+$0x10] =	vst v5;
	v6 =	vsel vm0, $0x0, v4  }
0x19e: {  	v5 =	vld [tilespmem:s31+$0x10];
	vm0 =	vlt.s32 v11, $0x0;
	v9 =	vsel vm1, $0x0, v4;
	[tilespmem:s29+$0x20] =	vst v6  }
0x19f: {  	vm1 =	vlt.s32 v12, $0x0;
	v6 =	vld [tilespmem:s31+$0x20];
	v11 =	vsel vm0, $0x0, v4;
	[tilespmem:s29+$0xFFFFFFC0] =	vst v9;
	s29 =	smov.u32 s31  }
0x1a0: {  	s31 =	sadd.s32 $0x80, s31;
	v9 =	vld [tilespmem:s29+$0xFFFFFFC0];
	v10 =	vsel vm1, $0x0, v4;
	vm0 =	vlt.s32 v13, $0x0;
	[tilespmem:s29+$0x30] =	vst v11  }
0x1a1: {  	[tilespmem:s29+$0xFFFFFFD0] =	vst v10;
	v63 =	vsel vm0, $0x0, v4;
	vm12 =	vlt.s32 v8, $0x0  }
0x1a2: {  	[tilespmem:s29+$0xFFFFFFE0] =	vst v63;
	v8 =	vsel vm12, $0x0, v4;
	vm13 =	vlt.s32 v7, $0x0  }
0x1a3: {  	[tilespmem:s29+$0xFFFFFFF0] =	vst v8;
	v7 =	vsel vm13, $0x0, v4;
	vm14 =	vlt.s32 v5, $0x0  }
0x1a4: {  	[tilespmem:s29+$0x0] =	vst v7;
	v5 =	vsel vm14, $0x0, v4;
	vm15 =	vlt.s32 v6, $0x0  }
0x1a5: {  	vm1 =	vlt.s32 v9, $0x0;
	[tilespmem:s29+$0x10] =	vst v5;
	v5 =	vsel vm15, $0x0, v4  }
0x1a6: {  	v6 =	vsel vm1, $0x0, v4;
	[tilespmem:s29+$0x20] =	vst v5  }
0x1a7: {  	[tilespmem:s29+$0xFFFFFFC0] =	vst v6  }
.LBB2_35:
.Ltmp19:
0x1a8: {  	(pc) =	sbr.rel @p0 .LBB2_39-.Ltmp19, $1  }
0x1a9: {  	_ =	sdelay $0x3  }
0x1aa: {  	s0 =	simm.s32 $0x0  }
0x1ab: {  	v6 =	vld [tilespmem:s0+$0x0];
	_ =	sdelay $0x4  }
0x1ac: {  	v5 =	vshra.s32 v6, $0x1F  }
0x1ad: {  	v7 =	vand.u32 $0x7FFFFFFF, v5  }
0x1ae: {  	v5 =	vmov s26;
	v7 =	vxor.u32 v6, v7  }
0x1af: {  	vm0 =	veq.s32 v7, v5  }
0x1b0: {  	v6 =	vsel vm0, $0x1, v0  }
0x1b1: {  	(xrf0) =	vadd.scan.msk.s32 $0xffff, v6;
	_ =	sdelay $0x5  }
0x1b2: {  	s1 =	sxor.u32 $0x80000000, s28;
	s26 =	simm.s32 $0x0;
	v8, _, _ =	vpop (xrf0)  }
0x1b3: {  	v6 =	vmov s1;
	v9 =	vadd.s32 s26, v8;
	(v2sf) =	vpush v8, $0xF  }
0x1b4: {  	vm1 =	vle.s32 v9, v6  }
0x1b5: {  	vm2 =	vgt.s32 v7, v5;
	vm0 =	vmand vm0, vm1  }
0x1b6: {  	vm0 =	vmor vm2, vm0  }
0x1b7: {  	v7 =	vsel vm0, $0x3F800000, v3  }
0x1b8: {  	s28 =	simm.s32 $0x10;
	s29 =	simm.s32 $0x80;
	[tilespmem:s0+$0x0] =	vst v7  }
.LBB2_37:
0x1b9: {  	p0 =	sne.s32 s29, $0x1FFC0;
	v7 =	vld [tilespmem:s28+$0x0];
	_ =	sdelay $0x4  }
0x1ba: {  	v8 =	vshra.s32 v7, $0x1F  }
0x1bb: {  	v8 =	vand.u32 $0x7FFFFFFF, v8  }
0x1bc: {  	v7 =	vxor.u32 v7, v8  }
0x1bd: {  	vm0 =	veq.s32 v7, v5;
	vm1 =	vgt.s32 v7, v5  }
0x1be: {  	v7 =	vsel vm0, $0x1, v0;
	s0 =	spop (v2sf)  }
0x1bf: {  	(xrf0) =	vadd.scan.msk.s32 $0xffff, v7;
	s26 =	sadd.s32 s26, s0;
	_ =	sdelay $0x5  }
0x1c0: {  	v7, _, _ =	vpop (xrf0)  }
0x1c1: {  	v8 =	vadd.s32 s26, v7;
	(v2sf) =	vpush v7, $0xF  }
.Ltmp20:
0x1c2: {  	vm2 =	vle.s32 v8, v6;
	(pc) =	sbr.rel @p0 .LBB2_37-.Ltmp20, $4  }
0x1c3: {  	vm0 =	vmand vm0, vm2  }
0x1c4: {  	vm0 =	vmor vm1, vm0  }
0x1c5: {  	v7 =	vsel vm0, $0x3F800000, v3  }
0x1c6: {  	[tilespmem:s28+$0x0] =	vst v7;
	s28 =	sshra.s32 s29, $0x2;
	s29 =	sadd.s32 $0x40, s29  }
0x1c7: {  	v7 =	vld [tilespmem:s28+$0x0];
	_ =	sdelay $0x4  }
0x1c8: {  	v8 =	vshra.s32 v7, $0x1F  }
0x1c9: {  	v8 =	vand.u32 $0x7FFFFFFF, v8  }
0x1ca: {  	v7 =	vxor.u32 v7, v8  }
0x1cb: {  	vm0 =	veq.s32 v7, v5  }
0x1cc: {  	v63 =	vsel vm0, $0x1, v0  }
0x1cd: {  	(xrf0) =	vadd.scan.msk.s32 $0xffff, v63;
	_ =	sdelay $0x5  }
0x1ce: {  	v8, _, _ =	vpop (xrf0)  }
0x1cf: {  	(v2sf) =	vpush v8, $0xF;
	_ =	sdelay $0x7  }
0x1d0: {  	s0 =	spop (v2sf)  }
0x1d1: {  	s0 =	sadd.s32 s26, s0  }
0x1d2: {  	v8 =	vadd.s32 s0, v8  }
0x1d3: {  	vm1 =	vle.s32 v8, v6  }
0x1d4: {  	vm2 =	vgt.s32 v7, v5;
	vm0 =	vmand vm0, vm1  }
0x1d5: {  	vm0 =	vmor vm2, vm0  }
0x1d6: {  	v5 =	vsel vm0, $0x3F800000, v3  }
0x1d7: {  	[tilespmem:s28+$0x0] =	vst v5;
	s31 =	spop (v2sf)  }
.LBB2_39:
0x1d8: {  	[hbm4b:s5+s12] =	stream.strided.scatter [tilespmem:s2], [sflag:$0x4], $0x8000, s13, s12, $0x38;
	[tilespmem:$0x1A100] =	vst v63  }
0x1d9: {  	_ = 	snop  }
0x1da: {  	[tilespmem:s18], [sflag:$0x3] =	stream.strided.gather [hbm4b:s6+s12], $0x8000, s13, s12, $0x38;
	[tilespmem:$0x1A100] =	vst v63  }
0x1db: {  	_ =	swait.ge [sflag:s19], $0x8000  }
0x1dc: {  	[sflag:s19] =	ssyncset.done $0x0  }
0x1dd: {  	s26 =	simm.s32 $0x18020;
	[sflag:s19] =	ssyncadd.s32 $0xFFFF8000  }
0x1de: {  	[tilespmem:s26+$0xFFFFFFE0] =	vst v0  }
0x1df: {  	[tilespmem:s26+$0x10] =	vst v0  }
0x1e0: {  	s28 =	simm.s32 $0x0;
	[tilespmem:s26+$0x0] =	vst v0  }
.LBB2_40:
0x1e1: {  	s28 =	sadd.s32 $0x4, s28  }
0x1e2: {  	[tilespmem:s26+$0xFFFFFFF0] =	vst v0;
	s26 =	sadd.s32 $0x40, s26;
	p0 =	slt.u32 s28, $0xFC  }
.Ltmp21:
0x1e3: {  	[tilespmem:s26+$0xFFFFFFE0] =	vst v0;
	(pc) =	sbr.rel @p0 .LBB2_40-.Ltmp21, $3  }
0x1e4: {  	_ =	sdelay $0x1  }
0x1e5: {  	[tilespmem:s26+$0x10] =	vst v0  }
0x1e6: {  	[tilespmem:s26+$0x0] =	vst v0  }
0x1e7: {  	[tilespmem:s26+$0xFFFFFFF0] =	vst v0;
	s28 =	simm.s32 $0x19020  }
0x1e8: {  	[tilespmem:s28+$0xFFFFFFE0] =	vst v0  }
0x1e9: {  	[tilespmem:s28+$0x10] =	vst v0  }
0x1ea: {  	s29 =	simm.s32 $0x0;
	s26 =	simm.s32 $0x8040;
	[tilespmem:s28+$0x0] =	vst v0  }
.LBB2_42:
0x1eb: {  	s29 =	sadd.s32 $0x4, s29  }
0x1ec: {  	[tilespmem:s28+$0xFFFFFFF0] =	vst v0;
	s28 =	sadd.s32 $0x40, s28;
	p0 =	slt.u32 s29, $0xFC  }
.Ltmp22:
0x1ed: {  	[tilespmem:s28+$0xFFFFFFE0] =	vst v0;
	(pc) =	sbr.rel @p0 .LBB2_42-.Ltmp22, $3  }
0x1ee: {  	_ =	sdelay $0x1  }
0x1ef: {  	[tilespmem:s28+$0x10] =	vst v0  }
0x1f0: {  	[tilespmem:s28+$0x0] =	vst v0  }
0x1f1: {  	[tilespmem:s28+$0xFFFFFFF0] =	vst v0  }
0x1f2: {  	v5 =	vld [tilespmem:s26+$0x30]  }
0x1f3: {  	v6 =	vld [tilespmem:s26+$0xFFFFFFD0]  }
0x1f4: {  	v7 =	vld [tilespmem:s26+$0xFFFFFFE0]  }
0x1f5: {  	v8 =	vld [tilespmem:s26+$0xFFFFFFF0]  }
0x1f6: {  	v9 =	vld [tilespmem:s26+$0x0];
	_ =	sdelay $0x1  }
0x1f7: {  	v10 =	vld [tilespmem:s26+$0x10]  }
0x1f8: {  	v13 =	vld [tilespmem:s26+$0x20]  }
0x1f9: {  	v14 =	vld [tilespmem:s26+$0xFFFFFFC0];
	v11 =	vshra.s32 v5, $0x1F;
	v12 =	vshra.s32 v6, $0x1F;
	v15 =	vshra.s32 v7, $0x1F  }
0x1fa: {  	v62 =	vshra.s32 v8, $0x1F;
	v16 =	vshra.s32 v9, $0x1F;
	v11 =	vand.u32 $0x7FF00000, v11  }
0x1fb: {  	v12 =	vand.u32 $0x7FF00000, v12;
	v5 =	vxor.u32 v5, v11;
	v11 =	vand.u32 $0x7FF00000, v15  }
0x1fc: {  	v15 =	vand.u32 $0x7FF00000, v62;
	v12 =	vxor.u32 v6, v12;
	v5 =	vshra.s32 v5, $0x14  }
0x1fd: {  	v6 =	vshra.s32 v10, $0x1F;
	v63 =	vxor.u32 v7, v11;
	v17 =	vadd.s32 $0x800, v5  }
0x1fe: {  	v7 =	vand.u32 $0x7FF00000, v6;
	v6 =	vshra.s32 v13, $0x1F;
	v11 =	vshra.s32 v14, $0x1F  }
0x1ff: {  	v15 =	vxor.u32 v8, v15;
	v5 =	vand.u32 $0x7FF00000, v16;
	v8 =	vand.u32 $0x7FF00000, v6  }
0x200: {  	v11 =	vand.u32 $0x7FF00000, v11;
	v6 =	vxor.u32 v9, v5;
	v5 =	vxor.u32 v10, v7  }
0x201: {  	v9 =	vxor.u32 v14, v11;
	v7 =	vshra.s32 v12, $0x14;
	v8 =	vxor.u32 v13, v8  }
0x202: {  	s28 =	simm.s32 $0x80C0;
	s26 =	simm.s32 $0x0;
	v10 =	vshra.s32 v63, $0x14;
	v11 =	vshra.s32 v9, $0x14;
	v9 =	vshra.s32 v15, $0x14;
	[tilespmem:v17+s16+$0x0] =	vst.idx.add.s32.msk $0xffff, v1  }
.LBB2_44:
0x203: {  	v12 =	vld [tilespmem:s28+$0x30];
	s26 =	sadd.s32 $0x8, s26;
	v6 =	vshra.s32 v6, $0x14;
	v5 =	vshra.s32 v5, $0x14;
	v8 =	vshra.s32 v8, $0x14  }
0x204: {  	v11 =	vadd.s32 $0x800, v11;
	v7 =	vadd.s32 $0x800, v7;
	v10 =	vadd.s32 $0x800, v10;
	v13 =	vld [tilespmem:s28+$0xFFFFFFD0];
	p0 =	slt.u32 s26, $0x7F8  }
0x205: {  	v9 =	vadd.s32 $0x800, v9;
	v6 =	vadd.s32 $0x800, v6;
	v15 =	vadd.s32 $0x800, v5;
	v14 =	vld [tilespmem:s28+$0xFFFFFFE0]  }
0x206: {  	v16 =	vadd.s32 $0x800, v8;
	v5 =	vld [tilespmem:s28+$0xFFFFFFF0]  }
0x207: {  	v8 =	vld [tilespmem:s28+$0x0]  }
0x208: {  	v17 =	vld [tilespmem:s28+$0x10];
	v18 =	vshra.s32 v12, $0x1F  }
0x209: {  	v19 =	vshra.s32 v13, $0x1F;
	v20 =	vld [tilespmem:s28+$0x20];
	v18 =	vand.u32 $0x7FF00000, v18  }
0x20a: {  	v21 =	vld [tilespmem:s28+$0xFFFFFFC0];
	v19 =	vand.u32 $0x7FF00000, v19;
	v22 =	vshra.s32 v14, $0x1F;
	v12 =	vxor.u32 v12, v18  }
0x20b: {  	v18 =	vand.u32 $0x7FF00000, v22;
	v22 =	vshra.s32 v5, $0x1F;
	v12 =	vshra.s32 v12, $0x14;
	[tilespmem:v11+s16+$0x0] =	vst.idx.add.s32.msk $0xffff, v1  }
0x20c: {  	v11 =	vand.u32 $0x7FF00000, v22;
	v22 =	vshra.s32 v8, $0x1F;
	v12 =	vadd.s32 $0x800, v12;
	[tilespmem:v7+s16+$0x0] =	vst.idx.add.s32.msk $0xffff, v1  }
0x20d: {  	v7 =	vxor.u32 v13, v19;
	v13 =	vand.u32 $0x7FF00000, v22;
	v19 =	vshra.s32 v17, $0x1F;
	[tilespmem:v10+s16+$0x0] =	vst.idx.add.s32.msk $0xffff, v1  }
.Ltmp23:
0x20e: {  	v10 =	vxor.u32 v14, v18;
	v14 =	vand.u32 $0x7FF00000, v19;
	v18 =	vshra.s32 v20, $0x1F;
	[tilespmem:v9+s16+$0x0] =	vst.idx.add.s32.msk $0xffff, v1;
	(pc) =	sbr.rel @p0 .LBB2_44-.Ltmp23, $4  }
0x20f: {  	v19 =	vxor.u32 v5, v11;
	v9 =	vshra.s32 v21, $0x1F;
	v11 =	vand.u32 $0x7FF00000, v18;
	[tilespmem:v6+s16+$0x0] =	vst.idx.add.s32.msk $0xffff, v1  }
0x210: {  	v6 =	vxor.u32 v8, v13;
	v5 =	vxor.u32 v17, v14;
	v9 =	vand.u32 $0x7FF00000, v9;
	[tilespmem:v15+s16+$0x0] =	vst.idx.add.s32.msk $0xffff, v1  }
0x211: {  	v7 =	vshra.s32 v7, $0x14;
	v8 =	vxor.u32 v20, v11;
	v9 =	vxor.u32 v21, v9;
	[tilespmem:v12+s16+$0x0] =	vst.idx.add.s32.msk $0xffff, v1  }
0x212: {  	s28 =	sadd.s32 $0x80, s28;
	v10 =	vshra.s32 v10, $0x14;
	v11 =	vshra.s32 v9, $0x14;
	v9 =	vshra.s32 v19, $0x14;
	[tilespmem:v16+s16+$0x0] =	vst.idx.add.s32.msk $0xffff, v1  }
0x213: {  	v11 =	vadd.s32 $0x800, v11  }
0x214: {  	v7 =	vadd.s32 $0x800, v7  }
0x215: {  	v10 =	vadd.s32 $0x800, v10  }
0x216: {  	v6 =	vshra.s32 v6, $0x14;
	v9 =	vadd.s32 $0x800, v9  }
0x217: {  	v5 =	vshra.s32 v5, $0x14;
	v6 =	vadd.s32 $0x800, v6  }
0x218: {  	v8 =	vshra.s32 v8, $0x14;
	v5 =	vadd.s32 $0x800, v5;
	[tilespmem:v11+s16+$0x0] =	vst.idx.add.s32.msk $0xffff, v1  }
0x219: {  	v8 =	vadd.s32 $0x800, v8;
	[tilespmem:v7+s16+$0x0] =	vst.idx.add.s32.msk $0xffff, v1  }
0x21a: {  	[tilespmem:v10+s16+$0x0] =	vst.idx.add.s32.msk $0xffff, v1  }
0x21b: {  	[tilespmem:v9+s16+$0x0] =	vst.idx.add.s32.msk $0xffff, v1  }
0x21c: {  	[tilespmem:v6+s16+$0x0] =	vst.idx.add.s32.msk $0xffff, v1  }
0x21d: {  	[tilespmem:v5+s16+$0x0] =	vst.idx.add.s32.msk $0xffff, v1  }
0x21e: {  	[tilespmem:v8+s16+$0x0] =	vst.idx.add.s32.msk $0xffff, v1  }
0x21f: {  	v5 =	vld [tilespmem:$0x18FF0];
	_ =	sdelay $0x4  }
0x220: {  	(xrf0) =	vadd.scan.msk.s32 $0xffff, v5;
	_ =	sdelay $0x5  }
0x221: {  	v5, _, _ =	vpop (xrf0)  }
0x222: {  	(v2sf) =	vpush v5, $0xF;
	_ =	sdelay $0xe  }
0x223: {  	s29 =	spop (v2sf)  }
0x224: {  	p0 =	sgt.s32 s29, $0x666  }
.Ltmp24:
0x225: {  	_ = 	snop;
	(pc) =	sbr.rel @p0 .LBB2_49-.Ltmp24, $2  }
0x226: {  	_ =	sdelay $0x2  }
0x227: {  	s28 =	simm.s32 $0x667;
	s26 =	simm.s32 $0xFF0  }
0x228: {  	s0 =	simm.s32 $0xFF;
	s28 =	simm.s32 $0x18FE0  }
.LBB2_47:
0x229: {  	v5 =	vld [tilespmem:s28+$0x0];
	_ =	sdelay $0x4  }
0x22a: {  	(xrf0) =	vadd.scan.msk.s32 $0xffff, v5;
	_ =	sdelay $0x5  }
0x22b: {  	v5, _, _ =	vpop (xrf0)  }
0x22c: {  	(v2sf) =	vpush v5, $0xF;
	_ =	sdelay $0xe  }
0x22d: {  	s1 =	smov.u32 s29;
	s29 =	spop (v2sf)  }
0x22e: {  	p0 =	slt.u32 s0, $0x2;
	s29 =	sadd.s32 s1, s29  }
0x22f: {  	p1 =	slt.s32 @!p0 s29, $0x667  }
0x230: {  	p0 =	por p0, !p1  }
.Ltmp25:
0x231: {  	_ = 	snop;
	(pc) =	sbr.rel @!p0 .LBB2_47-.Ltmp25, $2  }
0x232: {  	_ =	sdelay $0x2  }
0x233: {  	s0 =	sadd.s32 $0xFFFFFFFF, s0;
	s26 =	sadd.s32 $0xFFFFFFF0, s26;
	s28 =	sadd.s32 $0xFFFFFFF0, s28  }
0x234: {  	s28 =	ssub.s32 $0x667, s1  }
.LBB2_49:
0x235: {  	v6 =	vld [tilespmem:s26+$0x18000];
	_ =	sdelay $0x4  }
0x236: {  	(xrf0) =	vadd.scan.msk.s32 $0xffff, v6;
	_ =	sdelay $0x5  }
0x237: {  	v5, _, _ =	vpop (xrf0)  }
0x238: {  	v7 =	vxor.u32 $0x80000000, v5  }
0x239: {  	(xrf0) =	vmax.scan.msk.u32 $0xffff, v7;
	_ =	sdelay $0x5  }
0x23a: {  	v7, _, _ =	vpop (xrf0)  }
0x23b: {  	(v2sf) =	vpush v7, $0xF;
	_ =	sdelay $0xe  }
0x23c: {  	s0 =	spop (v2sf)  }
0x23d: {  	s0 =	sxor.u32 $0x80000000, s0  }
0x23e: {  	v5 =	vsub.s32 s0, v5  }
0x23f: {  	v6 =	vadd.s32 v6, v5  }
0x240: {  	vm0 =	vlt.s32 v5, s28;
	vm1 =	vge.s32 v6, s28  }
0x241: {  	vm0 =	vmand vm0, vm1  }
0x242: {  	v6 =	vnsel vm0, $0x7FFFFFFF, v2  }
0x243: {  	(xrf0) =	vmax.scan.msk.u32 $0xffff, v6;
	_ =	sdelay $0x5  }
0x244: {  	v6, _, _ =	vpop (xrf0)  }
0x245: {  	(v2sf) =	vpush v6, $0xF;
	_ =	sdelay $0x5  }
0x246: {  	s31 =	simm.s32 $0x8040  }
0x247: {  	v8 =	vld [tilespmem:s31+$0x30]  }
0x248: {  	v9 =	vld [tilespmem:s31+$0xFFFFFFD0]  }
0x249: {  	v10 =	vld [tilespmem:s31+$0xFFFFFFE0]  }
0x24a: {  	v12 =	vld [tilespmem:s31+$0x0]  }
0x24b: {  	v17 =	vld [tilespmem:s31+$0xFFFFFFC0]  }
0x24c: {  	v11 =	vld [tilespmem:s31+$0xFFFFFFF0];
	_ =	sdelay $0x1  }
0x24d: {  	v14 =	vshra.s32 v8, $0x1F;
	v15 =	vshra.s32 v9, $0x1F  }
0x24e: {  	v18 =	vshra.s32 v10, $0x1F;
	v20 =	vshra.s32 v12, $0x1F;
	v14 =	vand.u32 $0x7FFFFFFF, v14;
	s1 =	spop (v2sf)  }
0x24f: {  	v22 =	vshra.s32 v17, $0x1F;
	v15 =	vand.u32 $0x7FFFFFFF, v15;
	v8 =	vxor.u32 v8, v14;
	s1 =	sadd.s32 s1, s26  }
0x250: {  	v13 =	vld [tilespmem:s31+$0x10];
	v14 =	vand.u32 $0x7FFFFFFF, v18;
	v18 =	vshra.s32 v11, $0x1F;
	v23 =	vxor.u32 v9, v15;
	s26 =	sadd.s32 $0xFFFFF800, s1  }
0x251: {  	v16 =	vld [tilespmem:s31+$0x20];
	v9 =	vand.u32 $0x7FFFFFFF, v22;
	v18 =	vand.u32 $0x7FFFFFFF, v18;
	v22 =	vxor.u32 v10, v14;
	s1 =	sshll.u32 s26, $0x14  }
0x252: {  	v10 =	vxor.u32 v17, v9;
	v24 =	vxor.u32 v11, v18;
	v7 =	vmov s1  }
0x253: {  	v17 =	vshrl.u32 v24, $0x8;
	v6 =	vmov s28;
	v19 =	vsub.s32 v8, v7  }
0x254: {  	v8 =	vshrl.u32 v8, $0x8;
	v14 =	vsub.s32 v10, v7;
	vm1 =	vlt.u32 v19, $0x100000  }
0x255: {  	v18 =	vsub.s32 v22, v7;
	v19 =	vshra.s32 v13, $0x1F;
	v21 =	vand.u32 $0xFFF, v8  }
0x256: {  	v8 =	vand.u32 $0x7FFFFFFF, v20;
	v20 =	vshra.s32 v16, $0x1F;
	v19 =	vand.u32 $0x7FFFFFFF, v19  }
0x257: {  	v15 =	vand.u32 $0x7FFFFFFF, v20;
	v11 =	vxor.u32 v12, v8;
	v8 =	vshrl.u32 v10, $0x8  }
0x258: {  	v20 =	vsub.s32 v23, v7;
	v9 =	vxor.u32 v13, v19;
	v12 =	vxor.u32 v16, v15  }
0x259: {  	v16 =	vsub.s32 v24, v7;
	v15 =	vsub.s32 v11, v7;
	v19 =	vshrl.u32 v22, $0x8  }
0x25a: {  	s29 =	simm.s32 $0x80C0;
	s28 =	simm.s32 $0x0;
	v13 =	vsub.s32 v9, v7;
	v10 =	vsub.s32 v12, v7;
	[tilespmem:v21+s17+$0x0] =	vst.idx.add.s32.msk vm1, v1;
	v21 =	vshrl.u32 v23, $0x8  }
.LBB2_50:
0x25b: {  	v22 =	vld [tilespmem:s29+$0x30];
	s28 =	sadd.s32 $0x8, s28;
	v11 =	vshrl.u32 v11, $0x8;
	v9 =	vshrl.u32 v9, $0x8;
	v12 =	vshrl.u32 v12, $0x8  }
0x25c: {  	vm7 =	vlt.u32 v14, $0x100000;
	vm6 =	vlt.u32 v20, $0x100000;
	vm5 =	vlt.u32 v18, $0x100000;
	v23 =	vld [tilespmem:s29+$0xFFFFFFD0];
	p0 =	slt.u32 s28, $0x7F8  }
0x25d: {  	vm4 =	vlt.u32 v16, $0x100000;
	vm3 =	vlt.u32 v15, $0x100000;
	vm2 =	vlt.u32 v13, $0x100000;
	v14 =	vld [tilespmem:s29+$0xFFFFFFE0]  }
0x25e: {  	v8 =	vand.u32 $0xFFF, v8;
	v15 =	vand.u32 $0xFFF, v21;
	vm1 =	vlt.u32 v10, $0x100000;
	v13 =	vld [tilespmem:s29+$0xFFFFFFF0]  }
0x25f: {  	v16 =	vand.u32 $0xFFF, v19;
	v17 =	vand.u32 $0xFFF, v17;
	v11 =	vand.u32 $0xFFF, v11;
	v10 =	vld [tilespmem:s29+$0x0]  }
0x260: {  	v9 =	vand.u32 $0xFFF, v9;
	v24 =	vand.u32 $0xFFF, v12;
	v18 =	vld [tilespmem:s29+$0x10];
	v19 =	vshra.s32 v22, $0x1F  }
0x261: {  	v12 =	vshra.s32 v23, $0x1F;
	v20 =	vld [tilespmem:s29+$0x20];
	v19 =	vand.u32 $0x7FFFFFFF, v19  }
0x262: {  	v21 =	vld [tilespmem:s29+$0xFFFFFFC0];
	v12 =	vand.u32 $0x7FFFFFFF, v12;
	v25 =	vshra.s32 v14, $0x1F;
	v19 =	vxor.u32 v22, v19  }
0x263: {  	v22 =	vand.u32 $0x7FFFFFFF, v25;
	v25 =	vshra.s32 v13, $0x1F;
	v26 =	vsub.s32 v19, v7;
	[tilespmem:v8+s17+$0x0] =	vst.idx.add.s32.msk vm7, v1  }
0x264: {  	v19 =	vshrl.u32 v19, $0x8;
	v8 =	vshra.s32 v10, $0x1F;
	vm7 =	vlt.u32 v26, $0x100000;
	[tilespmem:v15+s17+$0x0] =	vst.idx.add.s32.msk vm6, v1  }
0x265: {  	v15 =	vand.u32 $0x7FFFFFFF, v25;
	v19 =	vand.u32 $0xFFF, v19;
	v25 =	vshra.s32 v18, $0x1F;
	[tilespmem:v16+s17+$0x0] =	vst.idx.add.s32.msk vm5, v1  }
0x266: {  	v8 =	vand.u32 $0x7FFFFFFF, v8;
	v16 =	vand.u32 $0x7FFFFFFF, v25;
	v25 =	vshra.s32 v20, $0x1F;
	[tilespmem:v17+s17+$0x0] =	vst.idx.add.s32.msk vm4, v1  }
0x267: {  	v23 =	vxor.u32 v23, v12;
	v17 =	vshra.s32 v21, $0x1F;
	v12 =	vand.u32 $0x7FFFFFFF, v25;
	[tilespmem:v11+s17+$0x0] =	vst.idx.add.s32.msk vm3, v1  }
0x268: {  	v11 =	vand.u32 $0x7FFFFFFF, v17;
	v17 =	vxor.u32 v14, v22;
	v22 =	vxor.u32 v13, v15;
	[tilespmem:v9+s17+$0x0] =	vst.idx.add.s32.msk vm2, v1  }
.Ltmp26:
0x269: {  	v9 =	vxor.u32 v18, v16;
	v13 =	vxor.u32 v21, v11;
	v11 =	vxor.u32 v10, v8;
	(pc) =	sbr.rel @p0 .LBB2_50-.Ltmp26, $4  }
0x26a: {  	v12 =	vxor.u32 v20, v12;
	v14 =	vsub.s32 v13, v7;
	v8 =	vshrl.u32 v13, $0x8;
	[tilespmem:v19+s17+$0x0] =	vst.idx.add.s32.msk vm7, v1  }
0x26b: {  	v20 =	vsub.s32 v23, v7;
	v18 =	vsub.s32 v17, v7;
	v16 =	vsub.s32 v22, v7  }
0x26c: {  	v10 =	vsub.s32 v12, v7;
	v15 =	vsub.s32 v11, v7;
	v13 =	vsub.s32 v9, v7  }
0x26d: {  	s29 =	sadd.s32 $0x80, s29;
	v21 =	vshrl.u32 v23, $0x8;
	v19 =	vshrl.u32 v17, $0x8;
	v17 =	vshrl.u32 v22, $0x8;
	[tilespmem:v24+s17+$0x0] =	vst.idx.add.s32.msk vm1, v1  }
0x26e: {  	vm1 =	vlt.u32 v14, $0x100000  }
0x26f: {  	vm2 =	vlt.u32 v20, $0x100000;
	v7 =	vand.u32 $0xFFF, v8  }
0x270: {  	vm3 =	vlt.u32 v18, $0x100000;
	v61 =	vand.u32 $0xFFF, v21  }
0x271: {  	vm4 =	vlt.u32 v16, $0x100000;
	v62 =	vand.u32 $0xFFF, v19  }
0x272: {  	v11 =	vshrl.u32 v11, $0x8;
	vm5 =	vlt.u32 v15, $0x100000;
	v63 =	vand.u32 $0xFFF, v17  }
0x273: {  	v9 =	vshrl.u32 v9, $0x8;
	vm6 =	vlt.u32 v13, $0x100000;
	v11 =	vand.u32 $0xFFF, v11  }
0x274: {  	v12 =	vshrl.u32 v12, $0x8;
	vm7 =	vlt.u32 v10, $0x100000;
	v9 =	vand.u32 $0xFFF, v9;
	[tilespmem:v7+s17+$0x0] =	vst.idx.add.s32.msk vm1, v1  }
0x275: {  	v7 =	vand.u32 $0xFFF, v12;
	[tilespmem:v61+s17+$0x0] =	vst.idx.add.s32.msk vm2, v1  }
0x276: {  	[tilespmem:v62+s17+$0x0] =	vst.idx.add.s32.msk vm3, v1  }
0x277: {  	[tilespmem:v63+s17+$0x0] =	vst.idx.add.s32.msk vm4, v1  }
0x278: {  	[tilespmem:v11+s17+$0x0] =	vst.idx.add.s32.msk vm5, v1  }
0x279: {  	[tilespmem:v9+s17+$0x0] =	vst.idx.add.s32.msk vm6, v1  }
0x27a: {  	[tilespmem:v7+s17+$0x0] =	vst.idx.add.s32.msk vm7, v1  }
0x27b: {  	v7 =	vld [tilespmem:$0x19FF0]  }
0x27c: {  	v5 =	vsub.s32 v6, v5  }
0x27d: {  	v5 =	vxor.u32 $0x80000000, v5  }
0x27e: {  	v5 =	vnsel vm0, $0x7FFFFFFF, v5  }
0x27f: {  	(xrf0) =	vmax.scan.msk.u32 $0xffff, v5  }
0x280: {  	(xrf0) =	vadd.scan.msk.s32 $0xffff, v7;
	_ =	sdelay $0x4  }
0x281: {  	v5, _, _ =	vpop (xrf0)  }
0x282: {  	(v2sf) =	vpush v5, $0xF;
	v5, _, _ =	vpop (xrf0)  }
0x283: {  	(v2sf) =	vpush v5, $0xF;
	_ =	sdelay $0xd  }
0x284: {  	s0 =	spop (v2sf)  }
0x285: {  	s28 =	sxor.u32 $0x80000000, s0;
	s31 =	spop (v2sf)  }
0x286: {  	p0 =	sge.s32 s31, s28  }
.Ltmp27:
0x287: {  	_ = 	snop;
	(pc) =	sbr.rel @p0 .LBB2_55-.Ltmp27, $2  }
0x288: {  	_ =	sdelay $0x2  }
0x289: {  	s30 =	simm.s32 $0x0;
	s29 =	simm.s32 $0xFF0  }
0x28a: {  	s1 =	simm.s32 $0xFF;
	s0 =	simm.s32 $0x19FE0  }
.LBB2_53:
0x28b: {  	v5 =	vld [tilespmem:s0+$0x0];
	_ =	sdelay $0x4  }
0x28c: {  	(xrf0) =	vadd.scan.msk.s32 $0xffff, v5;
	_ =	sdelay $0x5  }
0x28d: {  	v5, _, _ =	vpop (xrf0)  }
0x28e: {  	(v2sf) =	vpush v5, $0xF;
	_ =	sdelay $0xe  }
0x28f: {  	s30 =	smov.u32 s31;
	s31 =	spop (v2sf)  }
0x290: {  	p0 =	slt.u32 s1, $0x2;
	s31 =	sadd.s32 s30, s31  }
0x291: {  	p1 =	slt.s32 @!p0 s31, s28  }
0x292: {  	p1 =	por p0, !p1  }
.Ltmp28:
0x293: {  	_ = 	snop;
	(pc) =	sbr.rel @!p1 .LBB2_53-.Ltmp28, $2  }
0x294: {  	_ =	sdelay $0x2  }
0x295: {  	s1 =	sadd.s32 $0xFFFFFFFF, s1;
	s29 =	sadd.s32 $0xFFFFFFF0, s29;
	s0 =	sadd.s32 $0xFFFFFFF0, s0  }
0x296: {  	s30 =	smov.u32 @p0 s30;
	s29 =	smov.u32 @p0 s29  }
.LBB2_55:
0x297: {  	v5 =	vld [tilespmem:s29+$0x19000];
	_ =	sdelay $0x4  }
0x298: {  	(xrf0) =	vadd.scan.msk.s32 $0xffff, v5;
	_ =	sdelay $0x5  }
0x299: {  	v6, _, _ =	vpop (xrf0)  }
0x29a: {  	v7 =	vxor.u32 $0x80000000, v6  }
0x29b: {  	(xrf0) =	vmax.scan.msk.u32 $0xffff, v7;
	_ =	sdelay $0x5  }
0x29c: {  	v7, _, _ =	vpop (xrf0)  }
0x29d: {  	(v2sf) =	vpush v7, $0xF;
	_ =	sdelay $0xe  }
0x29e: {  	s0 =	spop (v2sf)  }
0x29f: {  	s0 =	sxor.u32 $0x80000000, s0  }
0x2a0: {  	s1 =	ssub.s32 s28, s30;
	v6 =	vsub.s32 s0, v6  }
0x2a1: {  	v7 =	vmov s1;
	v8 =	vadd.s32 v5, v6  }
0x2a2: {  	vm0 =	vgt.s32 v7, v6;
	vm1 =	vge.s32 v8, s1  }
0x2a3: {  	v6 =	vsub.s32 s1, v6;
	vm0 =	vmand vm0, vm1  }
0x2a4: {  	v6 =	vxor.u32 $0x80000000, v6;
	v7 =	vnsel vm0, $0x7FFFFFFF, v2  }
0x2a5: {  	v5 =	vxor.u32 $0x80000000, v5;
	v6 =	vnsel vm0, $0x7FFFFFFF, v6;
	(xrf0) =	vmax.scan.msk.u32 $0xffff, v7  }
0x2a6: {  	v5 =	vnsel vm0, $0x7FFFFFFF, v5;
	(xrf0) =	vmax.scan.msk.u32 $0xffff, v6  }
0x2a7: {  	(xrf0) =	vmax.scan.msk.u32 $0xffff, v5;
	_ =	sdelay $0x3  }
0x2a8: {  	v5, _, _ =	vpop (xrf0)  }
0x2a9: {  	v6, _, _ =	vpop (xrf0);
	(v2sf) =	vpush v5, $0xF  }
0x2aa: {  	(v2sf) =	vpush v6, $0xF;
	v5, _, _ =	vpop (xrf0)  }
0x2ab: {  	(v2sf) =	vpush v5, $0xF;
	_ =	sdelay $0xc  }
0x2ac: {  	s30 =	spop (v2sf)  }
0x2ad: {  	s28 =	spop (v2sf)  }
0x2ae: {  	s31 =	spop (v2sf)  }
0x2af: {  	p0 =	sge.u32 s28, s31  }
.Ltmp29:
0x2b0: {  	_ = 	snop;
	(pc) =	sbr.rel @p0 .LBB2_61-.Ltmp29, $4  }
0x2b1: {  	_ = 	snop  }
0x2b2: {  	s0 =	sadd.s32 s30, s29  }
0x2b3: {  	s26 =	sshll.u32 s26, $0xC;
	s0 =	sadd.s32 $0x80000000, s0  }
0x2b4: {  	s26 =	sor.u32 s26, s0  }
0x2b5: {  	s29 =	simm.s32 $0x1A020  }
0x2b6: {  	[tilespmem:s29+$0xFFFFFFE0] =	vst v0  }
0x2b7: {  	[tilespmem:s29+$0x10] =	vst v0  }
0x2b8: {  	s30 =	simm.s32 $0x0;
	[tilespmem:s29+$0x0] =	vst v0  }
.LBB2_57:
0x2b9: {  	s30 =	sadd.s32 $0x4, s30  }
0x2ba: {  	[tilespmem:s29+$0xFFFFFFF0] =	vst v0;
	s29 =	sadd.s32 $0x40, s29;
	p1 =	slt.u32 s30, $0xC  }
.Ltmp30:
0x2bb: {  	[tilespmem:s29+$0xFFFFFFE0] =	vst v0;
	(pc) =	sbr.rel @p1 .LBB2_57-.Ltmp30, $3  }
0x2bc: {  	_ =	sdelay $0x1  }
0x2bd: {  	[tilespmem:s29+$0x10] =	vst v0  }
0x2be: {  	[tilespmem:s29+$0x0] =	vst v0  }
0x2bf: {  	[tilespmem:s29+$0xFFFFFFF0] =	vst v0;
	s0 =	simm.s32 $0x8040  }
0x2c0: {  	v9 =	vld [tilespmem:s0+$0x20];
	_ =	sdelay $0x1  }
0x2c1: {  	v10 =	vld [tilespmem:s0+$0xFFFFFFC0]  }
0x2c2: {  	v7 =	vld [tilespmem:s0+$0xFFFFFFF0]  }
0x2c3: {  	v6 =	vld [tilespmem:s0+$0xFFFFFFE0]  }
0x2c4: {  	v15 =	vld [tilespmem:s0+$0x0];
	v8 =	vshra.s32 v9, $0x1F  }
0x2c5: {  	v11 =	vld [tilespmem:s0+$0x30];
	v12 =	vand.u32 $0x7FFFFFFF, v8  }
0x2c6: {  	v5 =	vmov s26;
	v12 =	vxor.u32 v9, v12  }
0x2c7: {  	v13 =	vshra.s32 v10, $0x1F;
	v14 =	vshra.s32 v7, $0x1F;
	v8 =	vld [tilespmem:s0+$0x10];
	v16 =	vshra.s32 v12, $0x8  }
0x2c8: {  	v17 =	vshra.s32 v6, $0x1F;
	v13 =	vand.u32 $0x7FFFFFFF, v13;
	v9 =	vld [tilespmem:s0+$0xFFFFFFD0];
	vm1 =	veq.s32 v16, v5  }
0x2c9: {  	v18 =	vshra.s32 v15, $0x1F;
	v10 =	vxor.u32 v10, v13;
	v19 =	vand.u32 $0xFF, v12  }
0x2ca: {  	v13 =	vand.u32 $0x7FFFFFFF, v17;
	v17 =	vshra.s32 v10, $0x8;
	v16 =	vshra.s32 v11, $0x1F  }
0x2cb: {  	v14 =	vand.u32 $0x7FFFFFFF, v14;
	vm0 =	veq.s32 v17, v5;
	v16 =	vand.u32 $0x7FFFFFFF, v16  }
0x2cc: {  	v17 =	vand.u32 $0x7FFFFFFF, v18;
	v12 =	vshra.s32 v8, $0x1F;
	v16 =	vxor.u32 v11, v16  }
0x2cd: {  	v11 =	vxor.u32 v15, v17;
	v18 =	vshra.s32 v9, $0x1F;
	v20 =	vshra.s32 v16, $0x8  }
0x2ce: {  	s29 =	simm.s32 $0x0;
	s30 =	simm.s32 $0x80C0;
	v17 =	vshra.s32 v11, $0x8;
	v15 =	vand.u32 $0x7FFFFFFF, v18;
	[tilespmem:v19+s24+$0x0] =	vst.idx.add.s32.msk vm1, v1;
	vm1 =	veq.s32 v20, v5  }
.LBB2_59:
0x2cf: {  	v18 =	vld [tilespmem:s30+$0x20];
	s29 =	sadd.s32 $0x8, s29;
	v13 =	vxor.u32 v6, v13;
	v14 =	vxor.u32 v7, v14;
	v16 =	vand.u32 $0xFF, v16  }
0x2d0: {  	v12 =	vand.u32 $0x7FFFFFFF, v12;
	v6 =	vld [tilespmem:s30+$0xFFFFFFE0];
	p1 =	slt.u32 s29, $0x7F8;
	v7 =	vshra.s32 v13, $0x8;
	v19 =	vshra.s32 v14, $0x8  }
0x2d1: {  	v10 =	vand.u32 $0xFF, v10;
	v8 =	vxor.u32 v8, v12;
	v20 =	vld [tilespmem:s30+$0xFFFFFFC0];
	vm2 =	veq.s32 v7, v5  }
0x2d2: {  	v9 =	vxor.u32 v9, v15;
	vm4 =	veq.s32 v17, v5;
	v12 =	vshra.s32 v8, $0x8;
	v7 =	vld [tilespmem:s30+$0xFFFFFFF0]  }
0x2d3: {  	v11 =	vand.u32 $0xFF, v11;
	v17 =	vand.u32 $0xFF, v9;
	v21 =	vand.u32 $0xFF, v13;
	v15 =	vld [tilespmem:s30+$0x30]  }
0x2d4: {  	vm5 =	veq.s32 v12, v5;
	v12 =	vand.u32 $0xFF, v8;
	v22 =	vld [tilespmem:s30+$0x0];
	v13 =	vshra.s32 v18, $0x1F  }
0x2d5: {  	v23 =	vshra.s32 v9, $0x8;
	vm3 =	veq.s32 v19, v5;
	v8 =	vld [tilespmem:s30+$0x10];
	v13 =	vand.u32 $0x7FFFFFFF, v13  }
0x2d6: {  	vm6 =	veq.s32 v23, v5;
	v9 =	vld [tilespmem:s30+$0xFFFFFFD0];
	v13 =	vxor.u32 v18, v13;
	v18 =	vand.u32 $0xFF, v14  }
0x2d7: {  	v14 =	vshra.s32 v20, $0x1F;
	v19 =	vshra.s32 v7, $0x1F;
	v23 =	vshra.s32 v13, $0x8;
	[tilespmem:v10+s24+$0x0] =	vst.idx.add.s32.msk vm0, v1  }
0x2d8: {  	v24 =	vshra.s32 v6, $0x1F;
	vm7 =	veq.s32 v23, v5;
	v23 =	vshra.s32 v15, $0x1F;
	[tilespmem:v11+s24+$0x0] =	vst.idx.add.s32.msk vm4, v1  }
0x2d9: {  	v10 =	vand.u32 $0x7FFFFFFF, v14;
	v25 =	vand.u32 $0xFF, v13;
	v11 =	vshra.s32 v22, $0x1F;
	[tilespmem:v16+s24+$0x0] =	vst.idx.add.s32.msk vm1, v1  }
.Ltmp31:
0x2da: {  	v13 =	vand.u32 $0x7FFFFFFF, v24;
	v10 =	vxor.u32 v20, v10;
	v14 =	vand.u32 $0x7FFFFFFF, v19;
	[tilespmem:v12+s24+$0x0] =	vst.idx.add.s32.msk vm5, v1;
	(pc) =	sbr.rel @p1 .LBB2_59-.Ltmp31, $4  }
0x2db: {  	v16 =	vshra.s32 v10, $0x8;
	v19 =	vand.u32 $0x7FFFFFFF, v23;
	v12 =	vshra.s32 v8, $0x1F;
	[tilespmem:v21+s24+$0x0] =	vst.idx.add.s32.msk vm2, v1  }
0x2dc: {  	vm0 =	veq.s32 v16, v5;
	v11 =	vand.u32 $0x7FFFFFFF, v11;
	v16 =	vxor.u32 v15, v19;
	[tilespmem:v17+s24+$0x0] =	vst.idx.add.s32.msk vm6, v1  }
0x2dd: {  	v15 =	vshra.s32 v9, $0x1F;
	v11 =	vxor.u32 v22, v11;
	v19 =	vshra.s32 v16, $0x8;
	[tilespmem:v18+s24+$0x0] =	vst.idx.add.s32.msk vm3, v1  }
0x2de: {  	s30 =	sadd.s32 $0x80, s30;
	v15 =	vand.u32 $0x7FFFFFFF, v15;
	v17 =	vshra.s32 v11, $0x8;
	vm1 =	veq.s32 v19, v5;
	[tilespmem:v25+s24+$0x0] =	vst.idx.add.s32.msk vm7, v1  }
0x2df: {  	v6 =	vxor.u32 v6, v13;
	v7 =	vxor.u32 v7, v14;
	v12 =	vand.u32 $0x7FFFFFFF, v12  }
0x2e0: {  	v10 =	vand.u32 $0xFF, v10;
	vm2 =	veq.s32 v17, v5;
	v59 =	vand.u32 $0xFF, v16  }
0x2e1: {  	v11 =	vand.u32 $0xFF, v11;
	v9 =	vxor.u32 v9, v15;
	v61 =	vshra.s32 v6, $0x8  }
0x2e2: {  	v8 =	vxor.u32 v8, v12;
	v62 =	vshra.s32 v9, $0x8;
	vm4 =	veq.s32 v61, v5  }
0x2e3: {  	v63 =	vshra.s32 v7, $0x8;
	v6 =	vand.u32 $0xFF, v6;
	vm5 =	veq.s32 v62, v5  }
0x2e4: {  	v9 =	vand.u32 $0xFF, v9;
	v60 =	vshra.s32 v8, $0x8;
	vm6 =	veq.s32 v63, v5  }
0x2e5: {  	vm3 =	veq.s32 v60, v5;
	v5 =	vand.u32 $0xFF, v7;
	[tilespmem:v10+s24+$0x0] =	vst.idx.add.s32.msk vm0, v1  }
0x2e6: {  	v8 =	vand.u32 $0xFF, v8;
	[tilespmem:v59+s24+$0x0] =	vst.idx.add.s32.msk vm1, v1  }
0x2e7: {  	[tilespmem:v11+s24+$0x0] =	vst.idx.add.s32.msk vm2, v1  }
0x2e8: {  	[tilespmem:v6+s24+$0x0] =	vst.idx.add.s32.msk vm4, v1  }
0x2e9: {  	[tilespmem:v9+s24+$0x0] =	vst.idx.add.s32.msk vm5, v1  }
0x2ea: {  	[tilespmem:v5+s24+$0x0] =	vst.idx.add.s32.msk vm6, v1  }
0x2eb: {  	[tilespmem:v8+s24+$0x0] =	vst.idx.add.s32.msk vm3, v1  }
.LBB2_61:
0x2ec: {  	v5 =	vld [tilespmem:$0x1A0F0];
	_ =	sdelay $0x4  }
0x2ed: {  	(xrf0) =	vadd.scan.msk.s32 $0xffff, v5;
	_ =	sdelay $0x5  }
0x2ee: {  	v5, _, _ =	vpop (xrf0)  }
0x2ef: {  	(v2sf) =	vpush v5, $0xF;
	_ =	sdelay $0xe  }
0x2f0: {  	s28 =	sxor.u32 $0x80000000, s28;
	s31 =	spop (v2sf)  }
0x2f1: {  	p1 =	sge.s32 s31, s28  }
.Ltmp32:
0x2f2: {  	_ = 	snop;
	(pc) =	sbr.rel @p1 .LBB2_65-.Ltmp32, $2  }
0x2f3: {  	_ =	sdelay $0x2  }
0x2f4: {  	s30 =	simm.s32 $0x0;
	s29 =	simm.s32 $0xF0  }
0x2f5: {  	s1 =	simm.s32 $0xF;
	s0 =	simm.s32 $0x1A0E0  }
.LBB2_63:
0x2f6: {  	v5 =	vld [tilespmem:s0+$0x0];
	_ =	sdelay $0x4  }
0x2f7: {  	(xrf0) =	vadd.scan.msk.s32 $0xffff, v5;
	_ =	sdelay $0x5  }
0x2f8: {  	v5, _, _ =	vpop (xrf0)  }
0x2f9: {  	(v2sf) =	vpush v5, $0xF;
	_ =	sdelay $0xe  }
0x2fa: {  	s30 =	smov.u32 s31;
	s31 =	spop (v2sf)  }
0x2fb: {  	p1 =	slt.u32 s1, $0x2;
	s31 =	sadd.s32 s30, s31  }
0x2fc: {  	p2 =	slt.s32 @!p1 s31, s28  }
0x2fd: {  	p2 =	por p1, !p2  }
.Ltmp33:
0x2fe: {  	_ = 	snop;
	(pc) =	sbr.rel @!p2 .LBB2_63-.Ltmp33, $2  }
0x2ff: {  	_ =	sdelay $0x2  }
0x300: {  	s1 =	sadd.s32 $0xFFFFFFFF, s1;
	s29 =	sadd.s32 $0xFFFFFFF0, s29;
	s0 =	sadd.s32 $0xFFFFFFF0, s0  }
0x301: {  	s30 =	smov.u32 @p1 s30;
	s29 =	smov.u32 @p1 s29  }
.LBB2_65:
0x302: {  	v5 =	vld [tilespmem:s29+$0x1A000];
	_ =	sdelay $0x4  }
0x303: {  	(xrf0) =	vadd.scan.msk.s32 $0xffff, v5;
	_ =	sdelay $0x5  }
0x304: {  	v6, _, _ =	vpop (xrf0)  }
0x305: {  	v7 =	vxor.u32 $0x80000000, v6  }
0x306: {  	(xrf0) =	vmax.scan.msk.u32 $0xffff, v7;
	_ =	sdelay $0x5  }
0x307: {  	v7, _, _ =	vpop (xrf0)  }
0x308: {  	(v2sf) =	vpush v7, $0xF;
	_ =	sdelay $0xe  }
0x309: {  	s0 =	spop (v2sf)  }
0x30a: {  	s0 =	sxor.u32 $0x80000000, s0  }
0x30b: {  	s1 =	ssub.s32 s28, s30;
	v6 =	vsub.s32 s0, v6  }
0x30c: {  	v7 =	vmov s1;
	v8 =	vadd.s32 v5, v6  }
0x30d: {  	vm0 =	vgt.s32 v7, v6;
	vm1 =	vge.s32 v8, s1  }
0x30e: {  	v6 =	vsub.s32 s1, v6;
	vm0 =	vmand vm0, vm1  }
0x30f: {  	v6 =	vxor.u32 $0x80000000, v6;
	v7 =	vnsel vm0, $0x7FFFFFFF, v2  }
0x310: {  	v5 =	vxor.u32 $0x80000000, v5;
	v6 =	vnsel vm0, $0x7FFFFFFF, v6;
	(xrf0) =	vmax.scan.msk.u32 $0xffff, v7  }
0x311: {  	v5 =	vnsel vm0, $0x7FFFFFFF, v5;
	(xrf0) =	vmax.scan.msk.u32 $0xffff, v6  }
0x312: {  	(xrf0) =	vmax.scan.msk.u32 $0xffff, v5;
	_ =	sdelay $0x3  }
0x313: {  	v5, _, _ =	vpop (xrf0)  }
0x314: {  	v6, _, _ =	vpop (xrf0);
	(v2sf) =	vpush v5, $0xF  }
0x315: {  	(v2sf) =	vpush v6, $0xF;
	v5, _, _ =	vpop (xrf0)  }
0x316: {  	(v2sf) =	vpush v5, $0xF;
	_ =	sdelay $0xc  }
0x317: {  	s30 =	spop (v2sf)  }
0x318: {  	s28 =	spop (v2sf);
	s0 =	sadd.s32 s30, s29  }
0x319: {  	s31 =	spop (v2sf);
	s0 =	sadd.s32 $0x80000000, s0  }
0x31a: {  	s26 =	sshll.u32 s26, $0x8;
	s0 =	simm.s32 @p0 $0x0;
	p1 =	sge.u32 s28, s31  }
0x31b: {  	s26 =	sor.u32 s26, s0;
	p0 =	por p0, p1  }
0x31c: {  	p1 =	seq.s32 @p0 s26, $0x0  }
0x31d: {  	p1 =	por !p0, p1  }
.Ltmp34:
0x31e: {  	_ = 	snop;
	(pc) =	sbr.rel @p1 .LBB2_69-.Ltmp34, $1  }
0x31f: {  	_ =	sdelay $0x3  }
0x320: {  	s29 =	simm.s32 $0x8040  }
0x321: {  	p1 =	slt.s32 s26, $0x0;
	s0 =	sxor.u32 $0x7FFFFFFF, s26;
	s1 =	smov.u32 s26;
	v7 =	vld [tilespmem:s29+$0x30]  }
0x322: {  	s1 =	smov.u32 @p1 s0;
	v10 =	vld [tilespmem:s29+$0xFFFFFFD0]  }
0x323: {  	v12 =	vld [tilespmem:s29+$0xFFFFFFE0];
	v5 =	vmov s1  }
0x324: {  	v9 =	vld [tilespmem:s29+$0xFFFFFFF0];
	v5 =	vbroadcast v5, $0x0  }
0x325: {  	v8 =	vld [tilespmem:s29+$0x0]  }
0x326: {  	v6 =	vld [tilespmem:s29+$0x10];
	vm0 =	vge.f32 v7, v5  }
0x327: {  	vm1 =	vge.f32 v10, v5;
	v7 =	vld [tilespmem:s29+$0x20];
	v13 =	vsel vm0, $0x3F800000, v3  }
0x328: {  	s30 =	simm.s32 $0x0;
	s31 =	simm.s32 $0x80C0;
	v10 =	vld [tilespmem:s29+$0xFFFFFFC0];
	v11 =	vsel vm1, $0x3F800000, v3;
	vm0 =	vge.f32 v12, v5;
	[tilespmem:s29+$0x30] =	vst v13  }
.LBB2_67:
0x329: {  	v12 =	vld [tilespmem:s31+$0x30];
	s30 =	sadd.s32 $0x8, s30;
	[tilespmem:s29+$0xFFFFFFD0] =	vst v11;
	v11 =	vsel vm0, $0x3F800000, v3;
	vm0 =	vge.f32 v9, v5  }
0x32a: {  	v13 =	vld [tilespmem:s31+$0xFFFFFFD0];
	p1 =	slt.u32 s30, $0x7F8;
	[tilespmem:s29+$0xFFFFFFE0] =	vst v11;
	v9 =	vsel vm0, $0x3F800000, v3;
	vm0 =	vge.f32 v8, v5  }
0x32b: {  	v14 =	vld [tilespmem:s31+$0xFFFFFFE0];
	[tilespmem:s29+$0xFFFFFFF0] =	vst v9;
	v8 =	vsel vm0, $0x3F800000, v3;
	vm0 =	vge.f32 v6, v5  }
.Ltmp35:
0x32c: {  	v9 =	vld [tilespmem:s31+$0xFFFFFFF0];
	[tilespmem:s29+$0x0] =	vst v8;
	v6 =	vsel vm0, $0x3F800000, v3;
	vm0 =	vge.f32 v7, v5;
	(pc) =	sbr.rel @p1 .LBB2_67-.Ltmp35, $4  }
0x32d: {  	v8 =	vld [tilespmem:s31+$0x0];
	vm1 =	vge.f32 v10, v5;
	[tilespmem:s29+$0x10] =	vst v6;
	v7 =	vsel vm0, $0x3F800000, v3  }
0x32e: {  	v6 =	vld [tilespmem:s31+$0x10];
	vm0 =	vge.f32 v12, v5;
	v10 =	vsel vm1, $0x3F800000, v3;
	[tilespmem:s29+$0x20] =	vst v7  }
0x32f: {  	vm1 =	vge.f32 v13, v5;
	v7 =	vld [tilespmem:s31+$0x20];
	v12 =	vsel vm0, $0x3F800000, v3;
	[tilespmem:s29+$0xFFFFFFC0] =	vst v10;
	s29 =	smov.u32 s31  }
0x330: {  	s31 =	sadd.s32 $0x80, s31;
	v10 =	vld [tilespmem:s29+$0xFFFFFFC0];
	v11 =	vsel vm1, $0x3F800000, v3;
	vm0 =	vge.f32 v14, v5;
	[tilespmem:s29+$0x30] =	vst v12  }
0x331: {  	[tilespmem:s29+$0xFFFFFFD0] =	vst v11;
	v63 =	vsel vm0, $0x3F800000, v3;
	vm12 =	vge.f32 v9, v5  }
0x332: {  	[tilespmem:s29+$0xFFFFFFE0] =	vst v63;
	v9 =	vsel vm12, $0x3F800000, v3;
	vm13 =	vge.f32 v8, v5  }
0x333: {  	[tilespmem:s29+$0xFFFFFFF0] =	vst v9;
	v8 =	vsel vm13, $0x3F800000, v3;
	vm14 =	vge.f32 v6, v5  }
0x334: {  	[tilespmem:s29+$0x0] =	vst v8;
	v6 =	vsel vm14, $0x3F800000, v3;
	vm15 =	vge.f32 v7, v5  }
0x335: {  	vm1 =	vge.f32 v10, v5;
	[tilespmem:s29+$0x10] =	vst v6;
	v5 =	vsel vm15, $0x3F800000, v3  }
0x336: {  	v6 =	vsel vm1, $0x3F800000, v3;
	[tilespmem:s29+$0x20] =	vst v5  }
0x337: {  	[tilespmem:s29+$0xFFFFFFC0] =	vst v6  }
.LBB2_69:
0x338: {  	p1 =	seq.s32 s26, $0x0  }
0x339: {  	p1 =	por !p0, !p1  }
0x33a: {  	p1 =	por !p1, !p1  }
.Ltmp36:
0x33b: {  	_ = 	snop;
	(pc) =	sbr.rel @!p1 .LBB2_73-.Ltmp36, $1  }
0x33c: {  	_ =	sdelay $0x3  }
0x33d: {  	s29 =	simm.s32 $0x8040  }
0x33e: {  	v6 =	vld [tilespmem:s29+$0x30]  }
0x33f: {  	v9 =	vld [tilespmem:s29+$0xFFFFFFD0]  }
0x340: {  	v11 =	vld [tilespmem:s29+$0xFFFFFFE0]  }
0x341: {  	v8 =	vld [tilespmem:s29+$0xFFFFFFF0]  }
0x342: {  	v7 =	vld [tilespmem:s29+$0x0]  }
0x343: {  	v5 =	vld [tilespmem:s29+$0x10];
	vm0 =	vlt.s32 v6, $0x0  }
0x344: {  	vm1 =	vlt.s32 v9, $0x0;
	v6 =	vld [tilespmem:s29+$0x20];
	v12 =	vsel vm0, $0x0, v4  }
0x345: {  	s30 =	simm.s32 $0x0;
	s31 =	simm.s32 $0x80C0;
	v9 =	vld [tilespmem:s29+$0xFFFFFFC0];
	v10 =	vsel vm1, $0x0, v4;
	vm0 =	vlt.s32 v11, $0x0;
	[tilespmem:s29+$0x30] =	vst v12  }
.LBB2_71:
0x346: {  	v11 =	vld [tilespmem:s31+$0x30];
	s30 =	sadd.s32 $0x8, s30;
	[tilespmem:s29+$0xFFFFFFD0] =	vst v10;
	v10 =	vsel vm0, $0x0, v4;
	vm0 =	vlt.s32 v8, $0x0  }
0x347: {  	v12 =	vld [tilespmem:s31+$0xFFFFFFD0];
	p1 =	slt.u32 s30, $0x7F8;
	[tilespmem:s29+$0xFFFFFFE0] =	vst v10;
	v8 =	vsel vm0, $0x0, v4;
	vm0 =	vlt.s32 v7, $0x0  }
0x348: {  	v13 =	vld [tilespmem:s31+$0xFFFFFFE0];
	[tilespmem:s29+$0xFFFFFFF0] =	vst v8;
	v7 =	vsel vm0, $0x0, v4;
	vm0 =	vlt.s32 v5, $0x0  }
.Ltmp37:
0x349: {  	v8 =	vld [tilespmem:s31+$0xFFFFFFF0];
	[tilespmem:s29+$0x0] =	vst v7;
	v5 =	vsel vm0, $0x0, v4;
	vm0 =	vlt.s32 v6, $0x0;
	(pc) =	sbr.rel @p1 .LBB2_71-.Ltmp37, $4  }
0x34a: {  	v7 =	vld [tilespmem:s31+$0x0];
	vm1 =	vlt.s32 v9, $0x0;
	[tilespmem:s29+$0x10] =	vst v5;
	v6 =	vsel vm0, $0x0, v4  }
0x34b: {  	v5 =	vld [tilespmem:s31+$0x10];
	vm0 =	vlt.s32 v11, $0x0;
	v9 =	vsel vm1, $0x0, v4;
	[tilespmem:s29+$0x20] =	vst v6  }
0x34c: {  	vm1 =	vlt.s32 v12, $0x0;
	v6 =	vld [tilespmem:s31+$0x20];
	v11 =	vsel vm0, $0x0, v4;
	[tilespmem:s29+$0xFFFFFFC0] =	vst v9;
	s29 =	smov.u32 s31  }
0x34d: {  	s31 =	sadd.s32 $0x80, s31;
	v9 =	vld [tilespmem:s29+$0xFFFFFFC0];
	v10 =	vsel vm1, $0x0, v4;
	vm0 =	vlt.s32 v13, $0x0;
	[tilespmem:s29+$0x30] =	vst v11  }
0x34e: {  	[tilespmem:s29+$0xFFFFFFD0] =	vst v10;
	v63 =	vsel vm0, $0x0, v4;
	vm12 =	vlt.s32 v8, $0x0  }
0x34f: {  	[tilespmem:s29+$0xFFFFFFE0] =	vst v63;
	v8 =	vsel vm12, $0x0, v4;
	vm13 =	vlt.s32 v7, $0x0  }
0x350: {  	[tilespmem:s29+$0xFFFFFFF0] =	vst v8;
	v7 =	vsel vm13, $0x0, v4;
	vm14 =	vlt.s32 v5, $0x0  }
0x351: {  	[tilespmem:s29+$0x0] =	vst v7;
	v5 =	vsel vm14, $0x0, v4;
	vm15 =	vlt.s32 v6, $0x0  }
0x352: {  	vm1 =	vlt.s32 v9, $0x0;
	[tilespmem:s29+$0x10] =	vst v5;
	v5 =	vsel vm15, $0x0, v4  }
0x353: {  	v6 =	vsel vm1, $0x0, v4;
	[tilespmem:s29+$0x20] =	vst v5  }
0x354: {  	[tilespmem:s29+$0xFFFFFFC0] =	vst v6  }
.LBB2_73:
.Ltmp38:
0x355: {  	(pc) =	sbr.rel @p0 .LBB2_77-.Ltmp38, $1  }
0x356: {  	_ =	sdelay $0x3  }
0x357: {  	s0 =	simm.s32 $0x0  }
0x358: {  	v6 =	vld [tilespmem:s0+$0x8000];
	_ =	sdelay $0x4  }
0x359: {  	v5 =	vshra.s32 v6, $0x1F  }
0x35a: {  	v7 =	vand.u32 $0x7FFFFFFF, v5  }
0x35b: {  	v5 =	vmov s26;
	v7 =	vxor.u32 v6, v7  }
0x35c: {  	vm0 =	veq.s32 v7, v5  }
0x35d: {  	v6 =	vsel vm0, $0x1, v0  }
0x35e: {  	(xrf0) =	vadd.scan.msk.s32 $0xffff, v6;
	_ =	sdelay $0x5  }
0x35f: {  	s1 =	sxor.u32 $0x80000000, s28;
	s26 =	simm.s32 $0x0;
	v8, _, _ =	vpop (xrf0)  }
0x360: {  	v6 =	vmov s1;
	v9 =	vadd.s32 s26, v8;
	(v2sf) =	vpush v8, $0xF  }
0x361: {  	vm1 =	vle.s32 v9, v6  }
0x362: {  	vm2 =	vgt.s32 v7, v5;
	vm0 =	vmand vm0, vm1  }
0x363: {  	vm0 =	vmor vm2, vm0  }
0x364: {  	v7 =	vsel vm0, $0x3F800000, v3  }
0x365: {  	s28 =	simm.s32 $0x10;
	s29 =	simm.s32 $0x80;
	[tilespmem:s0+$0x8000] =	vst v7  }
.LBB2_75:
0x366: {  	p0 =	sne.s32 s29, $0x1FFC0;
	v7 =	vld [tilespmem:s28+$0x8000];
	_ =	sdelay $0x4  }
0x367: {  	v8 =	vshra.s32 v7, $0x1F  }
0x368: {  	v8 =	vand.u32 $0x7FFFFFFF, v8  }
0x369: {  	v7 =	vxor.u32 v7, v8  }
0x36a: {  	vm0 =	veq.s32 v7, v5;
	vm1 =	vgt.s32 v7, v5  }
0x36b: {  	v7 =	vsel vm0, $0x1, v0;
	s0 =	spop (v2sf)  }
0x36c: {  	(xrf0) =	vadd.scan.msk.s32 $0xffff, v7;
	s26 =	sadd.s32 s26, s0;
	_ =	sdelay $0x5  }
0x36d: {  	v7, _, _ =	vpop (xrf0)  }
0x36e: {  	v8 =	vadd.s32 s26, v7;
	(v2sf) =	vpush v7, $0xF  }
.Ltmp39:
0x36f: {  	vm2 =	vle.s32 v8, v6;
	(pc) =	sbr.rel @p0 .LBB2_75-.Ltmp39, $4  }
0x370: {  	vm0 =	vmand vm0, vm2  }
0x371: {  	vm0 =	vmor vm1, vm0  }
0x372: {  	v7 =	vsel vm0, $0x3F800000, v3  }
0x373: {  	[tilespmem:s28+$0x8000] =	vst v7;
	s28 =	sshra.s32 s29, $0x2;
	s29 =	sadd.s32 $0x40, s29  }
0x374: {  	v7 =	vld [tilespmem:s28+$0x8000];
	_ =	sdelay $0x4  }
0x375: {  	v8 =	vshra.s32 v7, $0x1F  }
0x376: {  	v8 =	vand.u32 $0x7FFFFFFF, v8  }
0x377: {  	v7 =	vxor.u32 v7, v8  }
0x378: {  	vm0 =	veq.s32 v7, v5  }
0x379: {  	v63 =	vsel vm0, $0x1, v0  }
0x37a: {  	(xrf0) =	vadd.scan.msk.s32 $0xffff, v63;
	_ =	sdelay $0x5  }
0x37b: {  	v8, _, _ =	vpop (xrf0)  }
0x37c: {  	(v2sf) =	vpush v8, $0xF;
	_ =	sdelay $0x7  }
0x37d: {  	s0 =	spop (v2sf)  }
0x37e: {  	s0 =	sadd.s32 s26, s0  }
0x37f: {  	v8 =	vadd.s32 s0, v8  }
0x380: {  	vm1 =	vle.s32 v8, v6  }
0x381: {  	vm2 =	vgt.s32 v7, v5;
	vm0 =	vmand vm0, vm1  }
0x382: {  	vm0 =	vmor vm2, vm0  }
0x383: {  	v5 =	vsel vm0, $0x3F800000, v3  }
0x384: {  	[tilespmem:s28+$0x8000] =	vst v5;
	s31 =	spop (v2sf)  }
.LBB2_77:
0x385: {  	[hbm4b:s7+s12] =	stream.strided.scatter [tilespmem:s14], [sflag:$0x5], $0x8000, s13, s12, $0x38;
	[tilespmem:$0x1A100] =	vst v63  }
0x386: {  	_ =	swait.ge [sflag:s20], $0x8000  }
0x387: {  	[sflag:s20] =	ssyncset.done $0x0  }
0x388: {  	[sflag:s20] =	ssyncadd.s32 $0xFFFF8000  }
0x389: {  	[tilespmem:s2], [sflag:$0x1] =	stream.strided.gather [hbm4b:s8+s12], $0x8000, s13, s12, $0x38;
	[tilespmem:$0x1A100] =	vst v63  }
0x38a: {  	_ =	swait.ge [sflag:s21], $0x8000  }
0x38b: {  	[sflag:s21] =	ssyncset.done $0x0  }
0x38c: {  	s26 =	simm.s32 $0x18020;
	[sflag:s21] =	ssyncadd.s32 $0xFFFF8000  }
0x38d: {  	[tilespmem:s26+$0xFFFFFFE0] =	vst v0  }
0x38e: {  	[tilespmem:s26+$0x10] =	vst v0  }
0x38f: {  	s28 =	simm.s32 $0x0;
	[tilespmem:s26+$0x0] =	vst v0  }
.LBB2_78:
0x390: {  	s28 =	sadd.s32 $0x4, s28  }
0x391: {  	[tilespmem:s26+$0xFFFFFFF0] =	vst v0;
	s26 =	sadd.s32 $0x40, s26;
	p0 =	slt.u32 s28, $0xFC  }
.Ltmp40:
0x392: {  	[tilespmem:s26+$0xFFFFFFE0] =	vst v0;
	(pc) =	sbr.rel @p0 .LBB2_78-.Ltmp40, $3  }
0x393: {  	_ =	sdelay $0x1  }
0x394: {  	[tilespmem:s26+$0x10] =	vst v0  }
0x395: {  	[tilespmem:s26+$0x0] =	vst v0  }
0x396: {  	[tilespmem:s26+$0xFFFFFFF0] =	vst v0;
	s28 =	simm.s32 $0x19020  }
0x397: {  	[tilespmem:s28+$0xFFFFFFE0] =	vst v0  }
0x398: {  	[tilespmem:s28+$0x10] =	vst v0  }
0x399: {  	s29 =	simm.s32 $0x0;
	s26 =	simm.s32 $0x10040;
	[tilespmem:s28+$0x0] =	vst v0  }
.LBB2_80:
0x39a: {  	s29 =	sadd.s32 $0x4, s29  }
0x39b: {  	[tilespmem:s28+$0xFFFFFFF0] =	vst v0;
	s28 =	sadd.s32 $0x40, s28;
	p0 =	slt.u32 s29, $0xFC  }
.Ltmp41:
0x39c: {  	[tilespmem:s28+$0xFFFFFFE0] =	vst v0;
	(pc) =	sbr.rel @p0 .LBB2_80-.Ltmp41, $3  }
0x39d: {  	_ =	sdelay $0x1  }
0x39e: {  	[tilespmem:s28+$0x10] =	vst v0  }
0x39f: {  	[tilespmem:s28+$0x0] =	vst v0  }
0x3a0: {  	[tilespmem:s28+$0xFFFFFFF0] =	vst v0  }
0x3a1: {  	v5 =	vld [tilespmem:s26+$0x30]  }
0x3a2: {  	v6 =	vld [tilespmem:s26+$0xFFFFFFD0]  }
0x3a3: {  	v7 =	vld [tilespmem:s26+$0xFFFFFFE0]  }
0x3a4: {  	v8 =	vld [tilespmem:s26+$0xFFFFFFF0]  }
0x3a5: {  	v9 =	vld [tilespmem:s26+$0x0];
	_ =	sdelay $0x1  }
0x3a6: {  	v10 =	vld [tilespmem:s26+$0x10]  }
0x3a7: {  	v13 =	vld [tilespmem:s26+$0x20]  }
0x3a8: {  	v14 =	vld [tilespmem:s26+$0xFFFFFFC0];
	v11 =	vshra.s32 v5, $0x1F;
	v12 =	vshra.s32 v6, $0x1F;
	v15 =	vshra.s32 v7, $0x1F  }
0x3a9: {  	v62 =	vshra.s32 v8, $0x1F;
	v16 =	vshra.s32 v9, $0x1F;
	v11 =	vand.u32 $0x7FF00000, v11  }
0x3aa: {  	v12 =	vand.u32 $0x7FF00000, v12;
	v5 =	vxor.u32 v5, v11;
	v11 =	vand.u32 $0x7FF00000, v15  }
0x3ab: {  	v15 =	vand.u32 $0x7FF00000, v62;
	v12 =	vxor.u32 v6, v12;
	v5 =	vshra.s32 v5, $0x14  }
0x3ac: {  	v6 =	vshra.s32 v10, $0x1F;
	v63 =	vxor.u32 v7, v11;
	v17 =	vadd.s32 $0x800, v5  }
0x3ad: {  	v7 =	vand.u32 $0x7FF00000, v6;
	v6 =	vshra.s32 v13, $0x1F;
	v11 =	vshra.s32 v14, $0x1F  }
0x3ae: {  	v15 =	vxor.u32 v8, v15;
	v5 =	vand.u32 $0x7FF00000, v16;
	v8 =	vand.u32 $0x7FF00000, v6  }
0x3af: {  	v11 =	vand.u32 $0x7FF00000, v11;
	v6 =	vxor.u32 v9, v5;
	v5 =	vxor.u32 v10, v7  }
0x3b0: {  	v9 =	vxor.u32 v14, v11;
	v7 =	vshra.s32 v12, $0x14;
	v8 =	vxor.u32 v13, v8  }
0x3b1: {  	s28 =	simm.s32 $0x100C0;
	s26 =	simm.s32 $0x0;
	v10 =	vshra.s32 v63, $0x14;
	v11 =	vshra.s32 v9, $0x14;
	v9 =	vshra.s32 v15, $0x14;
	[tilespmem:v17+s16+$0x0] =	vst.idx.add.s32.msk $0xffff, v1  }
.LBB2_82:
0x3b2: {  	v12 =	vld [tilespmem:s28+$0x30];
	s26 =	sadd.s32 $0x8, s26;
	v6 =	vshra.s32 v6, $0x14;
	v5 =	vshra.s32 v5, $0x14;
	v8 =	vshra.s32 v8, $0x14  }
0x3b3: {  	v11 =	vadd.s32 $0x800, v11;
	v7 =	vadd.s32 $0x800, v7;
	v10 =	vadd.s32 $0x800, v10;
	v13 =	vld [tilespmem:s28+$0xFFFFFFD0];
	p0 =	slt.u32 s26, $0x7F8  }
0x3b4: {  	v9 =	vadd.s32 $0x800, v9;
	v6 =	vadd.s32 $0x800, v6;
	v15 =	vadd.s32 $0x800, v5;
	v14 =	vld [tilespmem:s28+$0xFFFFFFE0]  }
0x3b5: {  	v16 =	vadd.s32 $0x800, v8;
	v5 =	vld [tilespmem:s28+$0xFFFFFFF0]  }
0x3b6: {  	v8 =	vld [tilespmem:s28+$0x0]  }
0x3b7: {  	v17 =	vld [tilespmem:s28+$0x10];
	v18 =	vshra.s32 v12, $0x1F  }
0x3b8: {  	v19 =	vshra.s32 v13, $0x1F;
	v20 =	vld [tilespmem:s28+$0x20];
	v18 =	vand.u32 $0x7FF00000, v18  }
0x3b9: {  	v21 =	vld [tilespmem:s28+$0xFFFFFFC0];
	v19 =	vand.u32 $0x7FF00000, v19;
	v22 =	vshra.s32 v14, $0x1F;
	v12 =	vxor.u32 v12, v18  }
0x3ba: {  	v18 =	vand.u32 $0x7FF00000, v22;
	v22 =	vshra.s32 v5, $0x1F;
	v12 =	vshra.s32 v12, $0x14;
	[tilespmem:v11+s16+$0x0] =	vst.idx.add.s32.msk $0xffff, v1  }
0x3bb: {  	v11 =	vand.u32 $0x7FF00000, v22;
	v22 =	vshra.s32 v8, $0x1F;
	v12 =	vadd.s32 $0x800, v12;
	[tilespmem:v7+s16+$0x0] =	vst.idx.add.s32.msk $0xffff, v1  }
0x3bc: {  	v7 =	vxor.u32 v13, v19;
	v13 =	vand.u32 $0x7FF00000, v22;
	v19 =	vshra.s32 v17, $0x1F;
	[tilespmem:v10+s16+$0x0] =	vst.idx.add.s32.msk $0xffff, v1  }
.Ltmp42:
0x3bd: {  	v10 =	vxor.u32 v14, v18;
	v14 =	vand.u32 $0x7FF00000, v19;
	v18 =	vshra.s32 v20, $0x1F;
	[tilespmem:v9+s16+$0x0] =	vst.idx.add.s32.msk $0xffff, v1;
	(pc) =	sbr.rel @p0 .LBB2_82-.Ltmp42, $4  }
0x3be: {  	v19 =	vxor.u32 v5, v11;
	v9 =	vshra.s32 v21, $0x1F;
	v11 =	vand.u32 $0x7FF00000, v18;
	[tilespmem:v6+s16+$0x0] =	vst.idx.add.s32.msk $0xffff, v1  }
0x3bf: {  	v6 =	vxor.u32 v8, v13;
	v5 =	vxor.u32 v17, v14;
	v9 =	vand.u32 $0x7FF00000, v9;
	[tilespmem:v15+s16+$0x0] =	vst.idx.add.s32.msk $0xffff, v1  }
0x3c0: {  	v7 =	vshra.s32 v7, $0x14;
	v8 =	vxor.u32 v20, v11;
	v9 =	vxor.u32 v21, v9;
	[tilespmem:v12+s16+$0x0] =	vst.idx.add.s32.msk $0xffff, v1  }
0x3c1: {  	s28 =	sadd.s32 $0x80, s28;
	v10 =	vshra.s32 v10, $0x14;
	v11 =	vshra.s32 v9, $0x14;
	v9 =	vshra.s32 v19, $0x14;
	[tilespmem:v16+s16+$0x0] =	vst.idx.add.s32.msk $0xffff, v1  }
0x3c2: {  	v11 =	vadd.s32 $0x800, v11  }
0x3c3: {  	v7 =	vadd.s32 $0x800, v7  }
0x3c4: {  	v10 =	vadd.s32 $0x800, v10  }
0x3c5: {  	v6 =	vshra.s32 v6, $0x14;
	v9 =	vadd.s32 $0x800, v9  }
0x3c6: {  	v5 =	vshra.s32 v5, $0x14;
	v6 =	vadd.s32 $0x800, v6  }
0x3c7: {  	v8 =	vshra.s32 v8, $0x14;
	v5 =	vadd.s32 $0x800, v5;
	[tilespmem:v11+s16+$0x0] =	vst.idx.add.s32.msk $0xffff, v1  }
0x3c8: {  	v8 =	vadd.s32 $0x800, v8;
	[tilespmem:v7+s16+$0x0] =	vst.idx.add.s32.msk $0xffff, v1  }
0x3c9: {  	[tilespmem:v10+s16+$0x0] =	vst.idx.add.s32.msk $0xffff, v1  }
0x3ca: {  	[tilespmem:v9+s16+$0x0] =	vst.idx.add.s32.msk $0xffff, v1  }
0x3cb: {  	[tilespmem:v6+s16+$0x0] =	vst.idx.add.s32.msk $0xffff, v1  }
0x3cc: {  	[tilespmem:v5+s16+$0x0] =	vst.idx.add.s32.msk $0xffff, v1  }
0x3cd: {  	[tilespmem:v8+s16+$0x0] =	vst.idx.add.s32.msk $0xffff, v1  }
0x3ce: {  	v5 =	vld [tilespmem:$0x18FF0];
	_ =	sdelay $0x4  }
0x3cf: {  	(xrf0) =	vadd.scan.msk.s32 $0xffff, v5;
	_ =	sdelay $0x5  }
0x3d0: {  	v5, _, _ =	vpop (xrf0)  }
0x3d1: {  	(v2sf) =	vpush v5, $0xF;
	_ =	sdelay $0xe  }
0x3d2: {  	s29 =	spop (v2sf)  }
0x3d3: {  	p0 =	sgt.s32 s29, $0x666  }
.Ltmp43:
0x3d4: {  	_ = 	snop;
	(pc) =	sbr.rel @p0 .LBB2_87-.Ltmp43, $2  }
0x3d5: {  	_ =	sdelay $0x2  }
0x3d6: {  	s28 =	simm.s32 $0x667;
	s26 =	simm.s32 $0xFF0  }
0x3d7: {  	s0 =	simm.s32 $0xFF;
	s28 =	simm.s32 $0x18FE0  }
.LBB2_85:
0x3d8: {  	v5 =	vld [tilespmem:s28+$0x0];
	_ =	sdelay $0x4  }
0x3d9: {  	(xrf0) =	vadd.scan.msk.s32 $0xffff, v5;
	_ =	sdelay $0x5  }
0x3da: {  	v5, _, _ =	vpop (xrf0)  }
0x3db: {  	(v2sf) =	vpush v5, $0xF;
	_ =	sdelay $0xe  }
0x3dc: {  	s1 =	smov.u32 s29;
	s29 =	spop (v2sf)  }
0x3dd: {  	p0 =	slt.u32 s0, $0x2;
	s29 =	sadd.s32 s1, s29  }
0x3de: {  	p1 =	slt.s32 @!p0 s29, $0x667  }
0x3df: {  	p0 =	por p0, !p1  }
.Ltmp44:
0x3e0: {  	_ = 	snop;
	(pc) =	sbr.rel @!p0 .LBB2_85-.Ltmp44, $2  }
0x3e1: {  	_ =	sdelay $0x2  }
0x3e2: {  	s0 =	sadd.s32 $0xFFFFFFFF, s0;
	s26 =	sadd.s32 $0xFFFFFFF0, s26;
	s28 =	sadd.s32 $0xFFFFFFF0, s28  }
0x3e3: {  	s28 =	ssub.s32 $0x667, s1  }
.LBB2_87:
0x3e4: {  	v6 =	vld [tilespmem:s26+$0x18000];
	_ =	sdelay $0x4  }
0x3e5: {  	(xrf0) =	vadd.scan.msk.s32 $0xffff, v6;
	_ =	sdelay $0x5  }
0x3e6: {  	v5, _, _ =	vpop (xrf0)  }
0x3e7: {  	v7 =	vxor.u32 $0x80000000, v5  }
0x3e8: {  	(xrf0) =	vmax.scan.msk.u32 $0xffff, v7;
	_ =	sdelay $0x5  }
0x3e9: {  	v7, _, _ =	vpop (xrf0)  }
0x3ea: {  	(v2sf) =	vpush v7, $0xF;
	_ =	sdelay $0xe  }
0x3eb: {  	s0 =	spop (v2sf)  }
0x3ec: {  	s0 =	sxor.u32 $0x80000000, s0  }
0x3ed: {  	v5 =	vsub.s32 s0, v5  }
0x3ee: {  	v6 =	vadd.s32 v6, v5  }
0x3ef: {  	vm0 =	vlt.s32 v5, s28;
	vm1 =	vge.s32 v6, s28  }
0x3f0: {  	vm0 =	vmand vm0, vm1  }
0x3f1: {  	v6 =	vnsel vm0, $0x7FFFFFFF, v2  }
0x3f2: {  	(xrf0) =	vmax.scan.msk.u32 $0xffff, v6;
	_ =	sdelay $0x5  }
0x3f3: {  	v6, _, _ =	vpop (xrf0)  }
0x3f4: {  	(v2sf) =	vpush v6, $0xF;
	_ =	sdelay $0x5  }
0x3f5: {  	s31 =	simm.s32 $0x10040  }
0x3f6: {  	v8 =	vld [tilespmem:s31+$0x30]  }
0x3f7: {  	v9 =	vld [tilespmem:s31+$0xFFFFFFD0]  }
0x3f8: {  	v10 =	vld [tilespmem:s31+$0xFFFFFFE0]  }
0x3f9: {  	v12 =	vld [tilespmem:s31+$0x0]  }
0x3fa: {  	v17 =	vld [tilespmem:s31+$0xFFFFFFC0]  }
0x3fb: {  	v11 =	vld [tilespmem:s31+$0xFFFFFFF0];
	_ =	sdelay $0x1  }
0x3fc: {  	v14 =	vshra.s32 v8, $0x1F;
	v15 =	vshra.s32 v9, $0x1F  }
0x3fd: {  	v18 =	vshra.s32 v10, $0x1F;
	v20 =	vshra.s32 v12, $0x1F;
	v14 =	vand.u32 $0x7FFFFFFF, v14;
	s1 =	spop (v2sf)  }
0x3fe: {  	v22 =	vshra.s32 v17, $0x1F;
	v15 =	vand.u32 $0x7FFFFFFF, v15;
	v8 =	vxor.u32 v8, v14;
	s1 =	sadd.s32 s1, s26  }
0x3ff: {  	v13 =	vld [tilespmem:s31+$0x10];
	v14 =	vand.u32 $0x7FFFFFFF, v18;
	v18 =	vshra.s32 v11, $0x1F;
	v23 =	vxor.u32 v9, v15;
	s26 =	sadd.s32 $0xFFFFF800, s1  }
0x400: {  	v16 =	vld [tilespmem:s31+$0x20];
	v9 =	vand.u32 $0x7FFFFFFF, v22;
	v18 =	vand.u32 $0x7FFFFFFF, v18;
	v22 =	vxor.u32 v10, v14;
	s1 =	sshll.u32 s26, $0x14  }
0x401: {  	v10 =	vxor.u32 v17, v9;
	v24 =	vxor.u32 v11, v18;
	v7 =	vmov s1  }
0x402: {  	v17 =	vshrl.u32 v24, $0x8;
	v6 =	vmov s28;
	v19 =	vsub.s32 v8, v7  }
0x403: {  	v8 =	vshrl.u32 v8, $0x8;
	v14 =	vsub.s32 v10, v7;
	vm1 =	vlt.u32 v19, $0x100000  }
0x404: {  	v18 =	vsub.s32 v22, v7;
	v19 =	vshra.s32 v13, $0x1F;
	v21 =	vand.u32 $0xFFF, v8  }
0x405: {  	v8 =	vand.u32 $0x7FFFFFFF, v20;
	v20 =	vshra.s32 v16, $0x1F;
	v19 =	vand.u32 $0x7FFFFFFF, v19  }
0x406: {  	v15 =	vand.u32 $0x7FFFFFFF, v20;
	v11 =	vxor.u32 v12, v8;
	v8 =	vshrl.u32 v10, $0x8  }
0x407: {  	v20 =	vsub.s32 v23, v7;
	v9 =	vxor.u32 v13, v19;
	v12 =	vxor.u32 v16, v15  }
0x408: {  	v16 =	vsub.s32 v24, v7;
	v15 =	vsub.s32 v11, v7;
	v19 =	vshrl.u32 v22, $0x8  }
0x409: {  	s29 =	simm.s32 $0x100C0;
	s28 =	simm.s32 $0x0;
	v13 =	vsub.s32 v9, v7;
	v10 =	vsub.s32 v12, v7;
	[tilespmem:v21+s17+$0x0] =	vst.idx.add.s32.msk vm1, v1;
	v21 =	vshrl.u32 v23, $0x8  }
.LBB2_88:
0x40a: {  	v22 =	vld [tilespmem:s29+$0x30];
	s28 =	sadd.s32 $0x8, s28;
	v11 =	vshrl.u32 v11, $0x8;
	v9 =	vshrl.u32 v9, $0x8;
	v12 =	vshrl.u32 v12, $0x8  }
0x40b: {  	vm7 =	vlt.u32 v14, $0x100000;
	vm6 =	vlt.u32 v20, $0x100000;
	vm5 =	vlt.u32 v18, $0x100000;
	v23 =	vld [tilespmem:s29+$0xFFFFFFD0];
	p0 =	slt.u32 s28, $0x7F8  }
0x40c: {  	vm4 =	vlt.u32 v16, $0x100000;
	vm3 =	vlt.u32 v15, $0x100000;
	vm2 =	vlt.u32 v13, $0x100000;
	v14 =	vld [tilespmem:s29+$0xFFFFFFE0]  }
0x40d: {  	v8 =	vand.u32 $0xFFF, v8;
	v15 =	vand.u32 $0xFFF, v21;
	vm1 =	vlt.u32 v10, $0x100000;
	v13 =	vld [tilespmem:s29+$0xFFFFFFF0]  }
0x40e: {  	v16 =	vand.u32 $0xFFF, v19;
	v17 =	vand.u32 $0xFFF, v17;
	v11 =	vand.u32 $0xFFF, v11;
	v10 =	vld [tilespmem:s29+$0x0]  }
0x40f: {  	v9 =	vand.u32 $0xFFF, v9;
	v24 =	vand.u32 $0xFFF, v12;
	v18 =	vld [tilespmem:s29+$0x10];
	v19 =	vshra.s32 v22, $0x1F  }
0x410: {  	v12 =	vshra.s32 v23, $0x1F;
	v20 =	vld [tilespmem:s29+$0x20];
	v19 =	vand.u32 $0x7FFFFFFF, v19  }
0x411: {  	v21 =	vld [tilespmem:s29+$0xFFFFFFC0];
	v12 =	vand.u32 $0x7FFFFFFF, v12;
	v25 =	vshra.s32 v14, $0x1F;
	v19 =	vxor.u32 v22, v19  }
0x412: {  	v22 =	vand.u32 $0x7FFFFFFF, v25;
	v25 =	vshra.s32 v13, $0x1F;
	v26 =	vsub.s32 v19, v7;
	[tilespmem:v8+s17+$0x0] =	vst.idx.add.s32.msk vm7, v1  }
0x413: {  	v19 =	vshrl.u32 v19, $0x8;
	v8 =	vshra.s32 v10, $0x1F;
	vm7 =	vlt.u32 v26, $0x100000;
	[tilespmem:v15+s17+$0x0] =	vst.idx.add.s32.msk vm6, v1  }
0x414: {  	v15 =	vand.u32 $0x7FFFFFFF, v25;
	v19 =	vand.u32 $0xFFF, v19;
	v25 =	vshra.s32 v18, $0x1F;
	[tilespmem:v16+s17+$0x0] =	vst.idx.add.s32.msk vm5, v1  }
0x415: {  	v8 =	vand.u32 $0x7FFFFFFF, v8;
	v16 =	vand.u32 $0x7FFFFFFF, v25;
	v25 =	vshra.s32 v20, $0x1F;
	[tilespmem:v17+s17+$0x0] =	vst.idx.add.s32.msk vm4, v1  }
0x416: {  	v23 =	vxor.u32 v23, v12;
	v17 =	vshra.s32 v21, $0x1F;
	v12 =	vand.u32 $0x7FFFFFFF, v25;
	[tilespmem:v11+s17+$0x0] =	vst.idx.add.s32.msk vm3, v1  }
0x417: {  	v11 =	vand.u32 $0x7FFFFFFF, v17;
	v17 =	vxor.u32 v14, v22;
	v22 =	vxor.u32 v13, v15;
	[tilespmem:v9+s17+$0x0] =	vst.idx.add.s32.msk vm2, v1  }
.Ltmp45:
0x418: {  	v9 =	vxor.u32 v18, v16;
	v13 =	vxor.u32 v21, v11;
	v11 =	vxor.u32 v10, v8;
	(pc) =	sbr.rel @p0 .LBB2_88-.Ltmp45, $4  }
0x419: {  	v12 =	vxor.u32 v20, v12;
	v14 =	vsub.s32 v13, v7;
	v8 =	vshrl.u32 v13, $0x8;
	[tilespmem:v19+s17+$0x0] =	vst.idx.add.s32.msk vm7, v1  }
0x41a: {  	v20 =	vsub.s32 v23, v7;
	v18 =	vsub.s32 v17, v7;
	v16 =	vsub.s32 v22, v7  }
0x41b: {  	v10 =	vsub.s32 v12, v7;
	v15 =	vsub.s32 v11, v7;
	v13 =	vsub.s32 v9, v7  }
0x41c: {  	s29 =	sadd.s32 $0x80, s29;
	v21 =	vshrl.u32 v23, $0x8;
	v19 =	vshrl.u32 v17, $0x8;
	v17 =	vshrl.u32 v22, $0x8;
	[tilespmem:v24+s17+$0x0] =	vst.idx.add.s32.msk vm1, v1  }
0x41d: {  	vm1 =	vlt.u32 v14, $0x100000  }
0x41e: {  	vm2 =	vlt.u32 v20, $0x100000;
	v7 =	vand.u32 $0xFFF, v8  }
0x41f: {  	vm3 =	vlt.u32 v18, $0x100000;
	v61 =	vand.u32 $0xFFF, v21  }
0x420: {  	vm4 =	vlt.u32 v16, $0x100000;
	v62 =	vand.u32 $0xFFF, v19  }
0x421: {  	v11 =	vshrl.u32 v11, $0x8;
	vm5 =	vlt.u32 v15, $0x100000;
	v63 =	vand.u32 $0xFFF, v17  }
0x422: {  	v9 =	vshrl.u32 v9, $0x8;
	vm6 =	vlt.u32 v13, $0x100000;
	v11 =	vand.u32 $0xFFF, v11  }
0x423: {  	v12 =	vshrl.u32 v12, $0x8;
	vm7 =	vlt.u32 v10, $0x100000;
	v9 =	vand.u32 $0xFFF, v9;
	[tilespmem:v7+s17+$0x0] =	vst.idx.add.s32.msk vm1, v1  }
0x424: {  	v7 =	vand.u32 $0xFFF, v12;
	[tilespmem:v61+s17+$0x0] =	vst.idx.add.s32.msk vm2, v1  }
0x425: {  	[tilespmem:v62+s17+$0x0] =	vst.idx.add.s32.msk vm3, v1  }
0x426: {  	[tilespmem:v63+s17+$0x0] =	vst.idx.add.s32.msk vm4, v1  }
0x427: {  	[tilespmem:v11+s17+$0x0] =	vst.idx.add.s32.msk vm5, v1  }
0x428: {  	[tilespmem:v9+s17+$0x0] =	vst.idx.add.s32.msk vm6, v1  }
0x429: {  	[tilespmem:v7+s17+$0x0] =	vst.idx.add.s32.msk vm7, v1  }
0x42a: {  	v7 =	vld [tilespmem:$0x19FF0]  }
0x42b: {  	v5 =	vsub.s32 v6, v5  }
0x42c: {  	v5 =	vxor.u32 $0x80000000, v5  }
0x42d: {  	v5 =	vnsel vm0, $0x7FFFFFFF, v5  }
0x42e: {  	(xrf0) =	vmax.scan.msk.u32 $0xffff, v5  }
0x42f: {  	(xrf0) =	vadd.scan.msk.s32 $0xffff, v7;
	_ =	sdelay $0x4  }
0x430: {  	v5, _, _ =	vpop (xrf0)  }
0x431: {  	(v2sf) =	vpush v5, $0xF;
	v5, _, _ =	vpop (xrf0)  }
0x432: {  	(v2sf) =	vpush v5, $0xF;
	_ =	sdelay $0xd  }
0x433: {  	s0 =	spop (v2sf)  }
0x434: {  	s28 =	sxor.u32 $0x80000000, s0;
	s31 =	spop (v2sf)  }
0x435: {  	p0 =	sge.s32 s31, s28  }
.Ltmp46:
0x436: {  	_ = 	snop;
	(pc) =	sbr.rel @p0 .LBB2_93-.Ltmp46, $2  }
0x437: {  	_ =	sdelay $0x2  }
0x438: {  	s30 =	simm.s32 $0x0;
	s29 =	simm.s32 $0xFF0  }
0x439: {  	s1 =	simm.s32 $0xFF;
	s0 =	simm.s32 $0x19FE0  }
.LBB2_91:
0x43a: {  	v5 =	vld [tilespmem:s0+$0x0];
	_ =	sdelay $0x4  }
0x43b: {  	(xrf0) =	vadd.scan.msk.s32 $0xffff, v5;
	_ =	sdelay $0x5  }
0x43c: {  	v5, _, _ =	vpop (xrf0)  }
0x43d: {  	(v2sf) =	vpush v5, $0xF;
	_ =	sdelay $0xe  }
0x43e: {  	s30 =	smov.u32 s31;
	s31 =	spop (v2sf)  }
0x43f: {  	p0 =	slt.u32 s1, $0x2;
	s31 =	sadd.s32 s30, s31  }
0x440: {  	p1 =	slt.s32 @!p0 s31, s28  }
0x441: {  	p1 =	por p0, !p1  }
.Ltmp47:
0x442: {  	_ = 	snop;
	(pc) =	sbr.rel @!p1 .LBB2_91-.Ltmp47, $2  }
0x443: {  	_ =	sdelay $0x2  }
0x444: {  	s1 =	sadd.s32 $0xFFFFFFFF, s1;
	s29 =	sadd.s32 $0xFFFFFFF0, s29;
	s0 =	sadd.s32 $0xFFFFFFF0, s0  }
0x445: {  	s30 =	smov.u32 @p0 s30;
	s29 =	smov.u32 @p0 s29  }
.LBB2_93:
0x446: {  	v5 =	vld [tilespmem:s29+$0x19000];
	_ =	sdelay $0x4  }
0x447: {  	(xrf0) =	vadd.scan.msk.s32 $0xffff, v5;
	_ =	sdelay $0x5  }
0x448: {  	v6, _, _ =	vpop (xrf0)  }
0x449: {  	v7 =	vxor.u32 $0x80000000, v6  }
0x44a: {  	(xrf0) =	vmax.scan.msk.u32 $0xffff, v7;
	_ =	sdelay $0x5  }
0x44b: {  	v7, _, _ =	vpop (xrf0)  }
0x44c: {  	(v2sf) =	vpush v7, $0xF;
	_ =	sdelay $0xe  }
0x44d: {  	s0 =	spop (v2sf)  }
0x44e: {  	s0 =	sxor.u32 $0x80000000, s0  }
0x44f: {  	s1 =	ssub.s32 s28, s30;
	v6 =	vsub.s32 s0, v6  }
0x450: {  	v7 =	vmov s1;
	v8 =	vadd.s32 v5, v6  }
0x451: {  	vm0 =	vgt.s32 v7, v6;
	vm1 =	vge.s32 v8, s1  }
0x452: {  	v6 =	vsub.s32 s1, v6;
	vm0 =	vmand vm0, vm1  }
0x453: {  	v6 =	vxor.u32 $0x80000000, v6;
	v7 =	vnsel vm0, $0x7FFFFFFF, v2  }
0x454: {  	v5 =	vxor.u32 $0x80000000, v5;
	v6 =	vnsel vm0, $0x7FFFFFFF, v6;
	(xrf0) =	vmax.scan.msk.u32 $0xffff, v7  }
0x455: {  	v5 =	vnsel vm0, $0x7FFFFFFF, v5;
	(xrf0) =	vmax.scan.msk.u32 $0xffff, v6  }
0x456: {  	(xrf0) =	vmax.scan.msk.u32 $0xffff, v5;
	_ =	sdelay $0x3  }
0x457: {  	v5, _, _ =	vpop (xrf0)  }
0x458: {  	v6, _, _ =	vpop (xrf0);
	(v2sf) =	vpush v5, $0xF  }
0x459: {  	(v2sf) =	vpush v6, $0xF;
	v5, _, _ =	vpop (xrf0)  }
0x45a: {  	(v2sf) =	vpush v5, $0xF;
	_ =	sdelay $0xc  }
0x45b: {  	s30 =	spop (v2sf)  }
0x45c: {  	s28 =	spop (v2sf)  }
0x45d: {  	s31 =	spop (v2sf)  }
0x45e: {  	p0 =	sge.u32 s28, s31  }
.Ltmp48:
0x45f: {  	_ = 	snop;
	(pc) =	sbr.rel @p0 .LBB2_99-.Ltmp48, $4  }
0x460: {  	_ = 	snop  }
0x461: {  	s0 =	sadd.s32 s30, s29  }
0x462: {  	s26 =	sshll.u32 s26, $0xC;
	s0 =	sadd.s32 $0x80000000, s0  }
0x463: {  	s26 =	sor.u32 s26, s0  }
0x464: {  	s29 =	simm.s32 $0x1A020  }
0x465: {  	[tilespmem:s29+$0xFFFFFFE0] =	vst v0  }
0x466: {  	[tilespmem:s29+$0x10] =	vst v0  }
0x467: {  	s30 =	simm.s32 $0x0;
	[tilespmem:s29+$0x0] =	vst v0  }
.LBB2_95:
0x468: {  	s30 =	sadd.s32 $0x4, s30  }
0x469: {  	[tilespmem:s29+$0xFFFFFFF0] =	vst v0;
	s29 =	sadd.s32 $0x40, s29;
	p1 =	slt.u32 s30, $0xC  }
.Ltmp49:
0x46a: {  	[tilespmem:s29+$0xFFFFFFE0] =	vst v0;
	(pc) =	sbr.rel @p1 .LBB2_95-.Ltmp49, $3  }
0x46b: {  	_ =	sdelay $0x1  }
0x46c: {  	[tilespmem:s29+$0x10] =	vst v0  }
0x46d: {  	[tilespmem:s29+$0x0] =	vst v0  }
0x46e: {  	[tilespmem:s29+$0xFFFFFFF0] =	vst v0;
	s0 =	simm.s32 $0x10040  }
0x46f: {  	v9 =	vld [tilespmem:s0+$0x20];
	_ =	sdelay $0x1  }
0x470: {  	v10 =	vld [tilespmem:s0+$0xFFFFFFC0]  }
0x471: {  	v7 =	vld [tilespmem:s0+$0xFFFFFFF0]  }
0x472: {  	v6 =	vld [tilespmem:s0+$0xFFFFFFE0]  }
0x473: {  	v15 =	vld [tilespmem:s0+$0x0];
	v8 =	vshra.s32 v9, $0x1F  }
0x474: {  	v11 =	vld [tilespmem:s0+$0x30];
	v12 =	vand.u32 $0x7FFFFFFF, v8  }
0x475: {  	v5 =	vmov s26;
	v12 =	vxor.u32 v9, v12  }
0x476: {  	v13 =	vshra.s32 v10, $0x1F;
	v14 =	vshra.s32 v7, $0x1F;
	v8 =	vld [tilespmem:s0+$0x10];
	v16 =	vshra.s32 v12, $0x8  }
0x477: {  	v17 =	vshra.s32 v6, $0x1F;
	v13 =	vand.u32 $0x7FFFFFFF, v13;
	v9 =	vld [tilespmem:s0+$0xFFFFFFD0];
	vm1 =	veq.s32 v16, v5  }
0x478: {  	v18 =	vshra.s32 v15, $0x1F;
	v10 =	vxor.u32 v10, v13;
	v19 =	vand.u32 $0xFF, v12  }
0x479: {  	v13 =	vand.u32 $0x7FFFFFFF, v17;
	v17 =	vshra.s32 v10, $0x8;
	v16 =	vshra.s32 v11, $0x1F  }
0x47a: {  	v14 =	vand.u32 $0x7FFFFFFF, v14;
	vm0 =	veq.s32 v17, v5;
	v16 =	vand.u32 $0x7FFFFFFF, v16  }
0x47b: {  	v17 =	vand.u32 $0x7FFFFFFF, v18;
	v12 =	vshra.s32 v8, $0x1F;
	v16 =	vxor.u32 v11, v16  }
0x47c: {  	v11 =	vxor.u32 v15, v17;
	v18 =	vshra.s32 v9, $0x1F;
	v20 =	vshra.s32 v16, $0x8  }
0x47d: {  	s29 =	simm.s32 $0x0;
	s30 =	simm.s32 $0x100C0;
	v17 =	vshra.s32 v11, $0x8;
	v15 =	vand.u32 $0x7FFFFFFF, v18;
	[tilespmem:v19+s24+$0x0] =	vst.idx.add.s32.msk vm1, v1;
	vm1 =	veq.s32 v20, v5  }
.LBB2_97:
0x47e: {  	v18 =	vld [tilespmem:s30+$0x20];
	s29 =	sadd.s32 $0x8, s29;
	v13 =	vxor.u32 v6, v13;
	v14 =	vxor.u32 v7, v14;
	v16 =	vand.u32 $0xFF, v16  }
0x47f: {  	v12 =	vand.u32 $0x7FFFFFFF, v12;
	v6 =	vld [tilespmem:s30+$0xFFFFFFE0];
	p1 =	slt.u32 s29, $0x7F8;
	v7 =	vshra.s32 v13, $0x8;
	v19 =	vshra.s32 v14, $0x8  }
0x480: {  	v10 =	vand.u32 $0xFF, v10;
	v8 =	vxor.u32 v8, v12;
	v20 =	vld [tilespmem:s30+$0xFFFFFFC0];
	vm2 =	veq.s32 v7, v5  }
0x481: {  	v9 =	vxor.u32 v9, v15;
	vm4 =	veq.s32 v17, v5;
	v12 =	vshra.s32 v8, $0x8;
	v7 =	vld [tilespmem:s30+$0xFFFFFFF0]  }
0x482: {  	v11 =	vand.u32 $0xFF, v11;
	v17 =	vand.u32 $0xFF, v9;
	v21 =	vand.u32 $0xFF, v13;
	v15 =	vld [tilespmem:s30+$0x30]  }
0x483: {  	vm5 =	veq.s32 v12, v5;
	v12 =	vand.u32 $0xFF, v8;
	v22 =	vld [tilespmem:s30+$0x0];
	v13 =	vshra.s32 v18, $0x1F  }
0x484: {  	v23 =	vshra.s32 v9, $0x8;
	vm3 =	veq.s32 v19, v5;
	v8 =	vld [tilespmem:s30+$0x10];
	v13 =	vand.u32 $0x7FFFFFFF, v13  }
0x485: {  	vm6 =	veq.s32 v23, v5;
	v9 =	vld [tilespmem:s30+$0xFFFFFFD0];
	v13 =	vxor.u32 v18, v13;
	v18 =	vand.u32 $0xFF, v14  }
0x486: {  	v14 =	vshra.s32 v20, $0x1F;
	v19 =	vshra.s32 v7, $0x1F;
	v23 =	vshra.s32 v13, $0x8;
	[tilespmem:v10+s24+$0x0] =	vst.idx.add.s32.msk vm0, v1  }
0x487: {  	v24 =	vshra.s32 v6, $0x1F;
	vm7 =	veq.s32 v23, v5;
	v23 =	vshra.s32 v15, $0x1F;
	[tilespmem:v11+s24+$0x0] =	vst.idx.add.s32.msk vm4, v1  }
0x488: {  	v10 =	vand.u32 $0x7FFFFFFF, v14;
	v25 =	vand.u32 $0xFF, v13;
	v11 =	vshra.s32 v22, $0x1F;
	[tilespmem:v16+s24+$0x0] =	vst.idx.add.s32.msk vm1, v1  }
.Ltmp50:
0x489: {  	v13 =	vand.u32 $0x7FFFFFFF, v24;
	v10 =	vxor.u32 v20, v10;
	v14 =	vand.u32 $0x7FFFFFFF, v19;
	[tilespmem:v12+s24+$0x0] =	vst.idx.add.s32.msk vm5, v1;
	(pc) =	sbr.rel @p1 .LBB2_97-.Ltmp50, $4  }
0x48a: {  	v16 =	vshra.s32 v10, $0x8;
	v19 =	vand.u32 $0x7FFFFFFF, v23;
	v12 =	vshra.s32 v8, $0x1F;
	[tilespmem:v21+s24+$0x0] =	vst.idx.add.s32.msk vm2, v1  }
0x48b: {  	vm0 =	veq.s32 v16, v5;
	v11 =	vand.u32 $0x7FFFFFFF, v11;
	v16 =	vxor.u32 v15, v19;
	[tilespmem:v17+s24+$0x0] =	vst.idx.add.s32.msk vm6, v1  }
0x48c: {  	v15 =	vshra.s32 v9, $0x1F;
	v11 =	vxor.u32 v22, v11;
	v19 =	vshra.s32 v16, $0x8;
	[tilespmem:v18+s24+$0x0] =	vst.idx.add.s32.msk vm3, v1  }
0x48d: {  	s30 =	sadd.s32 $0x80, s30;
	v15 =	vand.u32 $0x7FFFFFFF, v15;
	v17 =	vshra.s32 v11, $0x8;
	vm1 =	veq.s32 v19, v5;
	[tilespmem:v25+s24+$0x0] =	vst.idx.add.s32.msk vm7, v1  }
0x48e: {  	v6 =	vxor.u32 v6, v13;
	v7 =	vxor.u32 v7, v14;
	v12 =	vand.u32 $0x7FFFFFFF, v12  }
0x48f: {  	v10 =	vand.u32 $0xFF, v10;
	vm2 =	veq.s32 v17, v5;
	v59 =	vand.u32 $0xFF, v16  }
0x490: {  	v11 =	vand.u32 $0xFF, v11;
	v9 =	vxor.u32 v9, v15;
	v61 =	vshra.s32 v6, $0x8  }
0x491: {  	v8 =	vxor.u32 v8, v12;
	v62 =	vshra.s32 v9, $0x8;
	vm4 =	veq.s32 v61, v5  }
0x492: {  	v63 =	vshra.s32 v7, $0x8;
	v6 =	vand.u32 $0xFF, v6;
	vm5 =	veq.s32 v62, v5  }
0x493: {  	v9 =	vand.u32 $0xFF, v9;
	v60 =	vshra.s32 v8, $0x8;
	vm6 =	veq.s32 v63, v5  }
0x494: {  	vm3 =	veq.s32 v60, v5;
	v5 =	vand.u32 $0xFF, v7;
	[tilespmem:v10+s24+$0x0] =	vst.idx.add.s32.msk vm0, v1  }
0x495: {  	v8 =	vand.u32 $0xFF, v8;
	[tilespmem:v59+s24+$0x0] =	vst.idx.add.s32.msk vm1, v1  }
0x496: {  	[tilespmem:v11+s24+$0x0] =	vst.idx.add.s32.msk vm2, v1  }
0x497: {  	[tilespmem:v6+s24+$0x0] =	vst.idx.add.s32.msk vm4, v1  }
0x498: {  	[tilespmem:v9+s24+$0x0] =	vst.idx.add.s32.msk vm5, v1  }
0x499: {  	[tilespmem:v5+s24+$0x0] =	vst.idx.add.s32.msk vm6, v1  }
0x49a: {  	[tilespmem:v8+s24+$0x0] =	vst.idx.add.s32.msk vm3, v1  }
.LBB2_99:
0x49b: {  	v5 =	vld [tilespmem:$0x1A0F0];
	_ =	sdelay $0x4  }
0x49c: {  	(xrf0) =	vadd.scan.msk.s32 $0xffff, v5;
	_ =	sdelay $0x5  }
0x49d: {  	v5, _, _ =	vpop (xrf0)  }
0x49e: {  	(v2sf) =	vpush v5, $0xF;
	_ =	sdelay $0xe  }
0x49f: {  	s28 =	sxor.u32 $0x80000000, s28;
	s31 =	spop (v2sf)  }
0x4a0: {  	p1 =	sge.s32 s31, s28  }
.Ltmp51:
0x4a1: {  	_ = 	snop;
	(pc) =	sbr.rel @p1 .LBB2_103-.Ltmp51, $2  }
0x4a2: {  	_ =	sdelay $0x2  }
0x4a3: {  	s30 =	simm.s32 $0x0;
	s29 =	simm.s32 $0xF0  }
0x4a4: {  	s1 =	simm.s32 $0xF;
	s0 =	simm.s32 $0x1A0E0  }
.LBB2_101:
0x4a5: {  	v5 =	vld [tilespmem:s0+$0x0];
	_ =	sdelay $0x4  }
0x4a6: {  	(xrf0) =	vadd.scan.msk.s32 $0xffff, v5;
	_ =	sdelay $0x5  }
0x4a7: {  	v5, _, _ =	vpop (xrf0)  }
0x4a8: {  	(v2sf) =	vpush v5, $0xF;
	_ =	sdelay $0xe  }
0x4a9: {  	s30 =	smov.u32 s31;
	s31 =	spop (v2sf)  }
0x4aa: {  	p1 =	slt.u32 s1, $0x2;
	s31 =	sadd.s32 s30, s31  }
0x4ab: {  	p2 =	slt.s32 @!p1 s31, s28  }
0x4ac: {  	p2 =	por p1, !p2  }
.Ltmp52:
0x4ad: {  	_ = 	snop;
	(pc) =	sbr.rel @!p2 .LBB2_101-.Ltmp52, $2  }
0x4ae: {  	_ =	sdelay $0x2  }
0x4af: {  	s1 =	sadd.s32 $0xFFFFFFFF, s1;
	s29 =	sadd.s32 $0xFFFFFFF0, s29;
	s0 =	sadd.s32 $0xFFFFFFF0, s0  }
0x4b0: {  	s30 =	smov.u32 @p1 s30;
	s29 =	smov.u32 @p1 s29  }
.LBB2_103:
0x4b1: {  	v5 =	vld [tilespmem:s29+$0x1A000];
	_ =	sdelay $0x4  }
0x4b2: {  	(xrf0) =	vadd.scan.msk.s32 $0xffff, v5;
	_ =	sdelay $0x5  }
0x4b3: {  	v6, _, _ =	vpop (xrf0)  }
0x4b4: {  	v7 =	vxor.u32 $0x80000000, v6  }
0x4b5: {  	(xrf0) =	vmax.scan.msk.u32 $0xffff, v7;
	_ =	sdelay $0x5  }
0x4b6: {  	v7, _, _ =	vpop (xrf0)  }
0x4b7: {  	(v2sf) =	vpush v7, $0xF;
	_ =	sdelay $0xe  }
0x4b8: {  	s0 =	spop (v2sf)  }
0x4b9: {  	s0 =	sxor.u32 $0x80000000, s0  }
0x4ba: {  	s1 =	ssub.s32 s28, s30;
	v6 =	vsub.s32 s0, v6  }
0x4bb: {  	v7 =	vmov s1;
	v8 =	vadd.s32 v5, v6  }
0x4bc: {  	vm0 =	vgt.s32 v7, v6;
	vm1 =	vge.s32 v8, s1  }
0x4bd: {  	v6 =	vsub.s32 s1, v6;
	vm0 =	vmand vm0, vm1  }
0x4be: {  	v6 =	vxor.u32 $0x80000000, v6;
	v7 =	vnsel vm0, $0x7FFFFFFF, v2  }
0x4bf: {  	v5 =	vxor.u32 $0x80000000, v5;
	v6 =	vnsel vm0, $0x7FFFFFFF, v6;
	(xrf0) =	vmax.scan.msk.u32 $0xffff, v7  }
0x4c0: {  	v5 =	vnsel vm0, $0x7FFFFFFF, v5;
	(xrf0) =	vmax.scan.msk.u32 $0xffff, v6  }
0x4c1: {  	(xrf0) =	vmax.scan.msk.u32 $0xffff, v5;
	_ =	sdelay $0x3  }
0x4c2: {  	v5, _, _ =	vpop (xrf0)  }
0x4c3: {  	v6, _, _ =	vpop (xrf0);
	(v2sf) =	vpush v5, $0xF  }
0x4c4: {  	(v2sf) =	vpush v6, $0xF;
	v5, _, _ =	vpop (xrf0)  }
0x4c5: {  	(v2sf) =	vpush v5, $0xF;
	_ =	sdelay $0xc  }
0x4c6: {  	s30 =	spop (v2sf)  }
0x4c7: {  	s28 =	spop (v2sf);
	s0 =	sadd.s32 s30, s29  }
0x4c8: {  	s31 =	spop (v2sf);
	s0 =	sadd.s32 $0x80000000, s0  }
0x4c9: {  	s26 =	sshll.u32 s26, $0x8;
	s0 =	simm.s32 @p0 $0x0;
	p1 =	sge.u32 s28, s31  }
0x4ca: {  	s26 =	sor.u32 s26, s0;
	p0 =	por p0, p1  }
0x4cb: {  	p1 =	seq.s32 @p0 s26, $0x0  }
0x4cc: {  	p1 =	por !p0, p1  }
.Ltmp53:
0x4cd: {  	_ = 	snop;
	(pc) =	sbr.rel @p1 .LBB2_107-.Ltmp53, $1  }
0x4ce: {  	_ =	sdelay $0x3  }
0x4cf: {  	s29 =	simm.s32 $0x10040  }
0x4d0: {  	p1 =	slt.s32 s26, $0x0;
	s0 =	sxor.u32 $0x7FFFFFFF, s26;
	s1 =	smov.u32 s26;
	v7 =	vld [tilespmem:s29+$0x30]  }
0x4d1: {  	s1 =	smov.u32 @p1 s0;
	v10 =	vld [tilespmem:s29+$0xFFFFFFD0]  }
0x4d2: {  	v12 =	vld [tilespmem:s29+$0xFFFFFFE0];
	v5 =	vmov s1  }
0x4d3: {  	v9 =	vld [tilespmem:s29+$0xFFFFFFF0];
	v5 =	vbroadcast v5, $0x0  }
0x4d4: {  	v8 =	vld [tilespmem:s29+$0x0]  }
0x4d5: {  	v6 =	vld [tilespmem:s29+$0x10];
	vm0 =	vge.f32 v7, v5  }
0x4d6: {  	vm1 =	vge.f32 v10, v5;
	v7 =	vld [tilespmem:s29+$0x20];
	v13 =	vsel vm0, $0x3F800000, v3  }
0x4d7: {  	s30 =	simm.s32 $0x0;
	s31 =	simm.s32 $0x100C0;
	v10 =	vld [tilespmem:s29+$0xFFFFFFC0];
	v11 =	vsel vm1, $0x3F800000, v3;
	vm0 =	vge.f32 v12, v5;
	[tilespmem:s29+$0x30] =	vst v13  }
.LBB2_105:
0x4d8: {  	v12 =	vld [tilespmem:s31+$0x30];
	s30 =	sadd.s32 $0x8, s30;
	[tilespmem:s29+$0xFFFFFFD0] =	vst v11;
	v11 =	vsel vm0, $0x3F800000, v3;
	vm0 =	vge.f32 v9, v5  }
0x4d9: {  	v13 =	vld [tilespmem:s31+$0xFFFFFFD0];
	p1 =	slt.u32 s30, $0x7F8;
	[tilespmem:s29+$0xFFFFFFE0] =	vst v11;
	v9 =	vsel vm0, $0x3F800000, v3;
	vm0 =	vge.f32 v8, v5  }
0x4da: {  	v14 =	vld [tilespmem:s31+$0xFFFFFFE0];
	[tilespmem:s29+$0xFFFFFFF0] =	vst v9;
	v8 =	vsel vm0, $0x3F800000, v3;
	vm0 =	vge.f32 v6, v5  }
.Ltmp54:
0x4db: {  	v9 =	vld [tilespmem:s31+$0xFFFFFFF0];
	[tilespmem:s29+$0x0] =	vst v8;
	v6 =	vsel vm0, $0x3F800000, v3;
	vm0 =	vge.f32 v7, v5;
	(pc) =	sbr.rel @p1 .LBB2_105-.Ltmp54, $4  }
0x4dc: {  	v8 =	vld [tilespmem:s31+$0x0];
	vm1 =	vge.f32 v10, v5;
	[tilespmem:s29+$0x10] =	vst v6;
	v7 =	vsel vm0, $0x3F800000, v3  }
0x4dd: {  	v6 =	vld [tilespmem:s31+$0x10];
	vm0 =	vge.f32 v12, v5;
	v10 =	vsel vm1, $0x3F800000, v3;
	[tilespmem:s29+$0x20] =	vst v7  }
0x4de: {  	vm1 =	vge.f32 v13, v5;
	v7 =	vld [tilespmem:s31+$0x20];
	v12 =	vsel vm0, $0x3F800000, v3;
	[tilespmem:s29+$0xFFFFFFC0] =	vst v10;
	s29 =	smov.u32 s31  }
0x4df: {  	s31 =	sadd.s32 $0x80, s31;
	v10 =	vld [tilespmem:s29+$0xFFFFFFC0];
	v11 =	vsel vm1, $0x3F800000, v3;
	vm0 =	vge.f32 v14, v5;
	[tilespmem:s29+$0x30] =	vst v12  }
0x4e0: {  	[tilespmem:s29+$0xFFFFFFD0] =	vst v11;
	v63 =	vsel vm0, $0x3F800000, v3;
	vm12 =	vge.f32 v9, v5  }
0x4e1: {  	[tilespmem:s29+$0xFFFFFFE0] =	vst v63;
	v9 =	vsel vm12, $0x3F800000, v3;
	vm13 =	vge.f32 v8, v5  }
0x4e2: {  	[tilespmem:s29+$0xFFFFFFF0] =	vst v9;
	v8 =	vsel vm13, $0x3F800000, v3;
	vm14 =	vge.f32 v6, v5  }
0x4e3: {  	[tilespmem:s29+$0x0] =	vst v8;
	v6 =	vsel vm14, $0x3F800000, v3;
	vm15 =	vge.f32 v7, v5  }
0x4e4: {  	vm1 =	vge.f32 v10, v5;
	[tilespmem:s29+$0x10] =	vst v6;
	v5 =	vsel vm15, $0x3F800000, v3  }
0x4e5: {  	v6 =	vsel vm1, $0x3F800000, v3;
	[tilespmem:s29+$0x20] =	vst v5  }
0x4e6: {  	[tilespmem:s29+$0xFFFFFFC0] =	vst v6  }
.LBB2_107:
0x4e7: {  	p1 =	seq.s32 s26, $0x0  }
0x4e8: {  	p1 =	por !p0, !p1  }
0x4e9: {  	p1 =	por !p1, !p1  }
.Ltmp55:
0x4ea: {  	_ = 	snop;
	(pc) =	sbr.rel @!p1 .LBB2_111-.Ltmp55, $1  }
0x4eb: {  	_ =	sdelay $0x3  }
0x4ec: {  	s29 =	simm.s32 $0x10040  }
0x4ed: {  	v6 =	vld [tilespmem:s29+$0x30]  }
0x4ee: {  	v9 =	vld [tilespmem:s29+$0xFFFFFFD0]  }
0x4ef: {  	v11 =	vld [tilespmem:s29+$0xFFFFFFE0]  }
0x4f0: {  	v8 =	vld [tilespmem:s29+$0xFFFFFFF0]  }
0x4f1: {  	v7 =	vld [tilespmem:s29+$0x0]  }
0x4f2: {  	v5 =	vld [tilespmem:s29+$0x10];
	vm0 =	vlt.s32 v6, $0x0  }
0x4f3: {  	vm1 =	vlt.s32 v9, $0x0;
	v6 =	vld [tilespmem:s29+$0x20];
	v12 =	vsel vm0, $0x0, v4  }
0x4f4: {  	s30 =	simm.s32 $0x0;
	s31 =	simm.s32 $0x100C0;
	v9 =	vld [tilespmem:s29+$0xFFFFFFC0];
	v10 =	vsel vm1, $0x0, v4;
	vm0 =	vlt.s32 v11, $0x0;
	[tilespmem:s29+$0x30] =	vst v12  }
.LBB2_109:
0x4f5: {  	v11 =	vld [tilespmem:s31+$0x30];
	s30 =	sadd.s32 $0x8, s30;
	[tilespmem:s29+$0xFFFFFFD0] =	vst v10;
	v10 =	vsel vm0, $0x0, v4;
	vm0 =	vlt.s32 v8, $0x0  }
0x4f6: {  	v12 =	vld [tilespmem:s31+$0xFFFFFFD0];
	p1 =	slt.u32 s30, $0x7F8;
	[tilespmem:s29+$0xFFFFFFE0] =	vst v10;
	v8 =	vsel vm0, $0x0, v4;
	vm0 =	vlt.s32 v7, $0x0  }
0x4f7: {  	v13 =	vld [tilespmem:s31+$0xFFFFFFE0];
	[tilespmem:s29+$0xFFFFFFF0] =	vst v8;
	v7 =	vsel vm0, $0x0, v4;
	vm0 =	vlt.s32 v5, $0x0  }
.Ltmp56:
0x4f8: {  	v8 =	vld [tilespmem:s31+$0xFFFFFFF0];
	[tilespmem:s29+$0x0] =	vst v7;
	v5 =	vsel vm0, $0x0, v4;
	vm0 =	vlt.s32 v6, $0x0;
	(pc) =	sbr.rel @p1 .LBB2_109-.Ltmp56, $4  }
0x4f9: {  	v7 =	vld [tilespmem:s31+$0x0];
	vm1 =	vlt.s32 v9, $0x0;
	[tilespmem:s29+$0x10] =	vst v5;
	v6 =	vsel vm0, $0x0, v4  }
0x4fa: {  	v5 =	vld [tilespmem:s31+$0x10];
	vm0 =	vlt.s32 v11, $0x0;
	v9 =	vsel vm1, $0x0, v4;
	[tilespmem:s29+$0x20] =	vst v6  }
0x4fb: {  	vm1 =	vlt.s32 v12, $0x0;
	v6 =	vld [tilespmem:s31+$0x20];
	v11 =	vsel vm0, $0x0, v4;
	[tilespmem:s29+$0xFFFFFFC0] =	vst v9;
	s29 =	smov.u32 s31  }
0x4fc: {  	s31 =	sadd.s32 $0x80, s31;
	v9 =	vld [tilespmem:s29+$0xFFFFFFC0];
	v10 =	vsel vm1, $0x0, v4;
	vm0 =	vlt.s32 v13, $0x0;
	[tilespmem:s29+$0x30] =	vst v11  }
0x4fd: {  	[tilespmem:s29+$0xFFFFFFD0] =	vst v10;
	v63 =	vsel vm0, $0x0, v4;
	vm12 =	vlt.s32 v8, $0x0  }
0x4fe: {  	[tilespmem:s29+$0xFFFFFFE0] =	vst v63;
	v8 =	vsel vm12, $0x0, v4;
	vm13 =	vlt.s32 v7, $0x0  }
0x4ff: {  	[tilespmem:s29+$0xFFFFFFF0] =	vst v8;
	v7 =	vsel vm13, $0x0, v4;
	vm14 =	vlt.s32 v5, $0x0  }
0x500: {  	[tilespmem:s29+$0x0] =	vst v7;
	v5 =	vsel vm14, $0x0, v4;
	vm15 =	vlt.s32 v6, $0x0  }
0x501: {  	vm1 =	vlt.s32 v9, $0x0;
	[tilespmem:s29+$0x10] =	vst v5;
	v5 =	vsel vm15, $0x0, v4  }
0x502: {  	v6 =	vsel vm1, $0x0, v4;
	[tilespmem:s29+$0x20] =	vst v5  }
0x503: {  	[tilespmem:s29+$0xFFFFFFC0] =	vst v6  }
.LBB2_111:
.Ltmp57:
0x504: {  	(pc) =	sbr.rel @p0 .LBB2_115-.Ltmp57, $1  }
0x505: {  	_ =	sdelay $0x3  }
0x506: {  	s0 =	simm.s32 $0x0  }
0x507: {  	v6 =	vld [tilespmem:s0+$0x10000];
	_ =	sdelay $0x4  }
0x508: {  	v5 =	vshra.s32 v6, $0x1F  }
0x509: {  	v7 =	vand.u32 $0x7FFFFFFF, v5  }
0x50a: {  	v5 =	vmov s26;
	v7 =	vxor.u32 v6, v7  }
0x50b: {  	vm0 =	veq.s32 v7, v5  }
0x50c: {  	v6 =	vsel vm0, $0x1, v0  }
0x50d: {  	(xrf0) =	vadd.scan.msk.s32 $0xffff, v6;
	_ =	sdelay $0x5  }
0x50e: {  	s1 =	sxor.u32 $0x80000000, s28;
	s26 =	simm.s32 $0x0;
	v8, _, _ =	vpop (xrf0)  }
0x50f: {  	v6 =	vmov s1;
	v9 =	vadd.s32 s26, v8;
	(v2sf) =	vpush v8, $0xF  }
0x510: {  	vm1 =	vle.s32 v9, v6  }
0x511: {  	vm2 =	vgt.s32 v7, v5;
	vm0 =	vmand vm0, vm1  }
0x512: {  	vm0 =	vmor vm2, vm0  }
0x513: {  	v7 =	vsel vm0, $0x3F800000, v3  }
0x514: {  	s28 =	simm.s32 $0x10;
	s29 =	simm.s32 $0x80;
	[tilespmem:s0+$0x10000] =	vst v7  }
.LBB2_113:
0x515: {  	p0 =	sne.s32 s29, $0x1FFC0;
	v7 =	vld [tilespmem:s28+$0x10000];
	_ =	sdelay $0x4  }
0x516: {  	v8 =	vshra.s32 v7, $0x1F  }
0x517: {  	v8 =	vand.u32 $0x7FFFFFFF, v8  }
0x518: {  	v7 =	vxor.u32 v7, v8  }
0x519: {  	vm0 =	veq.s32 v7, v5;
	vm1 =	vgt.s32 v7, v5  }
0x51a: {  	v7 =	vsel vm0, $0x1, v0;
	s0 =	spop (v2sf)  }
0x51b: {  	(xrf0) =	vadd.scan.msk.s32 $0xffff, v7;
	s26 =	sadd.s32 s26, s0;
	_ =	sdelay $0x5  }
0x51c: {  	v7, _, _ =	vpop (xrf0)  }
0x51d: {  	v8 =	vadd.s32 s26, v7;
	(v2sf) =	vpush v7, $0xF  }
.Ltmp58:
0x51e: {  	vm2 =	vle.s32 v8, v6;
	(pc) =	sbr.rel @p0 .LBB2_113-.Ltmp58, $4  }
0x51f: {  	vm0 =	vmand vm0, vm2  }
0x520: {  	vm0 =	vmor vm1, vm0  }
0x521: {  	v7 =	vsel vm0, $0x3F800000, v3  }
0x522: {  	[tilespmem:s28+$0x10000] =	vst v7;
	s28 =	sshra.s32 s29, $0x2;
	s29 =	sadd.s32 $0x40, s29  }
0x523: {  	v7 =	vld [tilespmem:s28+$0x10000];
	_ =	sdelay $0x4  }
0x524: {  	v8 =	vshra.s32 v7, $0x1F  }
0x525: {  	v8 =	vand.u32 $0x7FFFFFFF, v8  }
0x526: {  	v7 =	vxor.u32 v7, v8  }
0x527: {  	vm0 =	veq.s32 v7, v5  }
0x528: {  	v63 =	vsel vm0, $0x1, v0  }
0x529: {  	(xrf0) =	vadd.scan.msk.s32 $0xffff, v63;
	_ =	sdelay $0x5  }
0x52a: {  	v8, _, _ =	vpop (xrf0)  }
0x52b: {  	(v2sf) =	vpush v8, $0xF;
	_ =	sdelay $0x7  }
0x52c: {  	s0 =	spop (v2sf)  }
0x52d: {  	s0 =	sadd.s32 s26, s0  }
0x52e: {  	v8 =	vadd.s32 s0, v8  }
0x52f: {  	vm1 =	vle.s32 v8, v6  }
0x530: {  	vm2 =	vgt.s32 v7, v5;
	vm0 =	vmand vm0, vm1  }
0x531: {  	vm0 =	vmor vm2, vm0  }
0x532: {  	v5 =	vsel vm0, $0x3F800000, v3  }
0x533: {  	[tilespmem:s28+$0x10000] =	vst v5;
	s31 =	spop (v2sf)  }
.LBB2_115:
0x534: {  	[hbm4b:s9+s12] =	stream.strided.scatter [tilespmem:s18], [sflag:$0x6], $0x8000, s13, s12, $0x38;
	[tilespmem:$0x1A100] =	vst v63  }
0x535: {  	_ =	swait.ge [sflag:s15], $0x8000  }
0x536: {  	[sflag:s15] =	ssyncset.done $0x0  }
0x537: {  	s26 =	simm.s32 $0x18020;
	[sflag:s15] =	ssyncadd.s32 $0xFFFF8000  }
0x538: {  	[tilespmem:s26+$0xFFFFFFE0] =	vst v0  }
0x539: {  	[tilespmem:s26+$0x10] =	vst v0  }
0x53a: {  	s28 =	simm.s32 $0x0;
	[tilespmem:s26+$0x0] =	vst v0  }
.LBB2_116:
0x53b: {  	s28 =	sadd.s32 $0x4, s28  }
0x53c: {  	[tilespmem:s26+$0xFFFFFFF0] =	vst v0;
	s26 =	sadd.s32 $0x40, s26;
	p0 =	slt.u32 s28, $0xFC  }
.Ltmp59:
0x53d: {  	[tilespmem:s26+$0xFFFFFFE0] =	vst v0;
	(pc) =	sbr.rel @p0 .LBB2_116-.Ltmp59, $3  }
0x53e: {  	_ =	sdelay $0x1  }
0x53f: {  	[tilespmem:s26+$0x10] =	vst v0  }
0x540: {  	[tilespmem:s26+$0x0] =	vst v0  }
0x541: {  	[tilespmem:s26+$0xFFFFFFF0] =	vst v0;
	s26 =	simm.s32 $0x19020  }
0x542: {  	[tilespmem:s26+$0xFFFFFFE0] =	vst v0  }
0x543: {  	[tilespmem:s26+$0x10] =	vst v0  }
0x544: {  	s28 =	simm.s32 $0x0;
	[tilespmem:s26+$0x0] =	vst v0  }
.LBB2_118:
0x545: {  	s28 =	sadd.s32 $0x4, s28  }
0x546: {  	[tilespmem:s26+$0xFFFFFFF0] =	vst v0;
	s26 =	sadd.s32 $0x40, s26;
	p0 =	slt.u32 s28, $0xFC  }
.Ltmp60:
0x547: {  	[tilespmem:s26+$0xFFFFFFE0] =	vst v0;
	(pc) =	sbr.rel @p0 .LBB2_118-.Ltmp60, $3  }
0x548: {  	_ =	sdelay $0x1  }
0x549: {  	[tilespmem:s26+$0x10] =	vst v0  }
0x54a: {  	s0 =	simm.s32 $0x40;
	[tilespmem:s26+$0x0] =	vst v0  }
0x54b: {  	[tilespmem:s26+$0xFFFFFFF0] =	vst v0  }
0x54c: {  	v5 =	vld [tilespmem:s0+$0x30]  }
0x54d: {  	v6 =	vld [tilespmem:s0+$0xFFFFFFD0]  }
0x54e: {  	v7 =	vld [tilespmem:s0+$0xFFFFFFE0]  }
0x54f: {  	v8 =	vld [tilespmem:s0+$0xFFFFFFF0]  }
0x550: {  	v9 =	vld [tilespmem:s0+$0x0];
	_ =	sdelay $0x1  }
0x551: {  	v10 =	vld [tilespmem:s0+$0x10]  }
0x552: {  	v13 =	vld [tilespmem:s0+$0x20]  }
0x553: {  	v14 =	vld [tilespmem:s0+$0xFFFFFFC0];
	v11 =	vshra.s32 v5, $0x1F;
	v12 =	vshra.s32 v6, $0x1F;
	v15 =	vshra.s32 v7, $0x1F  }
0x554: {  	v62 =	vshra.s32 v8, $0x1F;
	v16 =	vshra.s32 v9, $0x1F;
	v11 =	vand.u32 $0x7FF00000, v11  }
0x555: {  	v12 =	vand.u32 $0x7FF00000, v12;
	v5 =	vxor.u32 v5, v11;
	v11 =	vand.u32 $0x7FF00000, v15  }
0x556: {  	v15 =	vand.u32 $0x7FF00000, v62;
	v12 =	vxor.u32 v6, v12;
	v5 =	vshra.s32 v5, $0x14  }
0x557: {  	v6 =	vshra.s32 v10, $0x1F;
	v63 =	vxor.u32 v7, v11;
	v17 =	vadd.s32 $0x800, v5  }
0x558: {  	v7 =	vand.u32 $0x7FF00000, v6;
	v6 =	vshra.s32 v13, $0x1F;
	v11 =	vshra.s32 v14, $0x1F  }
0x559: {  	v15 =	vxor.u32 v8, v15;
	v5 =	vand.u32 $0x7FF00000, v16;
	v8 =	vand.u32 $0x7FF00000, v6  }
0x55a: {  	v11 =	vand.u32 $0x7FF00000, v11;
	v6 =	vxor.u32 v9, v5;
	v5 =	vxor.u32 v10, v7  }
0x55b: {  	v9 =	vxor.u32 v14, v11;
	v7 =	vshra.s32 v12, $0x14;
	v8 =	vxor.u32 v13, v8  }
0x55c: {  	s26 =	simm.s32 $0x0;
	s28 =	simm.s32 $0xC0;
	v10 =	vshra.s32 v63, $0x14;
	v11 =	vshra.s32 v9, $0x14;
	v9 =	vshra.s32 v15, $0x14;
	[tilespmem:v17+s16+$0x0] =	vst.idx.add.s32.msk $0xffff, v1  }
.LBB2_120:
0x55d: {  	v12 =	vld [tilespmem:s28+$0x30];
	s26 =	sadd.s32 $0x8, s26;
	v6 =	vshra.s32 v6, $0x14;
	v5 =	vshra.s32 v5, $0x14;
	v8 =	vshra.s32 v8, $0x14  }
0x55e: {  	v11 =	vadd.s32 $0x800, v11;
	v7 =	vadd.s32 $0x800, v7;
	v10 =	vadd.s32 $0x800, v10;
	v13 =	vld [tilespmem:s28+$0xFFFFFFD0];
	p0 =	slt.u32 s26, $0x7F8  }
0x55f: {  	v9 =	vadd.s32 $0x800, v9;
	v6 =	vadd.s32 $0x800, v6;
	v15 =	vadd.s32 $0x800, v5;
	v14 =	vld [tilespmem:s28+$0xFFFFFFE0]  }
0x560: {  	v16 =	vadd.s32 $0x800, v8;
	v5 =	vld [tilespmem:s28+$0xFFFFFFF0]  }
0x561: {  	v8 =	vld [tilespmem:s28+$0x0]  }
0x562: {  	v17 =	vld [tilespmem:s28+$0x10];
	v18 =	vshra.s32 v12, $0x1F  }
0x563: {  	v19 =	vshra.s32 v13, $0x1F;
	v20 =	vld [tilespmem:s28+$0x20];
	v18 =	vand.u32 $0x7FF00000, v18  }
0x564: {  	v21 =	vld [tilespmem:s28+$0xFFFFFFC0];
	v19 =	vand.u32 $0x7FF00000, v19;
	v22 =	vshra.s32 v14, $0x1F;
	v12 =	vxor.u32 v12, v18  }
0x565: {  	v18 =	vand.u32 $0x7FF00000, v22;
	v22 =	vshra.s32 v5, $0x1F;
	v12 =	vshra.s32 v12, $0x14;
	[tilespmem:v11+s16+$0x0] =	vst.idx.add.s32.msk $0xffff, v1  }
0x566: {  	v11 =	vand.u32 $0x7FF00000, v22;
	v22 =	vshra.s32 v8, $0x1F;
	v12 =	vadd.s32 $0x800, v12;
	[tilespmem:v7+s16+$0x0] =	vst.idx.add.s32.msk $0xffff, v1  }
0x567: {  	v7 =	vxor.u32 v13, v19;
	v13 =	vand.u32 $0x7FF00000, v22;
	v19 =	vshra.s32 v17, $0x1F;
	[tilespmem:v10+s16+$0x0] =	vst.idx.add.s32.msk $0xffff, v1  }
.Ltmp61:
0x568: {  	v10 =	vxor.u32 v14, v18;
	v14 =	vand.u32 $0x7FF00000, v19;
	v18 =	vshra.s32 v20, $0x1F;
	[tilespmem:v9+s16+$0x0] =	vst.idx.add.s32.msk $0xffff, v1;
	(pc) =	sbr.rel @p0 .LBB2_120-.Ltmp61, $4  }
0x569: {  	v19 =	vxor.u32 v5, v11;
	v9 =	vshra.s32 v21, $0x1F;
	v11 =	vand.u32 $0x7FF00000, v18;
	[tilespmem:v6+s16+$0x0] =	vst.idx.add.s32.msk $0xffff, v1  }
0x56a: {  	v6 =	vxor.u32 v8, v13;
	v5 =	vxor.u32 v17, v14;
	v9 =	vand.u32 $0x7FF00000, v9;
	[tilespmem:v15+s16+$0x0] =	vst.idx.add.s32.msk $0xffff, v1  }
0x56b: {  	v7 =	vshra.s32 v7, $0x14;
	v8 =	vxor.u32 v20, v11;
	v9 =	vxor.u32 v21, v9;
	[tilespmem:v12+s16+$0x0] =	vst.idx.add.s32.msk $0xffff, v1  }
0x56c: {  	s28 =	sadd.s32 $0x80, s28;
	v10 =	vshra.s32 v10, $0x14;
	v11 =	vshra.s32 v9, $0x14;
	v9 =	vshra.s32 v19, $0x14;
	[tilespmem:v16+s16+$0x0] =	vst.idx.add.s32.msk $0xffff, v1  }
0x56d: {  	v11 =	vadd.s32 $0x800, v11  }
0x56e: {  	v7 =	vadd.s32 $0x800, v7  }
0x56f: {  	v10 =	vadd.s32 $0x800, v10  }
0x570: {  	v6 =	vshra.s32 v6, $0x14;
	v9 =	vadd.s32 $0x800, v9  }
0x571: {  	v5 =	vshra.s32 v5, $0x14;
	v6 =	vadd.s32 $0x800, v6  }
0x572: {  	v8 =	vshra.s32 v8, $0x14;
	v5 =	vadd.s32 $0x800, v5;
	[tilespmem:v11+s16+$0x0] =	vst.idx.add.s32.msk $0xffff, v1  }
0x573: {  	v8 =	vadd.s32 $0x800, v8;
	[tilespmem:v7+s16+$0x0] =	vst.idx.add.s32.msk $0xffff, v1  }
0x574: {  	[tilespmem:v10+s16+$0x0] =	vst.idx.add.s32.msk $0xffff, v1  }
0x575: {  	[tilespmem:v9+s16+$0x0] =	vst.idx.add.s32.msk $0xffff, v1  }
0x576: {  	[tilespmem:v6+s16+$0x0] =	vst.idx.add.s32.msk $0xffff, v1  }
0x577: {  	[tilespmem:v5+s16+$0x0] =	vst.idx.add.s32.msk $0xffff, v1  }
0x578: {  	[tilespmem:v8+s16+$0x0] =	vst.idx.add.s32.msk $0xffff, v1  }
0x579: {  	v5 =	vld [tilespmem:$0x18FF0];
	_ =	sdelay $0x4  }
0x57a: {  	(xrf0) =	vadd.scan.msk.s32 $0xffff, v5;
	_ =	sdelay $0x5  }
0x57b: {  	v5, _, _ =	vpop (xrf0)  }
0x57c: {  	(v2sf) =	vpush v5, $0xF;
	_ =	sdelay $0xe  }
0x57d: {  	s29 =	spop (v2sf)  }
0x57e: {  	p0 =	sgt.s32 s29, $0x666  }
.Ltmp62:
0x57f: {  	_ = 	snop;
	(pc) =	sbr.rel @p0 .LBB2_125-.Ltmp62, $2  }
0x580: {  	_ =	sdelay $0x2  }
0x581: {  	s28 =	simm.s32 $0x667;
	s26 =	simm.s32 $0xFF0  }
0x582: {  	s0 =	simm.s32 $0xFF;
	s28 =	simm.s32 $0x18FE0  }
.LBB2_123:
0x583: {  	v5 =	vld [tilespmem:s28+$0x0];
	_ =	sdelay $0x4  }
0x584: {  	(xrf0) =	vadd.scan.msk.s32 $0xffff, v5;
	_ =	sdelay $0x5  }
0x585: {  	v5, _, _ =	vpop (xrf0)  }
0x586: {  	(v2sf) =	vpush v5, $0xF;
	_ =	sdelay $0xe  }
0x587: {  	s1 =	smov.u32 s29;
	s29 =	spop (v2sf)  }
0x588: {  	p0 =	slt.u32 s0, $0x2;
	s29 =	sadd.s32 s1, s29  }
0x589: {  	p1 =	slt.s32 @!p0 s29, $0x667  }
0x58a: {  	p0 =	por p0, !p1  }
.Ltmp63:
0x58b: {  	_ = 	snop;
	(pc) =	sbr.rel @!p0 .LBB2_123-.Ltmp63, $2  }
0x58c: {  	_ =	sdelay $0x2  }
0x58d: {  	s0 =	sadd.s32 $0xFFFFFFFF, s0;
	s26 =	sadd.s32 $0xFFFFFFF0, s26;
	s28 =	sadd.s32 $0xFFFFFFF0, s28  }
0x58e: {  	s28 =	ssub.s32 $0x667, s1  }
.LBB2_125:
0x58f: {  	v6 =	vld [tilespmem:s26+$0x18000];
	_ =	sdelay $0x4  }
0x590: {  	(xrf0) =	vadd.scan.msk.s32 $0xffff, v6;
	_ =	sdelay $0x5  }
0x591: {  	v5, _, _ =	vpop (xrf0)  }
0x592: {  	v7 =	vxor.u32 $0x80000000, v5  }
0x593: {  	(xrf0) =	vmax.scan.msk.u32 $0xffff, v7;
	_ =	sdelay $0x5  }
0x594: {  	v7, _, _ =	vpop (xrf0)  }
0x595: {  	(v2sf) =	vpush v7, $0xF;
	_ =	sdelay $0xe  }
0x596: {  	s0 =	spop (v2sf)  }
0x597: {  	s0 =	sxor.u32 $0x80000000, s0  }
0x598: {  	v5 =	vsub.s32 s0, v5  }
0x599: {  	v6 =	vadd.s32 v6, v5  }
0x59a: {  	vm0 =	vlt.s32 v5, s28;
	vm1 =	vge.s32 v6, s28  }
0x59b: {  	vm0 =	vmand vm0, vm1  }
0x59c: {  	v6 =	vnsel vm0, $0x7FFFFFFF, v2  }
0x59d: {  	(xrf0) =	vmax.scan.msk.u32 $0xffff, v6;
	_ =	sdelay $0x5  }
0x59e: {  	v6, _, _ =	vpop (xrf0)  }
0x59f: {  	(v2sf) =	vpush v6, $0xF;
	_ =	sdelay $0x5  }
0x5a0: {  	s31 =	simm.s32 $0x40  }
0x5a1: {  	v8 =	vld [tilespmem:s31+$0x30]  }
0x5a2: {  	v9 =	vld [tilespmem:s31+$0xFFFFFFD0]  }
0x5a3: {  	v10 =	vld [tilespmem:s31+$0xFFFFFFE0]  }
0x5a4: {  	v12 =	vld [tilespmem:s31+$0x0]  }
0x5a5: {  	v17 =	vld [tilespmem:s31+$0xFFFFFFC0]  }
0x5a6: {  	v11 =	vld [tilespmem:s31+$0xFFFFFFF0];
	_ =	sdelay $0x1  }
0x5a7: {  	v14 =	vshra.s32 v8, $0x1F;
	v15 =	vshra.s32 v9, $0x1F  }
0x5a8: {  	v18 =	vshra.s32 v10, $0x1F;
	v20 =	vshra.s32 v12, $0x1F;
	v14 =	vand.u32 $0x7FFFFFFF, v14;
	s1 =	spop (v2sf)  }
0x5a9: {  	v22 =	vshra.s32 v17, $0x1F;
	v15 =	vand.u32 $0x7FFFFFFF, v15;
	v8 =	vxor.u32 v8, v14;
	s1 =	sadd.s32 s1, s26  }
0x5aa: {  	v13 =	vld [tilespmem:s31+$0x10];
	v14 =	vand.u32 $0x7FFFFFFF, v18;
	v18 =	vshra.s32 v11, $0x1F;
	v23 =	vxor.u32 v9, v15;
	s26 =	sadd.s32 $0xFFFFF800, s1  }
0x5ab: {  	v16 =	vld [tilespmem:s31+$0x20];
	v9 =	vand.u32 $0x7FFFFFFF, v22;
	v18 =	vand.u32 $0x7FFFFFFF, v18;
	v22 =	vxor.u32 v10, v14;
	s1 =	sshll.u32 s26, $0x14  }
0x5ac: {  	v10 =	vxor.u32 v17, v9;
	v24 =	vxor.u32 v11, v18;
	v7 =	vmov s1  }
0x5ad: {  	v17 =	vshrl.u32 v24, $0x8;
	v6 =	vmov s28;
	v19 =	vsub.s32 v8, v7  }
0x5ae: {  	v8 =	vshrl.u32 v8, $0x8;
	v14 =	vsub.s32 v10, v7;
	vm1 =	vlt.u32 v19, $0x100000  }
0x5af: {  	v18 =	vsub.s32 v22, v7;
	v19 =	vshra.s32 v13, $0x1F;
	v21 =	vand.u32 $0xFFF, v8  }
0x5b0: {  	v8 =	vand.u32 $0x7FFFFFFF, v20;
	v20 =	vshra.s32 v16, $0x1F;
	v19 =	vand.u32 $0x7FFFFFFF, v19  }
0x5b1: {  	v15 =	vand.u32 $0x7FFFFFFF, v20;
	v11 =	vxor.u32 v12, v8;
	v8 =	vshrl.u32 v10, $0x8  }
0x5b2: {  	v20 =	vsub.s32 v23, v7;
	v9 =	vxor.u32 v13, v19;
	v12 =	vxor.u32 v16, v15  }
0x5b3: {  	v16 =	vsub.s32 v24, v7;
	v15 =	vsub.s32 v11, v7;
	v19 =	vshrl.u32 v22, $0x8  }
0x5b4: {  	s29 =	simm.s32 $0xC0;
	s28 =	simm.s32 $0x0;
	v13 =	vsub.s32 v9, v7;
	v10 =	vsub.s32 v12, v7;
	[tilespmem:v21+s17+$0x0] =	vst.idx.add.s32.msk vm1, v1;
	v21 =	vshrl.u32 v23, $0x8  }
.LBB2_126:
0x5b5: {  	v22 =	vld [tilespmem:s29+$0x30];
	s28 =	sadd.s32 $0x8, s28;
	v11 =	vshrl.u32 v11, $0x8;
	v9 =	vshrl.u32 v9, $0x8;
	v12 =	vshrl.u32 v12, $0x8  }
0x5b6: {  	vm7 =	vlt.u32 v14, $0x100000;
	vm6 =	vlt.u32 v20, $0x100000;
	vm5 =	vlt.u32 v18, $0x100000;
	v23 =	vld [tilespmem:s29+$0xFFFFFFD0];
	p0 =	slt.u32 s28, $0x7F8  }
0x5b7: {  	vm4 =	vlt.u32 v16, $0x100000;
	vm3 =	vlt.u32 v15, $0x100000;
	vm2 =	vlt.u32 v13, $0x100000;
	v14 =	vld [tilespmem:s29+$0xFFFFFFE0]  }
0x5b8: {  	v8 =	vand.u32 $0xFFF, v8;
	v15 =	vand.u32 $0xFFF, v21;
	vm1 =	vlt.u32 v10, $0x100000;
	v13 =	vld [tilespmem:s29+$0xFFFFFFF0]  }
0x5b9: {  	v16 =	vand.u32 $0xFFF, v19;
	v17 =	vand.u32 $0xFFF, v17;
	v11 =	vand.u32 $0xFFF, v11;
	v10 =	vld [tilespmem:s29+$0x0]  }
0x5ba: {  	v9 =	vand.u32 $0xFFF, v9;
	v24 =	vand.u32 $0xFFF, v12;
	v18 =	vld [tilespmem:s29+$0x10];
	v19 =	vshra.s32 v22, $0x1F  }
0x5bb: {  	v12 =	vshra.s32 v23, $0x1F;
	v20 =	vld [tilespmem:s29+$0x20];
	v19 =	vand.u32 $0x7FFFFFFF, v19  }
0x5bc: {  	v21 =	vld [tilespmem:s29+$0xFFFFFFC0];
	v12 =	vand.u32 $0x7FFFFFFF, v12;
	v25 =	vshra.s32 v14, $0x1F;
	v19 =	vxor.u32 v22, v19  }
0x5bd: {  	v22 =	vand.u32 $0x7FFFFFFF, v25;
	v25 =	vshra.s32 v13, $0x1F;
	v26 =	vsub.s32 v19, v7;
	[tilespmem:v8+s17+$0x0] =	vst.idx.add.s32.msk vm7, v1  }
0x5be: {  	v19 =	vshrl.u32 v19, $0x8;
	v8 =	vshra.s32 v10, $0x1F;
	vm7 =	vlt.u32 v26, $0x100000;
	[tilespmem:v15+s17+$0x0] =	vst.idx.add.s32.msk vm6, v1  }
0x5bf: {  	v15 =	vand.u32 $0x7FFFFFFF, v25;
	v19 =	vand.u32 $0xFFF, v19;
	v25 =	vshra.s32 v18, $0x1F;
	[tilespmem:v16+s17+$0x0] =	vst.idx.add.s32.msk vm5, v1  }
0x5c0: {  	v8 =	vand.u32 $0x7FFFFFFF, v8;
	v16 =	vand.u32 $0x7FFFFFFF, v25;
	v25 =	vshra.s32 v20, $0x1F;
	[tilespmem:v17+s17+$0x0] =	vst.idx.add.s32.msk vm4, v1  }
0x5c1: {  	v23 =	vxor.u32 v23, v12;
	v17 =	vshra.s32 v21, $0x1F;
	v12 =	vand.u32 $0x7FFFFFFF, v25;
	[tilespmem:v11+s17+$0x0] =	vst.idx.add.s32.msk vm3, v1  }
0x5c2: {  	v11 =	vand.u32 $0x7FFFFFFF, v17;
	v17 =	vxor.u32 v14, v22;
	v22 =	vxor.u32 v13, v15;
	[tilespmem:v9+s17+$0x0] =	vst.idx.add.s32.msk vm2, v1  }
.Ltmp64:
0x5c3: {  	v9 =	vxor.u32 v18, v16;
	v13 =	vxor.u32 v21, v11;
	v11 =	vxor.u32 v10, v8;
	(pc) =	sbr.rel @p0 .LBB2_126-.Ltmp64, $4  }
0x5c4: {  	v12 =	vxor.u32 v20, v12;
	v14 =	vsub.s32 v13, v7;
	v8 =	vshrl.u32 v13, $0x8;
	[tilespmem:v19+s17+$0x0] =	vst.idx.add.s32.msk vm7, v1  }
0x5c5: {  	v20 =	vsub.s32 v23, v7;
	v18 =	vsub.s32 v17, v7;
	v16 =	vsub.s32 v22, v7  }
0x5c6: {  	v10 =	vsub.s32 v12, v7;
	v15 =	vsub.s32 v11, v7;
	v13 =	vsub.s32 v9, v7  }
0x5c7: {  	s29 =	sadd.s32 $0x80, s29;
	v21 =	vshrl.u32 v23, $0x8;
	v19 =	vshrl.u32 v17, $0x8;
	v17 =	vshrl.u32 v22, $0x8;
	[tilespmem:v24+s17+$0x0] =	vst.idx.add.s32.msk vm1, v1  }
0x5c8: {  	vm1 =	vlt.u32 v14, $0x100000  }
0x5c9: {  	vm2 =	vlt.u32 v20, $0x100000;
	v7 =	vand.u32 $0xFFF, v8  }
0x5ca: {  	vm3 =	vlt.u32 v18, $0x100000;
	v61 =	vand.u32 $0xFFF, v21  }
0x5cb: {  	vm4 =	vlt.u32 v16, $0x100000;
	v62 =	vand.u32 $0xFFF, v19  }
0x5cc: {  	v11 =	vshrl.u32 v11, $0x8;
	vm5 =	vlt.u32 v15, $0x100000;
	v63 =	vand.u32 $0xFFF, v17  }
0x5cd: {  	v9 =	vshrl.u32 v9, $0x8;
	vm6 =	vlt.u32 v13, $0x100000;
	v11 =	vand.u32 $0xFFF, v11  }
0x5ce: {  	v12 =	vshrl.u32 v12, $0x8;
	vm7 =	vlt.u32 v10, $0x100000;
	v9 =	vand.u32 $0xFFF, v9;
	[tilespmem:v7+s17+$0x0] =	vst.idx.add.s32.msk vm1, v1  }
0x5cf: {  	v7 =	vand.u32 $0xFFF, v12;
	[tilespmem:v61+s17+$0x0] =	vst.idx.add.s32.msk vm2, v1  }
0x5d0: {  	[tilespmem:v62+s17+$0x0] =	vst.idx.add.s32.msk vm3, v1  }
0x5d1: {  	[tilespmem:v63+s17+$0x0] =	vst.idx.add.s32.msk vm4, v1  }
0x5d2: {  	[tilespmem:v11+s17+$0x0] =	vst.idx.add.s32.msk vm5, v1  }
0x5d3: {  	[tilespmem:v9+s17+$0x0] =	vst.idx.add.s32.msk vm6, v1  }
0x5d4: {  	[tilespmem:v7+s17+$0x0] =	vst.idx.add.s32.msk vm7, v1  }
0x5d5: {  	v7 =	vld [tilespmem:$0x19FF0]  }
0x5d6: {  	v5 =	vsub.s32 v6, v5  }
0x5d7: {  	v5 =	vxor.u32 $0x80000000, v5  }
0x5d8: {  	v5 =	vnsel vm0, $0x7FFFFFFF, v5  }
0x5d9: {  	(xrf0) =	vmax.scan.msk.u32 $0xffff, v5  }
0x5da: {  	(xrf0) =	vadd.scan.msk.s32 $0xffff, v7;
	_ =	sdelay $0x4  }
0x5db: {  	v5, _, _ =	vpop (xrf0)  }
0x5dc: {  	(v2sf) =	vpush v5, $0xF;
	v5, _, _ =	vpop (xrf0)  }
0x5dd: {  	(v2sf) =	vpush v5, $0xF;
	_ =	sdelay $0xd  }
0x5de: {  	s0 =	spop (v2sf)  }
0x5df: {  	s28 =	sxor.u32 $0x80000000, s0;
	s31 =	spop (v2sf)  }
0x5e0: {  	p0 =	sge.s32 s31, s28  }
.Ltmp65:
0x5e1: {  	_ = 	snop;
	(pc) =	sbr.rel @p0 .LBB2_131-.Ltmp65, $2  }
0x5e2: {  	_ =	sdelay $0x2  }
0x5e3: {  	s30 =	simm.s32 $0x0;
	s29 =	simm.s32 $0xFF0  }
0x5e4: {  	s1 =	simm.s32 $0xFF;
	s0 =	simm.s32 $0x19FE0  }
.LBB2_129:
0x5e5: {  	v5 =	vld [tilespmem:s0+$0x0];
	_ =	sdelay $0x4  }
0x5e6: {  	(xrf0) =	vadd.scan.msk.s32 $0xffff, v5;
	_ =	sdelay $0x5  }
0x5e7: {  	v5, _, _ =	vpop (xrf0)  }
0x5e8: {  	(v2sf) =	vpush v5, $0xF;
	_ =	sdelay $0xe  }
0x5e9: {  	s30 =	smov.u32 s31;
	s31 =	spop (v2sf)  }
0x5ea: {  	p0 =	slt.u32 s1, $0x2;
	s31 =	sadd.s32 s30, s31  }
0x5eb: {  	p1 =	slt.s32 @!p0 s31, s28  }
0x5ec: {  	p1 =	por p0, !p1  }
.Ltmp66:
0x5ed: {  	_ = 	snop;
	(pc) =	sbr.rel @!p1 .LBB2_129-.Ltmp66, $2  }
0x5ee: {  	_ =	sdelay $0x2  }
0x5ef: {  	s1 =	sadd.s32 $0xFFFFFFFF, s1;
	s29 =	sadd.s32 $0xFFFFFFF0, s29;
	s0 =	sadd.s32 $0xFFFFFFF0, s0  }
0x5f0: {  	s30 =	smov.u32 @p0 s30;
	s29 =	smov.u32 @p0 s29  }
.LBB2_131:
0x5f1: {  	v5 =	vld [tilespmem:s29+$0x19000];
	_ =	sdelay $0x4  }
0x5f2: {  	(xrf0) =	vadd.scan.msk.s32 $0xffff, v5;
	_ =	sdelay $0x5  }
0x5f3: {  	v6, _, _ =	vpop (xrf0)  }
0x5f4: {  	v7 =	vxor.u32 $0x80000000, v6  }
0x5f5: {  	(xrf0) =	vmax.scan.msk.u32 $0xffff, v7;
	_ =	sdelay $0x5  }
0x5f6: {  	v7, _, _ =	vpop (xrf0)  }
0x5f7: {  	(v2sf) =	vpush v7, $0xF;
	_ =	sdelay $0xe  }
0x5f8: {  	s0 =	spop (v2sf)  }
0x5f9: {  	s0 =	sxor.u32 $0x80000000, s0  }
0x5fa: {  	s1 =	ssub.s32 s28, s30;
	v6 =	vsub.s32 s0, v6  }
0x5fb: {  	v7 =	vmov s1;
	v8 =	vadd.s32 v5, v6  }
0x5fc: {  	vm0 =	vgt.s32 v7, v6;
	vm1 =	vge.s32 v8, s1  }
0x5fd: {  	v6 =	vsub.s32 s1, v6;
	vm0 =	vmand vm0, vm1  }
0x5fe: {  	v6 =	vxor.u32 $0x80000000, v6;
	v7 =	vnsel vm0, $0x7FFFFFFF, v2  }
0x5ff: {  	v5 =	vxor.u32 $0x80000000, v5;
	v6 =	vnsel vm0, $0x7FFFFFFF, v6;
	(xrf0) =	vmax.scan.msk.u32 $0xffff, v7  }
0x600: {  	v5 =	vnsel vm0, $0x7FFFFFFF, v5;
	(xrf0) =	vmax.scan.msk.u32 $0xffff, v6  }
0x601: {  	(xrf0) =	vmax.scan.msk.u32 $0xffff, v5;
	_ =	sdelay $0x3  }
0x602: {  	v5, _, _ =	vpop (xrf0)  }
0x603: {  	v6, _, _ =	vpop (xrf0);
	(v2sf) =	vpush v5, $0xF  }
0x604: {  	(v2sf) =	vpush v6, $0xF;
	v5, _, _ =	vpop (xrf0)  }
0x605: {  	(v2sf) =	vpush v5, $0xF;
	_ =	sdelay $0xc  }
0x606: {  	s30 =	spop (v2sf)  }
0x607: {  	s28 =	spop (v2sf)  }
0x608: {  	s31 =	spop (v2sf)  }
0x609: {  	p0 =	sge.u32 s28, s31  }
.Ltmp67:
0x60a: {  	_ = 	snop;
	(pc) =	sbr.rel @p0 .LBB2_137-.Ltmp67, $4  }
0x60b: {  	_ = 	snop  }
0x60c: {  	s0 =	sadd.s32 s30, s29  }
0x60d: {  	s26 =	sshll.u32 s26, $0xC;
	s0 =	sadd.s32 $0x80000000, s0  }
0x60e: {  	s26 =	sor.u32 s26, s0  }
0x60f: {  	s29 =	simm.s32 $0x1A020  }
0x610: {  	[tilespmem:s29+$0xFFFFFFE0] =	vst v0  }
0x611: {  	[tilespmem:s29+$0x10] =	vst v0  }
0x612: {  	s30 =	simm.s32 $0x0;
	[tilespmem:s29+$0x0] =	vst v0  }
.LBB2_133:
0x613: {  	s30 =	sadd.s32 $0x4, s30  }
0x614: {  	[tilespmem:s29+$0xFFFFFFF0] =	vst v0;
	s29 =	sadd.s32 $0x40, s29;
	p1 =	slt.u32 s30, $0xC  }
.Ltmp68:
0x615: {  	[tilespmem:s29+$0xFFFFFFE0] =	vst v0;
	(pc) =	sbr.rel @p1 .LBB2_133-.Ltmp68, $3  }
0x616: {  	_ =	sdelay $0x1  }
0x617: {  	[tilespmem:s29+$0x10] =	vst v0  }
0x618: {  	[tilespmem:s29+$0x0] =	vst v0  }
0x619: {  	[tilespmem:s29+$0xFFFFFFF0] =	vst v0;
	s0 =	simm.s32 $0x40  }
0x61a: {  	v9 =	vld [tilespmem:s0+$0x20];
	_ =	sdelay $0x1  }
0x61b: {  	v10 =	vld [tilespmem:s0+$0xFFFFFFC0]  }
0x61c: {  	v7 =	vld [tilespmem:s0+$0xFFFFFFF0]  }
0x61d: {  	v6 =	vld [tilespmem:s0+$0xFFFFFFE0]  }
0x61e: {  	v15 =	vld [tilespmem:s0+$0x0];
	v8 =	vshra.s32 v9, $0x1F  }
0x61f: {  	v11 =	vld [tilespmem:s0+$0x30];
	v12 =	vand.u32 $0x7FFFFFFF, v8  }
0x620: {  	v5 =	vmov s26;
	v12 =	vxor.u32 v9, v12  }
0x621: {  	v13 =	vshra.s32 v10, $0x1F;
	v14 =	vshra.s32 v7, $0x1F;
	v8 =	vld [tilespmem:s0+$0x10];
	v16 =	vshra.s32 v12, $0x8  }
0x622: {  	v17 =	vshra.s32 v6, $0x1F;
	v13 =	vand.u32 $0x7FFFFFFF, v13;
	v9 =	vld [tilespmem:s0+$0xFFFFFFD0];
	vm1 =	veq.s32 v16, v5  }
0x623: {  	v18 =	vshra.s32 v15, $0x1F;
	v10 =	vxor.u32 v10, v13;
	v19 =	vand.u32 $0xFF, v12  }
0x624: {  	v13 =	vand.u32 $0x7FFFFFFF, v17;
	v17 =	vshra.s32 v10, $0x8;
	v16 =	vshra.s32 v11, $0x1F  }
0x625: {  	v14 =	vand.u32 $0x7FFFFFFF, v14;
	vm0 =	veq.s32 v17, v5;
	v16 =	vand.u32 $0x7FFFFFFF, v16  }
0x626: {  	v17 =	vand.u32 $0x7FFFFFFF, v18;
	v12 =	vshra.s32 v8, $0x1F;
	v16 =	vxor.u32 v11, v16  }
0x627: {  	v11 =	vxor.u32 v15, v17;
	v18 =	vshra.s32 v9, $0x1F;
	v20 =	vshra.s32 v16, $0x8  }
0x628: {  	s29 =	simm.s32 $0x0;
	s30 =	simm.s32 $0xC0;
	v17 =	vshra.s32 v11, $0x8;
	v15 =	vand.u32 $0x7FFFFFFF, v18;
	[tilespmem:v19+s24+$0x0] =	vst.idx.add.s32.msk vm1, v1;
	vm1 =	veq.s32 v20, v5  }
.LBB2_135:
0x629: {  	v18 =	vld [tilespmem:s30+$0x20];
	s29 =	sadd.s32 $0x8, s29;
	v13 =	vxor.u32 v6, v13;
	v14 =	vxor.u32 v7, v14;
	v16 =	vand.u32 $0xFF, v16  }
0x62a: {  	v12 =	vand.u32 $0x7FFFFFFF, v12;
	v6 =	vld [tilespmem:s30+$0xFFFFFFE0];
	p1 =	slt.u32 s29, $0x7F8;
	v7 =	vshra.s32 v13, $0x8;
	v19 =	vshra.s32 v14, $0x8  }
0x62b: {  	v10 =	vand.u32 $0xFF, v10;
	v8 =	vxor.u32 v8, v12;
	v20 =	vld [tilespmem:s30+$0xFFFFFFC0];
	vm2 =	veq.s32 v7, v5  }
0x62c: {  	v9 =	vxor.u32 v9, v15;
	vm4 =	veq.s32 v17, v5;
	v12 =	vshra.s32 v8, $0x8;
	v7 =	vld [tilespmem:s30+$0xFFFFFFF0]  }
0x62d: {  	v11 =	vand.u32 $0xFF, v11;
	v17 =	vand.u32 $0xFF, v9;
	v21 =	vand.u32 $0xFF, v13;
	v15 =	vld [tilespmem:s30+$0x30]  }
0x62e: {  	vm5 =	veq.s32 v12, v5;
	v12 =	vand.u32 $0xFF, v8;
	v22 =	vld [tilespmem:s30+$0x0];
	v13 =	vshra.s32 v18, $0x1F  }
0x62f: {  	v23 =	vshra.s32 v9, $0x8;
	vm3 =	veq.s32 v19, v5;
	v8 =	vld [tilespmem:s30+$0x10];
	v13 =	vand.u32 $0x7FFFFFFF, v13  }
0x630: {  	vm6 =	veq.s32 v23, v5;
	v9 =	vld [tilespmem:s30+$0xFFFFFFD0];
	v13 =	vxor.u32 v18, v13;
	v18 =	vand.u32 $0xFF, v14  }
0x631: {  	v14 =	vshra.s32 v20, $0x1F;
	v19 =	vshra.s32 v7, $0x1F;
	v23 =	vshra.s32 v13, $0x8;
	[tilespmem:v10+s24+$0x0] =	vst.idx.add.s32.msk vm0, v1  }
0x632: {  	v24 =	vshra.s32 v6, $0x1F;
	vm7 =	veq.s32 v23, v5;
	v23 =	vshra.s32 v15, $0x1F;
	[tilespmem:v11+s24+$0x0] =	vst.idx.add.s32.msk vm4, v1  }
0x633: {  	v10 =	vand.u32 $0x7FFFFFFF, v14;
	v25 =	vand.u32 $0xFF, v13;
	v11 =	vshra.s32 v22, $0x1F;
	[tilespmem:v16+s24+$0x0] =	vst.idx.add.s32.msk vm1, v1  }
.Ltmp69:
0x634: {  	v13 =	vand.u32 $0x7FFFFFFF, v24;
	v10 =	vxor.u32 v20, v10;
	v14 =	vand.u32 $0x7FFFFFFF, v19;
	[tilespmem:v12+s24+$0x0] =	vst.idx.add.s32.msk vm5, v1;
	(pc) =	sbr.rel @p1 .LBB2_135-.Ltmp69, $4  }
0x635: {  	v16 =	vshra.s32 v10, $0x8;
	v19 =	vand.u32 $0x7FFFFFFF, v23;
	v12 =	vshra.s32 v8, $0x1F;
	[tilespmem:v21+s24+$0x0] =	vst.idx.add.s32.msk vm2, v1  }
0x636: {  	vm0 =	veq.s32 v16, v5;
	v11 =	vand.u32 $0x7FFFFFFF, v11;
	v16 =	vxor.u32 v15, v19;
	[tilespmem:v17+s24+$0x0] =	vst.idx.add.s32.msk vm6, v1  }
0x637: {  	v15 =	vshra.s32 v9, $0x1F;
	v11 =	vxor.u32 v22, v11;
	v19 =	vshra.s32 v16, $0x8;
	[tilespmem:v18+s24+$0x0] =	vst.idx.add.s32.msk vm3, v1  }
0x638: {  	s30 =	sadd.s32 $0x80, s30;
	v15 =	vand.u32 $0x7FFFFFFF, v15;
	v17 =	vshra.s32 v11, $0x8;
	vm1 =	veq.s32 v19, v5;
	[tilespmem:v25+s24+$0x0] =	vst.idx.add.s32.msk vm7, v1  }
0x639: {  	v6 =	vxor.u32 v6, v13;
	v7 =	vxor.u32 v7, v14;
	v12 =	vand.u32 $0x7FFFFFFF, v12  }
0x63a: {  	v10 =	vand.u32 $0xFF, v10;
	vm2 =	veq.s32 v17, v5;
	v59 =	vand.u32 $0xFF, v16  }
0x63b: {  	v11 =	vand.u32 $0xFF, v11;
	v9 =	vxor.u32 v9, v15;
	v61 =	vshra.s32 v6, $0x8  }
0x63c: {  	v8 =	vxor.u32 v8, v12;
	v62 =	vshra.s32 v9, $0x8;
	vm4 =	veq.s32 v61, v5  }
0x63d: {  	v63 =	vshra.s32 v7, $0x8;
	v6 =	vand.u32 $0xFF, v6;
	vm5 =	veq.s32 v62, v5  }
0x63e: {  	v9 =	vand.u32 $0xFF, v9;
	v60 =	vshra.s32 v8, $0x8;
	vm6 =	veq.s32 v63, v5  }
0x63f: {  	vm3 =	veq.s32 v60, v5;
	v5 =	vand.u32 $0xFF, v7;
	[tilespmem:v10+s24+$0x0] =	vst.idx.add.s32.msk vm0, v1  }
0x640: {  	v8 =	vand.u32 $0xFF, v8;
	[tilespmem:v59+s24+$0x0] =	vst.idx.add.s32.msk vm1, v1  }
0x641: {  	[tilespmem:v11+s24+$0x0] =	vst.idx.add.s32.msk vm2, v1  }
0x642: {  	[tilespmem:v6+s24+$0x0] =	vst.idx.add.s32.msk vm4, v1  }
0x643: {  	[tilespmem:v9+s24+$0x0] =	vst.idx.add.s32.msk vm5, v1  }
0x644: {  	[tilespmem:v5+s24+$0x0] =	vst.idx.add.s32.msk vm6, v1  }
0x645: {  	[tilespmem:v8+s24+$0x0] =	vst.idx.add.s32.msk vm3, v1  }
.LBB2_137:
0x646: {  	v5 =	vld [tilespmem:$0x1A0F0];
	_ =	sdelay $0x4  }
0x647: {  	(xrf0) =	vadd.scan.msk.s32 $0xffff, v5;
	_ =	sdelay $0x5  }
0x648: {  	v5, _, _ =	vpop (xrf0)  }
0x649: {  	(v2sf) =	vpush v5, $0xF;
	_ =	sdelay $0xe  }
0x64a: {  	s28 =	sxor.u32 $0x80000000, s28;
	s31 =	spop (v2sf)  }
0x64b: {  	p1 =	sge.s32 s31, s28  }
.Ltmp70:
0x64c: {  	_ = 	snop;
	(pc) =	sbr.rel @p1 .LBB2_141-.Ltmp70, $2  }
0x64d: {  	_ =	sdelay $0x2  }
0x64e: {  	s30 =	simm.s32 $0x0;
	s29 =	simm.s32 $0xF0  }
0x64f: {  	s1 =	simm.s32 $0xF;
	s0 =	simm.s32 $0x1A0E0  }
.LBB2_139:
0x650: {  	v5 =	vld [tilespmem:s0+$0x0];
	_ =	sdelay $0x4  }
0x651: {  	(xrf0) =	vadd.scan.msk.s32 $0xffff, v5;
	_ =	sdelay $0x5  }
0x652: {  	v5, _, _ =	vpop (xrf0)  }
0x653: {  	(v2sf) =	vpush v5, $0xF;
	_ =	sdelay $0xe  }
0x654: {  	s30 =	smov.u32 s31;
	s31 =	spop (v2sf)  }
0x655: {  	p1 =	slt.u32 s1, $0x2;
	s31 =	sadd.s32 s30, s31  }
0x656: {  	p2 =	slt.s32 @!p1 s31, s28  }
0x657: {  	p2 =	por p1, !p2  }
.Ltmp71:
0x658: {  	_ = 	snop;
	(pc) =	sbr.rel @!p2 .LBB2_139-.Ltmp71, $2  }
0x659: {  	_ =	sdelay $0x2  }
0x65a: {  	s1 =	sadd.s32 $0xFFFFFFFF, s1;
	s29 =	sadd.s32 $0xFFFFFFF0, s29;
	s0 =	sadd.s32 $0xFFFFFFF0, s0  }
0x65b: {  	s30 =	smov.u32 @p1 s30;
	s29 =	smov.u32 @p1 s29  }
.LBB2_141:
0x65c: {  	v5 =	vld [tilespmem:s29+$0x1A000];
	_ =	sdelay $0x4  }
0x65d: {  	(xrf0) =	vadd.scan.msk.s32 $0xffff, v5;
	_ =	sdelay $0x5  }
0x65e: {  	v6, _, _ =	vpop (xrf0)  }
0x65f: {  	v7 =	vxor.u32 $0x80000000, v6  }
0x660: {  	(xrf0) =	vmax.scan.msk.u32 $0xffff, v7;
	_ =	sdelay $0x5  }
0x661: {  	v7, _, _ =	vpop (xrf0)  }
0x662: {  	(v2sf) =	vpush v7, $0xF;
	_ =	sdelay $0xe  }
0x663: {  	s0 =	spop (v2sf)  }
0x664: {  	s0 =	sxor.u32 $0x80000000, s0  }
0x665: {  	s1 =	ssub.s32 s28, s30;
	v6 =	vsub.s32 s0, v6  }
0x666: {  	v7 =	vmov s1;
	v8 =	vadd.s32 v5, v6  }
0x667: {  	vm0 =	vgt.s32 v7, v6;
	vm1 =	vge.s32 v8, s1  }
0x668: {  	v6 =	vsub.s32 s1, v6;
	vm0 =	vmand vm0, vm1  }
0x669: {  	v6 =	vxor.u32 $0x80000000, v6;
	v7 =	vnsel vm0, $0x7FFFFFFF, v2  }
0x66a: {  	v5 =	vxor.u32 $0x80000000, v5;
	v6 =	vnsel vm0, $0x7FFFFFFF, v6;
	(xrf0) =	vmax.scan.msk.u32 $0xffff, v7  }
0x66b: {  	v5 =	vnsel vm0, $0x7FFFFFFF, v5;
	(xrf0) =	vmax.scan.msk.u32 $0xffff, v6  }
0x66c: {  	(xrf0) =	vmax.scan.msk.u32 $0xffff, v5;
	_ =	sdelay $0x3  }
0x66d: {  	v5, _, _ =	vpop (xrf0)  }
0x66e: {  	v6, _, _ =	vpop (xrf0);
	(v2sf) =	vpush v5, $0xF  }
0x66f: {  	(v2sf) =	vpush v6, $0xF;
	v5, _, _ =	vpop (xrf0)  }
0x670: {  	(v2sf) =	vpush v5, $0xF;
	_ =	sdelay $0xc  }
0x671: {  	s30 =	spop (v2sf)  }
0x672: {  	s28 =	spop (v2sf);
	s0 =	sadd.s32 s30, s29  }
0x673: {  	s31 =	spop (v2sf);
	s0 =	sadd.s32 $0x80000000, s0  }
0x674: {  	s26 =	sshll.u32 s26, $0x8;
	s0 =	simm.s32 @p0 $0x0;
	p1 =	sge.u32 s28, s31  }
0x675: {  	s26 =	sor.u32 s26, s0;
	p0 =	por p0, p1  }
0x676: {  	p1 =	seq.s32 @p0 s26, $0x0  }
0x677: {  	p1 =	por !p0, p1  }
.Ltmp72:
0x678: {  	_ = 	snop;
	(pc) =	sbr.rel @p1 .LBB2_145-.Ltmp72, $1  }
0x679: {  	_ =	sdelay $0x3  }
0x67a: {  	s29 =	simm.s32 $0x40  }
0x67b: {  	p1 =	slt.s32 s26, $0x0;
	s0 =	sxor.u32 $0x7FFFFFFF, s26;
	s1 =	smov.u32 s26;
	v7 =	vld [tilespmem:s29+$0x30]  }
0x67c: {  	s1 =	smov.u32 @p1 s0;
	v10 =	vld [tilespmem:s29+$0xFFFFFFD0]  }
0x67d: {  	v12 =	vld [tilespmem:s29+$0xFFFFFFE0];
	v5 =	vmov s1  }
0x67e: {  	v9 =	vld [tilespmem:s29+$0xFFFFFFF0];
	v5 =	vbroadcast v5, $0x0  }
0x67f: {  	v8 =	vld [tilespmem:s29+$0x0]  }
0x680: {  	v6 =	vld [tilespmem:s29+$0x10];
	vm0 =	vge.f32 v7, v5  }
0x681: {  	vm1 =	vge.f32 v10, v5;
	v7 =	vld [tilespmem:s29+$0x20];
	v13 =	vsel vm0, $0x3F800000, v3  }
0x682: {  	s30 =	simm.s32 $0x0;
	s31 =	simm.s32 $0xC0;
	v10 =	vld [tilespmem:s29+$0xFFFFFFC0];
	v11 =	vsel vm1, $0x3F800000, v3;
	vm0 =	vge.f32 v12, v5;
	[tilespmem:s29+$0x30] =	vst v13  }
.LBB2_143:
0x683: {  	v12 =	vld [tilespmem:s31+$0x30];
	s30 =	sadd.s32 $0x8, s30;
	[tilespmem:s29+$0xFFFFFFD0] =	vst v11;
	v11 =	vsel vm0, $0x3F800000, v3;
	vm0 =	vge.f32 v9, v5  }
0x684: {  	v13 =	vld [tilespmem:s31+$0xFFFFFFD0];
	p1 =	slt.u32 s30, $0x7F8;
	[tilespmem:s29+$0xFFFFFFE0] =	vst v11;
	v9 =	vsel vm0, $0x3F800000, v3;
	vm0 =	vge.f32 v8, v5  }
0x685: {  	v14 =	vld [tilespmem:s31+$0xFFFFFFE0];
	[tilespmem:s29+$0xFFFFFFF0] =	vst v9;
	v8 =	vsel vm0, $0x3F800000, v3;
	vm0 =	vge.f32 v6, v5  }
.Ltmp73:
0x686: {  	v9 =	vld [tilespmem:s31+$0xFFFFFFF0];
	[tilespmem:s29+$0x0] =	vst v8;
	v6 =	vsel vm0, $0x3F800000, v3;
	vm0 =	vge.f32 v7, v5;
	(pc) =	sbr.rel @p1 .LBB2_143-.Ltmp73, $4  }
0x687: {  	v8 =	vld [tilespmem:s31+$0x0];
	vm1 =	vge.f32 v10, v5;
	[tilespmem:s29+$0x10] =	vst v6;
	v7 =	vsel vm0, $0x3F800000, v3  }
0x688: {  	v6 =	vld [tilespmem:s31+$0x10];
	vm0 =	vge.f32 v12, v5;
	v10 =	vsel vm1, $0x3F800000, v3;
	[tilespmem:s29+$0x20] =	vst v7  }
0x689: {  	vm1 =	vge.f32 v13, v5;
	v7 =	vld [tilespmem:s31+$0x20];
	v12 =	vsel vm0, $0x3F800000, v3;
	[tilespmem:s29+$0xFFFFFFC0] =	vst v10;
	s29 =	smov.u32 s31  }
0x68a: {  	s31 =	sadd.s32 $0x80, s31;
	v10 =	vld [tilespmem:s29+$0xFFFFFFC0];
	v11 =	vsel vm1, $0x3F800000, v3;
	vm0 =	vge.f32 v14, v5;
	[tilespmem:s29+$0x30] =	vst v12  }
0x68b: {  	[tilespmem:s29+$0xFFFFFFD0] =	vst v11;
	v63 =	vsel vm0, $0x3F800000, v3;
	vm12 =	vge.f32 v9, v5  }
0x68c: {  	[tilespmem:s29+$0xFFFFFFE0] =	vst v63;
	v9 =	vsel vm12, $0x3F800000, v3;
	vm13 =	vge.f32 v8, v5  }
0x68d: {  	[tilespmem:s29+$0xFFFFFFF0] =	vst v9;
	v8 =	vsel vm13, $0x3F800000, v3;
	vm14 =	vge.f32 v6, v5  }
0x68e: {  	[tilespmem:s29+$0x0] =	vst v8;
	v6 =	vsel vm14, $0x3F800000, v3;
	vm15 =	vge.f32 v7, v5  }
0x68f: {  	vm1 =	vge.f32 v10, v5;
	[tilespmem:s29+$0x10] =	vst v6;
	v5 =	vsel vm15, $0x3F800000, v3  }
0x690: {  	v6 =	vsel vm1, $0x3F800000, v3;
	[tilespmem:s29+$0x20] =	vst v5  }
0x691: {  	[tilespmem:s29+$0xFFFFFFC0] =	vst v6  }
.LBB2_145:
0x692: {  	p1 =	seq.s32 s26, $0x0  }
0x693: {  	p1 =	por !p0, !p1  }
0x694: {  	p1 =	por !p1, !p1  }
.Ltmp74:
0x695: {  	_ = 	snop;
	(pc) =	sbr.rel @!p1 .LBB2_149-.Ltmp74, $1  }
0x696: {  	_ =	sdelay $0x3  }
0x697: {  	s29 =	simm.s32 $0x40  }
0x698: {  	v6 =	vld [tilespmem:s29+$0x30]  }
0x699: {  	v9 =	vld [tilespmem:s29+$0xFFFFFFD0]  }
0x69a: {  	v11 =	vld [tilespmem:s29+$0xFFFFFFE0]  }
0x69b: {  	v8 =	vld [tilespmem:s29+$0xFFFFFFF0]  }
0x69c: {  	v7 =	vld [tilespmem:s29+$0x0]  }
0x69d: {  	v5 =	vld [tilespmem:s29+$0x10];
	vm0 =	vlt.s32 v6, $0x0  }
0x69e: {  	vm1 =	vlt.s32 v9, $0x0;
	v6 =	vld [tilespmem:s29+$0x20];
	v12 =	vsel vm0, $0x0, v4  }
0x69f: {  	s30 =	simm.s32 $0x0;
	s31 =	simm.s32 $0xC0;
	v9 =	vld [tilespmem:s29+$0xFFFFFFC0];
	v10 =	vsel vm1, $0x0, v4;
	vm0 =	vlt.s32 v11, $0x0;
	[tilespmem:s29+$0x30] =	vst v12  }
.LBB2_147:
0x6a0: {  	v11 =	vld [tilespmem:s31+$0x30];
	s30 =	sadd.s32 $0x8, s30;
	[tilespmem:s29+$0xFFFFFFD0] =	vst v10;
	v10 =	vsel vm0, $0x0, v4;
	vm0 =	vlt.s32 v8, $0x0  }
0x6a1: {  	v12 =	vld [tilespmem:s31+$0xFFFFFFD0];
	p1 =	slt.u32 s30, $0x7F8;
	[tilespmem:s29+$0xFFFFFFE0] =	vst v10;
	v8 =	vsel vm0, $0x0, v4;
	vm0 =	vlt.s32 v7, $0x0  }
0x6a2: {  	v13 =	vld [tilespmem:s31+$0xFFFFFFE0];
	[tilespmem:s29+$0xFFFFFFF0] =	vst v8;
	v7 =	vsel vm0, $0x0, v4;
	vm0 =	vlt.s32 v5, $0x0  }
.Ltmp75:
0x6a3: {  	v8 =	vld [tilespmem:s31+$0xFFFFFFF0];
	[tilespmem:s29+$0x0] =	vst v7;
	v5 =	vsel vm0, $0x0, v4;
	vm0 =	vlt.s32 v6, $0x0;
	(pc) =	sbr.rel @p1 .LBB2_147-.Ltmp75, $4  }
0x6a4: {  	v7 =	vld [tilespmem:s31+$0x0];
	vm1 =	vlt.s32 v9, $0x0;
	[tilespmem:s29+$0x10] =	vst v5;
	v6 =	vsel vm0, $0x0, v4  }
0x6a5: {  	v5 =	vld [tilespmem:s31+$0x10];
	vm0 =	vlt.s32 v11, $0x0;
	v9 =	vsel vm1, $0x0, v4;
	[tilespmem:s29+$0x20] =	vst v6  }
0x6a6: {  	vm1 =	vlt.s32 v12, $0x0;
	v6 =	vld [tilespmem:s31+$0x20];
	v11 =	vsel vm0, $0x0, v4;
	[tilespmem:s29+$0xFFFFFFC0] =	vst v9;
	s29 =	smov.u32 s31  }
0x6a7: {  	s31 =	sadd.s32 $0x80, s31;
	v9 =	vld [tilespmem:s29+$0xFFFFFFC0];
	v10 =	vsel vm1, $0x0, v4;
	vm0 =	vlt.s32 v13, $0x0;
	[tilespmem:s29+$0x30] =	vst v11  }
0x6a8: {  	[tilespmem:s29+$0xFFFFFFD0] =	vst v10;
	v63 =	vsel vm0, $0x0, v4;
	vm12 =	vlt.s32 v8, $0x0  }
0x6a9: {  	[tilespmem:s29+$0xFFFFFFE0] =	vst v63;
	v8 =	vsel vm12, $0x0, v4;
	vm13 =	vlt.s32 v7, $0x0  }
0x6aa: {  	[tilespmem:s29+$0xFFFFFFF0] =	vst v8;
	v7 =	vsel vm13, $0x0, v4;
	vm14 =	vlt.s32 v5, $0x0  }
0x6ab: {  	[tilespmem:s29+$0x0] =	vst v7;
	v5 =	vsel vm14, $0x0, v4;
	vm15 =	vlt.s32 v6, $0x0  }
0x6ac: {  	vm1 =	vlt.s32 v9, $0x0;
	[tilespmem:s29+$0x10] =	vst v5;
	v5 =	vsel vm15, $0x0, v4  }
0x6ad: {  	v6 =	vsel vm1, $0x0, v4;
	[tilespmem:s29+$0x20] =	vst v5  }
0x6ae: {  	[tilespmem:s29+$0xFFFFFFC0] =	vst v6  }
.LBB2_149:
.Ltmp76:
0x6af: {  	(pc) =	sbr.rel @p0 .LBB2_153-.Ltmp76, $1  }
0x6b0: {  	_ =	sdelay $0x3  }
0x6b1: {  	s0 =	simm.s32 $0x0  }
0x6b2: {  	v6 =	vld [tilespmem:s0+$0x0];
	_ =	sdelay $0x4  }
0x6b3: {  	v5 =	vshra.s32 v6, $0x1F  }
0x6b4: {  	v7 =	vand.u32 $0x7FFFFFFF, v5  }
0x6b5: {  	v5 =	vmov s26;
	v7 =	vxor.u32 v6, v7  }
0x6b6: {  	vm0 =	veq.s32 v7, v5  }
0x6b7: {  	v6 =	vsel vm0, $0x1, v0  }
0x6b8: {  	(xrf0) =	vadd.scan.msk.s32 $0xffff, v6;
	_ =	sdelay $0x5  }
0x6b9: {  	s1 =	sxor.u32 $0x80000000, s28;
	s26 =	simm.s32 $0x0;
	v8, _, _ =	vpop (xrf0)  }
0x6ba: {  	v6 =	vmov s1;
	v9 =	vadd.s32 s26, v8;
	(v2sf) =	vpush v8, $0xF  }
0x6bb: {  	vm1 =	vle.s32 v9, v6  }
0x6bc: {  	vm2 =	vgt.s32 v7, v5;
	vm0 =	vmand vm0, vm1  }
0x6bd: {  	vm0 =	vmor vm2, vm0  }
0x6be: {  	v7 =	vsel vm0, $0x3F800000, v3  }
0x6bf: {  	s28 =	simm.s32 $0x10;
	s29 =	simm.s32 $0x80;
	[tilespmem:s0+$0x0] =	vst v7  }
.LBB2_151:
0x6c0: {  	p0 =	sne.s32 s29, $0x1FFC0;
	v7 =	vld [tilespmem:s28+$0x0];
	_ =	sdelay $0x4  }
0x6c1: {  	v8 =	vshra.s32 v7, $0x1F  }
0x6c2: {  	v8 =	vand.u32 $0x7FFFFFFF, v8  }
0x6c3: {  	v7 =	vxor.u32 v7, v8  }
0x6c4: {  	vm0 =	veq.s32 v7, v5;
	vm1 =	vgt.s32 v7, v5  }
0x6c5: {  	v7 =	vsel vm0, $0x1, v0;
	s0 =	spop (v2sf)  }
0x6c6: {  	(xrf0) =	vadd.scan.msk.s32 $0xffff, v7;
	s26 =	sadd.s32 s26, s0;
	_ =	sdelay $0x5  }
0x6c7: {  	v7, _, _ =	vpop (xrf0)  }
0x6c8: {  	v8 =	vadd.s32 s26, v7;
	(v2sf) =	vpush v7, $0xF  }
.Ltmp77:
0x6c9: {  	vm2 =	vle.s32 v8, v6;
	(pc) =	sbr.rel @p0 .LBB2_151-.Ltmp77, $4  }
0x6ca: {  	vm0 =	vmand vm0, vm2  }
0x6cb: {  	vm0 =	vmor vm1, vm0  }
0x6cc: {  	v7 =	vsel vm0, $0x3F800000, v3  }
0x6cd: {  	[tilespmem:s28+$0x0] =	vst v7;
	s28 =	sshra.s32 s29, $0x2;
	s29 =	sadd.s32 $0x40, s29  }
.Ltmp78:
0x6ce: {  	_ = 	snop;
	(pc) =	sbr.rel .LBB2_152-.Ltmp78, $1  }
0x6cf: {  	_ =	sdelay $0x3  }
.LBB2_154:
0x6d0: {  	_ =	sfence.sel $0x180000  }
0x6d1: {  	[bflag:$0x0] =	sbarrier.arrive $0xFFFF  }
0x6d2: {  	_ =	strace $0x90000047  }
0x6d3: {  	s0 =	stileid.u32;
	[bflag:$0x2] =	sbarrier.arrive $0xFFFF  }
0x6d4: {  	p0 =	sne.s32 s0, $0x0;
	s0 =	rddreg [dreg:$0x2]  }
0x6d5: {  	s0 =	sadd.s32 @!p0 $0x100000, s0  }
0x6d6: {  	[sflag:s0] =	ssyncadd.tile.s32 @!p0 $0x1;
	_ =	shalt  }
.Lfunc_end2:
_tile_overlayer_lowered:
.L_overlay_start_2:
0x6d7: {  	(tag) =	ssettag $0x2  }
0x6d8: {  	s0 =	rddreg [dreg:$0x0];
	s2 =	stileid.u32  }
0x6d9: {  	s1 =	rddreg [dreg:$0x1];
	p0 =	sne.s32 s2, $0x0  }
0x6da: {  	s3 =	rddreg [dreg:$0x2];
	[bflag:$0x3] =	sbarrier.arrive $0xFFFF;
	s2 =	simm.s32 @!p0 $0x1C07  }
0x6db: {  	[timem:s3], [sflag:s2] =	dma.local @!p0 [hbm:s0], s1  }
0x6dc: {  	s0 =	simm.s32 @!p0 $0x7  }
0x6dd: {  	_ =	swait.ge @!p0 [sflag:s0], s1  }
0x6de: {  	s1 =	ssub.s32 @!p0 $0x0, s1;
	[sflag:s0] =	ssyncset.done @!p0 $0x0  }
0x6df: {  	[sflag:s0] =	ssyncadd.s32 @!p0 s1  }
0x6e0: {  	[bflag:$0x3] =	sbarrier.arrive $0xFFFF  }
0x6e1: {  	_ =	shalt  }

</sc_bundles>
